<compile_context>
chip_gen: v7x
topology: tpu7x:2x2x1
jax: 0.10.2.dev20260603
libtpu: 0.0.44.dev20260713+nightly
codegen_flags: <defaults>
</compile_context>

<pallas_src>
import jax
import jax.numpy as jnp
from jax import lax
from jax.experimental import pallas as pl
from jax.experimental.pallas import tpu as pltpu
from jax.experimental.pallas import tpu_sc as plsc

VOCAB = 1000
EMB_DIM = 64
B = 4096
T = 200
NC, NS = 2, 16
NW = NC * NS
BL = 128
DT = EMB_DIM // 8
TT = T // 8
TS = BL + 4
CR = 32
RS = CR + 1


def _emb_lookup(idx5, tab_res, tab_str):
    mesh = plsc.VectorSubcoreMesh(core_axis_name="c", subcore_axis_name="s")

    @pl.kernel(
        mesh=mesh,
        out_type=jax.ShapeDtypeStruct((T, DT, NW, 8, BL), jnp.float32),
        scratch_types=[
            pltpu.VMEM((T, BL), jnp.int32),
            pltpu.VMEM((VOCAB * RS,), jnp.float32),
            pltpu.VMEM((BL, CR), jnp.float32),
            pltpu.VMEM((BL, CR), jnp.float32),
            pltpu.VMEM((2, DT, 8, TS), jnp.float32),
            pltpu.SemaphoreType.DMA,
            pltpu.SemaphoreType.DMA,
            pltpu.SemaphoreType.DMA,
            pltpu.SemaphoreType.DMA,
        ],
        compiler_params=pltpu.CompilerParams(
            use_tc_tiling_on_sc=False, needs_layout_passes=False
        ),
    )
    def k(idx_hbm, res_hbm, str_hbm, out_hbm, idx_v, res_v, g0, g1, tbuf,
          gs0, gs1, s0, s1):
        w = lax.axis_index("s") * NC + lax.axis_index("c")
        gbufs = (g0, g1)
        gsem = (gs0, gs1)
        ssem = (s0, s1)
        pltpu.sync_copy(res_hbm, res_v)
        for tt in range(TT):
            pltpu.sync_copy(idx_hbm.at[tt, w], idx_v.at[pl.ds(tt * 8, 8)])

        iota = lax.iota(jnp.int32, 16)
        rot = iota * 4
        rvecs = [iota + r0 for r0 in range(0, BL, 16)]

        def fire_gather(t, gi):
            pltpu.async_copy(str_hbm.at[idx_v.at[t]], gbufs[gi], gsem[gi])

        def wait_gather(gi):
            pltpu.make_async_copy(
                str_hbm.at[pl.ds(0, BL)], gbufs[gi], gsem[gi]
            ).wait()

        def compute_t(t, gi):
            gb = gbufs[gi]
            tb = tbuf.at[gi]
            bases = []
            for g16 in range(8):
                iv = idx_v[t, pl.ds(g16 * 16, 16)]
                bases.append(iv * RS)

            def loads(j):
                dvec = lax.bitwise_and(rot + j, CR - 1)
                res = [
                    plsc.load_gather(res_v, [bases[g16] + dvec])
                    for g16 in range(8)
                ]
                stream = [
                    plsc.load_gather(gb, [rvecs[g16], dvec])
                    for g16 in range(8)
                ]
                return dvec, res, stream

            def stores(dvec, res, stream):
                dtv = lax.shift_right_logical(dvec, 3)
                dsv = lax.bitwise_and(dvec, 7)
                for g16 in range(8):
                    plsc.store_scatter(tb, [dtv, dsv, rvecs[g16]], res[g16])
                dtv2 = dtv + CR // 8
                for g16 in range(8):
                    plsc.store_scatter(
                        tb, [dtv2, dsv, rvecs[g16]], stream[g16]
                    )

            def jbody(jq, carry):
                prev = loads(jq * 8)
                for jj in range(1, 8):
                    cur = loads(jq * 8 + jj)
                    stores(*prev)
                    prev = cur
                stores(*prev)
                return carry

            lax.fori_loop(0, CR // 8, jbody, 0)

        def fire_scatter(t, bi):
            pltpu.async_copy(
                tbuf.at[bi].at[:, :, pl.ds(0, BL)],
                out_hbm.at[t, :, w],
                ssem[bi],
            )

        def wait_scatter(bi):
            pltpu.make_async_copy(
                tbuf.at[bi].at[:, :, pl.ds(0, BL)],
                out_hbm.at[0, :, 0],
                ssem[bi],
            ).wait()

        fire_gather(0, 0)
        fire_gather(1, 1)

        def body(i, carry):
            for gi in range(2):
                t = i * 2 + gi
                wait_gather(gi)

                @pl.when(t >= 2)
                def _():
                    wait_scatter(gi)

                compute_t(t, gi)

                @pl.when(t + 2 < T)
                def _():
                    fire_gather(t + 2, gi)

                fire_scatter(t, gi)
            return carry

        lax.fori_loop(0, T // 2, body, 0)
        wait_scatter(0)
        wait_scatter(1)

    return k(idx5, tab_res, tab_str)


def kernel(indices, embedding_weight):
    idx5 = (
        jnp.asarray(indices, jnp.int32)
        .reshape(NW, BL, TT, 8)
        .transpose(2, 0, 3, 1)
    )
    tab_res = jnp.pad(embedding_weight[:, :CR], ((0, 0), (0, RS - CR)))
    out5 = _emb_lookup(idx5, tab_res.reshape(-1), embedding_weight[:, CR:])
    return out5.transpose(2, 4, 0, 1, 3).reshape(B, T, EMB_DIM)

# --- scband reference (transcript-rebuilt; emitter-appended) ---
"""Pipeline reference for scband-elmo-42322607735099 (READ-ONLY COPY).

The authoritative reference and input builder live on the scoring server;
editing this copy changes nothing except your own understanding.
"""

import jax, jax.numpy as jnp
import numpy as np

VOCAB = 1000
EMB_DIM = 64

def setup_inputs(seed: int = 0) -> dict:
    key = jax.random.key(seed)
    k1, k2 = jax.random.split(key)
    indices = jax.random.randint(k1, (4096, 200), 0, VOCAB, dtype=jnp.int64 if jax.config.jax_enable_x64 else jnp.int32)
    embedding_weight = jax.random.normal(k2, (VOCAB, EMB_DIM), dtype=jnp.float32)
    return {"indices": indices, "embedding_weight": embedding_weight}

def reference(indices, embedding_weight):
    # Equivalent of nn.Embedding lookup: out[b, t, :] = embedding_weight[indices[b, t], :]
    return jnp.take(embedding_weight, indices, axis=0)

if __name__ == "__main__":
    import jax
    _d = setup_inputs()
    print(jax.jit(kernel)(*tuple(_d.values())))

</pallas_src>

<mosaic_0001>
#map = affine_map<(d0, d1) -> (0, 0, 0, 0)>
#map1 = affine_map<(d0, d1) -> (0)>
#map2 = affine_map<(d0, d1) -> (0, 0)>
#map3 = affine_map<(d0, d1) -> (0, 0, 0, 0, 0)>
module attributes {stable_mosaic.version = 14 : i64} {
  func.func @k(%arg0: i32, %arg1: i32, %arg2: memref<25x32x8x128xi32, #tpu.memory_space<hbm>>, %arg3: memref<33000xf32, #tpu.memory_space<hbm>>, %arg4: memref<1000x32xf32, #tpu.memory_space<hbm>>, %arg5: memref<200x8x32x8x128xf32, #tpu.memory_space<hbm>>, %arg6: memref<200x128xi32, #tpu.memory_space<vmem>>, %arg7: memref<33000xf32, #tpu.memory_space<vmem>>, %arg8: memref<128x32xf32, #tpu.memory_space<vmem>>, %arg9: memref<128x32xf32, #tpu.memory_space<vmem>>, %arg10: memref<2x8x8x132xf32, #tpu.memory_space<vmem>>, %arg11: memref<!tpu.dma_semaphore, #tpu.memory_space<semaphore_mem>>, %arg12: memref<!tpu.dma_semaphore, #tpu.memory_space<semaphore_mem>>, %arg13: memref<!tpu.dma_semaphore, #tpu.memory_space<semaphore_mem>>, %arg14: memref<!tpu.dma_semaphore, #tpu.memory_space<semaphore_mem>>) attributes {dimension_semantics = [#tpu.dimension_semantics<core_parallel>, #tpu.dimension_semantics<subcore_parallel>], iteration_bounds = array<i64: 2, 16>, scalar_prefetch = 0 : i64, scratch_operands = 9 : i64, tpu.core_type = #tpu.core_type<sc_vector_subcore>, window_params = [{transform_indices = #map}, {transform_indices = #map1}, {transform_indices = #map2}, {transform_indices = #map3}]} {
    %mul3A = arith.constant 2 : i32
    %mul3A_0 = arith.muli %arg1, %mul3A : i32
    %add3A = arith.addi %mul3A_0, %arg0 : i32
    "tpu.region"() ({
      %run_scoped3A_131 = tpu.sem_alloc : memref<!tpu.dma_semaphore, #tpu.memory_space<semaphore_mem>>
      tpu.enqueue_dma source(%arg3 : memref<33000xf32, #tpu.memory_space<hbm>>) target(%arg7 : memref<33000xf32, #tpu.memory_space<vmem>>) target_semaphore(%run_scoped3A_131 : memref<!tpu.dma_semaphore, #tpu.memory_space<semaphore_mem>>)
      tpu.wait_dma2 semaphore(%run_scoped3A_131 : memref<!tpu.dma_semaphore, #tpu.memory_space<semaphore_mem>>) src(%arg3 : memref<33000xf32, #tpu.memory_space<hbm>>) dst(%arg7 : memref<33000xf32, #tpu.memory_space<vmem>>)
      tpu.yield
    }) : () -> ()
    %run_scoped3A = arith.constant 0 : i32
    "tpu.region"() ({
      %run_scoped3A_131 = tpu.sem_alloc : memref<!tpu.dma_semaphore, #tpu.memory_space<semaphore_mem>>
      %dma_start3A_132 = arith.constant 0 : i32
      %dma_start3A_133 = arith.constant 0 : i32
      %dma_start3A_134 = tpu.memref_slice %arg6[%dma_start3A_132, %dma_start3A_133] : memref<200x128xi32, #tpu.memory_space<vmem>> -> memref<8x128xi32, #tpu.memory_space<vmem>>
      %dma_start3A_135 = arith.constant 0 : i32
      %dma_start3A_136 = arith.constant 0 : i32
      %dma_start3A_137 = tpu.memref_slice %arg2[%run_scoped3A, %add3A, %dma_start3A_135, %dma_start3A_136] : memref<25x32x8x128xi32, #tpu.memory_space<hbm>> -> memref<1x1x8x128xi32, #tpu.memory_space<hbm>>
      %dma_start3A_138 = tpu.memref_squeeze %dma_start3A_137 : memref<1x1x8x128xi32, #tpu.memory_space<hbm>> -> memref<8x128xi32, #tpu.memory_space<hbm>>
      %dma_start3A_139 = arith.constant 0 : i32
      %dma_start3A_140 = arith.constant 0 : i32
      %dma_start3A_141 = tpu.memref_slice %arg6[%dma_start3A_139, %dma_start3A_140] : memref<200x128xi32, #tpu.memory_space<vmem>> -> memref<8x128xi32, #tpu.memory_space<vmem>>
      %dma_start3A_142 = arith.constant 0 : i32
      %dma_start3A_143 = arith.constant 0 : i32
      %dma_start3A_144 = tpu.memref_slice %arg2[%run_scoped3A, %add3A, %dma_start3A_142, %dma_start3A_143] : memref<25x32x8x128xi32, #tpu.memory_space<hbm>> -> memref<1x1x8x128xi32, #tpu.memory_space<hbm>>
      %dma_start3A_145 = tpu.memref_squeeze %dma_start3A_144 : memref<1x1x8x128xi32, #tpu.memory_space<hbm>> -> memref<8x128xi32, #tpu.memory_space<hbm>>
      tpu.enqueue_dma source(%dma_start3A_145 : memref<8x128xi32, #tpu.memory_space<hbm>>) target(%dma_start3A_141 : memref<8x128xi32, #tpu.memory_space<vmem>>) target_semaphore(%run_scoped3A_131 : memref<!tpu.dma_semaphore, #tpu.memory_space<semaphore_mem>>)
      %dma_wait3A_146 = arith.constant 0 : i32
      %dma_wait3A_147 = arith.constant 0 : i32
      %dma_wait3A_148 = tpu.memref_slice %arg6[%dma_wait3A_146, %dma_wait3A_147] : memref<200x128xi32, #tpu.memory_space<vmem>> -> memref<8x128xi32, #tpu.memory_space<vmem>>
      %dma_wait3A_149 = arith.constant 0 : i32
      %dma_wait3A_150 = arith.constant 0 : i32
      %dma_wait3A_151 = tpu.memref_slice %arg2[%run_scoped3A, %add3A, %dma_wait3A_149, %dma_wait3A_150] : memref<25x32x8x128xi32, #tpu.memory_space<hbm>> -> memref<1x1x8x128xi32, #tpu.memory_space<hbm>>
      %dma_wait3A_152 = tpu.memref_squeeze %dma_wait3A_151 : memref<1x1x8x128xi32, #tpu.memory_space<hbm>> -> memref<8x128xi32, #tpu.memory_space<hbm>>
      %dma_wait3A_153 = arith.constant 0 : i32
      %dma_wait3A_154 = arith.constant 0 : i32
      %dma_wait3A_155 = tpu.memref_slice %arg6[%dma_wait3A_153, %dma_wait3A_154] : memref<200x128xi32, #tpu.memory_space<vmem>> -> memref<8x128xi32, #tpu.memory_space<vmem>>
      %dma_wait3A_156 = arith.constant 0 : i32
      %dma_wait3A_157 = arith.constant 0 : i32
      %dma_wait3A_158 = tpu.memref_slice %arg2[%run_scoped3A, %add3A, %dma_wait3A_156, %dma_wait3A_157] : memref<25x32x8x128xi32, #tpu.memory_space<hbm>> -> memref<1x1x8x128xi32, #tpu.memory_space<hbm>>
      %dma_wait3A_159 = tpu.memref_squeeze %dma_wait3A_158 : memref<1x1x8x128xi32, #tpu.memory_space<hbm>> -> memref<8x128xi32, #tpu.memory_space<hbm>>
      tpu.wait_dma2 semaphore(%run_scoped3A_131 : memref<!tpu.dma_semaphore, #tpu.memory_space<semaphore_mem>>) src(%dma_wait3A_159 : memref<8x128xi32, #tpu.memory_space<hbm>>) dst(%dma_wait3A_155 : memref<8x128xi32, #tpu.memory_space<vmem>>)
      tpu.yield
    }) : () -> ()
    %run_scoped3A_1 = arith.constant 1 : i32
    "tpu.region"() ({
      %run_scoped3A_131 = tpu.sem_alloc : memref<!tpu.dma_semaphore, #tpu.memory_space<semaphore_mem>>
      %dma_start3A_132 = arith.constant 8 : i32
      %dma_start3A_133 = arith.constant 0 : i32
      %dma_start3A_134 = tpu.memref_slice %arg6[%dma_start3A_132, %dma_start3A_133] : memref<200x128xi32, #tpu.memory_space<vmem>> -> memref<8x128xi32, #tpu.memory_space<vmem>>
      %dma_start3A_135 = arith.constant 0 : i32
      %dma_start3A_136 = arith.constant 0 : i32
      %dma_start3A_137 = tpu.memref_slice %arg2[%run_scoped3A_1, %add3A, %dma_start3A_135, %dma_start3A_136] : memref<25x32x8x128xi32, #tpu.memory_space<hbm>> -> memref<1x1x8x128xi32, #tpu.memory_space<hbm>>
      %dma_start3A_138 = tpu.memref_squeeze %dma_start3A_137 : memref<1x1x8x128xi32, #tpu.memory_space<hbm>> -> memref<8x128xi32, #tpu.memory_space<hbm>>
      %dma_start3A_139 = arith.constant 8 : i32
      %dma_start3A_140 = arith.constant 0 : i32
      %dma_start3A_141 = tpu.memref_slice %arg6[%dma_start3A_139, %dma_start3A_140] : memref<200x128xi32, #tpu.memory_space<vmem>> -> memref<8x128xi32, #tpu.memory_space<vmem>>
      %dma_start3A_142 = arith.constant 0 : i32
      %dma_start3A_143 = arith.constant 0 : i32
      %dma_start3A_144 = tpu.memref_slice %arg2[%run_scoped3A_1, %add3A, %dma_start3A_142, %dma_start3A_143] : memref<25x32x8x128xi32, #tpu.memory_space<hbm>> -> memref<1x1x8x128xi32, #tpu.memory_space<hbm>>
      %dma_start3A_145 = tpu.memref_squeeze %dma_start3A_144 : memref<1x1x8x128xi32, #tpu.memory_space<hbm>> -> memref<8x128xi32, #tpu.memory_space<hbm>>
      tpu.enqueue_dma source(%dma_start3A_145 : memref<8x128xi32, #tpu.memory_space<hbm>>) target(%dma_start3A_141 : memref<8x128xi32, #tpu.memory_space<vmem>>) target_semaphore(%run_scoped3A_131 : memref<!tpu.dma_semaphore, #tpu.memory_space<semaphore_mem>>)
      %dma_wait3A_146 = arith.constant 8 : i32
      %dma_wait3A_147 = arith.constant 0 : i32
      %dma_wait3A_148 = tpu.memref_slice %arg6[%dma_wait3A_146, %dma_wait3A_147] : memref<200x128xi32, #tpu.memory_space<vmem>> -> memref<8x128xi32, #tpu.memory_space<vmem>>
      %dma_wait3A_149 = arith.constant 0 : i32
      %dma_wait3A_150 = arith.constant 0 : i32
      %dma_wait3A_151 = tpu.memref_slice %arg2[%run_scoped3A_1, %add3A, %dma_wait3A_149, %dma_wait3A_150] : memref<25x32x8x128xi32, #tpu.memory_space<hbm>> -> memref<1x1x8x128xi32, #tpu.memory_space<hbm>>
      %dma_wait3A_152 = tpu.memref_squeeze %dma_wait3A_151 : memref<1x1x8x128xi32, #tpu.memory_space<hbm>> -> memref<8x128xi32, #tpu.memory_space<hbm>>
      %dma_wait3A_153 = arith.constant 8 : i32
      %dma_wait3A_154 = arith.constant 0 : i32
      %dma_wait3A_155 = tpu.memref_slice %arg6[%dma_wait3A_153, %dma_wait3A_154] : memref<200x128xi32, #tpu.memory_space<vmem>> -> memref<8x128xi32, #tpu.memory_space<vmem>>
      %dma_wait3A_156 = arith.constant 0 : i32
      %dma_wait3A_157 = arith.constant 0 : i32
      %dma_wait3A_158 = tpu.memref_slice %arg2[%run_scoped3A_1, %add3A, %dma_wait3A_156, %dma_wait3A_157] : memref<25x32x8x128xi32, #tpu.memory_space<hbm>> -> memref<1x1x8x128xi32, #tpu.memory_space<hbm>>
      %dma_wait3A_159 = tpu.memref_squeeze %dma_wait3A_158 : memref<1x1x8x128xi32, #tpu.memory_space<hbm>> -> memref<8x128xi32, #tpu.memory_space<hbm>>
      tpu.wait_dma2 semaphore(%run_scoped3A_131 : memref<!tpu.dma_semaphore, #tpu.memory_space<semaphore_mem>>) src(%dma_wait3A_159 : memref<8x128xi32, #tpu.memory_space<hbm>>) dst(%dma_wait3A_155 : memref<8x128xi32, #tpu.memory_space<vmem>>)
      tpu.yield
    }) : () -> ()
    %run_scoped3A_2 = arith.constant 2 : i32
    "tpu.region"() ({
      %run_scoped3A_131 = tpu.sem_alloc : memref<!tpu.dma_semaphore, #tpu.memory_space<semaphore_mem>>
      %dma_start3A_132 = arith.constant 16 : i32
      %dma_start3A_133 = arith.constant 0 : i32
      %dma_start3A_134 = tpu.memref_slice %arg6[%dma_start3A_132, %dma_start3A_133] : memref<200x128xi32, #tpu.memory_space<vmem>> -> memref<8x128xi32, #tpu.memory_space<vmem>>
      %dma_start3A_135 = arith.constant 0 : i32
      %dma_start3A_136 = arith.constant 0 : i32
      %dma_start3A_137 = tpu.memref_slice %arg2[%run_scoped3A_2, %add3A, %dma_start3A_135, %dma_start3A_136] : memref<25x32x8x128xi32, #tpu.memory_space<hbm>> -> memref<1x1x8x128xi32, #tpu.memory_space<hbm>>
      %dma_start3A_138 = tpu.memref_squeeze %dma_start3A_137 : memref<1x1x8x128xi32, #tpu.memory_space<hbm>> -> memref<8x128xi32, #tpu.memory_space<hbm>>
      %dma_start3A_139 = arith.constant 16 : i32
      %dma_start3A_140 = arith.constant 0 : i32
      %dma_start3A_141 = tpu.memref_slice %arg6[%dma_start3A_139, %dma_start3A_140] : memref<200x128xi32, #tpu.memory_space<vmem>> -> memref<8x128xi32, #tpu.memory_space<vmem>>
      %dma_start3A_142 = arith.constant 0 : i32
      %dma_start3A_143 = arith.constant 0 : i32
      %dma_start3A_144 = tpu.memref_slice %arg2[%run_scoped3A_2, %add3A, %dma_start3A_142, %dma_start3A_143] : memref<25x32x8x128xi32, #tpu.memory_space<hbm>> -> memref<1x1x8x128xi32, #tpu.memory_space<hbm>>
      %dma_start3A_145 = tpu.memref_squeeze %dma_start3A_144 : memref<1x1x8x128xi32, #tpu.memory_space<hbm>> -> memref<8x128xi32, #tpu.memory_space<hbm>>
      tpu.enqueue_dma source(%dma_start3A_145 : memref<8x128xi32, #tpu.memory_space<hbm>>) target(%dma_start3A_141 : memref<8x128xi32, #tpu.memory_space<vmem>>) target_semaphore(%run_scoped3A_131 : memref<!tpu.dma_semaphore, #tpu.memory_space<semaphore_mem>>)
      %dma_wait3A_146 = arith.constant 16 : i32
      %dma_wait3A_147 = arith.constant 0 : i32
      %dma_wait3A_148 = tpu.memref_slice %arg6[%dma_wait3A_146, %dma_wait3A_147] : memref<200x128xi32, #tpu.memory_space<vmem>> -> memref<8x128xi32, #tpu.memory_space<vmem>>
      %dma_wait3A_149 = arith.constant 0 : i32
      %dma_wait3A_150 = arith.constant 0 : i32
      %dma_wait3A_151 = tpu.memref_slice %arg2[%run_scoped3A_2, %add3A, %dma_wait3A_149, %dma_wait3A_150] : memref<25x32x8x128xi32, #tpu.memory_space<hbm>> -> memref<1x1x8x128xi32, #tpu.memory_space<hbm>>
      %dma_wait3A_152 = tpu.memref_squeeze %dma_wait3A_151 : memref<1x1x8x128xi32, #tpu.memory_space<hbm>> -> memref<8x128xi32, #tpu.memory_space<hbm>>
      %dma_wait3A_153 = arith.constant 16 : i32
      %dma_wait3A_154 = arith.constant 0 : i32
      %dma_wait3A_155 = tpu.memref_slice %arg6[%dma_wait3A_153, %dma_wait3A_154] : memref<200x128xi32, #tpu.memory_space<vmem>> -> memref<8x128xi32, #tpu.memory_space<vmem>>
      %dma_wait3A_156 = arith.constant 0 : i32
      %dma_wait3A_157 = arith.constant 0 : i32
      %dma_wait3A_158 = tpu.memref_slice %arg2[%run_scoped3A_2, %add3A, %dma_wait3A_156, %dma_wait3A_157] : memref<25x32x8x128xi32, #tpu.memory_space<hbm>> -> memref<1x1x8x128xi32, #tpu.memory_space<hbm>>
      %dma_wait3A_159 = tpu.memref_squeeze %dma_wait3A_158 : memref<1x1x8x128xi32, #tpu.memory_space<hbm>> -> memref<8x128xi32, #tpu.memory_space<hbm>>
      tpu.wait_dma2 semaphore(%run_scoped3A_131 : memref<!tpu.dma_semaphore, #tpu.memory_space<semaphore_mem>>) src(%dma_wait3A_159 : memref<8x128xi32, #tpu.memory_space<hbm>>) dst(%dma_wait3A_155 : memref<8x128xi32, #tpu.memory_space<vmem>>)
      tpu.yield
    }) : () -> ()
    %run_scoped3A_3 = arith.constant 3 : i32
    "tpu.region"() ({
      %run_scoped3A_131 = tpu.sem_alloc : memref<!tpu.dma_semaphore, #tpu.memory_space<semaphore_mem>>
      %dma_start3A_132 = arith.constant 24 : i32
      %dma_start3A_133 = arith.constant 0 : i32
      %dma_start3A_134 = tpu.memref_slice %arg6[%dma_start3A_132, %dma_start3A_133] : memref<200x128xi32, #tpu.memory_space<vmem>> -> memref<8x128xi32, #tpu.memory_space<vmem>>
      %dma_start3A_135 = arith.constant 0 : i32
      %dma_start3A_136 = arith.constant 0 : i32
      %dma_start3A_137 = tpu.memref_slice %arg2[%run_scoped3A_3, %add3A, %dma_start3A_135, %dma_start3A_136] : memref<25x32x8x128xi32, #tpu.memory_space<hbm>> -> memref<1x1x8x128xi32, #tpu.memory_space<hbm>>
      %dma_start3A_138 = tpu.memref_squeeze %dma_start3A_137 : memref<1x1x8x128xi32, #tpu.memory_space<hbm>> -> memref<8x128xi32, #tpu.memory_space<hbm>>
      %dma_start3A_139 = arith.constant 24 : i32
      %dma_start3A_140 = arith.constant 0 : i32
      %dma_start3A_141 = tpu.memref_slice %arg6[%dma_start3A_139, %dma_start3A_140] : memref<200x128xi32, #tpu.memory_space<vmem>> -> memref<8x128xi32, #tpu.memory_space<vmem>>
      %dma_start3A_142 = arith.constant 0 : i32
      %dma_start3A_143 = arith.constant 0 : i32
      %dma_start3A_144 = tpu.memref_slice %arg2[%run_scoped3A_3, %add3A, %dma_start3A_142, %dma_start3A_143] : memref<25x32x8x128xi32, #tpu.memory_space<hbm>> -> memref<1x1x8x128xi32, #tpu.memory_space<hbm>>
      %dma_start3A_145 = tpu.memref_squeeze %dma_start3A_144 : memref<1x1x8x128xi32, #tpu.memory_space<hbm>> -> memref<8x128xi32, #tpu.memory_space<hbm>>
      tpu.enqueue_dma source(%dma_start3A_145 : memref<8x128xi32, #tpu.memory_space<hbm>>) target(%dma_start3A_141 : memref<8x128xi32, #tpu.memory_space<vmem>>) target_semaphore(%run_scoped3A_131 : memref<!tpu.dma_semaphore, #tpu.memory_space<semaphore_mem>>)
      %dma_wait3A_146 = arith.constant 24 : i32
      %dma_wait3A_147 = arith.constant 0 : i32
      %dma_wait3A_148 = tpu.memref_slice %arg6[%dma_wait3A_146, %dma_wait3A_147] : memref<200x128xi32, #tpu.memory_space<vmem>> -> memref<8x128xi32, #tpu.memory_space<vmem>>
      %dma_wait3A_149 = arith.constant 0 : i32
      %dma_wait3A_150 = arith.constant 0 : i32
      %dma_wait3A_151 = tpu.memref_slice %arg2[%run_scoped3A_3, %add3A, %dma_wait3A_149, %dma_wait3A_150] : memref<25x32x8x128xi32, #tpu.memory_space<hbm>> -> memref<1x1x8x128xi32, #tpu.memory_space<hbm>>
      %dma_wait3A_152 = tpu.memref_squeeze %dma_wait3A_151 : memref<1x1x8x128xi32, #tpu.memory_space<hbm>> -> memref<8x128xi32, #tpu.memory_space<hbm>>
      %dma_wait3A_153 = arith.constant 24 : i32
      %dma_wait3A_154 = arith.constant 0 : i32
      %dma_wait3A_155 = tpu.memref_slice %arg6[%dma_wait3A_153, %dma_wait3A_154] : memref<200x128xi32, #tpu.memory_space<vmem>> -> memref<8x128xi32, #tpu.memory_space<vmem>>
      %dma_wait3A_156 = arith.constant 0 : i32
      %dma_wait3A_157 = arith.constant 0 : i32
      %dma_wait3A_158 = tpu.memref_slice %arg2[%run_scoped3A_3, %add3A, %dma_wait3A_156, %dma_wait3A_157] : memref<25x32x8x128xi32, #tpu.memory_space<hbm>> -> memref<1x1x8x128xi32, #tpu.memory_space<hbm>>
      %dma_wait3A_159 = tpu.memref_squeeze %dma_wait3A_158 : memref<1x1x8x128xi32, #tpu.memory_space<hbm>> -> memref<8x128xi32, #tpu.memory_space<hbm>>
      tpu.wait_dma2 semaphore(%run_scoped3A_131 : memref<!tpu.dma_semaphore, #tpu.memory_space<semaphore_mem>>) src(%dma_wait3A_159 : memref<8x128xi32, #tpu.memory_space<hbm>>) dst(%dma_wait3A_155 : memref<8x128xi32, #tpu.memory_space<vmem>>)
      tpu.yield
    }) : () -> ()
    %run_scoped3A_4 = arith.constant 4 : i32
    "tpu.region"() ({
      %run_scoped3A_131 = tpu.sem_alloc : memref<!tpu.dma_semaphore, #tpu.memory_space<semaphore_mem>>
      %dma_start3A_132 = arith.constant 32 : i32
      %dma_start3A_133 = arith.constant 0 : i32
      %dma_start3A_134 = tpu.memref_slice %arg6[%dma_start3A_132, %dma_start3A_133] : memref<200x128xi32, #tpu.memory_space<vmem>> -> memref<8x128xi32, #tpu.memory_space<vmem>>
      %dma_start3A_135 = arith.constant 0 : i32
      %dma_start3A_136 = arith.constant 0 : i32
      %dma_start3A_137 = tpu.memref_slice %arg2[%run_scoped3A_4, %add3A, %dma_start3A_135, %dma_start3A_136] : memref<25x32x8x128xi32, #tpu.memory_space<hbm>> -> memref<1x1x8x128xi32, #tpu.memory_space<hbm>>
      %dma_start3A_138 = tpu.memref_squeeze %dma_start3A_137 : memref<1x1x8x128xi32, #tpu.memory_space<hbm>> -> memref<8x128xi32, #tpu.memory_space<hbm>>
      %dma_start3A_139 = arith.constant 32 : i32
      %dma_start3A_140 = arith.constant 0 : i32
      %dma_start3A_141 = tpu.memref_slice %arg6[%dma_start3A_139, %dma_start3A_140] : memref<200x128xi32, #tpu.memory_space<vmem>> -> memref<8x128xi32, #tpu.memory_space<vmem>>
      %dma_start3A_142 = arith.constant 0 : i32
      %dma_start3A_143 = arith.constant 0 : i32
      %dma_start3A_144 = tpu.memref_slice %arg2[%run_scoped3A_4, %add3A, %dma_start3A_142, %dma_start3A_143] : memref<25x32x8x128xi32, #tpu.memory_space<hbm>> -> memref<1x1x8x128xi32, #tpu.memory_space<hbm>>
      %dma_start3A_145 = tpu.memref_squeeze %dma_start3A_144 : memref<1x1x8x128xi32, #tpu.memory_space<hbm>> -> memref<8x128xi32, #tpu.memory_space<hbm>>
      tpu.enqueue_dma source(%dma_start3A_145 : memref<8x128xi32, #tpu.memory_space<hbm>>) target(%dma_start3A_141 : memref<8x128xi32, #tpu.memory_space<vmem>>) target_semaphore(%run_scoped3A_131 : memref<!tpu.dma_semaphore, #tpu.memory_space<semaphore_mem>>)
      %dma_wait3A_146 = arith.constant 32 : i32
      %dma_wait3A_147 = arith.constant 0 : i32
      %dma_wait3A_148 = tpu.memref_slice %arg6[%dma_wait3A_146, %dma_wait3A_147] : memref<200x128xi32, #tpu.memory_space<vmem>> -> memref<8x128xi32, #tpu.memory_space<vmem>>
      %dma_wait3A_149 = arith.constant 0 : i32
      %dma_wait3A_150 = arith.constant 0 : i32
      %dma_wait3A_151 = tpu.memref_slice %arg2[%run_scoped3A_4, %add3A, %dma_wait3A_149, %dma_wait3A_150] : memref<25x32x8x128xi32, #tpu.memory_space<hbm>> -> memref<1x1x8x128xi32, #tpu.memory_space<hbm>>
      %dma_wait3A_152 = tpu.memref_squeeze %dma_wait3A_151 : memref<1x1x8x128xi32, #tpu.memory_space<hbm>> -> memref<8x128xi32, #tpu.memory_space<hbm>>
      %dma_wait3A_153 = arith.constant 32 : i32
      %dma_wait3A_154 = arith.constant 0 : i32
      %dma_wait3A_155 = tpu.memref_slice %arg6[%dma_wait3A_153, %dma_wait3A_154] : memref<200x128xi32, #tpu.memory_space<vmem>> -> memref<8x128xi32, #tpu.memory_space<vmem>>
      %dma_wait3A_156 = arith.constant 0 : i32
      %dma_wait3A_157 = arith.constant 0 : i32
      %dma_wait3A_158 = tpu.memref_slice %arg2[%run_scoped3A_4, %add3A, %dma_wait3A_156, %dma_wait3A_157] : memref<25x32x8x128xi32, #tpu.memory_space<hbm>> -> memref<1x1x8x128xi32, #tpu.memory_space<hbm>>
      %dma_wait3A_159 = tpu.memref_squeeze %dma_wait3A_158 : memref<1x1x8x128xi32, #tpu.memory_space<hbm>> -> memref<8x128xi32, #tpu.memory_space<hbm>>
      tpu.wait_dma2 semaphore(%run_scoped3A_131 : memref<!tpu.dma_semaphore, #tpu.memory_space<semaphore_mem>>) src(%dma_wait3A_159 : memref<8x128xi32, #tpu.memory_space<hbm>>) dst(%dma_wait3A_155 : memref<8x128xi32, #tpu.memory_space<vmem>>)
      tpu.yield
    }) : () -> ()
    %run_scoped3A_5 = arith.constant 5 : i32
    "tpu.region"() ({
      %run_scoped3A_131 = tpu.sem_alloc : memref<!tpu.dma_semaphore, #tpu.memory_space<semaphore_mem>>
      %dma_start3A_132 = arith.constant 40 : i32
      %dma_start3A_133 = arith.constant 0 : i32
      %dma_start3A_134 = tpu.memref_slice %arg6[%dma_start3A_132, %dma_start3A_133] : memref<200x128xi32, #tpu.memory_space<vmem>> -> memref<8x128xi32, #tpu.memory_space<vmem>>
      %dma_start3A_135 = arith.constant 0 : i32
      %dma_start3A_136 = arith.constant 0 : i32
      %dma_start3A_137 = tpu.memref_slice %arg2[%run_scoped3A_5, %add3A, %dma_start3A_135, %dma_start3A_136] : memref<25x32x8x128xi32, #tpu.memory_space<hbm>> -> memref<1x1x8x128xi32, #tpu.memory_space<hbm>>
      %dma_start3A_138 = tpu.memref_squeeze %dma_start3A_137 : memref<1x1x8x128xi32, #tpu.memory_space<hbm>> -> memref<8x128xi32, #tpu.memory_space<hbm>>
      %dma_start3A_139 = arith.constant 40 : i32
      %dma_start3A_140 = arith.constant 0 : i32
      %dma_start3A_141 = tpu.memref_slice %arg6[%dma_start3A_139, %dma_start3A_140] : memref<200x128xi32, #tpu.memory_space<vmem>> -> memref<8x128xi32, #tpu.memory_space<vmem>>
      %dma_start3A_142 = arith.constant 0 : i32
      %dma_start3A_143 = arith.constant 0 : i32
      %dma_start3A_144 = tpu.memref_slice %arg2[%run_scoped3A_5, %add3A, %dma_start3A_142, %dma_start3A_143] : memref<25x32x8x128xi32, #tpu.memory_space<hbm>> -> memref<1x1x8x128xi32, #tpu.memory_space<hbm>>
      %dma_start3A_145 = tpu.memref_squeeze %dma_start3A_144 : memref<1x1x8x128xi32, #tpu.memory_space<hbm>> -> memref<8x128xi32, #tpu.memory_space<hbm>>
      tpu.enqueue_dma source(%dma_start3A_145 : memref<8x128xi32, #tpu.memory_space<hbm>>) target(%dma_start3A_141 : memref<8x128xi32, #tpu.memory_space<vmem>>) target_semaphore(%run_scoped3A_131 : memref<!tpu.dma_semaphore, #tpu.memory_space<semaphore_mem>>)
      %dma_wait3A_146 = arith.constant 40 : i32
      %dma_wait3A_147 = arith.constant 0 : i32
      %dma_wait3A_148 = tpu.memref_slice %arg6[%dma_wait3A_146, %dma_wait3A_147] : memref<200x128xi32, #tpu.memory_space<vmem>> -> memref<8x128xi32, #tpu.memory_space<vmem>>
      %dma_wait3A_149 = arith.constant 0 : i32
      %dma_wait3A_150 = arith.constant 0 : i32
      %dma_wait3A_151 = tpu.memref_slice %arg2[%run_scoped3A_5, %add3A, %dma_wait3A_149, %dma_wait3A_150] : memref<25x32x8x128xi32, #tpu.memory_space<hbm>> -> memref<1x1x8x128xi32, #tpu.memory_space<hbm>>
      %dma_wait3A_152 = tpu.memref_squeeze %dma_wait3A_151 : memref<1x1x8x128xi32, #tpu.memory_space<hbm>> -> memref<8x128xi32, #tpu.memory_space<hbm>>
      %dma_wait3A_153 = arith.constant 40 : i32
      %dma_wait3A_154 = arith.constant 0 : i32
      %dma_wait3A_155 = tpu.memref_slice %arg6[%dma_wait3A_153, %dma_wait3A_154] : memref<200x128xi32, #tpu.memory_space<vmem>> -> memref<8x128xi32, #tpu.memory_space<vmem>>
      %dma_wait3A_156 = arith.constant 0 : i32
      %dma_wait3A_157 = arith.constant 0 : i32
      %dma_wait3A_158 = tpu.memref_slice %arg2[%run_scoped3A_5, %add3A, %dma_wait3A_156, %dma_wait3A_157] : memref<25x32x8x128xi32, #tpu.memory_space<hbm>> -> memref<1x1x8x128xi32, #tpu.memory_space<hbm>>
      %dma_wait3A_159 = tpu.memref_squeeze %dma_wait3A_158 : memref<1x1x8x128xi32, #tpu.memory_space<hbm>> -> memref<8x128xi32, #tpu.memory_space<hbm>>
      tpu.wait_dma2 semaphore(%run_scoped3A_131 : memref<!tpu.dma_semaphore, #tpu.memory_space<semaphore_mem>>) src(%dma_wait3A_159 : memref<8x128xi32, #tpu.memory_space<hbm>>) dst(%dma_wait3A_155 : memref<8x128xi32, #tpu.memory_space<vmem>>)
      tpu.yield
    }) : () -> ()
    %run_scoped3A_6 = arith.constant 6 : i32
    "tpu.region"() ({
      %run_scoped3A_131 = tpu.sem_alloc : memref<!tpu.dma_semaphore, #tpu.memory_space<semaphore_mem>>
      %dma_start3A_132 = arith.constant 48 : i32
      %dma_start3A_133 = arith.constant 0 : i32
      %dma_start3A_134 = tpu.memref_slice %arg6[%dma_start3A_132, %dma_start3A_133] : memref<200x128xi32, #tpu.memory_space<vmem>> -> memref<8x128xi32, #tpu.memory_space<vmem>>
      %dma_start3A_135 = arith.constant 0 : i32
      %dma_start3A_136 = arith.constant 0 : i32
      %dma_start3A_137 = tpu.memref_slice %arg2[%run_scoped3A_6, %add3A, %dma_start3A_135, %dma_start3A_136] : memref<25x32x8x128xi32, #tpu.memory_space<hbm>> -> memref<1x1x8x128xi32, #tpu.memory_space<hbm>>
      %dma_start3A_138 = tpu.memref_squeeze %dma_start3A_137 : memref<1x1x8x128xi32, #tpu.memory_space<hbm>> -> memref<8x128xi32, #tpu.memory_space<hbm>>
      %dma_start3A_139 = arith.constant 48 : i32
      %dma_start3A_140 = arith.constant 0 : i32
      %dma_start3A_141 = tpu.memref_slice %arg6[%dma_start3A_139, %dma_start3A_140] : memref<200x128xi32, #tpu.memory_space<vmem>> -> memref<8x128xi32, #tpu.memory_space<vmem>>
      %dma_start3A_142 = arith.constant 0 : i32
      %dma_start3A_143 = arith.constant 0 : i32
      %dma_start3A_144 = tpu.memref_slice %arg2[%run_scoped3A_6, %add3A, %dma_start3A_142, %dma_start3A_143] : memref<25x32x8x128xi32, #tpu.memory_space<hbm>> -> memref<1x1x8x128xi32, #tpu.memory_space<hbm>>
      %dma_start3A_145 = tpu.memref_squeeze %dma_start3A_144 : memref<1x1x8x128xi32, #tpu.memory_space<hbm>> -> memref<8x128xi32, #tpu.memory_space<hbm>>
      tpu.enqueue_dma source(%dma_start3A_145 : memref<8x128xi32, #tpu.memory_space<hbm>>) target(%dma_start3A_141 : memref<8x128xi32, #tpu.memory_space<vmem>>) target_semaphore(%run_scoped3A_131 : memref<!tpu.dma_semaphore, #tpu.memory_space<semaphore_mem>>)
      %dma_wait3A_146 = arith.constant 48 : i32
      %dma_wait3A_147 = arith.constant 0 : i32
      %dma_wait3A_148 = tpu.memref_slice %arg6[%dma_wait3A_146, %dma_wait3A_147] : memref<200x128xi32, #tpu.memory_space<vmem>> -> memref<8x128xi32, #tpu.memory_space<vmem>>
      %dma_wait3A_149 = arith.constant 0 : i32
      %dma_wait3A_150 = arith.constant 0 : i32
      %dma_wait3A_151 = tpu.memref_slice %arg2[%run_scoped3A_6, %add3A, %dma_wait3A_149, %dma_wait3A_150] : memref<25x32x8x128xi32, #tpu.memory_space<hbm>> -> memref<1x1x8x128xi32, #tpu.memory_space<hbm>>
      %dma_wait3A_152 = tpu.memref_squeeze %dma_wait3A_151 : memref<1x1x8x128xi32, #tpu.memory_space<hbm>> -> memref<8x128xi32, #tpu.memory_space<hbm>>
      %dma_wait3A_153 = arith.constant 48 : i32
      %dma_wait3A_154 = arith.constant 0 : i32
      %dma_wait3A_155 = tpu.memref_slice %arg6[%dma_wait3A_153, %dma_wait3A_154] : memref<200x128xi32, #tpu.memory_space<vmem>> -> memref<8x128xi32, #tpu.memory_space<vmem>>
      %dma_wait3A_156 = arith.constant 0 : i32
      %dma_wait3A_157 = arith.constant 0 : i32
      %dma_wait3A_158 = tpu.memref_slice %arg2[%run_scoped3A_6, %add3A, %dma_wait3A_156, %dma_wait3A_157] : memref<25x32x8x128xi32, #tpu.memory_space<hbm>> -> memref<1x1x8x128xi32, #tpu.memory_space<hbm>>
      %dma_wait3A_159 = tpu.memref_squeeze %dma_wait3A_158 : memref<1x1x8x128xi32, #tpu.memory_space<hbm>> -> memref<8x128xi32, #tpu.memory_space<hbm>>
      tpu.wait_dma2 semaphore(%run_scoped3A_131 : memref<!tpu.dma_semaphore, #tpu.memory_space<semaphore_mem>>) src(%dma_wait3A_159 : memref<8x128xi32, #tpu.memory_space<hbm>>) dst(%dma_wait3A_155 : memref<8x128xi32, #tpu.memory_space<vmem>>)
      tpu.yield
    }) : () -> ()
    %run_scoped3A_7 = arith.constant 7 : i32
    "tpu.region"() ({
      %run_scoped3A_131 = tpu.sem_alloc : memref<!tpu.dma_semaphore, #tpu.memory_space<semaphore_mem>>
      %dma_start3A_132 = arith.constant 56 : i32
      %dma_start3A_133 = arith.constant 0 : i32
      %dma_start3A_134 = tpu.memref_slice %arg6[%dma_start3A_132, %dma_start3A_133] : memref<200x128xi32, #tpu.memory_space<vmem>> -> memref<8x128xi32, #tpu.memory_space<vmem>>
      %dma_start3A_135 = arith.constant 0 : i32
      %dma_start3A_136 = arith.constant 0 : i32
      %dma_start3A_137 = tpu.memref_slice %arg2[%run_scoped3A_7, %add3A, %dma_start3A_135, %dma_start3A_136] : memref<25x32x8x128xi32, #tpu.memory_space<hbm>> -> memref<1x1x8x128xi32, #tpu.memory_space<hbm>>
      %dma_start3A_138 = tpu.memref_squeeze %dma_start3A_137 : memref<1x1x8x128xi32, #tpu.memory_space<hbm>> -> memref<8x128xi32, #tpu.memory_space<hbm>>
      %dma_start3A_139 = arith.constant 56 : i32
      %dma_start3A_140 = arith.constant 0 : i32
      %dma_start3A_141 = tpu.memref_slice %arg6[%dma_start3A_139, %dma_start3A_140] : memref<200x128xi32, #tpu.memory_space<vmem>> -> memref<8x128xi32, #tpu.memory_space<vmem>>
      %dma_start3A_142 = arith.constant 0 : i32
      %dma_start3A_143 = arith.constant 0 : i32
      %dma_start3A_144 = tpu.memref_slice %arg2[%run_scoped3A_7, %add3A, %dma_start3A_142, %dma_start3A_143] : memref<25x32x8x128xi32, #tpu.memory_space<hbm>> -> memref<1x1x8x128xi32, #tpu.memory_space<hbm>>
      %dma_start3A_145 = tpu.memref_squeeze %dma_start3A_144 : memref<1x1x8x128xi32, #tpu.memory_space<hbm>> -> memref<8x128xi32, #tpu.memory_space<hbm>>
      tpu.enqueue_dma source(%dma_start3A_145 : memref<8x128xi32, #tpu.memory_space<hbm>>) target(%dma_start3A_141 : memref<8x128xi32, #tpu.memory_space<vmem>>) target_semaphore(%run_scoped3A_131 : memref<!tpu.dma_semaphore, #tpu.memory_space<semaphore_mem>>)
      %dma_wait3A_146 = arith.constant 56 : i32
      %dma_wait3A_147 = arith.constant 0 : i32
      %dma_wait3A_148 = tpu.memref_slice %arg6[%dma_wait3A_146, %dma_wait3A_147] : memref<200x128xi32, #tpu.memory_space<vmem>> -> memref<8x128xi32, #tpu.memory_space<vmem>>
      %dma_wait3A_149 = arith.constant 0 : i32
      %dma_wait3A_150 = arith.constant 0 : i32
      %dma_wait3A_151 = tpu.memref_slice %arg2[%run_scoped3A_7, %add3A, %dma_wait3A_149, %dma_wait3A_150] : memref<25x32x8x128xi32, #tpu.memory_space<hbm>> -> memref<1x1x8x128xi32, #tpu.memory_space<hbm>>
      %dma_wait3A_152 = tpu.memref_squeeze %dma_wait3A_151 : memref<1x1x8x128xi32, #tpu.memory_space<hbm>> -> memref<8x128xi32, #tpu.memory_space<hbm>>
      %dma_wait3A_153 = arith.constant 56 : i32
      %dma_wait3A_154 = arith.constant 0 : i32
      %dma_wait3A_155 = tpu.memref_slice %arg6[%dma_wait3A_153, %dma_wait3A_154] : memref<200x128xi32, #tpu.memory_space<vmem>> -> memref<8x128xi32, #tpu.memory_space<vmem>>
      %dma_wait3A_156 = arith.constant 0 : i32
      %dma_wait3A_157 = arith.constant 0 : i32
      %dma_wait3A_158 = tpu.memref_slice %arg2[%run_scoped3A_7, %add3A, %dma_wait3A_156, %dma_wait3A_157] : memref<25x32x8x128xi32, #tpu.memory_space<hbm>> -> memref<1x1x8x128xi32, #tpu.memory_space<hbm>>
      %dma_wait3A_159 = tpu.memref_squeeze %dma_wait3A_158 : memref<1x1x8x128xi32, #tpu.memory_space<hbm>> -> memref<8x128xi32, #tpu.memory_space<hbm>>
      tpu.wait_dma2 semaphore(%run_scoped3A_131 : memref<!tpu.dma_semaphore, #tpu.memory_space<semaphore_mem>>) src(%dma_wait3A_159 : memref<8x128xi32, #tpu.memory_space<hbm>>) dst(%dma_wait3A_155 : memref<8x128xi32, #tpu.memory_space<vmem>>)
      tpu.yield
    }) : () -> ()
    %run_scoped3A_8 = arith.constant 8 : i32
    "tpu.region"() ({
      %run_scoped3A_131 = tpu.sem_alloc : memref<!tpu.dma_semaphore, #tpu.memory_space<semaphore_mem>>
      %dma_start3A_132 = arith.constant 64 : i32
      %dma_start3A_133 = arith.constant 0 : i32
      %dma_start3A_134 = tpu.memref_slice %arg6[%dma_start3A_132, %dma_start3A_133] : memref<200x128xi32, #tpu.memory_space<vmem>> -> memref<8x128xi32, #tpu.memory_space<vmem>>
      %dma_start3A_135 = arith.constant 0 : i32
      %dma_start3A_136 = arith.constant 0 : i32
      %dma_start3A_137 = tpu.memref_slice %arg2[%run_scoped3A_8, %add3A, %dma_start3A_135, %dma_start3A_136] : memref<25x32x8x128xi32, #tpu.memory_space<hbm>> -> memref<1x1x8x128xi32, #tpu.memory_space<hbm>>
      %dma_start3A_138 = tpu.memref_squeeze %dma_start3A_137 : memref<1x1x8x128xi32, #tpu.memory_space<hbm>> -> memref<8x128xi32, #tpu.memory_space<hbm>>
      %dma_start3A_139 = arith.constant 64 : i32
      %dma_start3A_140 = arith.constant 0 : i32
      %dma_start3A_141 = tpu.memref_slice %arg6[%dma_start3A_139, %dma_start3A_140] : memref<200x128xi32, #tpu.memory_space<vmem>> -> memref<8x128xi32, #tpu.memory_space<vmem>>
      %dma_start3A_142 = arith.constant 0 : i32
      %dma_start3A_143 = arith.constant 0 : i32
      %dma_start3A_144 = tpu.memref_slice %arg2[%run_scoped3A_8, %add3A, %dma_start3A_142, %dma_start3A_143] : memref<25x32x8x128xi32, #tpu.memory_space<hbm>> -> memref<1x1x8x128xi32, #tpu.memory_space<hbm>>
      %dma_start3A_145 = tpu.memref_squeeze %dma_start3A_144 : memref<1x1x8x128xi32, #tpu.memory_space<hbm>> -> memref<8x128xi32, #tpu.memory_space<hbm>>
      tpu.enqueue_dma source(%dma_start3A_145 : memref<8x128xi32, #tpu.memory_space<hbm>>) target(%dma_start3A_141 : memref<8x128xi32, #tpu.memory_space<vmem>>) target_semaphore(%run_scoped3A_131 : memref<!tpu.dma_semaphore, #tpu.memory_space<semaphore_mem>>)
      %dma_wait3A_146 = arith.constant 64 : i32
      %dma_wait3A_147 = arith.constant 0 : i32
      %dma_wait3A_148 = tpu.memref_slice %arg6[%dma_wait3A_146, %dma_wait3A_147] : memref<200x128xi32, #tpu.memory_space<vmem>> -> memref<8x128xi32, #tpu.memory_space<vmem>>
      %dma_wait3A_149 = arith.constant 0 : i32
      %dma_wait3A_150 = arith.constant 0 : i32
      %dma_wait3A_151 = tpu.memref_slice %arg2[%run_scoped3A_8, %add3A, %dma_wait3A_149, %dma_wait3A_150] : memref<25x32x8x128xi32, #tpu.memory_space<hbm>> -> memref<1x1x8x128xi32, #tpu.memory_space<hbm>>
      %dma_wait3A_152 = tpu.memref_squeeze %dma_wait3A_151 : memref<1x1x8x128xi32, #tpu.memory_space<hbm>> -> memref<8x128xi32, #tpu.memory_space<hbm>>
      %dma_wait3A_153 = arith.constant 64 : i32
      %dma_wait3A_154 = arith.constant 0 : i32
      %dma_wait3A_155 = tpu.memref_slice %arg6[%dma_wait3A_153, %dma_wait3A_154] : memref<200x128xi32, #tpu.memory_space<vmem>> -> memref<8x128xi32, #tpu.memory_space<vmem>>
      %dma_wait3A_156 = arith.constant 0 : i32
      %dma_wait3A_157 = arith.constant 0 : i32
      %dma_wait3A_158 = tpu.memref_slice %arg2[%run_scoped3A_8, %add3A, %dma_wait3A_156, %dma_wait3A_157] : memref<25x32x8x128xi32, #tpu.memory_space<hbm>> -> memref<1x1x8x128xi32, #tpu.memory_space<hbm>>
      %dma_wait3A_159 = tpu.memref_squeeze %dma_wait3A_158 : memref<1x1x8x128xi32, #tpu.memory_space<hbm>> -> memref<8x128xi32, #tpu.memory_space<hbm>>
      tpu.wait_dma2 semaphore(%run_scoped3A_131 : memref<!tpu.dma_semaphore, #tpu.memory_space<semaphore_mem>>) src(%dma_wait3A_159 : memref<8x128xi32, #tpu.memory_space<hbm>>) dst(%dma_wait3A_155 : memref<8x128xi32, #tpu.memory_space<vmem>>)
      tpu.yield
    }) : () -> ()
    %run_scoped3A_9 = arith.constant 9 : i32
    "tpu.region"() ({
      %run_scoped3A_131 = tpu.sem_alloc : memref<!tpu.dma_semaphore, #tpu.memory_space<semaphore_mem>>
      %dma_start3A_132 = arith.constant 72 : i32
      %dma_start3A_133 = arith.constant 0 : i32
      %dma_start3A_134 = tpu.memref_slice %arg6[%dma_start3A_132, %dma_start3A_133] : memref<200x128xi32, #tpu.memory_space<vmem>> -> memref<8x128xi32, #tpu.memory_space<vmem>>
      %dma_start3A_135 = arith.constant 0 : i32
      %dma_start3A_136 = arith.constant 0 : i32
      %dma_start3A_137 = tpu.memref_slice %arg2[%run_scoped3A_9, %add3A, %dma_start3A_135, %dma_start3A_136] : memref<25x32x8x128xi32, #tpu.memory_space<hbm>> -> memref<1x1x8x128xi32, #tpu.memory_space<hbm>>
      %dma_start3A_138 = tpu.memref_squeeze %dma_start3A_137 : memref<1x1x8x128xi32, #tpu.memory_space<hbm>> -> memref<8x128xi32, #tpu.memory_space<hbm>>
      %dma_start3A_139 = arith.constant 72 : i32
      %dma_start3A_140 = arith.constant 0 : i32
      %dma_start3A_141 = tpu.memref_slice %arg6[%dma_start3A_139, %dma_start3A_140] : memref<200x128xi32, #tpu.memory_space<vmem>> -> memref<8x128xi32, #tpu.memory_space<vmem>>
      %dma_start3A_142 = arith.constant 0 : i32
      %dma_start3A_143 = arith.constant 0 : i32
      %dma_start3A_144 = tpu.memref_slice %arg2[%run_scoped3A_9, %add3A, %dma_start3A_142, %dma_start3A_143] : memref<25x32x8x128xi32, #tpu.memory_space<hbm>> -> memref<1x1x8x128xi32, #tpu.memory_space<hbm>>
      %dma_start3A_145 = tpu.memref_squeeze %dma_start3A_144 : memref<1x1x8x128xi32, #tpu.memory_space<hbm>> -> memref<8x128xi32, #tpu.memory_space<hbm>>
      tpu.enqueue_dma source(%dma_start3A_145 : memref<8x128xi32, #tpu.memory_space<hbm>>) target(%dma_start3A_141 : memref<8x128xi32, #tpu.memory_space<vmem>>) target_semaphore(%run_scoped3A_131 : memref<!tpu.dma_semaphore, #tpu.memory_space<semaphore_mem>>)
      %dma_wait3A_146 = arith.constant 72 : i32
      %dma_wait3A_147 = arith.constant 0 : i32
      %dma_wait3A_148 = tpu.memref_slice %arg6[%dma_wait3A_146, %dma_wait3A_147] : memref<200x128xi32, #tpu.memory_space<vmem>> -> memref<8x128xi32, #tpu.memory_space<vmem>>
      %dma_wait3A_149 = arith.constant 0 : i32
      %dma_wait3A_150 = arith.constant 0 : i32
      %dma_wait3A_151 = tpu.memref_slice %arg2[%run_scoped3A_9, %add3A, %dma_wait3A_149, %dma_wait3A_150] : memref<25x32x8x128xi32, #tpu.memory_space<hbm>> -> memref<1x1x8x128xi32, #tpu.memory_space<hbm>>
      %dma_wait3A_152 = tpu.memref_squeeze %dma_wait3A_151 : memref<1x1x8x128xi32, #tpu.memory_space<hbm>> -> memref<8x128xi32, #tpu.memory_space<hbm>>
      %dma_wait3A_153 = arith.constant 72 : i32
      %dma_wait3A_154 = arith.constant 0 : i32
      %dma_wait3A_155 = tpu.memref_slice %arg6[%dma_wait3A_153, %dma_wait3A_154] : memref<200x128xi32, #tpu.memory_space<vmem>> -> memref<8x128xi32, #tpu.memory_space<vmem>>
      %dma_wait3A_156 = arith.constant 0 : i32
      %dma_wait3A_157 = arith.constant 0 : i32
      %dma_wait3A_158 = tpu.memref_slice %arg2[%run_scoped3A_9, %add3A, %dma_wait3A_156, %dma_wait3A_157] : memref<25x32x8x128xi32, #tpu.memory_space<hbm>> -> memref<1x1x8x128xi32, #tpu.memory_space<hbm>>
      %dma_wait3A_159 = tpu.memref_squeeze %dma_wait3A_158 : memref<1x1x8x128xi32, #tpu.memory_space<hbm>> -> memref<8x128xi32, #tpu.memory_space<hbm>>
      tpu.wait_dma2 semaphore(%run_scoped3A_131 : memref<!tpu.dma_semaphore, #tpu.memory_space<semaphore_mem>>) src(%dma_wait3A_159 : memref<8x128xi32, #tpu.memory_space<hbm>>) dst(%dma_wait3A_155 : memref<8x128xi32, #tpu.memory_space<vmem>>)
      tpu.yield
    }) : () -> ()
    %run_scoped3A_10 = arith.constant 10 : i32
    "tpu.region"() ({
      %run_scoped3A_131 = tpu.sem_alloc : memref<!tpu.dma_semaphore, #tpu.memory_space<semaphore_mem>>
      %dma_start3A_132 = arith.constant 80 : i32
      %dma_start3A_133 = arith.constant 0 : i32
      %dma_start3A_134 = tpu.memref_slice %arg6[%dma_start3A_132, %dma_start3A_133] : memref<200x128xi32, #tpu.memory_space<vmem>> -> memref<8x128xi32, #tpu.memory_space<vmem>>
      %dma_start3A_135 = arith.constant 0 : i32
      %dma_start3A_136 = arith.constant 0 : i32
      %dma_start3A_137 = tpu.memref_slice %arg2[%run_scoped3A_10, %add3A, %dma_start3A_135, %dma_start3A_136] : memref<25x32x8x128xi32, #tpu.memory_space<hbm>> -> memref<1x1x8x128xi32, #tpu.memory_space<hbm>>
      %dma_start3A_138 = tpu.memref_squeeze %dma_start3A_137 : memref<1x1x8x128xi32, #tpu.memory_space<hbm>> -> memref<8x128xi32, #tpu.memory_space<hbm>>
      %dma_start3A_139 = arith.constant 80 : i32
      %dma_start3A_140 = arith.constant 0 : i32
      %dma_start3A_141 = tpu.memref_slice %arg6[%dma_start3A_139, %dma_start3A_140] : memref<200x128xi32, #tpu.memory_space<vmem>> -> memref<8x128xi32, #tpu.memory_space<vmem>>
      %dma_start3A_142 = arith.constant 0 : i32
      %dma_start3A_143 = arith.constant 0 : i32
      %dma_start3A_144 = tpu.memref_slice %arg2[%run_scoped3A_10, %add3A, %dma_start3A_142, %dma_start3A_143] : memref<25x32x8x128xi32, #tpu.memory_space<hbm>> -> memref<1x1x8x128xi32, #tpu.memory_space<hbm>>
      %dma_start3A_145 = tpu.memref_squeeze %dma_start3A_144 : memref<1x1x8x128xi32, #tpu.memory_space<hbm>> -> memref<8x128xi32, #tpu.memory_space<hbm>>
      tpu.enqueue_dma source(%dma_start3A_145 : memref<8x128xi32, #tpu.memory_space<hbm>>) target(%dma_start3A_141 : memref<8x128xi32, #tpu.memory_space<vmem>>) target_semaphore(%run_scoped3A_131 : memref<!tpu.dma_semaphore, #tpu.memory_space<semaphore_mem>>)
      %dma_wait3A_146 = arith.constant 80 : i32
      %dma_wait3A_147 = arith.constant 0 : i32
      %dma_wait3A_148 = tpu.memref_slice %arg6[%dma_wait3A_146, %dma_wait3A_147] : memref<200x128xi32, #tpu.memory_space<vmem>> -> memref<8x128xi32, #tpu.memory_space<vmem>>
      %dma_wait3A_149 = arith.constant 0 : i32
      %dma_wait3A_150 = arith.constant 0 : i32
      %dma_wait3A_151 = tpu.memref_slice %arg2[%run_scoped3A_10, %add3A, %dma_wait3A_149, %dma_wait3A_150] : memref<25x32x8x128xi32, #tpu.memory_space<hbm>> -> memref<1x1x8x128xi32, #tpu.memory_space<hbm>>
      %dma_wait3A_152 = tpu.memref_squeeze %dma_wait3A_151 : memref<1x1x8x128xi32, #tpu.memory_space<hbm>> -> memref<8x128xi32, #tpu.memory_space<hbm>>
      %dma_wait3A_153 = arith.constant 80 : i32
      %dma_wait3A_154 = arith.constant 0 : i32
      %dma_wait3A_155 = tpu.memref_slice %arg6[%dma_wait3A_153, %dma_wait3A_154] : memref<200x128xi32, #tpu.memory_space<vmem>> -> memref<8x128xi32, #tpu.memory_space<vmem>>
      %dma_wait3A_156 = arith.constant 0 : i32
      %dma_wait3A_157 = arith.constant 0 : i32
      %dma_wait3A_158 = tpu.memref_slice %arg2[%run_scoped3A_10, %add3A, %dma_wait3A_156, %dma_wait3A_157] : memref<25x32x8x128xi32, #tpu.memory_space<hbm>> -> memref<1x1x8x128xi32, #tpu.memory_space<hbm>>
      %dma_wait3A_159 = tpu.memref_squeeze %dma_wait3A_158 : memref<1x1x8x128xi32, #tpu.memory_space<hbm>> -> memref<8x128xi32, #tpu.memory_space<hbm>>
      tpu.wait_dma2 semaphore(%run_scoped3A_131 : memref<!tpu.dma_semaphore, #tpu.memory_space<semaphore_mem>>) src(%dma_wait3A_159 : memref<8x128xi32, #tpu.memory_space<hbm>>) dst(%dma_wait3A_155 : memref<8x128xi32, #tpu.memory_space<vmem>>)
      tpu.yield
    }) : () -> ()
    %run_scoped3A_11 = arith.constant 11 : i32
    "tpu.region"() ({
      %run_scoped3A_131 = tpu.sem_alloc : memref<!tpu.dma_semaphore, #tpu.memory_space<semaphore_mem>>
      %dma_start3A_132 = arith.constant 88 : i32
      %dma_start3A_133 = arith.constant 0 : i32
      %dma_start3A_134 = tpu.memref_slice %arg6[%dma_start3A_132, %dma_start3A_133] : memref<200x128xi32, #tpu.memory_space<vmem>> -> memref<8x128xi32, #tpu.memory_space<vmem>>
      %dma_start3A_135 = arith.constant 0 : i32
      %dma_start3A_136 = arith.constant 0 : i32
      %dma_start3A_137 = tpu.memref_slice %arg2[%run_scoped3A_11, %add3A, %dma_start3A_135, %dma_start3A_136] : memref<25x32x8x128xi32, #tpu.memory_space<hbm>> -> memref<1x1x8x128xi32, #tpu.memory_space<hbm>>
      %dma_start3A_138 = tpu.memref_squeeze %dma_start3A_137 : memref<1x1x8x128xi32, #tpu.memory_space<hbm>> -> memref<8x128xi32, #tpu.memory_space<hbm>>
      %dma_start3A_139 = arith.constant 88 : i32
      %dma_start3A_140 = arith.constant 0 : i32
      %dma_start3A_141 = tpu.memref_slice %arg6[%dma_start3A_139, %dma_start3A_140] : memref<200x128xi32, #tpu.memory_space<vmem>> -> memref<8x128xi32, #tpu.memory_space<vmem>>
      %dma_start3A_142 = arith.constant 0 : i32
      %dma_start3A_143 = arith.constant 0 : i32
      %dma_start3A_144 = tpu.memref_slice %arg2[%run_scoped3A_11, %add3A, %dma_start3A_142, %dma_start3A_143] : memref<25x32x8x128xi32, #tpu.memory_space<hbm>> -> memref<1x1x8x128xi32, #tpu.memory_space<hbm>>
      %dma_start3A_145 = tpu.memref_squeeze %dma_start3A_144 : memref<1x1x8x128xi32, #tpu.memory_space<hbm>> -> memref<8x128xi32, #tpu.memory_space<hbm>>
      tpu.enqueue_dma source(%dma_start3A_145 : memref<8x128xi32, #tpu.memory_space<hbm>>) target(%dma_start3A_141 : memref<8x128xi32, #tpu.memory_space<vmem>>) target_semaphore(%run_scoped3A_131 : memref<!tpu.dma_semaphore, #tpu.memory_space<semaphore_mem>>)
      %dma_wait3A_146 = arith.constant 88 : i32
      %dma_wait3A_147 = arith.constant 0 : i32
      %dma_wait3A_148 = tpu.memref_slice %arg6[%dma_wait3A_146, %dma_wait3A_147] : memref<200x128xi32, #tpu.memory_space<vmem>> -> memref<8x128xi32, #tpu.memory_space<vmem>>
      %dma_wait3A_149 = arith.constant 0 : i32
      %dma_wait3A_150 = arith.constant 0 : i32
      %dma_wait3A_151 = tpu.memref_slice %arg2[%run_scoped3A_11, %add3A, %dma_wait3A_149, %dma_wait3A_150] : memref<25x32x8x128xi32, #tpu.memory_space<hbm>> -> memref<1x1x8x128xi32, #tpu.memory_space<hbm>>
      %dma_wait3A_152 = tpu.memref_squeeze %dma_wait3A_151 : memref<1x1x8x128xi32, #tpu.memory_space<hbm>> -> memref<8x128xi32, #tpu.memory_space<hbm>>
      %dma_wait3A_153 = arith.constant 88 : i32
      %dma_wait3A_154 = arith.constant 0 : i32
      %dma_wait3A_155 = tpu.memref_slice %arg6[%dma_wait3A_153, %dma_wait3A_154] : memref<200x128xi32, #tpu.memory_space<vmem>> -> memref<8x128xi32, #tpu.memory_space<vmem>>
      %dma_wait3A_156 = arith.constant 0 : i32
      %dma_wait3A_157 = arith.constant 0 : i32
      %dma_wait3A_158 = tpu.memref_slice %arg2[%run_scoped3A_11, %add3A, %dma_wait3A_156, %dma_wait3A_157] : memref<25x32x8x128xi32, #tpu.memory_space<hbm>> -> memref<1x1x8x128xi32, #tpu.memory_space<hbm>>
      %dma_wait3A_159 = tpu.memref_squeeze %dma_wait3A_158 : memref<1x1x8x128xi32, #tpu.memory_space<hbm>> -> memref<8x128xi32, #tpu.memory_space<hbm>>
      tpu.wait_dma2 semaphore(%run_scoped3A_131 : memref<!tpu.dma_semaphore, #tpu.memory_space<semaphore_mem>>) src(%dma_wait3A_159 : memref<8x128xi32, #tpu.memory_space<hbm>>) dst(%dma_wait3A_155 : memref<8x128xi32, #tpu.memory_space<vmem>>)
      tpu.yield
    }) : () -> ()
    %run_scoped3A_12 = arith.constant 12 : i32
    "tpu.region"() ({
      %run_scoped3A_131 = tpu.sem_alloc : memref<!tpu.dma_semaphore, #tpu.memory_space<semaphore_mem>>
      %dma_start3A_132 = arith.constant 96 : i32
      %dma_start3A_133 = arith.constant 0 : i32
      %dma_start3A_134 = tpu.memref_slice %arg6[%dma_start3A_132, %dma_start3A_133] : memref<200x128xi32, #tpu.memory_space<vmem>> -> memref<8x128xi32, #tpu.memory_space<vmem>>
      %dma_start3A_135 = arith.constant 0 : i32
      %dma_start3A_136 = arith.constant 0 : i32
      %dma_start3A_137 = tpu.memref_slice %arg2[%run_scoped3A_12, %add3A, %dma_start3A_135, %dma_start3A_136] : memref<25x32x8x128xi32, #tpu.memory_space<hbm>> -> memref<1x1x8x128xi32, #tpu.memory_space<hbm>>
      %dma_start3A_138 = tpu.memref_squeeze %dma_start3A_137 : memref<1x1x8x128xi32, #tpu.memory_space<hbm>> -> memref<8x128xi32, #tpu.memory_space<hbm>>
      %dma_start3A_139 = arith.constant 96 : i32
      %dma_start3A_140 = arith.constant 0 : i32
      %dma_start3A_141 = tpu.memref_slice %arg6[%dma_start3A_139, %dma_start3A_140] : memref<200x128xi32, #tpu.memory_space<vmem>> -> memref<8x128xi32, #tpu.memory_space<vmem>>
      %dma_start3A_142 = arith.constant 0 : i32
      %dma_start3A_143 = arith.constant 0 : i32
      %dma_start3A_144 = tpu.memref_slice %arg2[%run_scoped3A_12, %add3A, %dma_start3A_142, %dma_start3A_143] : memref<25x32x8x128xi32, #tpu.memory_space<hbm>> -> memref<1x1x8x128xi32, #tpu.memory_space<hbm>>
      %dma_start3A_145 = tpu.memref_squeeze %dma_start3A_144 : memref<1x1x8x128xi32, #tpu.memory_space<hbm>> -> memref<8x128xi32, #tpu.memory_space<hbm>>
      tpu.enqueue_dma source(%dma_start3A_145 : memref<8x128xi32, #tpu.memory_space<hbm>>) target(%dma_start3A_141 : memref<8x128xi32, #tpu.memory_space<vmem>>) target_semaphore(%run_scoped3A_131 : memref<!tpu.dma_semaphore, #tpu.memory_space<semaphore_mem>>)
      %dma_wait3A_146 = arith.constant 96 : i32
      %dma_wait3A_147 = arith.constant 0 : i32
      %dma_wait3A_148 = tpu.memref_slice %arg6[%dma_wait3A_146, %dma_wait3A_147] : memref<200x128xi32, #tpu.memory_space<vmem>> -> memref<8x128xi32, #tpu.memory_space<vmem>>
      %dma_wait3A_149 = arith.constant 0 : i32
      %dma_wait3A_150 = arith.constant 0 : i32
      %dma_wait3A_151 = tpu.memref_slice %arg2[%run_scoped3A_12, %add3A, %dma_wait3A_149, %dma_wait3A_150] : memref<25x32x8x128xi32, #tpu.memory_space<hbm>> -> memref<1x1x8x128xi32, #tpu.memory_space<hbm>>
      %dma_wait3A_152 = tpu.memref_squeeze %dma_wait3A_151 : memref<1x1x8x128xi32, #tpu.memory_space<hbm>> -> memref<8x128xi32, #tpu.memory_space<hbm>>
      %dma_wait3A_153 = arith.constant 96 : i32
      %dma_wait3A_154 = arith.constant 0 : i32
      %dma_wait3A_155 = tpu.memref_slice %arg6[%dma_wait3A_153, %dma_wait3A_154] : memref<200x128xi32, #tpu.memory_space<vmem>> -> memref<8x128xi32, #tpu.memory_space<vmem>>
      %dma_wait3A_156 = arith.constant 0 : i32
      %dma_wait3A_157 = arith.constant 0 : i32
      %dma_wait3A_158 = tpu.memref_slice %arg2[%run_scoped3A_12, %add3A, %dma_wait3A_156, %dma_wait3A_157] : memref<25x32x8x128xi32, #tpu.memory_space<hbm>> -> memref<1x1x8x128xi32, #tpu.memory_space<hbm>>
      %dma_wait3A_159 = tpu.memref_squeeze %dma_wait3A_158 : memref<1x1x8x128xi32, #tpu.memory_space<hbm>> -> memref<8x128xi32, #tpu.memory_space<hbm>>
      tpu.wait_dma2 semaphore(%run_scoped3A_131 : memref<!tpu.dma_semaphore, #tpu.memory_space<semaphore_mem>>) src(%dma_wait3A_159 : memref<8x128xi32, #tpu.memory_space<hbm>>) dst(%dma_wait3A_155 : memref<8x128xi32, #tpu.memory_space<vmem>>)
      tpu.yield
    }) : () -> ()
    %run_scoped3A_13 = arith.constant 13 : i32
    "tpu.region"() ({
      %run_scoped3A_131 = tpu.sem_alloc : memref<!tpu.dma_semaphore, #tpu.memory_space<semaphore_mem>>
      %dma_start3A_132 = arith.constant 104 : i32
      %dma_start3A_133 = arith.constant 0 : i32
      %dma_start3A_134 = tpu.memref_slice %arg6[%dma_start3A_132, %dma_start3A_133] : memref<200x128xi32, #tpu.memory_space<vmem>> -> memref<8x128xi32, #tpu.memory_space<vmem>>
      %dma_start3A_135 = arith.constant 0 : i32
      %dma_start3A_136 = arith.constant 0 : i32
      %dma_start3A_137 = tpu.memref_slice %arg2[%run_scoped3A_13, %add3A, %dma_start3A_135, %dma_start3A_136] : memref<25x32x8x128xi32, #tpu.memory_space<hbm>> -> memref<1x1x8x128xi32, #tpu.memory_space<hbm>>
      %dma_start3A_138 = tpu.memref_squeeze %dma_start3A_137 : memref<1x1x8x128xi32, #tpu.memory_space<hbm>> -> memref<8x128xi32, #tpu.memory_space<hbm>>
      %dma_start3A_139 = arith.constant 104 : i32
      %dma_start3A_140 = arith.constant 0 : i32
      %dma_start3A_141 = tpu.memref_slice %arg6[%dma_start3A_139, %dma_start3A_140] : memref<200x128xi32, #tpu.memory_space<vmem>> -> memref<8x128xi32, #tpu.memory_space<vmem>>
      %dma_start3A_142 = arith.constant 0 : i32
      %dma_start3A_143 = arith.constant 0 : i32
      %dma_start3A_144 = tpu.memref_slice %arg2[%run_scoped3A_13, %add3A, %dma_start3A_142, %dma_start3A_143] : memref<25x32x8x128xi32, #tpu.memory_space<hbm>> -> memref<1x1x8x128xi32, #tpu.memory_space<hbm>>
      %dma_start3A_145 = tpu.memref_squeeze %dma_start3A_144 : memref<1x1x8x128xi32, #tpu.memory_space<hbm>> -> memref<8x128xi32, #tpu.memory_space<hbm>>
      tpu.enqueue_dma source(%dma_start3A_145 : memref<8x128xi32, #tpu.memory_space<hbm>>) target(%dma_start3A_141 : memref<8x128xi32, #tpu.memory_space<vmem>>) target_semaphore(%run_scoped3A_131 : memref<!tpu.dma_semaphore, #tpu.memory_space<semaphore_mem>>)
      %dma_wait3A_146 = arith.constant 104 : i32
      %dma_wait3A_147 = arith.constant 0 : i32
      %dma_wait3A_148 = tpu.memref_slice %arg6[%dma_wait3A_146, %dma_wait3A_147] : memref<200x128xi32, #tpu.memory_space<vmem>> -> memref<8x128xi32, #tpu.memory_space<vmem>>
      %dma_wait3A_149 = arith.constant 0 : i32
      %dma_wait3A_150 = arith.constant 0 : i32
      %dma_wait3A_151 = tpu.memref_slice %arg2[%run_scoped3A_13, %add3A, %dma_wait3A_149, %dma_wait3A_150] : memref<25x32x8x128xi32, #tpu.memory_space<hbm>> -> memref<1x1x8x128xi32, #tpu.memory_space<hbm>>
      %dma_wait3A_152 = tpu.memref_squeeze %dma_wait3A_151 : memref<1x1x8x128xi32, #tpu.memory_space<hbm>> -> memref<8x128xi32, #tpu.memory_space<hbm>>
      %dma_wait3A_153 = arith.constant 104 : i32
      %dma_wait3A_154 = arith.constant 0 : i32
      %dma_wait3A_155 = tpu.memref_slice %arg6[%dma_wait3A_153, %dma_wait3A_154] : memref<200x128xi32, #tpu.memory_space<vmem>> -> memref<8x128xi32, #tpu.memory_space<vmem>>
      %dma_wait3A_156 = arith.constant 0 : i32
      %dma_wait3A_157 = arith.constant 0 : i32
      %dma_wait3A_158 = tpu.memref_slice %arg2[%run_scoped3A_13, %add3A, %dma_wait3A_156, %dma_wait3A_157] : memref<25x32x8x128xi32, #tpu.memory_space<hbm>> -> memref<1x1x8x128xi32, #tpu.memory_space<hbm>>
      %dma_wait3A_159 = tpu.memref_squeeze %dma_wait3A_158 : memref<1x1x8x128xi32, #tpu.memory_space<hbm>> -> memref<8x128xi32, #tpu.memory_space<hbm>>
      tpu.wait_dma2 semaphore(%run_scoped3A_131 : memref<!tpu.dma_semaphore, #tpu.memory_space<semaphore_mem>>) src(%dma_wait3A_159 : memref<8x128xi32, #tpu.memory_space<hbm>>) dst(%dma_wait3A_155 : memref<8x128xi32, #tpu.memory_space<vmem>>)
      tpu.yield
    }) : () -> ()
    %run_scoped3A_14 = arith.constant 14 : i32
    "tpu.region"() ({
      %run_scoped3A_131 = tpu.sem_alloc : memref<!tpu.dma_semaphore, #tpu.memory_space<semaphore_mem>>
      %dma_start3A_132 = arith.constant 112 : i32
      %dma_start3A_133 = arith.constant 0 : i32
      %dma_start3A_134 = tpu.memref_slice %arg6[%dma_start3A_132, %dma_start3A_133] : memref<200x128xi32, #tpu.memory_space<vmem>> -> memref<8x128xi32, #tpu.memory_space<vmem>>
      %dma_start3A_135 = arith.constant 0 : i32
      %dma_start3A_136 = arith.constant 0 : i32
      %dma_start3A_137 = tpu.memref_slice %arg2[%run_scoped3A_14, %add3A, %dma_start3A_135, %dma_start3A_136] : memref<25x32x8x128xi32, #tpu.memory_space<hbm>> -> memref<1x1x8x128xi32, #tpu.memory_space<hbm>>
      %dma_start3A_138 = tpu.memref_squeeze %dma_start3A_137 : memref<1x1x8x128xi32, #tpu.memory_space<hbm>> -> memref<8x128xi32, #tpu.memory_space<hbm>>
      %dma_start3A_139 = arith.constant 112 : i32
      %dma_start3A_140 = arith.constant 0 : i32
      %dma_start3A_141 = tpu.memref_slice %arg6[%dma_start3A_139, %dma_start3A_140] : memref<200x128xi32, #tpu.memory_space<vmem>> -> memref<8x128xi32, #tpu.memory_space<vmem>>
      %dma_start3A_142 = arith.constant 0 : i32
      %dma_start3A_143 = arith.constant 0 : i32
      %dma_start3A_144 = tpu.memref_slice %arg2[%run_scoped3A_14, %add3A, %dma_start3A_142, %dma_start3A_143] : memref<25x32x8x128xi32, #tpu.memory_space<hbm>> -> memref<1x1x8x128xi32, #tpu.memory_space<hbm>>
      %dma_start3A_145 = tpu.memref_squeeze %dma_start3A_144 : memref<1x1x8x128xi32, #tpu.memory_space<hbm>> -> memref<8x128xi32, #tpu.memory_space<hbm>>
      tpu.enqueue_dma source(%dma_start3A_145 : memref<8x128xi32, #tpu.memory_space<hbm>>) target(%dma_start3A_141 : memref<8x128xi32, #tpu.memory_space<vmem>>) target_semaphore(%run_scoped3A_131 : memref<!tpu.dma_semaphore, #tpu.memory_space<semaphore_mem>>)
      %dma_wait3A_146 = arith.constant 112 : i32
      %dma_wait3A_147 = arith.constant 0 : i32
      %dma_wait3A_148 = tpu.memref_slice %arg6[%dma_wait3A_146, %dma_wait3A_147] : memref<200x128xi32, #tpu.memory_space<vmem>> -> memref<8x128xi32, #tpu.memory_space<vmem>>
      %dma_wait3A_149 = arith.constant 0 : i32
      %dma_wait3A_150 = arith.constant 0 : i32
      %dma_wait3A_151 = tpu.memref_slice %arg2[%run_scoped3A_14, %add3A, %dma_wait3A_149, %dma_wait3A_150] : memref<25x32x8x128xi32, #tpu.memory_space<hbm>> -> memref<1x1x8x128xi32, #tpu.memory_space<hbm>>
      %dma_wait3A_152 = tpu.memref_squeeze %dma_wait3A_151 : memref<1x1x8x128xi32, #tpu.memory_space<hbm>> -> memref<8x128xi32, #tpu.memory_space<hbm>>
      %dma_wait3A_153 = arith.constant 112 : i32
      %dma_wait3A_154 = arith.constant 0 : i32
      %dma_wait3A_155 = tpu.memref_slice %arg6[%dma_wait3A_153, %dma_wait3A_154] : memref<200x128xi32, #tpu.memory_space<vmem>> -> memref<8x128xi32, #tpu.memory_space<vmem>>
      %dma_wait3A_156 = arith.constant 0 : i32
      %dma_wait3A_157 = arith.constant 0 : i32
      %dma_wait3A_158 = tpu.memref_slice %arg2[%run_scoped3A_14, %add3A, %dma_wait3A_156, %dma_wait3A_157] : memref<25x32x8x128xi32, #tpu.memory_space<hbm>> -> memref<1x1x8x128xi32, #tpu.memory_space<hbm>>
      %dma_wait3A_159 = tpu.memref_squeeze %dma_wait3A_158 : memref<1x1x8x128xi32, #tpu.memory_space<hbm>> -> memref<8x128xi32, #tpu.memory_space<hbm>>
      tpu.wait_dma2 semaphore(%run_scoped3A_131 : memref<!tpu.dma_semaphore, #tpu.memory_space<semaphore_mem>>) src(%dma_wait3A_159 : memref<8x128xi32, #tpu.memory_space<hbm>>) dst(%dma_wait3A_155 : memref<8x128xi32, #tpu.memory_space<vmem>>)
      tpu.yield
    }) : () -> ()
    %run_scoped3A_15 = arith.constant 15 : i32
    "tpu.region"() ({
      %run_scoped3A_131 = tpu.sem_alloc : memref<!tpu.dma_semaphore, #tpu.memory_space<semaphore_mem>>
      %dma_start3A_132 = arith.constant 120 : i32
      %dma_start3A_133 = arith.constant 0 : i32
      %dma_start3A_134 = tpu.memref_slice %arg6[%dma_start3A_132, %dma_start3A_133] : memref<200x128xi32, #tpu.memory_space<vmem>> -> memref<8x128xi32, #tpu.memory_space<vmem>>
      %dma_start3A_135 = arith.constant 0 : i32
      %dma_start3A_136 = arith.constant 0 : i32
      %dma_start3A_137 = tpu.memref_slice %arg2[%run_scoped3A_15, %add3A, %dma_start3A_135, %dma_start3A_136] : memref<25x32x8x128xi32, #tpu.memory_space<hbm>> -> memref<1x1x8x128xi32, #tpu.memory_space<hbm>>
      %dma_start3A_138 = tpu.memref_squeeze %dma_start3A_137 : memref<1x1x8x128xi32, #tpu.memory_space<hbm>> -> memref<8x128xi32, #tpu.memory_space<hbm>>
      %dma_start3A_139 = arith.constant 120 : i32
      %dma_start3A_140 = arith.constant 0 : i32
      %dma_start3A_141 = tpu.memref_slice %arg6[%dma_start3A_139, %dma_start3A_140] : memref<200x128xi32, #tpu.memory_space<vmem>> -> memref<8x128xi32, #tpu.memory_space<vmem>>
      %dma_start3A_142 = arith.constant 0 : i32
      %dma_start3A_143 = arith.constant 0 : i32
      %dma_start3A_144 = tpu.memref_slice %arg2[%run_scoped3A_15, %add3A, %dma_start3A_142, %dma_start3A_143] : memref<25x32x8x128xi32, #tpu.memory_space<hbm>> -> memref<1x1x8x128xi32, #tpu.memory_space<hbm>>
      %dma_start3A_145 = tpu.memref_squeeze %dma_start3A_144 : memref<1x1x8x128xi32, #tpu.memory_space<hbm>> -> memref<8x128xi32, #tpu.memory_space<hbm>>
      tpu.enqueue_dma source(%dma_start3A_145 : memref<8x128xi32, #tpu.memory_space<hbm>>) target(%dma_start3A_141 : memref<8x128xi32, #tpu.memory_space<vmem>>) target_semaphore(%run_scoped3A_131 : memref<!tpu.dma_semaphore, #tpu.memory_space<semaphore_mem>>)
      %dma_wait3A_146 = arith.constant 120 : i32
      %dma_wait3A_147 = arith.constant 0 : i32
      %dma_wait3A_148 = tpu.memref_slice %arg6[%dma_wait3A_146, %dma_wait3A_147] : memref<200x128xi32, #tpu.memory_space<vmem>> -> memref<8x128xi32, #tpu.memory_space<vmem>>
      %dma_wait3A_149 = arith.constant 0 : i32
      %dma_wait3A_150 = arith.constant 0 : i32
      %dma_wait3A_151 = tpu.memref_slice %arg2[%run_scoped3A_15, %add3A, %dma_wait3A_149, %dma_wait3A_150] : memref<25x32x8x128xi32, #tpu.memory_space<hbm>> -> memref<1x1x8x128xi32, #tpu.memory_space<hbm>>
      %dma_wait3A_152 = tpu.memref_squeeze %dma_wait3A_151 : memref<1x1x8x128xi32, #tpu.memory_space<hbm>> -> memref<8x128xi32, #tpu.memory_space<hbm>>
      %dma_wait3A_153 = arith.constant 120 : i32
      %dma_wait3A_154 = arith.constant 0 : i32
      %dma_wait3A_155 = tpu.memref_slice %arg6[%dma_wait3A_153, %dma_wait3A_154] : memref<200x128xi32, #tpu.memory_space<vmem>> -> memref<8x128xi32, #tpu.memory_space<vmem>>
      %dma_wait3A_156 = arith.constant 0 : i32
      %dma_wait3A_157 = arith.constant 0 : i32
      %dma_wait3A_158 = tpu.memref_slice %arg2[%run_scoped3A_15, %add3A, %dma_wait3A_156, %dma_wait3A_157] : memref<25x32x8x128xi32, #tpu.memory_space<hbm>> -> memref<1x1x8x128xi32, #tpu.memory_space<hbm>>
      %dma_wait3A_159 = tpu.memref_squeeze %dma_wait3A_158 : memref<1x1x8x128xi32, #tpu.memory_space<hbm>> -> memref<8x128xi32, #tpu.memory_space<hbm>>
      tpu.wait_dma2 semaphore(%run_scoped3A_131 : memref<!tpu.dma_semaphore, #tpu.memory_space<semaphore_mem>>) src(%dma_wait3A_159 : memref<8x128xi32, #tpu.memory_space<hbm>>) dst(%dma_wait3A_155 : memref<8x128xi32, #tpu.memory_space<vmem>>)
      tpu.yield
    }) : () -> ()
    %run_scoped3A_16 = arith.constant 16 : i32
    "tpu.region"() ({
      %run_scoped3A_131 = tpu.sem_alloc : memref<!tpu.dma_semaphore, #tpu.memory_space<semaphore_mem>>
      %dma_start3A_132 = arith.constant 128 : i32
      %dma_start3A_133 = arith.constant 0 : i32
      %dma_start3A_134 = tpu.memref_slice %arg6[%dma_start3A_132, %dma_start3A_133] : memref<200x128xi32, #tpu.memory_space<vmem>> -> memref<8x128xi32, #tpu.memory_space<vmem>>
      %dma_start3A_135 = arith.constant 0 : i32
      %dma_start3A_136 = arith.constant 0 : i32
      %dma_start3A_137 = tpu.memref_slice %arg2[%run_scoped3A_16, %add3A, %dma_start3A_135, %dma_start3A_136] : memref<25x32x8x128xi32, #tpu.memory_space<hbm>> -> memref<1x1x8x128xi32, #tpu.memory_space<hbm>>
      %dma_start3A_138 = tpu.memref_squeeze %dma_start3A_137 : memref<1x1x8x128xi32, #tpu.memory_space<hbm>> -> memref<8x128xi32, #tpu.memory_space<hbm>>
      %dma_start3A_139 = arith.constant 128 : i32
      %dma_start3A_140 = arith.constant 0 : i32
      %dma_start3A_141 = tpu.memref_slice %arg6[%dma_start3A_139, %dma_start3A_140] : memref<200x128xi32, #tpu.memory_space<vmem>> -> memref<8x128xi32, #tpu.memory_space<vmem>>
      %dma_start3A_142 = arith.constant 0 : i32
      %dma_start3A_143 = arith.constant 0 : i32
      %dma_start3A_144 = tpu.memref_slice %arg2[%run_scoped3A_16, %add3A, %dma_start3A_142, %dma_start3A_143] : memref<25x32x8x128xi32, #tpu.memory_space<hbm>> -> memref<1x1x8x128xi32, #tpu.memory_space<hbm>>
      %dma_start3A_145 = tpu.memref_squeeze %dma_start3A_144 : memref<1x1x8x128xi32, #tpu.memory_space<hbm>> -> memref<8x128xi32, #tpu.memory_space<hbm>>
      tpu.enqueue_dma source(%dma_start3A_145 : memref<8x128xi32, #tpu.memory_space<hbm>>) target(%dma_start3A_141 : memref<8x128xi32, #tpu.memory_space<vmem>>) target_semaphore(%run_scoped3A_131 : memref<!tpu.dma_semaphore, #tpu.memory_space<semaphore_mem>>)
      %dma_wait3A_146 = arith.constant 128 : i32
      %dma_wait3A_147 = arith.constant 0 : i32
      %dma_wait3A_148 = tpu.memref_slice %arg6[%dma_wait3A_146, %dma_wait3A_147] : memref<200x128xi32, #tpu.memory_space<vmem>> -> memref<8x128xi32, #tpu.memory_space<vmem>>
      %dma_wait3A_149 = arith.constant 0 : i32
      %dma_wait3A_150 = arith.constant 0 : i32
      %dma_wait3A_151 = tpu.memref_slice %arg2[%run_scoped3A_16, %add3A, %dma_wait3A_149, %dma_wait3A_150] : memref<25x32x8x128xi32, #tpu.memory_space<hbm>> -> memref<1x1x8x128xi32, #tpu.memory_space<hbm>>
      %dma_wait3A_152 = tpu.memref_squeeze %dma_wait3A_151 : memref<1x1x8x128xi32, #tpu.memory_space<hbm>> -> memref<8x128xi32, #tpu.memory_space<hbm>>
      %dma_wait3A_153 = arith.constant 128 : i32
      %dma_wait3A_154 = arith.constant 0 : i32
      %dma_wait3A_155 = tpu.memref_slice %arg6[%dma_wait3A_153, %dma_wait3A_154] : memref<200x128xi32, #tpu.memory_space<vmem>> -> memref<8x128xi32, #tpu.memory_space<vmem>>
      %dma_wait3A_156 = arith.constant 0 : i32
      %dma_wait3A_157 = arith.constant 0 : i32
      %dma_wait3A_158 = tpu.memref_slice %arg2[%run_scoped3A_16, %add3A, %dma_wait3A_156, %dma_wait3A_157] : memref<25x32x8x128xi32, #tpu.memory_space<hbm>> -> memref<1x1x8x128xi32, #tpu.memory_space<hbm>>
      %dma_wait3A_159 = tpu.memref_squeeze %dma_wait3A_158 : memref<1x1x8x128xi32, #tpu.memory_space<hbm>> -> memref<8x128xi32, #tpu.memory_space<hbm>>
      tpu.wait_dma2 semaphore(%run_scoped3A_131 : memref<!tpu.dma_semaphore, #tpu.memory_space<semaphore_mem>>) src(%dma_wait3A_159 : memref<8x128xi32, #tpu.memory_space<hbm>>) dst(%dma_wait3A_155 : memref<8x128xi32, #tpu.memory_space<vmem>>)
      tpu.yield
    }) : () -> ()
    %run_scoped3A_17 = arith.constant 17 : i32
    "tpu.region"() ({
      %run_scoped3A_131 = tpu.sem_alloc : memref<!tpu.dma_semaphore, #tpu.memory_space<semaphore_mem>>
      %dma_start3A_132 = arith.constant 136 : i32
      %dma_start3A_133 = arith.constant 0 : i32
      %dma_start3A_134 = tpu.memref_slice %arg6[%dma_start3A_132, %dma_start3A_133] : memref<200x128xi32, #tpu.memory_space<vmem>> -> memref<8x128xi32, #tpu.memory_space<vmem>>
      %dma_start3A_135 = arith.constant 0 : i32
      %dma_start3A_136 = arith.constant 0 : i32
      %dma_start3A_137 = tpu.memref_slice %arg2[%run_scoped3A_17, %add3A, %dma_start3A_135, %dma_start3A_136] : memref<25x32x8x128xi32, #tpu.memory_space<hbm>> -> memref<1x1x8x128xi32, #tpu.memory_space<hbm>>
      %dma_start3A_138 = tpu.memref_squeeze %dma_start3A_137 : memref<1x1x8x128xi32, #tpu.memory_space<hbm>> -> memref<8x128xi32, #tpu.memory_space<hbm>>
      %dma_start3A_139 = arith.constant 136 : i32
      %dma_start3A_140 = arith.constant 0 : i32
      %dma_start3A_141 = tpu.memref_slice %arg6[%dma_start3A_139, %dma_start3A_140] : memref<200x128xi32, #tpu.memory_space<vmem>> -> memref<8x128xi32, #tpu.memory_space<vmem>>
      %dma_start3A_142 = arith.constant 0 : i32
      %dma_start3A_143 = arith.constant 0 : i32
      %dma_start3A_144 = tpu.memref_slice %arg2[%run_scoped3A_17, %add3A, %dma_start3A_142, %dma_start3A_143] : memref<25x32x8x128xi32, #tpu.memory_space<hbm>> -> memref<1x1x8x128xi32, #tpu.memory_space<hbm>>
      %dma_start3A_145 = tpu.memref_squeeze %dma_start3A_144 : memref<1x1x8x128xi32, #tpu.memory_space<hbm>> -> memref<8x128xi32, #tpu.memory_space<hbm>>
      tpu.enqueue_dma source(%dma_start3A_145 : memref<8x128xi32, #tpu.memory_space<hbm>>) target(%dma_start3A_141 : memref<8x128xi32, #tpu.memory_space<vmem>>) target_semaphore(%run_scoped3A_131 : memref<!tpu.dma_semaphore, #tpu.memory_space<semaphore_mem>>)
      %dma_wait3A_146 = arith.constant 136 : i32
      %dma_wait3A_147 = arith.constant 0 : i32
      %dma_wait3A_148 = tpu.memref_slice %arg6[%dma_wait3A_146, %dma_wait3A_147] : memref<200x128xi32, #tpu.memory_space<vmem>> -> memref<8x128xi32, #tpu.memory_space<vmem>>
      %dma_wait3A_149 = arith.constant 0 : i32
      %dma_wait3A_150 = arith.constant 0 : i32
      %dma_wait3A_151 = tpu.memref_slice %arg2[%run_scoped3A_17, %add3A, %dma_wait3A_149, %dma_wait3A_150] : memref<25x32x8x128xi32, #tpu.memory_space<hbm>> -> memref<1x1x8x128xi32, #tpu.memory_space<hbm>>
      %dma_wait3A_152 = tpu.memref_squeeze %dma_wait3A_151 : memref<1x1x8x128xi32, #tpu.memory_space<hbm>> -> memref<8x128xi32, #tpu.memory_space<hbm>>
      %dma_wait3A_153 = arith.constant 136 : i32
      %dma_wait3A_154 = arith.constant 0 : i32
      %dma_wait3A_155 = tpu.memref_slice %arg6[%dma_wait3A_153, %dma_wait3A_154] : memref<200x128xi32, #tpu.memory_space<vmem>> -> memref<8x128xi32, #tpu.memory_space<vmem>>
      %dma_wait3A_156 = arith.constant 0 : i32
      %dma_wait3A_157 = arith.constant 0 : i32
      %dma_wait3A_158 = tpu.memref_slice %arg2[%run_scoped3A_17, %add3A, %dma_wait3A_156, %dma_wait3A_157] : memref<25x32x8x128xi32, #tpu.memory_space<hbm>> -> memref<1x1x8x128xi32, #tpu.memory_space<hbm>>
      %dma_wait3A_159 = tpu.memref_squeeze %dma_wait3A_158 : memref<1x1x8x128xi32, #tpu.memory_space<hbm>> -> memref<8x128xi32, #tpu.memory_space<hbm>>
      tpu.wait_dma2 semaphore(%run_scoped3A_131 : memref<!tpu.dma_semaphore, #tpu.memory_space<semaphore_mem>>) src(%dma_wait3A_159 : memref<8x128xi32, #tpu.memory_space<hbm>>) dst(%dma_wait3A_155 : memref<8x128xi32, #tpu.memory_space<vmem>>)
      tpu.yield
    }) : () -> ()
    %run_scoped3A_18 = arith.constant 18 : i32
    "tpu.region"() ({
      %run_scoped3A_131 = tpu.sem_alloc : memref<!tpu.dma_semaphore, #tpu.memory_space<semaphore_mem>>
      %dma_start3A_132 = arith.constant 144 : i32
      %dma_start3A_133 = arith.constant 0 : i32
      %dma_start3A_134 = tpu.memref_slice %arg6[%dma_start3A_132, %dma_start3A_133] : memref<200x128xi32, #tpu.memory_space<vmem>> -> memref<8x128xi32, #tpu.memory_space<vmem>>
      %dma_start3A_135 = arith.constant 0 : i32
      %dma_start3A_136 = arith.constant 0 : i32
      %dma_start3A_137 = tpu.memref_slice %arg2[%run_scoped3A_18, %add3A, %dma_start3A_135, %dma_start3A_136] : memref<25x32x8x128xi32, #tpu.memory_space<hbm>> -> memref<1x1x8x128xi32, #tpu.memory_space<hbm>>
      %dma_start3A_138 = tpu.memref_squeeze %dma_start3A_137 : memref<1x1x8x128xi32, #tpu.memory_space<hbm>> -> memref<8x128xi32, #tpu.memory_space<hbm>>
      %dma_start3A_139 = arith.constant 144 : i32
      %dma_start3A_140 = arith.constant 0 : i32
      %dma_start3A_141 = tpu.memref_slice %arg6[%dma_start3A_139, %dma_start3A_140] : memref<200x128xi32, #tpu.memory_space<vmem>> -> memref<8x128xi32, #tpu.memory_space<vmem>>
      %dma_start3A_142 = arith.constant 0 : i32
      %dma_start3A_143 = arith.constant 0 : i32
      %dma_start3A_144 = tpu.memref_slice %arg2[%run_scoped3A_18, %add3A, %dma_start3A_142, %dma_start3A_143] : memref<25x32x8x128xi32, #tpu.memory_space<hbm>> -> memref<1x1x8x128xi32, #tpu.memory_space<hbm>>
      %dma_start3A_145 = tpu.memref_squeeze %dma_start3A_144 : memref<1x1x8x128xi32, #tpu.memory_space<hbm>> -> memref<8x128xi32, #tpu.memory_space<hbm>>
      tpu.enqueue_dma source(%dma_start3A_145 : memref<8x128xi32, #tpu.memory_space<hbm>>) target(%dma_start3A_141 : memref<8x128xi32, #tpu.memory_space<vmem>>) target_semaphore(%run_scoped3A_131 : memref<!tpu.dma_semaphore, #tpu.memory_space<semaphore_mem>>)
      %dma_wait3A_146 = arith.constant 144 : i32
      %dma_wait3A_147 = arith.constant 0 : i32
      %dma_wait3A_148 = tpu.memref_slice %arg6[%dma_wait3A_146, %dma_wait3A_147] : memref<200x128xi32, #tpu.memory_space<vmem>> -> memref<8x128xi32, #tpu.memory_space<vmem>>
      %dma_wait3A_149 = arith.constant 0 : i32
      %dma_wait3A_150 = arith.constant 0 : i32
      %dma_wait3A_151 = tpu.memref_slice %arg2[%run_scoped3A_18, %add3A, %dma_wait3A_149, %dma_wait3A_150] : memref<25x32x8x128xi32, #tpu.memory_space<hbm>> -> memref<1x1x8x128xi32, #tpu.memory_space<hbm>>
      %dma_wait3A_152 = tpu.memref_squeeze %dma_wait3A_151 : memref<1x1x8x128xi32, #tpu.memory_space<hbm>> -> memref<8x128xi32, #tpu.memory_space<hbm>>
      %dma_wait3A_153 = arith.constant 144 : i32
      %dma_wait3A_154 = arith.constant 0 : i32
      %dma_wait3A_155 = tpu.memref_slice %arg6[%dma_wait3A_153, %dma_wait3A_154] : memref<200x128xi32, #tpu.memory_space<vmem>> -> memref<8x128xi32, #tpu.memory_space<vmem>>
      %dma_wait3A_156 = arith.constant 0 : i32
      %dma_wait3A_157 = arith.constant 0 : i32
      %dma_wait3A_158 = tpu.memref_slice %arg2[%run_scoped3A_18, %add3A, %dma_wait3A_156, %dma_wait3A_157] : memref<25x32x8x128xi32, #tpu.memory_space<hbm>> -> memref<1x1x8x128xi32, #tpu.memory_space<hbm>>
      %dma_wait3A_159 = tpu.memref_squeeze %dma_wait3A_158 : memref<1x1x8x128xi32, #tpu.memory_space<hbm>> -> memref<8x128xi32, #tpu.memory_space<hbm>>
      tpu.wait_dma2 semaphore(%run_scoped3A_131 : memref<!tpu.dma_semaphore, #tpu.memory_space<semaphore_mem>>) src(%dma_wait3A_159 : memref<8x128xi32, #tpu.memory_space<hbm>>) dst(%dma_wait3A_155 : memref<8x128xi32, #tpu.memory_space<vmem>>)
      tpu.yield
    }) : () -> ()
    %run_scoped3A_19 = arith.constant 19 : i32
    "tpu.region"() ({
      %run_scoped3A_131 = tpu.sem_alloc : memref<!tpu.dma_semaphore, #tpu.memory_space<semaphore_mem>>
      %dma_start3A_132 = arith.constant 152 : i32
      %dma_start3A_133 = arith.constant 0 : i32
      %dma_start3A_134 = tpu.memref_slice %arg6[%dma_start3A_132, %dma_start3A_133] : memref<200x128xi32, #tpu.memory_space<vmem>> -> memref<8x128xi32, #tpu.memory_space<vmem>>
      %dma_start3A_135 = arith.constant 0 : i32
      %dma_start3A_136 = arith.constant 0 : i32
      %dma_start3A_137 = tpu.memref_slice %arg2[%run_scoped3A_19, %add3A, %dma_start3A_135, %dma_start3A_136] : memref<25x32x8x128xi32, #tpu.memory_space<hbm>> -> memref<1x1x8x128xi32, #tpu.memory_space<hbm>>
      %dma_start3A_138 = tpu.memref_squeeze %dma_start3A_137 : memref<1x1x8x128xi32, #tpu.memory_space<hbm>> -> memref<8x128xi32, #tpu.memory_space<hbm>>
      %dma_start3A_139 = arith.constant 152 : i32
      %dma_start3A_140 = arith.constant 0 : i32
      %dma_start3A_141 = tpu.memref_slice %arg6[%dma_start3A_139, %dma_start3A_140] : memref<200x128xi32, #tpu.memory_space<vmem>> -> memref<8x128xi32, #tpu.memory_space<vmem>>
      %dma_start3A_142 = arith.constant 0 : i32
      %dma_start3A_143 = arith.constant 0 : i32
      %dma_start3A_144 = tpu.memref_slice %arg2[%run_scoped3A_19, %add3A, %dma_start3A_142, %dma_start3A_143] : memref<25x32x8x128xi32, #tpu.memory_space<hbm>> -> memref<1x1x8x128xi32, #tpu.memory_space<hbm>>
      %dma_start3A_145 = tpu.memref_squeeze %dma_start3A_144 : memref<1x1x8x128xi32, #tpu.memory_space<hbm>> -> memref<8x128xi32, #tpu.memory_space<hbm>>
      tpu.enqueue_dma source(%dma_start3A_145 : memref<8x128xi32, #tpu.memory_space<hbm>>) target(%dma_start3A_141 : memref<8x128xi32, #tpu.memory_space<vmem>>) target_semaphore(%run_scoped3A_131 : memref<!tpu.dma_semaphore, #tpu.memory_space<semaphore_mem>>)
      %dma_wait3A_146 = arith.constant 152 : i32
      %dma_wait3A_147 = arith.constant 0 : i32
      %dma_wait3A_148 = tpu.memref_slice %arg6[%dma_wait3A_146, %dma_wait3A_147] : memref<200x128xi32, #tpu.memory_space<vmem>> -> memref<8x128xi32, #tpu.memory_space<vmem>>
      %dma_wait3A_149 = arith.constant 0 : i32
      %dma_wait3A_150 = arith.constant 0 : i32
      %dma_wait3A_151 = tpu.memref_slice %arg2[%run_scoped3A_19, %add3A, %dma_wait3A_149, %dma_wait3A_150] : memref<25x32x8x128xi32, #tpu.memory_space<hbm>> -> memref<1x1x8x128xi32, #tpu.memory_space<hbm>>
      %dma_wait3A_152 = tpu.memref_squeeze %dma_wait3A_151 : memref<1x1x8x128xi32, #tpu.memory_space<hbm>> -> memref<8x128xi32, #tpu.memory_space<hbm>>
      %dma_wait3A_153 = arith.constant 152 : i32
      %dma_wait3A_154 = arith.constant 0 : i32
      %dma_wait3A_155 = tpu.memref_slice %arg6[%dma_wait3A_153, %dma_wait3A_154] : memref<200x128xi32, #tpu.memory_space<vmem>> -> memref<8x128xi32, #tpu.memory_space<vmem>>
      %dma_wait3A_156 = arith.constant 0 : i32
      %dma_wait3A_157 = arith.constant 0 : i32
      %dma_wait3A_158 = tpu.memref_slice %arg2[%run_scoped3A_19, %add3A, %dma_wait3A_156, %dma_wait3A_157] : memref<25x32x8x128xi32, #tpu.memory_space<hbm>> -> memref<1x1x8x128xi32, #tpu.memory_space<hbm>>
      %dma_wait3A_159 = tpu.memref_squeeze %dma_wait3A_158 : memref<1x1x8x128xi32, #tpu.memory_space<hbm>> -> memref<8x128xi32, #tpu.memory_space<hbm>>
      tpu.wait_dma2 semaphore(%run_scoped3A_131 : memref<!tpu.dma_semaphore, #tpu.memory_space<semaphore_mem>>) src(%dma_wait3A_159 : memref<8x128xi32, #tpu.memory_space<hbm>>) dst(%dma_wait3A_155 : memref<8x128xi32, #tpu.memory_space<vmem>>)
      tpu.yield
    }) : () -> ()
    %run_scoped3A_20 = arith.constant 20 : i32
    "tpu.region"() ({
      %run_scoped3A_131 = tpu.sem_alloc : memref<!tpu.dma_semaphore, #tpu.memory_space<semaphore_mem>>
      %dma_start3A_132 = arith.constant 160 : i32
      %dma_start3A_133 = arith.constant 0 : i32
      %dma_start3A_134 = tpu.memref_slice %arg6[%dma_start3A_132, %dma_start3A_133] : memref<200x128xi32, #tpu.memory_space<vmem>> -> memref<8x128xi32, #tpu.memory_space<vmem>>
      %dma_start3A_135 = arith.constant 0 : i32
      %dma_start3A_136 = arith.constant 0 : i32
      %dma_start3A_137 = tpu.memref_slice %arg2[%run_scoped3A_20, %add3A, %dma_start3A_135, %dma_start3A_136] : memref<25x32x8x128xi32, #tpu.memory_space<hbm>> -> memref<1x1x8x128xi32, #tpu.memory_space<hbm>>
      %dma_start3A_138 = tpu.memref_squeeze %dma_start3A_137 : memref<1x1x8x128xi32, #tpu.memory_space<hbm>> -> memref<8x128xi32, #tpu.memory_space<hbm>>
      %dma_start3A_139 = arith.constant 160 : i32
      %dma_start3A_140 = arith.constant 0 : i32
      %dma_start3A_141 = tpu.memref_slice %arg6[%dma_start3A_139, %dma_start3A_140] : memref<200x128xi32, #tpu.memory_space<vmem>> -> memref<8x128xi32, #tpu.memory_space<vmem>>
      %dma_start3A_142 = arith.constant 0 : i32
      %dma_start3A_143 = arith.constant 0 : i32
      %dma_start3A_144 = tpu.memref_slice %arg2[%run_scoped3A_20, %add3A, %dma_start3A_142, %dma_start3A_143] : memref<25x32x8x128xi32, #tpu.memory_space<hbm>> -> memref<1x1x8x128xi32, #tpu.memory_space<hbm>>
      %dma_start3A_145 = tpu.memref_squeeze %dma_start3A_144 : memref<1x1x8x128xi32, #tpu.memory_space<hbm>> -> memref<8x128xi32, #tpu.memory_space<hbm>>
      tpu.enqueue_dma source(%dma_start3A_145 : memref<8x128xi32, #tpu.memory_space<hbm>>) target(%dma_start3A_141 : memref<8x128xi32, #tpu.memory_space<vmem>>) target_semaphore(%run_scoped3A_131 : memref<!tpu.dma_semaphore, #tpu.memory_space<semaphore_mem>>)
      %dma_wait3A_146 = arith.constant 160 : i32
      %dma_wait3A_147 = arith.constant 0 : i32
      %dma_wait3A_148 = tpu.memref_slice %arg6[%dma_wait3A_146, %dma_wait3A_147] : memref<200x128xi32, #tpu.memory_space<vmem>> -> memref<8x128xi32, #tpu.memory_space<vmem>>
      %dma_wait3A_149 = arith.constant 0 : i32
      %dma_wait3A_150 = arith.constant 0 : i32
      %dma_wait3A_151 = tpu.memref_slice %arg2[%run_scoped3A_20, %add3A, %dma_wait3A_149, %dma_wait3A_150] : memref<25x32x8x128xi32, #tpu.memory_space<hbm>> -> memref<1x1x8x128xi32, #tpu.memory_space<hbm>>
      %dma_wait3A_152 = tpu.memref_squeeze %dma_wait3A_151 : memref<1x1x8x128xi32, #tpu.memory_space<hbm>> -> memref<8x128xi32, #tpu.memory_space<hbm>>
      %dma_wait3A_153 = arith.constant 160 : i32
      %dma_wait3A_154 = arith.constant 0 : i32
      %dma_wait3A_155 = tpu.memref_slice %arg6[%dma_wait3A_153, %dma_wait3A_154] : memref<200x128xi32, #tpu.memory_space<vmem>> -> memref<8x128xi32, #tpu.memory_space<vmem>>
      %dma_wait3A_156 = arith.constant 0 : i32
      %dma_wait3A_157 = arith.constant 0 : i32
      %dma_wait3A_158 = tpu.memref_slice %arg2[%run_scoped3A_20, %add3A, %dma_wait3A_156, %dma_wait3A_157] : memref<25x32x8x128xi32, #tpu.memory_space<hbm>> -> memref<1x1x8x128xi32, #tpu.memory_space<hbm>>
      %dma_wait3A_159 = tpu.memref_squeeze %dma_wait3A_158 : memref<1x1x8x128xi32, #tpu.memory_space<hbm>> -> memref<8x128xi32, #tpu.memory_space<hbm>>
      tpu.wait_dma2 semaphore(%run_scoped3A_131 : memref<!tpu.dma_semaphore, #tpu.memory_space<semaphore_mem>>) src(%dma_wait3A_159 : memref<8x128xi32, #tpu.memory_space<hbm>>) dst(%dma_wait3A_155 : memref<8x128xi32, #tpu.memory_space<vmem>>)
      tpu.yield
    }) : () -> ()
    %run_scoped3A_21 = arith.constant 21 : i32
    "tpu.region"() ({
      %run_scoped3A_131 = tpu.sem_alloc : memref<!tpu.dma_semaphore, #tpu.memory_space<semaphore_mem>>
      %dma_start3A_132 = arith.constant 168 : i32
      %dma_start3A_133 = arith.constant 0 : i32
      %dma_start3A_134 = tpu.memref_slice %arg6[%dma_start3A_132, %dma_start3A_133] : memref<200x128xi32, #tpu.memory_space<vmem>> -> memref<8x128xi32, #tpu.memory_space<vmem>>
      %dma_start3A_135 = arith.constant 0 : i32
      %dma_start3A_136 = arith.constant 0 : i32
      %dma_start3A_137 = tpu.memref_slice %arg2[%run_scoped3A_21, %add3A, %dma_start3A_135, %dma_start3A_136] : memref<25x32x8x128xi32, #tpu.memory_space<hbm>> -> memref<1x1x8x128xi32, #tpu.memory_space<hbm>>
      %dma_start3A_138 = tpu.memref_squeeze %dma_start3A_137 : memref<1x1x8x128xi32, #tpu.memory_space<hbm>> -> memref<8x128xi32, #tpu.memory_space<hbm>>
      %dma_start3A_139 = arith.constant 168 : i32
      %dma_start3A_140 = arith.constant 0 : i32
      %dma_start3A_141 = tpu.memref_slice %arg6[%dma_start3A_139, %dma_start3A_140] : memref<200x128xi32, #tpu.memory_space<vmem>> -> memref<8x128xi32, #tpu.memory_space<vmem>>
      %dma_start3A_142 = arith.constant 0 : i32
      %dma_start3A_143 = arith.constant 0 : i32
      %dma_start3A_144 = tpu.memref_slice %arg2[%run_scoped3A_21, %add3A, %dma_start3A_142, %dma_start3A_143] : memref<25x32x8x128xi32, #tpu.memory_space<hbm>> -> memref<1x1x8x128xi32, #tpu.memory_space<hbm>>
      %dma_start3A_145 = tpu.memref_squeeze %dma_start3A_144 : memref<1x1x8x128xi32, #tpu.memory_space<hbm>> -> memref<8x128xi32, #tpu.memory_space<hbm>>
      tpu.enqueue_dma source(%dma_start3A_145 : memref<8x128xi32, #tpu.memory_space<hbm>>) target(%dma_start3A_141 : memref<8x128xi32, #tpu.memory_space<vmem>>) target_semaphore(%run_scoped3A_131 : memref<!tpu.dma_semaphore, #tpu.memory_space<semaphore_mem>>)
      %dma_wait3A_146 = arith.constant 168 : i32
      %dma_wait3A_147 = arith.constant 0 : i32
      %dma_wait3A_148 = tpu.memref_slice %arg6[%dma_wait3A_146, %dma_wait3A_147] : memref<200x128xi32, #tpu.memory_space<vmem>> -> memref<8x128xi32, #tpu.memory_space<vmem>>
      %dma_wait3A_149 = arith.constant 0 : i32
      %dma_wait3A_150 = arith.constant 0 : i32
      %dma_wait3A_151 = tpu.memref_slice %arg2[%run_scoped3A_21, %add3A, %dma_wait3A_149, %dma_wait3A_150] : memref<25x32x8x128xi32, #tpu.memory_space<hbm>> -> memref<1x1x8x128xi32, #tpu.memory_space<hbm>>
      %dma_wait3A_152 = tpu.memref_squeeze %dma_wait3A_151 : memref<1x1x8x128xi32, #tpu.memory_space<hbm>> -> memref<8x128xi32, #tpu.memory_space<hbm>>
      %dma_wait3A_153 = arith.constant 168 : i32
      %dma_wait3A_154 = arith.constant 0 : i32
      %dma_wait3A_155 = tpu.memref_slice %arg6[%dma_wait3A_153, %dma_wait3A_154] : memref<200x128xi32, #tpu.memory_space<vmem>> -> memref<8x128xi32, #tpu.memory_space<vmem>>
      %dma_wait3A_156 = arith.constant 0 : i32
      %dma_wait3A_157 = arith.constant 0 : i32
      %dma_wait3A_158 = tpu.memref_slice %arg2[%run_scoped3A_21, %add3A, %dma_wait3A_156, %dma_wait3A_157] : memref<25x32x8x128xi32, #tpu.memory_space<hbm>> -> memref<1x1x8x128xi32, #tpu.memory_space<hbm>>
      %dma_wait3A_159 = tpu.memref_squeeze %dma_wait3A_158 : memref<1x1x8x128xi32, #tpu.memory_space<hbm>> -> memref<8x128xi32, #tpu.memory_space<hbm>>
      tpu.wait_dma2 semaphore(%run_scoped3A_131 : memref<!tpu.dma_semaphore, #tpu.memory_space<semaphore_mem>>) src(%dma_wait3A_159 : memref<8x128xi32, #tpu.memory_space<hbm>>) dst(%dma_wait3A_155 : memref<8x128xi32, #tpu.memory_space<vmem>>)
      tpu.yield
    }) : () -> ()
    %run_scoped3A_22 = arith.constant 22 : i32
    "tpu.region"() ({
      %run_scoped3A_131 = tpu.sem_alloc : memref<!tpu.dma_semaphore, #tpu.memory_space<semaphore_mem>>
      %dma_start3A_132 = arith.constant 176 : i32
      %dma_start3A_133 = arith.constant 0 : i32
      %dma_start3A_134 = tpu.memref_slice %arg6[%dma_start3A_132, %dma_start3A_133] : memref<200x128xi32, #tpu.memory_space<vmem>> -> memref<8x128xi32, #tpu.memory_space<vmem>>
      %dma_start3A_135 = arith.constant 0 : i32
      %dma_start3A_136 = arith.constant 0 : i32
      %dma_start3A_137 = tpu.memref_slice %arg2[%run_scoped3A_22, %add3A, %dma_start3A_135, %dma_start3A_136] : memref<25x32x8x128xi32, #tpu.memory_space<hbm>> -> memref<1x1x8x128xi32, #tpu.memory_space<hbm>>
      %dma_start3A_138 = tpu.memref_squeeze %dma_start3A_137 : memref<1x1x8x128xi32, #tpu.memory_space<hbm>> -> memref<8x128xi32, #tpu.memory_space<hbm>>
      %dma_start3A_139 = arith.constant 176 : i32
      %dma_start3A_140 = arith.constant 0 : i32
      %dma_start3A_141 = tpu.memref_slice %arg6[%dma_start3A_139, %dma_start3A_140] : memref<200x128xi32, #tpu.memory_space<vmem>> -> memref<8x128xi32, #tpu.memory_space<vmem>>
      %dma_start3A_142 = arith.constant 0 : i32
      %dma_start3A_143 = arith.constant 0 : i32
      %dma_start3A_144 = tpu.memref_slice %arg2[%run_scoped3A_22, %add3A, %dma_start3A_142, %dma_start3A_143] : memref<25x32x8x128xi32, #tpu.memory_space<hbm>> -> memref<1x1x8x128xi32, #tpu.memory_space<hbm>>
      %dma_start3A_145 = tpu.memref_squeeze %dma_start3A_144 : memref<1x1x8x128xi32, #tpu.memory_space<hbm>> -> memref<8x128xi32, #tpu.memory_space<hbm>>
      tpu.enqueue_dma source(%dma_start3A_145 : memref<8x128xi32, #tpu.memory_space<hbm>>) target(%dma_start3A_141 : memref<8x128xi32, #tpu.memory_space<vmem>>) target_semaphore(%run_scoped3A_131 : memref<!tpu.dma_semaphore, #tpu.memory_space<semaphore_mem>>)
      %dma_wait3A_146 = arith.constant 176 : i32
      %dma_wait3A_147 = arith.constant 0 : i32
      %dma_wait3A_148 = tpu.memref_slice %arg6[%dma_wait3A_146, %dma_wait3A_147] : memref<200x128xi32, #tpu.memory_space<vmem>> -> memref<8x128xi32, #tpu.memory_space<vmem>>
      %dma_wait3A_149 = arith.constant 0 : i32
      %dma_wait3A_150 = arith.constant 0 : i32
      %dma_wait3A_151 = tpu.memref_slice %arg2[%run_scoped3A_22, %add3A, %dma_wait3A_149, %dma_wait3A_150] : memref<25x32x8x128xi32, #tpu.memory_space<hbm>> -> memref<1x1x8x128xi32, #tpu.memory_space<hbm>>
      %dma_wait3A_152 = tpu.memref_squeeze %dma_wait3A_151 : memref<1x1x8x128xi32, #tpu.memory_space<hbm>> -> memref<8x128xi32, #tpu.memory_space<hbm>>
      %dma_wait3A_153 = arith.constant 176 : i32
      %dma_wait3A_154 = arith.constant 0 : i32
      %dma_wait3A_155 = tpu.memref_slice %arg6[%dma_wait3A_153, %dma_wait3A_154] : memref<200x128xi32, #tpu.memory_space<vmem>> -> memref<8x128xi32, #tpu.memory_space<vmem>>
      %dma_wait3A_156 = arith.constant 0 : i32
      %dma_wait3A_157 = arith.constant 0 : i32
      %dma_wait3A_158 = tpu.memref_slice %arg2[%run_scoped3A_22, %add3A, %dma_wait3A_156, %dma_wait3A_157] : memref<25x32x8x128xi32, #tpu.memory_space<hbm>> -> memref<1x1x8x128xi32, #tpu.memory_space<hbm>>
      %dma_wait3A_159 = tpu.memref_squeeze %dma_wait3A_158 : memref<1x1x8x128xi32, #tpu.memory_space<hbm>> -> memref<8x128xi32, #tpu.memory_space<hbm>>
      tpu.wait_dma2 semaphore(%run_scoped3A_131 : memref<!tpu.dma_semaphore, #tpu.memory_space<semaphore_mem>>) src(%dma_wait3A_159 : memref<8x128xi32, #tpu.memory_space<hbm>>) dst(%dma_wait3A_155 : memref<8x128xi32, #tpu.memory_space<vmem>>)
      tpu.yield
    }) : () -> ()
    %run_scoped3A_23 = arith.constant 23 : i32
    "tpu.region"() ({
      %run_scoped3A_131 = tpu.sem_alloc : memref<!tpu.dma_semaphore, #tpu.memory_space<semaphore_mem>>
      %dma_start3A_132 = arith.constant 184 : i32
      %dma_start3A_133 = arith.constant 0 : i32
      %dma_start3A_134 = tpu.memref_slice %arg6[%dma_start3A_132, %dma_start3A_133] : memref<200x128xi32, #tpu.memory_space<vmem>> -> memref<8x128xi32, #tpu.memory_space<vmem>>
      %dma_start3A_135 = arith.constant 0 : i32
      %dma_start3A_136 = arith.constant 0 : i32
      %dma_start3A_137 = tpu.memref_slice %arg2[%run_scoped3A_23, %add3A, %dma_start3A_135, %dma_start3A_136] : memref<25x32x8x128xi32, #tpu.memory_space<hbm>> -> memref<1x1x8x128xi32, #tpu.memory_space<hbm>>
      %dma_start3A_138 = tpu.memref_squeeze %dma_start3A_137 : memref<1x1x8x128xi32, #tpu.memory_space<hbm>> -> memref<8x128xi32, #tpu.memory_space<hbm>>
      %dma_start3A_139 = arith.constant 184 : i32
      %dma_start3A_140 = arith.constant 0 : i32
      %dma_start3A_141 = tpu.memref_slice %arg6[%dma_start3A_139, %dma_start3A_140] : memref<200x128xi32, #tpu.memory_space<vmem>> -> memref<8x128xi32, #tpu.memory_space<vmem>>
      %dma_start3A_142 = arith.constant 0 : i32
      %dma_start3A_143 = arith.constant 0 : i32
      %dma_start3A_144 = tpu.memref_slice %arg2[%run_scoped3A_23, %add3A, %dma_start3A_142, %dma_start3A_143] : memref<25x32x8x128xi32, #tpu.memory_space<hbm>> -> memref<1x1x8x128xi32, #tpu.memory_space<hbm>>
      %dma_start3A_145 = tpu.memref_squeeze %dma_start3A_144 : memref<1x1x8x128xi32, #tpu.memory_space<hbm>> -> memref<8x128xi32, #tpu.memory_space<hbm>>
      tpu.enqueue_dma source(%dma_start3A_145 : memref<8x128xi32, #tpu.memory_space<hbm>>) target(%dma_start3A_141 : memref<8x128xi32, #tpu.memory_space<vmem>>) target_semaphore(%run_scoped3A_131 : memref<!tpu.dma_semaphore, #tpu.memory_space<semaphore_mem>>)
      %dma_wait3A_146 = arith.constant 184 : i32
      %dma_wait3A_147 = arith.constant 0 : i32
      %dma_wait3A_148 = tpu.memref_slice %arg6[%dma_wait3A_146, %dma_wait3A_147] : memref<200x128xi32, #tpu.memory_space<vmem>> -> memref<8x128xi32, #tpu.memory_space<vmem>>
      %dma_wait3A_149 = arith.constant 0 : i32
      %dma_wait3A_150 = arith.constant 0 : i32
      %dma_wait3A_151 = tpu.memref_slice %arg2[%run_scoped3A_23, %add3A, %dma_wait3A_149, %dma_wait3A_150] : memref<25x32x8x128xi32, #tpu.memory_space<hbm>> -> memref<1x1x8x128xi32, #tpu.memory_space<hbm>>
      %dma_wait3A_152 = tpu.memref_squeeze %dma_wait3A_151 : memref<1x1x8x128xi32, #tpu.memory_space<hbm>> -> memref<8x128xi32, #tpu.memory_space<hbm>>
      %dma_wait3A_153 = arith.constant 184 : i32
      %dma_wait3A_154 = arith.constant 0 : i32
      %dma_wait3A_155 = tpu.memref_slice %arg6[%dma_wait3A_153, %dma_wait3A_154] : memref<200x128xi32, #tpu.memory_space<vmem>> -> memref<8x128xi32, #tpu.memory_space<vmem>>
      %dma_wait3A_156 = arith.constant 0 : i32
      %dma_wait3A_157 = arith.constant 0 : i32
      %dma_wait3A_158 = tpu.memref_slice %arg2[%run_scoped3A_23, %add3A, %dma_wait3A_156, %dma_wait3A_157] : memref<25x32x8x128xi32, #tpu.memory_space<hbm>> -> memref<1x1x8x128xi32, #tpu.memory_space<hbm>>
      %dma_wait3A_159 = tpu.memref_squeeze %dma_wait3A_158 : memref<1x1x8x128xi32, #tpu.memory_space<hbm>> -> memref<8x128xi32, #tpu.memory_space<hbm>>
      tpu.wait_dma2 semaphore(%run_scoped3A_131 : memref<!tpu.dma_semaphore, #tpu.memory_space<semaphore_mem>>) src(%dma_wait3A_159 : memref<8x128xi32, #tpu.memory_space<hbm>>) dst(%dma_wait3A_155 : memref<8x128xi32, #tpu.memory_space<vmem>>)
      tpu.yield
    }) : () -> ()
    %run_scoped3A_24 = arith.constant 24 : i32
    "tpu.region"() ({
      %run_scoped3A_131 = tpu.sem_alloc : memref<!tpu.dma_semaphore, #tpu.memory_space<semaphore_mem>>
      %dma_start3A_132 = arith.constant 192 : i32
      %dma_start3A_133 = arith.constant 0 : i32
      %dma_start3A_134 = tpu.memref_slice %arg6[%dma_start3A_132, %dma_start3A_133] : memref<200x128xi32, #tpu.memory_space<vmem>> -> memref<8x128xi32, #tpu.memory_space<vmem>>
      %dma_start3A_135 = arith.constant 0 : i32
      %dma_start3A_136 = arith.constant 0 : i32
      %dma_start3A_137 = tpu.memref_slice %arg2[%run_scoped3A_24, %add3A, %dma_start3A_135, %dma_start3A_136] : memref<25x32x8x128xi32, #tpu.memory_space<hbm>> -> memref<1x1x8x128xi32, #tpu.memory_space<hbm>>
      %dma_start3A_138 = tpu.memref_squeeze %dma_start3A_137 : memref<1x1x8x128xi32, #tpu.memory_space<hbm>> -> memref<8x128xi32, #tpu.memory_space<hbm>>
      %dma_start3A_139 = arith.constant 192 : i32
      %dma_start3A_140 = arith.constant 0 : i32
      %dma_start3A_141 = tpu.memref_slice %arg6[%dma_start3A_139, %dma_start3A_140] : memref<200x128xi32, #tpu.memory_space<vmem>> -> memref<8x128xi32, #tpu.memory_space<vmem>>
      %dma_start3A_142 = arith.constant 0 : i32
      %dma_start3A_143 = arith.constant 0 : i32
      %dma_start3A_144 = tpu.memref_slice %arg2[%run_scoped3A_24, %add3A, %dma_start3A_142, %dma_start3A_143] : memref<25x32x8x128xi32, #tpu.memory_space<hbm>> -> memref<1x1x8x128xi32, #tpu.memory_space<hbm>>
      %dma_start3A_145 = tpu.memref_squeeze %dma_start3A_144 : memref<1x1x8x128xi32, #tpu.memory_space<hbm>> -> memref<8x128xi32, #tpu.memory_space<hbm>>
      tpu.enqueue_dma source(%dma_start3A_145 : memref<8x128xi32, #tpu.memory_space<hbm>>) target(%dma_start3A_141 : memref<8x128xi32, #tpu.memory_space<vmem>>) target_semaphore(%run_scoped3A_131 : memref<!tpu.dma_semaphore, #tpu.memory_space<semaphore_mem>>)
      %dma_wait3A_146 = arith.constant 192 : i32
      %dma_wait3A_147 = arith.constant 0 : i32
      %dma_wait3A_148 = tpu.memref_slice %arg6[%dma_wait3A_146, %dma_wait3A_147] : memref<200x128xi32, #tpu.memory_space<vmem>> -> memref<8x128xi32, #tpu.memory_space<vmem>>
      %dma_wait3A_149 = arith.constant 0 : i32
      %dma_wait3A_150 = arith.constant 0 : i32
      %dma_wait3A_151 = tpu.memref_slice %arg2[%run_scoped3A_24, %add3A, %dma_wait3A_149, %dma_wait3A_150] : memref<25x32x8x128xi32, #tpu.memory_space<hbm>> -> memref<1x1x8x128xi32, #tpu.memory_space<hbm>>
      %dma_wait3A_152 = tpu.memref_squeeze %dma_wait3A_151 : memref<1x1x8x128xi32, #tpu.memory_space<hbm>> -> memref<8x128xi32, #tpu.memory_space<hbm>>
      %dma_wait3A_153 = arith.constant 192 : i32
      %dma_wait3A_154 = arith.constant 0 : i32
      %dma_wait3A_155 = tpu.memref_slice %arg6[%dma_wait3A_153, %dma_wait3A_154] : memref<200x128xi32, #tpu.memory_space<vmem>> -> memref<8x128xi32, #tpu.memory_space<vmem>>
      %dma_wait3A_156 = arith.constant 0 : i32
      %dma_wait3A_157 = arith.constant 0 : i32
      %dma_wait3A_158 = tpu.memref_slice %arg2[%run_scoped3A_24, %add3A, %dma_wait3A_156, %dma_wait3A_157] : memref<25x32x8x128xi32, #tpu.memory_space<hbm>> -> memref<1x1x8x128xi32, #tpu.memory_space<hbm>>
      %dma_wait3A_159 = tpu.memref_squeeze %dma_wait3A_158 : memref<1x1x8x128xi32, #tpu.memory_space<hbm>> -> memref<8x128xi32, #tpu.memory_space<hbm>>
      tpu.wait_dma2 semaphore(%run_scoped3A_131 : memref<!tpu.dma_semaphore, #tpu.memory_space<semaphore_mem>>) src(%dma_wait3A_159 : memref<8x128xi32, #tpu.memory_space<hbm>>) dst(%dma_wait3A_155 : memref<8x128xi32, #tpu.memory_space<vmem>>)
      tpu.yield
    }) : () -> ()
    %iota3A = tpu.iota {dimensions = array<i32: 0>} : vector<16xi32>
    %mul3A_25 = arith.constant 4 : i32
    %mul3A_26 = vector.broadcast %mul3A_25 : i32 to vector<16xi32>
    %mul3A_27 = arith.muli %iota3A, %mul3A_26 : vector<16xi32>
    %add3A_28 = arith.constant 0 : i32
    %add3A_29 = vector.broadcast %add3A_28 : i32 to vector<16xi32>
    %add3A_30 = arith.addi %iota3A, %add3A_29 : vector<16xi32>
    %add3A_31 = arith.constant 16 : i32
    %add3A_32 = vector.broadcast %add3A_31 : i32 to vector<16xi32>
    %add3A_33 = arith.addi %iota3A, %add3A_32 : vector<16xi32>
    %add3A_34 = arith.constant 32 : i32
    %add3A_35 = vector.broadcast %add3A_34 : i32 to vector<16xi32>
    %add3A_36 = arith.addi %iota3A, %add3A_35 : vector<16xi32>
    %add3A_37 = arith.constant 48 : i32
    %add3A_38 = vector.broadcast %add3A_37 : i32 to vector<16xi32>
    %add3A_39 = arith.addi %iota3A, %add3A_38 : vector<16xi32>
    %add3A_40 = arith.constant 64 : i32
    %add3A_41 = vector.broadcast %add3A_40 : i32 to vector<16xi32>
    %add3A_42 = arith.addi %iota3A, %add3A_41 : vector<16xi32>
    %add3A_43 = arith.constant 80 : i32
    %add3A_44 = vector.broadcast %add3A_43 : i32 to vector<16xi32>
    %add3A_45 = arith.addi %iota3A, %add3A_44 : vector<16xi32>
    %add3A_46 = arith.constant 96 : i32
    %add3A_47 = vector.broadcast %add3A_46 : i32 to vector<16xi32>
    %add3A_48 = arith.addi %iota3A, %add3A_47 : vector<16xi32>
    %add3A_49 = arith.constant 112 : i32
    %add3A_50 = vector.broadcast %add3A_49 : i32 to vector<16xi32>
    %add3A_51 = arith.addi %iota3A, %add3A_50 : vector<16xi32>
    %dma_start3A = arith.constant 0 : i32
    %dma_start3A_52 = arith.constant 0 : i32
    %dma_start3A_53 = tpu.memref_slice %arg6[%dma_start3A, %dma_start3A_52] : memref<200x128xi32, #tpu.memory_space<vmem>> -> memref<1x128xi32, #tpu.memory_space<vmem>>
    %dma_start3A_54 = tpu.memref_squeeze %dma_start3A_53 : memref<1x128xi32, #tpu.memory_space<vmem>> -> memref<128xi32, #tpu.memory_space<vmem>>
    %dma_start3A_55 = arith.constant 0 : i32
    %dma_start3A_56 = arith.constant 0 : i32
    %dma_start3A_57 = tpu.memref_slice %arg4[%dma_start3A_55, %dma_start3A_56] : memref<1000x32xf32, #tpu.memory_space<hbm>> -> memref<1000x32xf32, #tpu.memory_space<hbm>>
    tpu.enqueue_indirect_dma source(%dma_start3A_57 : memref<1000x32xf32, #tpu.memory_space<hbm>>) target(%arg8 : memref<128x32xf32, #tpu.memory_space<vmem>>) offsets(%dma_start3A_54 : memref<128xi32, #tpu.memory_space<vmem>>) semaphore(%arg11 : memref<!tpu.dma_semaphore, #tpu.memory_space<semaphore_mem>>)
    %dma_start3A_58 = arith.constant 1 : i32
    %dma_start3A_59 = arith.constant 0 : i32
    %dma_start3A_60 = tpu.memref_slice %arg6[%dma_start3A_58, %dma_start3A_59] : memref<200x128xi32, #tpu.memory_space<vmem>> -> memref<1x128xi32, #tpu.memory_space<vmem>>
    %dma_start3A_61 = tpu.memref_squeeze %dma_start3A_60 : memref<1x128xi32, #tpu.memory_space<vmem>> -> memref<128xi32, #tpu.memory_space<vmem>>
    %dma_start3A_62 = arith.constant 0 : i32
    %dma_start3A_63 = arith.constant 0 : i32
    %dma_start3A_64 = tpu.memref_slice %arg4[%dma_start3A_62, %dma_start3A_63] : memref<1000x32xf32, #tpu.memory_space<hbm>> -> memref<1000x32xf32, #tpu.memory_space<hbm>>
    tpu.enqueue_indirect_dma source(%dma_start3A_64 : memref<1000x32xf32, #tpu.memory_space<hbm>>) target(%arg9 : memref<128x32xf32, #tpu.memory_space<vmem>>) offsets(%dma_start3A_61 : memref<128xi32, #tpu.memory_space<vmem>>) semaphore(%arg12 : memref<!tpu.dma_semaphore, #tpu.memory_space<semaphore_mem>>)
    %scan3A = arith.constant 0 : i32
    %scan3A_65 = arith.constant 0 : i32
    %scan3A_66 = arith.constant 100 : i32
    %scan3A_67 = arith.addi %scan3A_65, %scan3A_66 : i32
    %scan3A_68 = arith.constant 1 : i32
    scf.for %scan3A_131 = %scan3A_65 to %scan3A_67 step %scan3A_68  : i32 {
      %mul3A_132 = arith.constant 2 : i32
      %mul3A_133 = arith.muli %scan3A_131, %mul3A_132 : i32
      %add3A_134 = arith.constant 0 : i32
      %add3A_135 = arith.addi %mul3A_133, %add3A_134 : i32
      %dma_wait3A_136 = arith.constant 0 : i32
      %dma_wait3A_137 = arith.constant 0 : i32
      %dma_wait3A_138 = tpu.memref_slice %arg4[%dma_wait3A_136, %dma_wait3A_137] : memref<1000x32xf32, #tpu.memory_space<hbm>> -> memref<128x32xf32, #tpu.memory_space<hbm>>
      %dma_wait3A_139 = arith.constant 0 : i32
      %dma_wait3A_140 = arith.constant 0 : i32
      %dma_wait3A_141 = tpu.memref_slice %arg4[%dma_wait3A_139, %dma_wait3A_140] : memref<1000x32xf32, #tpu.memory_space<hbm>> -> memref<128x32xf32, #tpu.memory_space<hbm>>
      tpu.wait_dma2 semaphore(%arg11 : memref<!tpu.dma_semaphore, #tpu.memory_space<semaphore_mem>>) src(%dma_wait3A_141 : memref<128x32xf32, #tpu.memory_space<hbm>>) dst(%arg8 : memref<128x32xf32, #tpu.memory_space<vmem>>)
      %ge3A = arith.constant 2 : i32
      %ge3A_142 = arith.cmpi sge, %add3A_135, %ge3A : i32
      %convert_element_type3A = arith.extui %ge3A_142 : i1 to i32
      %cond3A = arith.constant 0 : i32
      %cond3A_143 = arith.cmpi ne, %convert_element_type3A, %cond3A : i32
      scf.if %cond3A_143 {
        %dma_wait3A_339 = arith.constant 0 : i32
        %dma_wait3A_340 = arith.constant 0 : i32
        %dma_wait3A_341 = arith.constant 0 : i32
        %dma_wait3A_342 = arith.constant 0 : i32
        %dma_wait3A_343 = arith.constant 0 : i32
        %dma_wait3A_344 = arith.constant 0 : i32
        %dma_wait3A_345 = tpu.memref_slice %arg10[%dma_wait3A_339, %dma_wait3A_342, %dma_wait3A_343, %dma_wait3A_344] : memref<2x8x8x132xf32, #tpu.memory_space<vmem>> -> memref<1x8x8x132xf32, #tpu.memory_space<vmem>>
        %dma_wait3A_346 = tpu.memref_squeeze %dma_wait3A_345 : memref<1x8x8x132xf32, #tpu.memory_space<vmem>> -> memref<8x8x132xf32, #tpu.memory_space<vmem>>
        %dma_wait3A_347 = arith.constant 0 : i32
        %dma_wait3A_348 = arith.constant 0 : i32
        %dma_wait3A_349 = arith.constant 0 : i32
        %dma_wait3A_350 = tpu.memref_slice %dma_wait3A_346[%dma_wait3A_347, %dma_wait3A_348, %dma_wait3A_349] : memref<8x8x132xf32, #tpu.memory_space<vmem>> -> memref<8x8x128xf32, #tpu.memory_space<vmem>>
        %dma_wait3A_351 = arith.constant 0 : i32
        %dma_wait3A_352 = arith.constant 0 : i32
        %dma_wait3A_353 = arith.constant 0 : i32
        %dma_wait3A_354 = tpu.memref_slice %arg5[%dma_wait3A_340, %dma_wait3A_351, %dma_wait3A_341, %dma_wait3A_352, %dma_wait3A_353] : memref<200x8x32x8x128xf32, #tpu.memory_space<hbm>> -> memref<1x8x1x8x128xf32, #tpu.memory_space<hbm>>
        %dma_wait3A_355 = tpu.memref_squeeze %dma_wait3A_354 : memref<1x8x1x8x128xf32, #tpu.memory_space<hbm>> -> memref<8x8x128xf32, #tpu.memory_space<hbm>>
        %dma_wait3A_356 = arith.constant 0 : i32
        %dma_wait3A_357 = arith.constant 0 : i32
        %dma_wait3A_358 = arith.constant 0 : i32
        %dma_wait3A_359 = tpu.memref_slice %arg5[%dma_wait3A_340, %dma_wait3A_356, %dma_wait3A_341, %dma_wait3A_357, %dma_wait3A_358] : memref<200x8x32x8x128xf32, #tpu.memory_space<hbm>> -> memref<1x8x1x8x128xf32, #tpu.memory_space<hbm>>
        %dma_wait3A_360 = tpu.memref_squeeze %dma_wait3A_359 : memref<1x8x1x8x128xf32, #tpu.memory_space<hbm>> -> memref<8x8x128xf32, #tpu.memory_space<hbm>>
        %dma_wait3A_361 = arith.constant 0 : i32
        %dma_wait3A_362 = arith.constant 0 : i32
        %dma_wait3A_363 = arith.constant 0 : i32
        %dma_wait3A_364 = tpu.memref_slice %arg10[%dma_wait3A_339, %dma_wait3A_361, %dma_wait3A_362, %dma_wait3A_363] : memref<2x8x8x132xf32, #tpu.memory_space<vmem>> -> memref<1x8x8x132xf32, #tpu.memory_space<vmem>>
        %dma_wait3A_365 = tpu.memref_squeeze %dma_wait3A_364 : memref<1x8x8x132xf32, #tpu.memory_space<vmem>> -> memref<8x8x132xf32, #tpu.memory_space<vmem>>
        %dma_wait3A_366 = arith.constant 0 : i32
        %dma_wait3A_367 = arith.constant 0 : i32
        %dma_wait3A_368 = arith.constant 0 : i32
        %dma_wait3A_369 = tpu.memref_slice %dma_wait3A_365[%dma_wait3A_366, %dma_wait3A_367, %dma_wait3A_368] : memref<8x8x132xf32, #tpu.memory_space<vmem>> -> memref<8x8x128xf32, #tpu.memory_space<vmem>>
        tpu.wait_dma2 semaphore(%arg13 : memref<!tpu.dma_semaphore, #tpu.memory_space<semaphore_mem>>) src(%dma_wait3A_369 : memref<8x8x128xf32, #tpu.memory_space<vmem>>) dst(%dma_wait3A_360 : memref<8x8x128xf32, #tpu.memory_space<hbm>>)
      } else {
      }
      %get3A = arith.index_cast %add3A_135 : i32 to index
      %get3A_144 = arith.constant 0 : index
      %get3A_145 = tpu.vector_load %arg6[%get3A, %get3A_144] {strides = array<i32>} : memref<200x128xi32, #tpu.memory_space<vmem>>, vector<16xi32>,
      %mul3A_146 = arith.constant 33 : i32
      %mul3A_147 = vector.broadcast %mul3A_146 : i32 to vector<16xi32>
      %mul3A_148 = arith.muli %get3A_145, %mul3A_147 : vector<16xi32>
      %get3A_149 = arith.index_cast %add3A_135 : i32 to index
      %get3A_150 = arith.constant 16 : index
      %get3A_151 = tpu.vector_load %arg6[%get3A_149, %get3A_150] {strides = array<i32>} : memref<200x128xi32, #tpu.memory_space<vmem>>, vector<16xi32>,
      %mul3A_152 = arith.constant 33 : i32
      %mul3A_153 = vector.broadcast %mul3A_152 : i32 to vector<16xi32>
      %mul3A_154 = arith.muli %get3A_151, %mul3A_153 : vector<16xi32>
      %get3A_155 = arith.index_cast %add3A_135 : i32 to index
      %get3A_156 = arith.constant 32 : index
      %get3A_157 = tpu.vector_load %arg6[%get3A_155, %get3A_156] {strides = array<i32>} : memref<200x128xi32, #tpu.memory_space<vmem>>, vector<16xi32>,
      %mul3A_158 = arith.constant 33 : i32
      %mul3A_159 = vector.broadcast %mul3A_158 : i32 to vector<16xi32>
      %mul3A_160 = arith.muli %get3A_157, %mul3A_159 : vector<16xi32>
      %get3A_161 = arith.index_cast %add3A_135 : i32 to index
      %get3A_162 = arith.constant 48 : index
      %get3A_163 = tpu.vector_load %arg6[%get3A_161, %get3A_162] {strides = array<i32>} : memref<200x128xi32, #tpu.memory_space<vmem>>, vector<16xi32>,
      %mul3A_164 = arith.constant 33 : i32
      %mul3A_165 = vector.broadcast %mul3A_164 : i32 to vector<16xi32>
      %mul3A_166 = arith.muli %get3A_163, %mul3A_165 : vector<16xi32>
      %get3A_167 = arith.index_cast %add3A_135 : i32 to index
      %get3A_168 = arith.constant 64 : index
      %get3A_169 = tpu.vector_load %arg6[%get3A_167, %get3A_168] {strides = array<i32>} : memref<200x128xi32, #tpu.memory_space<vmem>>, vector<16xi32>,
      %mul3A_170 = arith.constant 33 : i32
      %mul3A_171 = vector.broadcast %mul3A_170 : i32 to vector<16xi32>
      %mul3A_172 = arith.muli %get3A_169, %mul3A_171 : vector<16xi32>
      %get3A_173 = arith.index_cast %add3A_135 : i32 to index
      %get3A_174 = arith.constant 80 : index
      %get3A_175 = tpu.vector_load %arg6[%get3A_173, %get3A_174] {strides = array<i32>} : memref<200x128xi32, #tpu.memory_space<vmem>>, vector<16xi32>,
      %mul3A_176 = arith.constant 33 : i32
      %mul3A_177 = vector.broadcast %mul3A_176 : i32 to vector<16xi32>
      %mul3A_178 = arith.muli %get3A_175, %mul3A_177 : vector<16xi32>
      %get3A_179 = arith.index_cast %add3A_135 : i32 to index
      %get3A_180 = arith.constant 96 : index
      %get3A_181 = tpu.vector_load %arg6[%get3A_179, %get3A_180] {strides = array<i32>} : memref<200x128xi32, #tpu.memory_space<vmem>>, vector<16xi32>,
      %mul3A_182 = arith.constant 33 : i32
      %mul3A_183 = vector.broadcast %mul3A_182 : i32 to vector<16xi32>
      %mul3A_184 = arith.muli %get3A_181, %mul3A_183 : vector<16xi32>
      %get3A_185 = arith.index_cast %add3A_135 : i32 to index
      %get3A_186 = arith.constant 112 : index
      %get3A_187 = tpu.vector_load %arg6[%get3A_185, %get3A_186] {strides = array<i32>} : memref<200x128xi32, #tpu.memory_space<vmem>>, vector<16xi32>,
      %mul3A_188 = arith.constant 33 : i32
      %mul3A_189 = vector.broadcast %mul3A_188 : i32 to vector<16xi32>
      %mul3A_190 = arith.muli %get3A_187, %mul3A_189 : vector<16xi32>
      %scan3A_191 = arith.constant 0 : i32
      %scan3A_192 = arith.constant 0 : i32
      %scan3A_193 = arith.constant 0 : i32
      %scan3A_194 = arith.constant 4 : i32
      %scan3A_195 = arith.addi %scan3A_193, %scan3A_194 : i32
      %scan3A_196 = arith.constant 1 : i32
      scf.for %scan3A_339 = %scan3A_193 to %scan3A_195 step %scan3A_196  : i32 {
        %mul3A_340 = arith.constant 8 : i32
        %mul3A_341 = arith.muli %scan3A_339, %mul3A_340 : i32
        %add3A_342 = vector.broadcast %mul3A_341 : i32 to vector<16xi32>
        %add3A_343 = arith.addi %mul3A_27, %add3A_342 : vector<16xi32>
        %and3A = arith.constant 31 : i32
        %and3A_344 = vector.broadcast %and3A : i32 to vector<16xi32>
        %and3A_345 = arith.andi %add3A_343, %and3A_344 : vector<16xi32>
        %add3A_346 = arith.addi %mul3A_148, %and3A_345 : vector<16xi32>
        %gather3A = tpu.vector_load_idx %arg7[%add3A_346] : memref<33000xf32, #tpu.memory_space<vmem>>[vector<16xi32>], vector<16xf32>,
        %add3A_347 = arith.addi %mul3A_154, %and3A_345 : vector<16xi32>
        %gather3A_348 = tpu.vector_load_idx %arg7[%add3A_347] : memref<33000xf32, #tpu.memory_space<vmem>>[vector<16xi32>], vector<16xf32>,
        %add3A_349 = arith.addi %mul3A_160, %and3A_345 : vector<16xi32>
        %gather3A_350 = tpu.vector_load_idx %arg7[%add3A_349] : memref<33000xf32, #tpu.memory_space<vmem>>[vector<16xi32>], vector<16xf32>,
        %add3A_351 = arith.addi %mul3A_166, %and3A_345 : vector<16xi32>
        %gather3A_352 = tpu.vector_load_idx %arg7[%add3A_351] : memref<33000xf32, #tpu.memory_space<vmem>>[vector<16xi32>], vector<16xf32>,
        %add3A_353 = arith.addi %mul3A_172, %and3A_345 : vector<16xi32>
        %gather3A_354 = tpu.vector_load_idx %arg7[%add3A_353] : memref<33000xf32, #tpu.memory_space<vmem>>[vector<16xi32>], vector<16xf32>,
        %add3A_355 = arith.addi %mul3A_178, %and3A_345 : vector<16xi32>
        %gather3A_356 = tpu.vector_load_idx %arg7[%add3A_355] : memref<33000xf32, #tpu.memory_space<vmem>>[vector<16xi32>], vector<16xf32>,
        %add3A_357 = arith.addi %mul3A_184, %and3A_345 : vector<16xi32>
        %gather3A_358 = tpu.vector_load_idx %arg7[%add3A_357] : memref<33000xf32, #tpu.memory_space<vmem>>[vector<16xi32>], vector<16xf32>,
        %add3A_359 = arith.addi %mul3A_190, %and3A_345 : vector<16xi32>
        %gather3A_360 = tpu.vector_load_idx %arg7[%add3A_359] : memref<33000xf32, #tpu.memory_space<vmem>>[vector<16xi32>], vector<16xf32>,
        %gather3A_361 = tpu.vector_load_idx %arg8[%add3A_30, %and3A_345] : memref<128x32xf32, #tpu.memory_space<vmem>>[vector<16xi32>, vector<16xi32>], vector<16xf32>,
        %gather3A_362 = tpu.vector_load_idx %arg8[%add3A_33, %and3A_345] : memref<128x32xf32, #tpu.memory_space<vmem>>[vector<16xi32>, vector<16xi32>], vector<16xf32>,
        %gather3A_363 = tpu.vector_load_idx %arg8[%add3A_36, %and3A_345] : memref<128x32xf32, #tpu.memory_space<vmem>>[vector<16xi32>, vector<16xi32>], vector<16xf32>,
        %gather3A_364 = tpu.vector_load_idx %arg8[%add3A_39, %and3A_345] : memref<128x32xf32, #tpu.memory_space<vmem>>[vector<16xi32>, vector<16xi32>], vector<16xf32>,
        %gather3A_365 = tpu.vector_load_idx %arg8[%add3A_42, %and3A_345] : memref<128x32xf32, #tpu.memory_space<vmem>>[vector<16xi32>, vector<16xi32>], vector<16xf32>,
        %gather3A_366 = tpu.vector_load_idx %arg8[%add3A_45, %and3A_345] : memref<128x32xf32, #tpu.memory_space<vmem>>[vector<16xi32>, vector<16xi32>], vector<16xf32>,
        %gather3A_367 = tpu.vector_load_idx %arg8[%add3A_48, %and3A_345] : memref<128x32xf32, #tpu.memory_space<vmem>>[vector<16xi32>, vector<16xi32>], vector<16xf32>,
        %gather3A_368 = tpu.vector_load_idx %arg8[%add3A_51, %and3A_345] : memref<128x32xf32, #tpu.memory_space<vmem>>[vector<16xi32>, vector<16xi32>], vector<16xf32>,
        %mul3A_369 = arith.constant 8 : i32
        %mul3A_370 = arith.muli %scan3A_339, %mul3A_369 : i32
        %add3A_371 = arith.constant 1 : i32
        %add3A_372 = arith.addi %mul3A_370, %add3A_371 : i32
        %add3A_373 = vector.broadcast %add3A_372 : i32 to vector<16xi32>
        %add3A_374 = arith.addi %mul3A_27, %add3A_373 : vector<16xi32>
        %and3A_375 = arith.constant 31 : i32
        %and3A_376 = vector.broadcast %and3A_375 : i32 to vector<16xi32>
        %and3A_377 = arith.andi %add3A_374, %and3A_376 : vector<16xi32>
        %add3A_378 = arith.addi %mul3A_148, %and3A_377 : vector<16xi32>
        %gather3A_379 = tpu.vector_load_idx %arg7[%add3A_378] : memref<33000xf32, #tpu.memory_space<vmem>>[vector<16xi32>], vector<16xf32>,
        %add3A_380 = arith.addi %mul3A_154, %and3A_377 : vector<16xi32>
        %gather3A_381 = tpu.vector_load_idx %arg7[%add3A_380] : memref<33000xf32, #tpu.memory_space<vmem>>[vector<16xi32>], vector<16xf32>,
        %add3A_382 = arith.addi %mul3A_160, %and3A_377 : vector<16xi32>
        %gather3A_383 = tpu.vector_load_idx %arg7[%add3A_382] : memref<33000xf32, #tpu.memory_space<vmem>>[vector<16xi32>], vector<16xf32>,
        %add3A_384 = arith.addi %mul3A_166, %and3A_377 : vector<16xi32>
        %gather3A_385 = tpu.vector_load_idx %arg7[%add3A_384] : memref<33000xf32, #tpu.memory_space<vmem>>[vector<16xi32>], vector<16xf32>,
        %add3A_386 = arith.addi %mul3A_172, %and3A_377 : vector<16xi32>
        %gather3A_387 = tpu.vector_load_idx %arg7[%add3A_386] : memref<33000xf32, #tpu.memory_space<vmem>>[vector<16xi32>], vector<16xf32>,
        %add3A_388 = arith.addi %mul3A_178, %and3A_377 : vector<16xi32>
        %gather3A_389 = tpu.vector_load_idx %arg7[%add3A_388] : memref<33000xf32, #tpu.memory_space<vmem>>[vector<16xi32>], vector<16xf32>,
        %add3A_390 = arith.addi %mul3A_184, %and3A_377 : vector<16xi32>
        %gather3A_391 = tpu.vector_load_idx %arg7[%add3A_390] : memref<33000xf32, #tpu.memory_space<vmem>>[vector<16xi32>], vector<16xf32>,
        %add3A_392 = arith.addi %mul3A_190, %and3A_377 : vector<16xi32>
        %gather3A_393 = tpu.vector_load_idx %arg7[%add3A_392] : memref<33000xf32, #tpu.memory_space<vmem>>[vector<16xi32>], vector<16xf32>,
        %gather3A_394 = tpu.vector_load_idx %arg8[%add3A_30, %and3A_377] : memref<128x32xf32, #tpu.memory_space<vmem>>[vector<16xi32>, vector<16xi32>], vector<16xf32>,
        %gather3A_395 = tpu.vector_load_idx %arg8[%add3A_33, %and3A_377] : memref<128x32xf32, #tpu.memory_space<vmem>>[vector<16xi32>, vector<16xi32>], vector<16xf32>,
        %gather3A_396 = tpu.vector_load_idx %arg8[%add3A_36, %and3A_377] : memref<128x32xf32, #tpu.memory_space<vmem>>[vector<16xi32>, vector<16xi32>], vector<16xf32>,
        %gather3A_397 = tpu.vector_load_idx %arg8[%add3A_39, %and3A_377] : memref<128x32xf32, #tpu.memory_space<vmem>>[vector<16xi32>, vector<16xi32>], vector<16xf32>,
        %gather3A_398 = tpu.vector_load_idx %arg8[%add3A_42, %and3A_377] : memref<128x32xf32, #tpu.memory_space<vmem>>[vector<16xi32>, vector<16xi32>], vector<16xf32>,
        %gather3A_399 = tpu.vector_load_idx %arg8[%add3A_45, %and3A_377] : memref<128x32xf32, #tpu.memory_space<vmem>>[vector<16xi32>, vector<16xi32>], vector<16xf32>,
        %gather3A_400 = tpu.vector_load_idx %arg8[%add3A_48, %and3A_377] : memref<128x32xf32, #tpu.memory_space<vmem>>[vector<16xi32>, vector<16xi32>], vector<16xf32>,
        %gather3A_401 = tpu.vector_load_idx %arg8[%add3A_51, %and3A_377] : memref<128x32xf32, #tpu.memory_space<vmem>>[vector<16xi32>, vector<16xi32>], vector<16xf32>,
        %shift_right_logical3A = arith.constant 3 : i32
        %shift_right_logical3A_402 = vector.broadcast %shift_right_logical3A : i32 to vector<16xi32>
        %shift_right_logical3A_403 = arith.shrui %and3A_345, %shift_right_logical3A_402 : vector<16xi32>
        %and3A_404 = arith.constant 7 : i32
        %and3A_405 = vector.broadcast %and3A_404 : i32 to vector<16xi32>
        %and3A_406 = arith.andi %and3A_345, %and3A_405 : vector<16xi32>
        %scatter3A = arith.constant 0 : i32
        %scatter3A_407 = arith.constant 0 : i32
        %scatter3A_408 = arith.constant 0 : i32
        %scatter3A_409 = tpu.memref_slice %arg10[%scan3A_192, %scatter3A, %scatter3A_407, %scatter3A_408] : memref<2x8x8x132xf32, #tpu.memory_space<vmem>> -> memref<1x8x8x132xf32, #tpu.memory_space<vmem>>
        %scatter3A_410 = tpu.memref_squeeze %scatter3A_409 : memref<1x8x8x132xf32, #tpu.memory_space<vmem>> -> memref<8x8x132xf32, #tpu.memory_space<vmem>>
        tpu.vector_store_idx %scatter3A_410[%shift_right_logical3A_403, %and3A_406, %add3A_30], %gather3A : memref<8x8x132xf32, #tpu.memory_space<vmem>>[vector<16xi32>, vector<16xi32>, vector<16xi32>], vector<16xf32>,
        %scatter3A_411 = arith.constant 0 : i32
        %scatter3A_412 = arith.constant 0 : i32
        %scatter3A_413 = arith.constant 0 : i32
        %scatter3A_414 = tpu.memref_slice %arg10[%scan3A_192, %scatter3A_411, %scatter3A_412, %scatter3A_413] : memref<2x8x8x132xf32, #tpu.memory_space<vmem>> -> memref<1x8x8x132xf32, #tpu.memory_space<vmem>>
        %scatter3A_415 = tpu.memref_squeeze %scatter3A_414 : memref<1x8x8x132xf32, #tpu.memory_space<vmem>> -> memref<8x8x132xf32, #tpu.memory_space<vmem>>
        tpu.vector_store_idx %scatter3A_415[%shift_right_logical3A_403, %and3A_406, %add3A_33], %gather3A_348 : memref<8x8x132xf32, #tpu.memory_space<vmem>>[vector<16xi32>, vector<16xi32>, vector<16xi32>], vector<16xf32>,
        %scatter3A_416 = arith.constant 0 : i32
        %scatter3A_417 = arith.constant 0 : i32
        %scatter3A_418 = arith.constant 0 : i32
        %scatter3A_419 = tpu.memref_slice %arg10[%scan3A_192, %scatter3A_416, %scatter3A_417, %scatter3A_418] : memref<2x8x8x132xf32, #tpu.memory_space<vmem>> -> memref<1x8x8x132xf32, #tpu.memory_space<vmem>>
        %scatter3A_420 = tpu.memref_squeeze %scatter3A_419 : memref<1x8x8x132xf32, #tpu.memory_space<vmem>> -> memref<8x8x132xf32, #tpu.memory_space<vmem>>
        tpu.vector_store_idx %scatter3A_420[%shift_right_logical3A_403, %and3A_406, %add3A_36], %gather3A_350 : memref<8x8x132xf32, #tpu.memory_space<vmem>>[vector<16xi32>, vector<16xi32>, vector<16xi32>], vector<16xf32>,
        %scatter3A_421 = arith.constant 0 : i32
        %scatter3A_422 = arith.constant 0 : i32
        %scatter3A_423 = arith.constant 0 : i32
        %scatter3A_424 = tpu.memref_slice %arg10[%scan3A_192, %scatter3A_421, %scatter3A_422, %scatter3A_423] : memref<2x8x8x132xf32, #tpu.memory_space<vmem>> -> memref<1x8x8x132xf32, #tpu.memory_space<vmem>>
        %scatter3A_425 = tpu.memref_squeeze %scatter3A_424 : memref<1x8x8x132xf32, #tpu.memory_space<vmem>> -> memref<8x8x132xf32, #tpu.memory_space<vmem>>
        tpu.vector_store_idx %scatter3A_425[%shift_right_logical3A_403, %and3A_406, %add3A_39], %gather3A_352 : memref<8x8x132xf32, #tpu.memory_space<vmem>>[vector<16xi32>, vector<16xi32>, vector<16xi32>], vector<16xf32>,
        %scatter3A_426 = arith.constant 0 : i32
        %scatter3A_427 = arith.constant 0 : i32
        %scatter3A_428 = arith.constant 0 : i32
        %scatter3A_429 = tpu.memref_slice %arg10[%scan3A_192, %scatter3A_426, %scatter3A_427, %scatter3A_428] : memref<2x8x8x132xf32, #tpu.memory_space<vmem>> -> memref<1x8x8x132xf32, #tpu.memory_space<vmem>>
        %scatter3A_430 = tpu.memref_squeeze %scatter3A_429 : memref<1x8x8x132xf32, #tpu.memory_space<vmem>> -> memref<8x8x132xf32, #tpu.memory_space<vmem>>
        tpu.vector_store_idx %scatter3A_430[%shift_right_logical3A_403, %and3A_406, %add3A_42], %gather3A_354 : memref<8x8x132xf32, #tpu.memory_space<vmem>>[vector<16xi32>, vector<16xi32>, vector<16xi32>], vector<16xf32>,
        %scatter3A_431 = arith.constant 0 : i32
        %scatter3A_432 = arith.constant 0 : i32
        %scatter3A_433 = arith.constant 0 : i32
        %scatter3A_434 = tpu.memref_slice %arg10[%scan3A_192, %scatter3A_431, %scatter3A_432, %scatter3A_433] : memref<2x8x8x132xf32, #tpu.memory_space<vmem>> -> memref<1x8x8x132xf32, #tpu.memory_space<vmem>>
        %scatter3A_435 = tpu.memref_squeeze %scatter3A_434 : memref<1x8x8x132xf32, #tpu.memory_space<vmem>> -> memref<8x8x132xf32, #tpu.memory_space<vmem>>
        tpu.vector_store_idx %scatter3A_435[%shift_right_logical3A_403, %and3A_406, %add3A_45], %gather3A_356 : memref<8x8x132xf32, #tpu.memory_space<vmem>>[vector<16xi32>, vector<16xi32>, vector<16xi32>], vector<16xf32>,
        %scatter3A_436 = arith.constant 0 : i32
        %scatter3A_437 = arith.constant 0 : i32
        %scatter3A_438 = arith.constant 0 : i32
        %scatter3A_439 = tpu.memref_slice %arg10[%scan3A_192, %scatter3A_436, %scatter3A_437, %scatter3A_438] : memref<2x8x8x132xf32, #tpu.memory_space<vmem>> -> memref<1x8x8x132xf32, #tpu.memory_space<vmem>>
        %scatter3A_440 = tpu.memref_squeeze %scatter3A_439 : memref<1x8x8x132xf32, #tpu.memory_space<vmem>> -> memref<8x8x132xf32, #tpu.memory_space<vmem>>
        tpu.vector_store_idx %scatter3A_440[%shift_right_logical3A_403, %and3A_406, %add3A_48], %gather3A_358 : memref<8x8x132xf32, #tpu.memory_space<vmem>>[vector<16xi32>, vector<16xi32>, vector<16xi32>], vector<16xf32>,
        %scatter3A_441 = arith.constant 0 : i32
        %scatter3A_442 = arith.constant 0 : i32
        %scatter3A_443 = arith.constant 0 : i32
        %scatter3A_444 = tpu.memref_slice %arg10[%scan3A_192, %scatter3A_441, %scatter3A_442, %scatter3A_443] : memref<2x8x8x132xf32, #tpu.memory_space<vmem>> -> memref<1x8x8x132xf32, #tpu.memory_space<vmem>>
        %scatter3A_445 = tpu.memref_squeeze %scatter3A_444 : memref<1x8x8x132xf32, #tpu.memory_space<vmem>> -> memref<8x8x132xf32, #tpu.memory_space<vmem>>
        tpu.vector_store_idx %scatter3A_445[%shift_right_logical3A_403, %and3A_406, %add3A_51], %gather3A_360 : memref<8x8x132xf32, #tpu.memory_space<vmem>>[vector<16xi32>, vector<16xi32>, vector<16xi32>], vector<16xf32>,
        %add3A_446 = arith.constant 4 : i32
        %add3A_447 = vector.broadcast %add3A_446 : i32 to vector<16xi32>
        %add3A_448 = arith.addi %shift_right_logical3A_403, %add3A_447 : vector<16xi32>
        %scatter3A_449 = arith.constant 0 : i32
        %scatter3A_450 = arith.constant 0 : i32
        %scatter3A_451 = arith.constant 0 : i32
        %scatter3A_452 = tpu.memref_slice %arg10[%scan3A_192, %scatter3A_449, %scatter3A_450, %scatter3A_451] : memref<2x8x8x132xf32, #tpu.memory_space<vmem>> -> memref<1x8x8x132xf32, #tpu.memory_space<vmem>>
        %scatter3A_453 = tpu.memref_squeeze %scatter3A_452 : memref<1x8x8x132xf32, #tpu.memory_space<vmem>> -> memref<8x8x132xf32, #tpu.memory_space<vmem>>
        tpu.vector_store_idx %scatter3A_453[%add3A_448, %and3A_406, %add3A_30], %gather3A_361 : memref<8x8x132xf32, #tpu.memory_space<vmem>>[vector<16xi32>, vector<16xi32>, vector<16xi32>], vector<16xf32>,
        %scatter3A_454 = arith.constant 0 : i32
        %scatter3A_455 = arith.constant 0 : i32
        %scatter3A_456 = arith.constant 0 : i32
        %scatter3A_457 = tpu.memref_slice %arg10[%scan3A_192, %scatter3A_454, %scatter3A_455, %scatter3A_456] : memref<2x8x8x132xf32, #tpu.memory_space<vmem>> -> memref<1x8x8x132xf32, #tpu.memory_space<vmem>>
        %scatter3A_458 = tpu.memref_squeeze %scatter3A_457 : memref<1x8x8x132xf32, #tpu.memory_space<vmem>> -> memref<8x8x132xf32, #tpu.memory_space<vmem>>
        tpu.vector_store_idx %scatter3A_458[%add3A_448, %and3A_406, %add3A_33], %gather3A_362 : memref<8x8x132xf32, #tpu.memory_space<vmem>>[vector<16xi32>, vector<16xi32>, vector<16xi32>], vector<16xf32>,
        %scatter3A_459 = arith.constant 0 : i32
        %scatter3A_460 = arith.constant 0 : i32
        %scatter3A_461 = arith.constant 0 : i32
        %scatter3A_462 = tpu.memref_slice %arg10[%scan3A_192, %scatter3A_459, %scatter3A_460, %scatter3A_461] : memref<2x8x8x132xf32, #tpu.memory_space<vmem>> -> memref<1x8x8x132xf32, #tpu.memory_space<vmem>>
        %scatter3A_463 = tpu.memref_squeeze %scatter3A_462 : memref<1x8x8x132xf32, #tpu.memory_space<vmem>> -> memref<8x8x132xf32, #tpu.memory_space<vmem>>
        tpu.vector_store_idx %scatter3A_463[%add3A_448, %and3A_406, %add3A_36], %gather3A_363 : memref<8x8x132xf32, #tpu.memory_space<vmem>>[vector<16xi32>, vector<16xi32>, vector<16xi32>], vector<16xf32>,
        %scatter3A_464 = arith.constant 0 : i32
        %scatter3A_465 = arith.constant 0 : i32
        %scatter3A_466 = arith.constant 0 : i32
        %scatter3A_467 = tpu.memref_slice %arg10[%scan3A_192, %scatter3A_464, %scatter3A_465, %scatter3A_466] : memref<2x8x8x132xf32, #tpu.memory_space<vmem>> -> memref<1x8x8x132xf32, #tpu.memory_space<vmem>>
        %scatter3A_468 = tpu.memref_squeeze %scatter3A_467 : memref<1x8x8x132xf32, #tpu.memory_space<vmem>> -> memref<8x8x132xf32, #tpu.memory_space<vmem>>
        tpu.vector_store_idx %scatter3A_468[%add3A_448, %and3A_406, %add3A_39], %gather3A_364 : memref<8x8x132xf32, #tpu.memory_space<vmem>>[vector<16xi32>, vector<16xi32>, vector<16xi32>], vector<16xf32>,
        %scatter3A_469 = arith.constant 0 : i32
        %scatter3A_470 = arith.constant 0 : i32
        %scatter3A_471 = arith.constant 0 : i32
        %scatter3A_472 = tpu.memref_slice %arg10[%scan3A_192, %scatter3A_469, %scatter3A_470, %scatter3A_471] : memref<2x8x8x132xf32, #tpu.memory_space<vmem>> -> memref<1x8x8x132xf32, #tpu.memory_space<vmem>>
        %scatter3A_473 = tpu.memref_squeeze %scatter3A_472 : memref<1x8x8x132xf32, #tpu.memory_space<vmem>> -> memref<8x8x132xf32, #tpu.memory_space<vmem>>
        tpu.vector_store_idx %scatter3A_473[%add3A_448, %and3A_406, %add3A_42], %gather3A_365 : memref<8x8x132xf32, #tpu.memory_space<vmem>>[vector<16xi32>, vector<16xi32>, vector<16xi32>], vector<16xf32>,
        %scatter3A_474 = arith.constant 0 : i32
        %scatter3A_475 = arith.constant 0 : i32
        %scatter3A_476 = arith.constant 0 : i32
        %scatter3A_477 = tpu.memref_slice %arg10[%scan3A_192, %scatter3A_474, %scatter3A_475, %scatter3A_476] : memref<2x8x8x132xf32, #tpu.memory_space<vmem>> -> memref<1x8x8x132xf32, #tpu.memory_space<vmem>>
        %scatter3A_478 = tpu.memref_squeeze %scatter3A_477 : memref<1x8x8x132xf32, #tpu.memory_space<vmem>> -> memref<8x8x132xf32, #tpu.memory_space<vmem>>
        tpu.vector_store_idx %scatter3A_478[%add3A_448, %and3A_406, %add3A_45], %gather3A_366 : memref<8x8x132xf32, #tpu.memory_space<vmem>>[vector<16xi32>, vector<16xi32>, vector<16xi32>], vector<16xf32>,
        %scatter3A_479 = arith.constant 0 : i32
        %scatter3A_480 = arith.constant 0 : i32
        %scatter3A_481 = arith.constant 0 : i32
        %scatter3A_482 = tpu.memref_slice %arg10[%scan3A_192, %scatter3A_479, %scatter3A_480, %scatter3A_481] : memref<2x8x8x132xf32, #tpu.memory_space<vmem>> -> memref<1x8x8x132xf32, #tpu.memory_space<vmem>>
        %scatter3A_483 = tpu.memref_squeeze %scatter3A_482 : memref<1x8x8x132xf32, #tpu.memory_space<vmem>> -> memref<8x8x132xf32, #tpu.memory_space<vmem>>
        tpu.vector_store_idx %scatter3A_483[%add3A_448, %and3A_406, %add3A_48], %gather3A_367 : memref<8x8x132xf32, #tpu.memory_space<vmem>>[vector<16xi32>, vector<16xi32>, vector<16xi32>], vector<16xf32>,
        %scatter3A_484 = arith.constant 0 : i32
        %scatter3A_485 = arith.constant 0 : i32
        %scatter3A_486 = arith.constant 0 : i32
        %scatter3A_487 = tpu.memref_slice %arg10[%scan3A_192, %scatter3A_484, %scatter3A_485, %scatter3A_486] : memref<2x8x8x132xf32, #tpu.memory_space<vmem>> -> memref<1x8x8x132xf32, #tpu.memory_space<vmem>>
        %scatter3A_488 = tpu.memref_squeeze %scatter3A_487 : memref<1x8x8x132xf32, #tpu.memory_space<vmem>> -> memref<8x8x132xf32, #tpu.memory_space<vmem>>
        tpu.vector_store_idx %scatter3A_488[%add3A_448, %and3A_406, %add3A_51], %gather3A_368 : memref<8x8x132xf32, #tpu.memory_space<vmem>>[vector<16xi32>, vector<16xi32>, vector<16xi32>], vector<16xf32>,
        %mul3A_489 = arith.constant 8 : i32
        %mul3A_490 = arith.muli %scan3A_339, %mul3A_489 : i32
        %add3A_491 = arith.constant 2 : i32
        %add3A_492 = arith.addi %mul3A_490, %add3A_491 : i32
        %add3A_493 = vector.broadcast %add3A_492 : i32 to vector<16xi32>
        %add3A_494 = arith.addi %mul3A_27, %add3A_493 : vector<16xi32>
        %and3A_495 = arith.constant 31 : i32
        %and3A_496 = vector.broadcast %and3A_495 : i32 to vector<16xi32>
        %and3A_497 = arith.andi %add3A_494, %and3A_496 : vector<16xi32>
        %add3A_498 = arith.addi %mul3A_148, %and3A_497 : vector<16xi32>
        %gather3A_499 = tpu.vector_load_idx %arg7[%add3A_498] : memref<33000xf32, #tpu.memory_space<vmem>>[vector<16xi32>], vector<16xf32>,
        %add3A_500 = arith.addi %mul3A_154, %and3A_497 : vector<16xi32>
        %gather3A_501 = tpu.vector_load_idx %arg7[%add3A_500] : memref<33000xf32, #tpu.memory_space<vmem>>[vector<16xi32>], vector<16xf32>,
        %add3A_502 = arith.addi %mul3A_160, %and3A_497 : vector<16xi32>
        %gather3A_503 = tpu.vector_load_idx %arg7[%add3A_502] : memref<33000xf32, #tpu.memory_space<vmem>>[vector<16xi32>], vector<16xf32>,
        %add3A_504 = arith.addi %mul3A_166, %and3A_497 : vector<16xi32>
        %gather3A_505 = tpu.vector_load_idx %arg7[%add3A_504] : memref<33000xf32, #tpu.memory_space<vmem>>[vector<16xi32>], vector<16xf32>,
        %add3A_506 = arith.addi %mul3A_172, %and3A_497 : vector<16xi32>
        %gather3A_507 = tpu.vector_load_idx %arg7[%add3A_506] : memref<33000xf32, #tpu.memory_space<vmem>>[vector<16xi32>], vector<16xf32>,
        %add3A_508 = arith.addi %mul3A_178, %and3A_497 : vector<16xi32>
        %gather3A_509 = tpu.vector_load_idx %arg7[%add3A_508] : memref<33000xf32, #tpu.memory_space<vmem>>[vector<16xi32>], vector<16xf32>,
        %add3A_510 = arith.addi %mul3A_184, %and3A_497 : vector<16xi32>
        %gather3A_511 = tpu.vector_load_idx %arg7[%add3A_510] : memref<33000xf32, #tpu.memory_space<vmem>>[vector<16xi32>], vector<16xf32>,
        %add3A_512 = arith.addi %mul3A_190, %and3A_497 : vector<16xi32>
        %gather3A_513 = tpu.vector_load_idx %arg7[%add3A_512] : memref<33000xf32, #tpu.memory_space<vmem>>[vector<16xi32>], vector<16xf32>,
        %gather3A_514 = tpu.vector_load_idx %arg8[%add3A_30, %and3A_497] : memref<128x32xf32, #tpu.memory_space<vmem>>[vector<16xi32>, vector<16xi32>], vector<16xf32>,
        %gather3A_515 = tpu.vector_load_idx %arg8[%add3A_33, %and3A_497] : memref<128x32xf32, #tpu.memory_space<vmem>>[vector<16xi32>, vector<16xi32>], vector<16xf32>,
        %gather3A_516 = tpu.vector_load_idx %arg8[%add3A_36, %and3A_497] : memref<128x32xf32, #tpu.memory_space<vmem>>[vector<16xi32>, vector<16xi32>], vector<16xf32>,
        %gather3A_517 = tpu.vector_load_idx %arg8[%add3A_39, %and3A_497] : memref<128x32xf32, #tpu.memory_space<vmem>>[vector<16xi32>, vector<16xi32>], vector<16xf32>,
        %gather3A_518 = tpu.vector_load_idx %arg8[%add3A_42, %and3A_497] : memref<128x32xf32, #tpu.memory_space<vmem>>[vector<16xi32>, vector<16xi32>], vector<16xf32>,
        %gather3A_519 = tpu.vector_load_idx %arg8[%add3A_45, %and3A_497] : memref<128x32xf32, #tpu.memory_space<vmem>>[vector<16xi32>, vector<16xi32>], vector<16xf32>,
        %gather3A_520 = tpu.vector_load_idx %arg8[%add3A_48, %and3A_497] : memref<128x32xf32, #tpu.memory_space<vmem>>[vector<16xi32>, vector<16xi32>], vector<16xf32>,
        %gather3A_521 = tpu.vector_load_idx %arg8[%add3A_51, %and3A_497] : memref<128x32xf32, #tpu.memory_space<vmem>>[vector<16xi32>, vector<16xi32>], vector<16xf32>,
        %shift_right_logical3A_522 = arith.constant 3 : i32
        %shift_right_logical3A_523 = vector.broadcast %shift_right_logical3A_522 : i32 to vector<16xi32>
        %shift_right_logical3A_524 = arith.shrui %and3A_377, %shift_right_logical3A_523 : vector<16xi32>
        %and3A_525 = arith.constant 7 : i32
        %and3A_526 = vector.broadcast %and3A_525 : i32 to vector<16xi32>
        %and3A_527 = arith.andi %and3A_377, %and3A_526 : vector<16xi32>
        %scatter3A_528 = arith.constant 0 : i32
        %scatter3A_529 = arith.constant 0 : i32
        %scatter3A_530 = arith.constant 0 : i32
        %scatter3A_531 = tpu.memref_slice %arg10[%scan3A_192, %scatter3A_528, %scatter3A_529, %scatter3A_530] : memref<2x8x8x132xf32, #tpu.memory_space<vmem>> -> memref<1x8x8x132xf32, #tpu.memory_space<vmem>>
        %scatter3A_532 = tpu.memref_squeeze %scatter3A_531 : memref<1x8x8x132xf32, #tpu.memory_space<vmem>> -> memref<8x8x132xf32, #tpu.memory_space<vmem>>
        tpu.vector_store_idx %scatter3A_532[%shift_right_logical3A_524, %and3A_527, %add3A_30], %gather3A_379 : memref<8x8x132xf32, #tpu.memory_space<vmem>>[vector<16xi32>, vector<16xi32>, vector<16xi32>], vector<16xf32>,
        %scatter3A_533 = arith.constant 0 : i32
        %scatter3A_534 = arith.constant 0 : i32
        %scatter3A_535 = arith.constant 0 : i32
        %scatter3A_536 = tpu.memref_slice %arg10[%scan3A_192, %scatter3A_533, %scatter3A_534, %scatter3A_535] : memref<2x8x8x132xf32, #tpu.memory_space<vmem>> -> memref<1x8x8x132xf32, #tpu.memory_space<vmem>>
        %scatter3A_537 = tpu.memref_squeeze %scatter3A_536 : memref<1x8x8x132xf32, #tpu.memory_space<vmem>> -> memref<8x8x132xf32, #tpu.memory_space<vmem>>
        tpu.vector_store_idx %scatter3A_537[%shift_right_logical3A_524, %and3A_527, %add3A_33], %gather3A_381 : memref<8x8x132xf32, #tpu.memory_space<vmem>>[vector<16xi32>, vector<16xi32>, vector<16xi32>], vector<16xf32>,
        %scatter3A_538 = arith.constant 0 : i32
        %scatter3A_539 = arith.constant 0 : i32
        %scatter3A_540 = arith.constant 0 : i32
        %scatter3A_541 = tpu.memref_slice %arg10[%scan3A_192, %scatter3A_538, %scatter3A_539, %scatter3A_540] : memref<2x8x8x132xf32, #tpu.memory_space<vmem>> -> memref<1x8x8x132xf32, #tpu.memory_space<vmem>>
        %scatter3A_542 = tpu.memref_squeeze %scatter3A_541 : memref<1x8x8x132xf32, #tpu.memory_space<vmem>> -> memref<8x8x132xf32, #tpu.memory_space<vmem>>
        tpu.vector_store_idx %scatter3A_542[%shift_right_logical3A_524, %and3A_527, %add3A_36], %gather3A_383 : memref<8x8x132xf32, #tpu.memory_space<vmem>>[vector<16xi32>, vector<16xi32>, vector<16xi32>], vector<16xf32>,
        %scatter3A_543 = arith.constant 0 : i32
        %scatter3A_544 = arith.constant 0 : i32
        %scatter3A_545 = arith.constant 0 : i32
        %scatter3A_546 = tpu.memref_slice %arg10[%scan3A_192, %scatter3A_543, %scatter3A_544, %scatter3A_545] : memref<2x8x8x132xf32, #tpu.memory_space<vmem>> -> memref<1x8x8x132xf32, #tpu.memory_space<vmem>>
        %scatter3A_547 = tpu.memref_squeeze %scatter3A_546 : memref<1x8x8x132xf32, #tpu.memory_space<vmem>> -> memref<8x8x132xf32, #tpu.memory_space<vmem>>
        tpu.vector_store_idx %scatter3A_547[%shift_right_logical3A_524, %and3A_527, %add3A_39], %gather3A_385 : memref<8x8x132xf32, #tpu.memory_space<vmem>>[vector<16xi32>, vector<16xi32>, vector<16xi32>], vector<16xf32>,
        %scatter3A_548 = arith.constant 0 : i32
        %scatter3A_549 = arith.constant 0 : i32
        %scatter3A_550 = arith.constant 0 : i32
        %scatter3A_551 = tpu.memref_slice %arg10[%scan3A_192, %scatter3A_548, %scatter3A_549, %scatter3A_550] : memref<2x8x8x132xf32, #tpu.memory_space<vmem>> -> memref<1x8x8x132xf32, #tpu.memory_space<vmem>>
        %scatter3A_552 = tpu.memref_squeeze %scatter3A_551 : memref<1x8x8x132xf32, #tpu.memory_space<vmem>> -> memref<8x8x132xf32, #tpu.memory_space<vmem>>
        tpu.vector_store_idx %scatter3A_552[%shift_right_logical3A_524, %and3A_527, %add3A_42], %gather3A_387 : memref<8x8x132xf32, #tpu.memory_space<vmem>>[vector<16xi32>, vector<16xi32>, vector<16xi32>], vector<16xf32>,
        %scatter3A_553 = arith.constant 0 : i32
        %scatter3A_554 = arith.constant 0 : i32
        %scatter3A_555 = arith.constant 0 : i32
        %scatter3A_556 = tpu.memref_slice %arg10[%scan3A_192, %scatter3A_553, %scatter3A_554, %scatter3A_555] : memref<2x8x8x132xf32, #tpu.memory_space<vmem>> -> memref<1x8x8x132xf32, #tpu.memory_space<vmem>>
        %scatter3A_557 = tpu.memref_squeeze %scatter3A_556 : memref<1x8x8x132xf32, #tpu.memory_space<vmem>> -> memref<8x8x132xf32, #tpu.memory_space<vmem>>
        tpu.vector_store_idx %scatter3A_557[%shift_right_logical3A_524, %and3A_527, %add3A_45], %gather3A_389 : memref<8x8x132xf32, #tpu.memory_space<vmem>>[vector<16xi32>, vector<16xi32>, vector<16xi32>], vector<16xf32>,
        %scatter3A_558 = arith.constant 0 : i32
        %scatter3A_559 = arith.constant 0 : i32
        %scatter3A_560 = arith.constant 0 : i32
        %scatter3A_561 = tpu.memref_slice %arg10[%scan3A_192, %scatter3A_558, %scatter3A_559, %scatter3A_560] : memref<2x8x8x132xf32, #tpu.memory_space<vmem>> -> memref<1x8x8x132xf32, #tpu.memory_space<vmem>>
        %scatter3A_562 = tpu.memref_squeeze %scatter3A_561 : memref<1x8x8x132xf32, #tpu.memory_space<vmem>> -> memref<8x8x132xf32, #tpu.memory_space<vmem>>
        tpu.vector_store_idx %scatter3A_562[%shift_right_logical3A_524, %and3A_527, %add3A_48], %gather3A_391 : memref<8x8x132xf32, #tpu.memory_space<vmem>>[vector<16xi32>, vector<16xi32>, vector<16xi32>], vector<16xf32>,
        %scatter3A_563 = arith.constant 0 : i32
        %scatter3A_564 = arith.constant 0 : i32
        %scatter3A_565 = arith.constant 0 : i32
        %scatter3A_566 = tpu.memref_slice %arg10[%scan3A_192, %scatter3A_563, %scatter3A_564, %scatter3A_565] : memref<2x8x8x132xf32, #tpu.memory_space<vmem>> -> memref<1x8x8x132xf32, #tpu.memory_space<vmem>>
        %scatter3A_567 = tpu.memref_squeeze %scatter3A_566 : memref<1x8x8x132xf32, #tpu.memory_space<vmem>> -> memref<8x8x132xf32, #tpu.memory_space<vmem>>
        tpu.vector_store_idx %scatter3A_567[%shift_right_logical3A_524, %and3A_527, %add3A_51], %gather3A_393 : memref<8x8x132xf32, #tpu.memory_space<vmem>>[vector<16xi32>, vector<16xi32>, vector<16xi32>], vector<16xf32>,
        %add3A_568 = arith.constant 4 : i32
        %add3A_569 = vector.broadcast %add3A_568 : i32 to vector<16xi32>
        %add3A_570 = arith.addi %shift_right_logical3A_524, %add3A_569 : vector<16xi32>
        %scatter3A_571 = arith.constant 0 : i32
        %scatter3A_572 = arith.constant 0 : i32
        %scatter3A_573 = arith.constant 0 : i32
        %scatter3A_574 = tpu.memref_slice %arg10[%scan3A_192, %scatter3A_571, %scatter3A_572, %scatter3A_573] : memref<2x8x8x132xf32, #tpu.memory_space<vmem>> -> memref<1x8x8x132xf32, #tpu.memory_space<vmem>>
        %scatter3A_575 = tpu.memref_squeeze %scatter3A_574 : memref<1x8x8x132xf32, #tpu.memory_space<vmem>> -> memref<8x8x132xf32, #tpu.memory_space<vmem>>
        tpu.vector_store_idx %scatter3A_575[%add3A_570, %and3A_527, %add3A_30], %gather3A_394 : memref<8x8x132xf32, #tpu.memory_space<vmem>>[vector<16xi32>, vector<16xi32>, vector<16xi32>], vector<16xf32>,
        %scatter3A_576 = arith.constant 0 : i32
        %scatter3A_577 = arith.constant 0 : i32
        %scatter3A_578 = arith.constant 0 : i32
        %scatter3A_579 = tpu.memref_slice %arg10[%scan3A_192, %scatter3A_576, %scatter3A_577, %scatter3A_578] : memref<2x8x8x132xf32, #tpu.memory_space<vmem>> -> memref<1x8x8x132xf32, #tpu.memory_space<vmem>>
        %scatter3A_580 = tpu.memref_squeeze %scatter3A_579 : memref<1x8x8x132xf32, #tpu.memory_space<vmem>> -> memref<8x8x132xf32, #tpu.memory_space<vmem>>
        tpu.vector_store_idx %scatter3A_580[%add3A_570, %and3A_527, %add3A_33], %gather3A_395 : memref<8x8x132xf32, #tpu.memory_space<vmem>>[vector<16xi32>, vector<16xi32>, vector<16xi32>], vector<16xf32>,
        %scatter3A_581 = arith.constant 0 : i32
        %scatter3A_582 = arith.constant 0 : i32
        %scatter3A_583 = arith.constant 0 : i32
        %scatter3A_584 = tpu.memref_slice %arg10[%scan3A_192, %scatter3A_581, %scatter3A_582, %scatter3A_583] : memref<2x8x8x132xf32, #tpu.memory_space<vmem>> -> memref<1x8x8x132xf32, #tpu.memory_space<vmem>>
        %scatter3A_585 = tpu.memref_squeeze %scatter3A_584 : memref<1x8x8x132xf32, #tpu.memory_space<vmem>> -> memref<8x8x132xf32, #tpu.memory_space<vmem>>
        tpu.vector_store_idx %scatter3A_585[%add3A_570, %and3A_527, %add3A_36], %gather3A_396 : memref<8x8x132xf32, #tpu.memory_space<vmem>>[vector<16xi32>, vector<16xi32>, vector<16xi32>], vector<16xf32>,
        %scatter3A_586 = arith.constant 0 : i32
        %scatter3A_587 = arith.constant 0 : i32
        %scatter3A_588 = arith.constant 0 : i32
        %scatter3A_589 = tpu.memref_slice %arg10[%scan3A_192, %scatter3A_586, %scatter3A_587, %scatter3A_588] : memref<2x8x8x132xf32, #tpu.memory_space<vmem>> -> memref<1x8x8x132xf32, #tpu.memory_space<vmem>>
        %scatter3A_590 = tpu.memref_squeeze %scatter3A_589 : memref<1x8x8x132xf32, #tpu.memory_space<vmem>> -> memref<8x8x132xf32, #tpu.memory_space<vmem>>
        tpu.vector_store_idx %scatter3A_590[%add3A_570, %and3A_527, %add3A_39], %gather3A_397 : memref<8x8x132xf32, #tpu.memory_space<vmem>>[vector<16xi32>, vector<16xi32>, vector<16xi32>], vector<16xf32>,
        %scatter3A_591 = arith.constant 0 : i32
        %scatter3A_592 = arith.constant 0 : i32
        %scatter3A_593 = arith.constant 0 : i32
        %scatter3A_594 = tpu.memref_slice %arg10[%scan3A_192, %scatter3A_591, %scatter3A_592, %scatter3A_593] : memref<2x8x8x132xf32, #tpu.memory_space<vmem>> -> memref<1x8x8x132xf32, #tpu.memory_space<vmem>>
        %scatter3A_595 = tpu.memref_squeeze %scatter3A_594 : memref<1x8x8x132xf32, #tpu.memory_space<vmem>> -> memref<8x8x132xf32, #tpu.memory_space<vmem>>
        tpu.vector_store_idx %scatter3A_595[%add3A_570, %and3A_527, %add3A_42], %gather3A_398 : memref<8x8x132xf32, #tpu.memory_space<vmem>>[vector<16xi32>, vector<16xi32>, vector<16xi32>], vector<16xf32>,
        %scatter3A_596 = arith.constant 0 : i32
        %scatter3A_597 = arith.constant 0 : i32
        %scatter3A_598 = arith.constant 0 : i32
        %scatter3A_599 = tpu.memref_slice %arg10[%scan3A_192, %scatter3A_596, %scatter3A_597, %scatter3A_598] : memref<2x8x8x132xf32, #tpu.memory_space<vmem>> -> memref<1x8x8x132xf32, #tpu.memory_space<vmem>>
        %scatter3A_600 = tpu.memref_squeeze %scatter3A_599 : memref<1x8x8x132xf32, #tpu.memory_space<vmem>> -> memref<8x8x132xf32, #tpu.memory_space<vmem>>
        tpu.vector_store_idx %scatter3A_600[%add3A_570, %and3A_527, %add3A_45], %gather3A_399 : memref<8x8x132xf32, #tpu.memory_space<vmem>>[vector<16xi32>, vector<16xi32>, vector<16xi32>], vector<16xf32>,
        %scatter3A_601 = arith.constant 0 : i32
        %scatter3A_602 = arith.constant 0 : i32
        %scatter3A_603 = arith.constant 0 : i32
        %scatter3A_604 = tpu.memref_slice %arg10[%scan3A_192, %scatter3A_601, %scatter3A_602, %scatter3A_603] : memref<2x8x8x132xf32, #tpu.memory_space<vmem>> -> memref<1x8x8x132xf32, #tpu.memory_space<vmem>>
        %scatter3A_605 = tpu.memref_squeeze %scatter3A_604 : memref<1x8x8x132xf32, #tpu.memory_space<vmem>> -> memref<8x8x132xf32, #tpu.memory_space<vmem>>
        tpu.vector_store_idx %scatter3A_605[%add3A_570, %and3A_527, %add3A_48], %gather3A_400 : memref<8x8x132xf32, #tpu.memory_space<vmem>>[vector<16xi32>, vector<16xi32>, vector<16xi32>], vector<16xf32>,
        %scatter3A_606 = arith.constant 0 : i32
        %scatter3A_607 = arith.constant 0 : i32
        %scatter3A_608 = arith.constant 0 : i32
        %scatter3A_609 = tpu.memref_slice %arg10[%scan3A_192, %scatter3A_606, %scatter3A_607, %scatter3A_608] : memref<2x8x8x132xf32, #tpu.memory_space<vmem>> -> memref<1x8x8x132xf32, #tpu.memory_space<vmem>>
        %scatter3A_610 = tpu.memref_squeeze %scatter3A_609 : memref<1x8x8x132xf32, #tpu.memory_space<vmem>> -> memref<8x8x132xf32, #tpu.memory_space<vmem>>
        tpu.vector_store_idx %scatter3A_610[%add3A_570, %and3A_527, %add3A_51], %gather3A_401 : memref<8x8x132xf32, #tpu.memory_space<vmem>>[vector<16xi32>, vector<16xi32>, vector<16xi32>], vector<16xf32>,
        %mul3A_611 = arith.constant 8 : i32
        %mul3A_612 = arith.muli %scan3A_339, %mul3A_611 : i32
        %add3A_613 = arith.constant 3 : i32
        %add3A_614 = arith.addi %mul3A_612, %add3A_613 : i32
        %add3A_615 = vector.broadcast %add3A_614 : i32 to vector<16xi32>
        %add3A_616 = arith.addi %mul3A_27, %add3A_615 : vector<16xi32>
        %and3A_617 = arith.constant 31 : i32
        %and3A_618 = vector.broadcast %and3A_617 : i32 to vector<16xi32>
        %and3A_619 = arith.andi %add3A_616, %and3A_618 : vector<16xi32>
        %add3A_620 = arith.addi %mul3A_148, %and3A_619 : vector<16xi32>
        %gather3A_621 = tpu.vector_load_idx %arg7[%add3A_620] : memref<33000xf32, #tpu.memory_space<vmem>>[vector<16xi32>], vector<16xf32>,
        %add3A_622 = arith.addi %mul3A_154, %and3A_619 : vector<16xi32>
        %gather3A_623 = tpu.vector_load_idx %arg7[%add3A_622] : memref<33000xf32, #tpu.memory_space<vmem>>[vector<16xi32>], vector<16xf32>,
        %add3A_624 = arith.addi %mul3A_160, %and3A_619 : vector<16xi32>
        %gather3A_625 = tpu.vector_load_idx %arg7[%add3A_624] : memref<33000xf32, #tpu.memory_space<vmem>>[vector<16xi32>], vector<16xf32>,
        %add3A_626 = arith.addi %mul3A_166, %and3A_619 : vector<16xi32>
        %gather3A_627 = tpu.vector_load_idx %arg7[%add3A_626] : memref<33000xf32, #tpu.memory_space<vmem>>[vector<16xi32>], vector<16xf32>,
        %add3A_628 = arith.addi %mul3A_172, %and3A_619 : vector<16xi32>
        %gather3A_629 = tpu.vector_load_idx %arg7[%add3A_628] : memref<33000xf32, #tpu.memory_space<vmem>>[vector<16xi32>], vector<16xf32>,
        %add3A_630 = arith.addi %mul3A_178, %and3A_619 : vector<16xi32>
        %gather3A_631 = tpu.vector_load_idx %arg7[%add3A_630] : memref<33000xf32, #tpu.memory_space<vmem>>[vector<16xi32>], vector<16xf32>,
        %add3A_632 = arith.addi %mul3A_184, %and3A_619 : vector<16xi32>
        %gather3A_633 = tpu.vector_load_idx %arg7[%add3A_632] : memref<33000xf32, #tpu.memory_space<vmem>>[vector<16xi32>], vector<16xf32>,
        %add3A_634 = arith.addi %mul3A_190, %and3A_619 : vector<16xi32>
        %gather3A_635 = tpu.vector_load_idx %arg7[%add3A_634] : memref<33000xf32, #tpu.memory_space<vmem>>[vector<16xi32>], vector<16xf32>,
        %gather3A_636 = tpu.vector_load_idx %arg8[%add3A_30, %and3A_619] : memref<128x32xf32, #tpu.memory_space<vmem>>[vector<16xi32>, vector<16xi32>], vector<16xf32>,
        %gather3A_637 = tpu.vector_load_idx %arg8[%add3A_33, %and3A_619] : memref<128x32xf32, #tpu.memory_space<vmem>>[vector<16xi32>, vector<16xi32>], vector<16xf32>,
        %gather3A_638 = tpu.vector_load_idx %arg8[%add3A_36, %and3A_619] : memref<128x32xf32, #tpu.memory_space<vmem>>[vector<16xi32>, vector<16xi32>], vector<16xf32>,
        %gather3A_639 = tpu.vector_load_idx %arg8[%add3A_39, %and3A_619] : memref<128x32xf32, #tpu.memory_space<vmem>>[vector<16xi32>, vector<16xi32>], vector<16xf32>,
        %gather3A_640 = tpu.vector_load_idx %arg8[%add3A_42, %and3A_619] : memref<128x32xf32, #tpu.memory_space<vmem>>[vector<16xi32>, vector<16xi32>], vector<16xf32>,
        %gather3A_641 = tpu.vector_load_idx %arg8[%add3A_45, %and3A_619] : memref<128x32xf32, #tpu.memory_space<vmem>>[vector<16xi32>, vector<16xi32>], vector<16xf32>,
        %gather3A_642 = tpu.vector_load_idx %arg8[%add3A_48, %and3A_619] : memref<128x32xf32, #tpu.memory_space<vmem>>[vector<16xi32>, vector<16xi32>], vector<16xf32>,
        %gather3A_643 = tpu.vector_load_idx %arg8[%add3A_51, %and3A_619] : memref<128x32xf32, #tpu.memory_space<vmem>>[vector<16xi32>, vector<16xi32>], vector<16xf32>,
        %shift_right_logical3A_644 = arith.constant 3 : i32
        %shift_right_logical3A_645 = vector.broadcast %shift_right_logical3A_644 : i32 to vector<16xi32>
        %shift_right_logical3A_646 = arith.shrui %and3A_497, %shift_right_logical3A_645 : vector<16xi32>
        %and3A_647 = arith.constant 7 : i32
        %and3A_648 = vector.broadcast %and3A_647 : i32 to vector<16xi32>
        %and3A_649 = arith.andi %and3A_497, %and3A_648 : vector<16xi32>
        %scatter3A_650 = arith.constant 0 : i32
        %scatter3A_651 = arith.constant 0 : i32
        %scatter3A_652 = arith.constant 0 : i32
        %scatter3A_653 = tpu.memref_slice %arg10[%scan3A_192, %scatter3A_650, %scatter3A_651, %scatter3A_652] : memref<2x8x8x132xf32, #tpu.memory_space<vmem>> -> memref<1x8x8x132xf32, #tpu.memory_space<vmem>>
        %scatter3A_654 = tpu.memref_squeeze %scatter3A_653 : memref<1x8x8x132xf32, #tpu.memory_space<vmem>> -> memref<8x8x132xf32, #tpu.memory_space<vmem>>
        tpu.vector_store_idx %scatter3A_654[%shift_right_logical3A_646, %and3A_649, %add3A_30], %gather3A_499 : memref<8x8x132xf32, #tpu.memory_space<vmem>>[vector<16xi32>, vector<16xi32>, vector<16xi32>], vector<16xf32>,
        %scatter3A_655 = arith.constant 0 : i32
        %scatter3A_656 = arith.constant 0 : i32
        %scatter3A_657 = arith.constant 0 : i32
        %scatter3A_658 = tpu.memref_slice %arg10[%scan3A_192, %scatter3A_655, %scatter3A_656, %scatter3A_657] : memref<2x8x8x132xf32, #tpu.memory_space<vmem>> -> memref<1x8x8x132xf32, #tpu.memory_space<vmem>>
        %scatter3A_659 = tpu.memref_squeeze %scatter3A_658 : memref<1x8x8x132xf32, #tpu.memory_space<vmem>> -> memref<8x8x132xf32, #tpu.memory_space<vmem>>
        tpu.vector_store_idx %scatter3A_659[%shift_right_logical3A_646, %and3A_649, %add3A_33], %gather3A_501 : memref<8x8x132xf32, #tpu.memory_space<vmem>>[vector<16xi32>, vector<16xi32>, vector<16xi32>], vector<16xf32>,
        %scatter3A_660 = arith.constant 0 : i32
        %scatter3A_661 = arith.constant 0 : i32
        %scatter3A_662 = arith.constant 0 : i32
        %scatter3A_663 = tpu.memref_slice %arg10[%scan3A_192, %scatter3A_660, %scatter3A_661, %scatter3A_662] : memref<2x8x8x132xf32, #tpu.memory_space<vmem>> -> memref<1x8x8x132xf32, #tpu.memory_space<vmem>>
        %scatter3A_664 = tpu.memref_squeeze %scatter3A_663 : memref<1x8x8x132xf32, #tpu.memory_space<vmem>> -> memref<8x8x132xf32, #tpu.memory_space<vmem>>
        tpu.vector_store_idx %scatter3A_664[%shift_right_logical3A_646, %and3A_649, %add3A_36], %gather3A_503 : memref<8x8x132xf32, #tpu.memory_space<vmem>>[vector<16xi32>, vector<16xi32>, vector<16xi32>], vector<16xf32>,
        %scatter3A_665 = arith.constant 0 : i32
        %scatter3A_666 = arith.constant 0 : i32
        %scatter3A_667 = arith.constant 0 : i32
        %scatter3A_668 = tpu.memref_slice %arg10[%scan3A_192, %scatter3A_665, %scatter3A_666, %scatter3A_667] : memref<2x8x8x132xf32, #tpu.memory_space<vmem>> -> memref<1x8x8x132xf32, #tpu.memory_space<vmem>>
        %scatter3A_669 = tpu.memref_squeeze %scatter3A_668 : memref<1x8x8x132xf32, #tpu.memory_space<vmem>> -> memref<8x8x132xf32, #tpu.memory_space<vmem>>
        tpu.vector_store_idx %scatter3A_669[%shift_right_logical3A_646, %and3A_649, %add3A_39], %gather3A_505 : memref<8x8x132xf32, #tpu.memory_space<vmem>>[vector<16xi32>, vector<16xi32>, vector<16xi32>], vector<16xf32>,
        %scatter3A_670 = arith.constant 0 : i32
        %scatter3A_671 = arith.constant 0 : i32
        %scatter3A_672 = arith.constant 0 : i32
        %scatter3A_673 = tpu.memref_slice %arg10[%scan3A_192, %scatter3A_670, %scatter3A_671, %scatter3A_672] : memref<2x8x8x132xf32, #tpu.memory_space<vmem>> -> memref<1x8x8x132xf32, #tpu.memory_space<vmem>>
        %scatter3A_674 = tpu.memref_squeeze %scatter3A_673 : memref<1x8x8x132xf32, #tpu.memory_space<vmem>> -> memref<8x8x132xf32, #tpu.memory_space<vmem>>
        tpu.vector_store_idx %scatter3A_674[%shift_right_logical3A_646, %and3A_649, %add3A_42], %gather3A_507 : memref<8x8x132xf32, #tpu.memory_space<vmem>>[vector<16xi32>, vector<16xi32>, vector<16xi32>], vector<16xf32>,
        %scatter3A_675 = arith.constant 0 : i32
        %scatter3A_676 = arith.constant 0 : i32
        %scatter3A_677 = arith.constant 0 : i32
        %scatter3A_678 = tpu.memref_slice %arg10[%scan3A_192, %scatter3A_675, %scatter3A_676, %scatter3A_677] : memref<2x8x8x132xf32, #tpu.memory_space<vmem>> -> memref<1x8x8x132xf32, #tpu.memory_space<vmem>>
        %scatter3A_679 = tpu.memref_squeeze %scatter3A_678 : memref<1x8x8x132xf32, #tpu.memory_space<vmem>> -> memref<8x8x132xf32, #tpu.memory_space<vmem>>
        tpu.vector_store_idx %scatter3A_679[%shift_right_logical3A_646, %and3A_649, %add3A_45], %gather3A_509 : memref<8x8x132xf32, #tpu.memory_space<vmem>>[vector<16xi32>, vector<16xi32>, vector<16xi32>], vector<16xf32>,
        %scatter3A_680 = arith.constant 0 : i32
        %scatter3A_681 = arith.constant 0 : i32
        %scatter3A_682 = arith.constant 0 : i32
        %scatter3A_683 = tpu.memref_slice %arg10[%scan3A_192, %scatter3A_680, %scatter3A_681, %scatter3A_682] : memref<2x8x8x132xf32, #tpu.memory_space<vmem>> -> memref<1x8x8x132xf32, #tpu.memory_space<vmem>>
        %scatter3A_684 = tpu.memref_squeeze %scatter3A_683 : memref<1x8x8x132xf32, #tpu.memory_space<vmem>> -> memref<8x8x132xf32, #tpu.memory_space<vmem>>
        tpu.vector_store_idx %scatter3A_684[%shift_right_logical3A_646, %and3A_649, %add3A_48], %gather3A_511 : memref<8x8x132xf32, #tpu.memory_space<vmem>>[vector<16xi32>, vector<16xi32>, vector<16xi32>], vector<16xf32>,
        %scatter3A_685 = arith.constant 0 : i32
        %scatter3A_686 = arith.constant 0 : i32
        %scatter3A_687 = arith.constant 0 : i32
        %scatter3A_688 = tpu.memref_slice %arg10[%scan3A_192, %scatter3A_685, %scatter3A_686, %scatter3A_687] : memref<2x8x8x132xf32, #tpu.memory_space<vmem>> -> memref<1x8x8x132xf32, #tpu.memory_space<vmem>>
        %scatter3A_689 = tpu.memref_squeeze %scatter3A_688 : memref<1x8x8x132xf32, #tpu.memory_space<vmem>> -> memref<8x8x132xf32, #tpu.memory_space<vmem>>
        tpu.vector_store_idx %scatter3A_689[%shift_right_logical3A_646, %and3A_649, %add3A_51], %gather3A_513 : memref<8x8x132xf32, #tpu.memory_space<vmem>>[vector<16xi32>, vector<16xi32>, vector<16xi32>], vector<16xf32>,
        %add3A_690 = arith.constant 4 : i32
        %add3A_691 = vector.broadcast %add3A_690 : i32 to vector<16xi32>
        %add3A_692 = arith.addi %shift_right_logical3A_646, %add3A_691 : vector<16xi32>
        %scatter3A_693 = arith.constant 0 : i32
        %scatter3A_694 = arith.constant 0 : i32
        %scatter3A_695 = arith.constant 0 : i32
        %scatter3A_696 = tpu.memref_slice %arg10[%scan3A_192, %scatter3A_693, %scatter3A_694, %scatter3A_695] : memref<2x8x8x132xf32, #tpu.memory_space<vmem>> -> memref<1x8x8x132xf32, #tpu.memory_space<vmem>>
        %scatter3A_697 = tpu.memref_squeeze %scatter3A_696 : memref<1x8x8x132xf32, #tpu.memory_space<vmem>> -> memref<8x8x132xf32, #tpu.memory_space<vmem>>
        tpu.vector_store_idx %scatter3A_697[%add3A_692, %and3A_649, %add3A_30], %gather3A_514 : memref<8x8x132xf32, #tpu.memory_space<vmem>>[vector<16xi32>, vector<16xi32>, vector<16xi32>], vector<16xf32>,
        %scatter3A_698 = arith.constant 0 : i32
        %scatter3A_699 = arith.constant 0 : i32
        %scatter3A_700 = arith.constant 0 : i32
        %scatter3A_701 = tpu.memref_slice %arg10[%scan3A_192, %scatter3A_698, %scatter3A_699, %scatter3A_700] : memref<2x8x8x132xf32, #tpu.memory_space<vmem>> -> memref<1x8x8x132xf32, #tpu.memory_space<vmem>>
        %scatter3A_702 = tpu.memref_squeeze %scatter3A_701 : memref<1x8x8x132xf32, #tpu.memory_space<vmem>> -> memref<8x8x132xf32, #tpu.memory_space<vmem>>
        tpu.vector_store_idx %scatter3A_702[%add3A_692, %and3A_649, %add3A_33], %gather3A_515 : memref<8x8x132xf32, #tpu.memory_space<vmem>>[vector<16xi32>, vector<16xi32>, vector<16xi32>], vector<16xf32>,
        %scatter3A_703 = arith.constant 0 : i32
        %scatter3A_704 = arith.constant 0 : i32
        %scatter3A_705 = arith.constant 0 : i32
        %scatter3A_706 = tpu.memref_slice %arg10[%scan3A_192, %scatter3A_703, %scatter3A_704, %scatter3A_705] : memref<2x8x8x132xf32, #tpu.memory_space<vmem>> -> memref<1x8x8x132xf32, #tpu.memory_space<vmem>>
        %scatter3A_707 = tpu.memref_squeeze %scatter3A_706 : memref<1x8x8x132xf32, #tpu.memory_space<vmem>> -> memref<8x8x132xf32, #tpu.memory_space<vmem>>
        tpu.vector_store_idx %scatter3A_707[%add3A_692, %and3A_649, %add3A_36], %gather3A_516 : memref<8x8x132xf32, #tpu.memory_space<vmem>>[vector<16xi32>, vector<16xi32>, vector<16xi32>], vector<16xf32>,
        %scatter3A_708 = arith.constant 0 : i32
        %scatter3A_709 = arith.constant 0 : i32
        %scatter3A_710 = arith.constant 0 : i32
        %scatter3A_711 = tpu.memref_slice %arg10[%scan3A_192, %scatter3A_708, %scatter3A_709, %scatter3A_710] : memref<2x8x8x132xf32, #tpu.memory_space<vmem>> -> memref<1x8x8x132xf32, #tpu.memory_space<vmem>>
        %scatter3A_712 = tpu.memref_squeeze %scatter3A_711 : memref<1x8x8x132xf32, #tpu.memory_space<vmem>> -> memref<8x8x132xf32, #tpu.memory_space<vmem>>
        tpu.vector_store_idx %scatter3A_712[%add3A_692, %and3A_649, %add3A_39], %gather3A_517 : memref<8x8x132xf32, #tpu.memory_space<vmem>>[vector<16xi32>, vector<16xi32>, vector<16xi32>], vector<16xf32>,
        %scatter3A_713 = arith.constant 0 : i32
        %scatter3A_714 = arith.constant 0 : i32
        %scatter3A_715 = arith.constant 0 : i32
        %scatter3A_716 = tpu.memref_slice %arg10[%scan3A_192, %scatter3A_713, %scatter3A_714, %scatter3A_715] : memref<2x8x8x132xf32, #tpu.memory_space<vmem>> -> memref<1x8x8x132xf32, #tpu.memory_space<vmem>>
        %scatter3A_717 = tpu.memref_squeeze %scatter3A_716 : memref<1x8x8x132xf32, #tpu.memory_space<vmem>> -> memref<8x8x132xf32, #tpu.memory_space<vmem>>
        tpu.vector_store_idx %scatter3A_717[%add3A_692, %and3A_649, %add3A_42], %gather3A_518 : memref<8x8x132xf32, #tpu.memory_space<vmem>>[vector<16xi32>, vector<16xi32>, vector<16xi32>], vector<16xf32>,
        %scatter3A_718 = arith.constant 0 : i32
        %scatter3A_719 = arith.constant 0 : i32
        %scatter3A_720 = arith.constant 0 : i32
        %scatter3A_721 = tpu.memref_slice %arg10[%scan3A_192, %scatter3A_718, %scatter3A_719, %scatter3A_720] : memref<2x8x8x132xf32, #tpu.memory_space<vmem>> -> memref<1x8x8x132xf32, #tpu.memory_space<vmem>>
        %scatter3A_722 = tpu.memref_squeeze %scatter3A_721 : memref<1x8x8x132xf32, #tpu.memory_space<vmem>> -> memref<8x8x132xf32, #tpu.memory_space<vmem>>
        tpu.vector_store_idx %scatter3A_722[%add3A_692, %and3A_649, %add3A_45], %gather3A_519 : memref<8x8x132xf32, #tpu.memory_space<vmem>>[vector<16xi32>, vector<16xi32>, vector<16xi32>], vector<16xf32>,
        %scatter3A_723 = arith.constant 0 : i32
        %scatter3A_724 = arith.constant 0 : i32
        %scatter3A_725 = arith.constant 0 : i32
        %scatter3A_726 = tpu.memref_slice %arg10[%scan3A_192, %scatter3A_723, %scatter3A_724, %scatter3A_725] : memref<2x8x8x132xf32, #tpu.memory_space<vmem>> -> memref<1x8x8x132xf32, #tpu.memory_space<vmem>>
        %scatter3A_727 = tpu.memref_squeeze %scatter3A_726 : memref<1x8x8x132xf32, #tpu.memory_space<vmem>> -> memref<8x8x132xf32, #tpu.memory_space<vmem>>
        tpu.vector_store_idx %scatter3A_727[%add3A_692, %and3A_649, %add3A_48], %gather3A_520 : memref<8x8x132xf32, #tpu.memory_space<vmem>>[vector<16xi32>, vector<16xi32>, vector<16xi32>], vector<16xf32>,
        %scatter3A_728 = arith.constant 0 : i32
        %scatter3A_729 = arith.constant 0 : i32
        %scatter3A_730 = arith.constant 0 : i32
        %scatter3A_731 = tpu.memref_slice %arg10[%scan3A_192, %scatter3A_728, %scatter3A_729, %scatter3A_730] : memref<2x8x8x132xf32, #tpu.memory_space<vmem>> -> memref<1x8x8x132xf32, #tpu.memory_space<vmem>>
        %scatter3A_732 = tpu.memref_squeeze %scatter3A_731 : memref<1x8x8x132xf32, #tpu.memory_space<vmem>> -> memref<8x8x132xf32, #tpu.memory_space<vmem>>
        tpu.vector_store_idx %scatter3A_732[%add3A_692, %and3A_649, %add3A_51], %gather3A_521 : memref<8x8x132xf32, #tpu.memory_space<vmem>>[vector<16xi32>, vector<16xi32>, vector<16xi32>], vector<16xf32>,
        %mul3A_733 = arith.constant 8 : i32
        %mul3A_734 = arith.muli %scan3A_339, %mul3A_733 : i32
        %add3A_735 = arith.constant 4 : i32
        %add3A_736 = arith.addi %mul3A_734, %add3A_735 : i32
        %add3A_737 = vector.broadcast %add3A_736 : i32 to vector<16xi32>
        %add3A_738 = arith.addi %mul3A_27, %add3A_737 : vector<16xi32>
        %and3A_739 = arith.constant 31 : i32
        %and3A_740 = vector.broadcast %and3A_739 : i32 to vector<16xi32>
        %and3A_741 = arith.andi %add3A_738, %and3A_740 : vector<16xi32>
        %add3A_742 = arith.addi %mul3A_148, %and3A_741 : vector<16xi32>
        %gather3A_743 = tpu.vector_load_idx %arg7[%add3A_742] : memref<33000xf32, #tpu.memory_space<vmem>>[vector<16xi32>], vector<16xf32>,
        %add3A_744 = arith.addi %mul3A_154, %and3A_741 : vector<16xi32>
        %gather3A_745 = tpu.vector_load_idx %arg7[%add3A_744] : memref<33000xf32, #tpu.memory_space<vmem>>[vector<16xi32>], vector<16xf32>,
        %add3A_746 = arith.addi %mul3A_160, %and3A_741 : vector<16xi32>
        %gather3A_747 = tpu.vector_load_idx %arg7[%add3A_746] : memref<33000xf32, #tpu.memory_space<vmem>>[vector<16xi32>], vector<16xf32>,
        %add3A_748 = arith.addi %mul3A_166, %and3A_741 : vector<16xi32>
        %gather3A_749 = tpu.vector_load_idx %arg7[%add3A_748] : memref<33000xf32, #tpu.memory_space<vmem>>[vector<16xi32>], vector<16xf32>,
        %add3A_750 = arith.addi %mul3A_172, %and3A_741 : vector<16xi32>
        %gather3A_751 = tpu.vector_load_idx %arg7[%add3A_750] : memref<33000xf32, #tpu.memory_space<vmem>>[vector<16xi32>], vector<16xf32>,
        %add3A_752 = arith.addi %mul3A_178, %and3A_741 : vector<16xi32>
        %gather3A_753 = tpu.vector_load_idx %arg7[%add3A_752] : memref<33000xf32, #tpu.memory_space<vmem>>[vector<16xi32>], vector<16xf32>,
        %add3A_754 = arith.addi %mul3A_184, %and3A_741 : vector<16xi32>
        %gather3A_755 = tpu.vector_load_idx %arg7[%add3A_754] : memref<33000xf32, #tpu.memory_space<vmem>>[vector<16xi32>], vector<16xf32>,
        %add3A_756 = arith.addi %mul3A_190, %and3A_741 : vector<16xi32>
        %gather3A_757 = tpu.vector_load_idx %arg7[%add3A_756] : memref<33000xf32, #tpu.memory_space<vmem>>[vector<16xi32>], vector<16xf32>,
        %gather3A_758 = tpu.vector_load_idx %arg8[%add3A_30, %and3A_741] : memref<128x32xf32, #tpu.memory_space<vmem>>[vector<16xi32>, vector<16xi32>], vector<16xf32>,
        %gather3A_759 = tpu.vector_load_idx %arg8[%add3A_33, %and3A_741] : memref<128x32xf32, #tpu.memory_space<vmem>>[vector<16xi32>, vector<16xi32>], vector<16xf32>,
        %gather3A_760 = tpu.vector_load_idx %arg8[%add3A_36, %and3A_741] : memref<128x32xf32, #tpu.memory_space<vmem>>[vector<16xi32>, vector<16xi32>], vector<16xf32>,
        %gather3A_761 = tpu.vector_load_idx %arg8[%add3A_39, %and3A_741] : memref<128x32xf32, #tpu.memory_space<vmem>>[vector<16xi32>, vector<16xi32>], vector<16xf32>,
        %gather3A_762 = tpu.vector_load_idx %arg8[%add3A_42, %and3A_741] : memref<128x32xf32, #tpu.memory_space<vmem>>[vector<16xi32>, vector<16xi32>], vector<16xf32>,
        %gather3A_763 = tpu.vector_load_idx %arg8[%add3A_45, %and3A_741] : memref<128x32xf32, #tpu.memory_space<vmem>>[vector<16xi32>, vector<16xi32>], vector<16xf32>,
        %gather3A_764 = tpu.vector_load_idx %arg8[%add3A_48, %and3A_741] : memref<128x32xf32, #tpu.memory_space<vmem>>[vector<16xi32>, vector<16xi32>], vector<16xf32>,
        %gather3A_765 = tpu.vector_load_idx %arg8[%add3A_51, %and3A_741] : memref<128x32xf32, #tpu.memory_space<vmem>>[vector<16xi32>, vector<16xi32>], vector<16xf32>,
        %shift_right_logical3A_766 = arith.constant 3 : i32
        %shift_right_logical3A_767 = vector.broadcast %shift_right_logical3A_766 : i32 to vector<16xi32>
        %shift_right_logical3A_768 = arith.shrui %and3A_619, %shift_right_logical3A_767 : vector<16xi32>
        %and3A_769 = arith.constant 7 : i32
        %and3A_770 = vector.broadcast %and3A_769 : i32 to vector<16xi32>
        %and3A_771 = arith.andi %and3A_619, %and3A_770 : vector<16xi32>
        %scatter3A_772 = arith.constant 0 : i32
        %scatter3A_773 = arith.constant 0 : i32
        %scatter3A_774 = arith.constant 0 : i32
        %scatter3A_775 = tpu.memref_slice %arg10[%scan3A_192, %scatter3A_772, %scatter3A_773, %scatter3A_774] : memref<2x8x8x132xf32, #tpu.memory_space<vmem>> -> memref<1x8x8x132xf32, #tpu.memory_space<vmem>>
        %scatter3A_776 = tpu.memref_squeeze %scatter3A_775 : memref<1x8x8x132xf32, #tpu.memory_space<vmem>> -> memref<8x8x132xf32, #tpu.memory_space<vmem>>
        tpu.vector_store_idx %scatter3A_776[%shift_right_logical3A_768, %and3A_771, %add3A_30], %gather3A_621 : memref<8x8x132xf32, #tpu.memory_space<vmem>>[vector<16xi32>, vector<16xi32>, vector<16xi32>], vector<16xf32>,
        %scatter3A_777 = arith.constant 0 : i32
        %scatter3A_778 = arith.constant 0 : i32
        %scatter3A_779 = arith.constant 0 : i32
        %scatter3A_780 = tpu.memref_slice %arg10[%scan3A_192, %scatter3A_777, %scatter3A_778, %scatter3A_779] : memref<2x8x8x132xf32, #tpu.memory_space<vmem>> -> memref<1x8x8x132xf32, #tpu.memory_space<vmem>>
        %scatter3A_781 = tpu.memref_squeeze %scatter3A_780 : memref<1x8x8x132xf32, #tpu.memory_space<vmem>> -> memref<8x8x132xf32, #tpu.memory_space<vmem>>
        tpu.vector_store_idx %scatter3A_781[%shift_right_logical3A_768, %and3A_771, %add3A_33], %gather3A_623 : memref<8x8x132xf32, #tpu.memory_space<vmem>>[vector<16xi32>, vector<16xi32>, vector<16xi32>], vector<16xf32>,
        %scatter3A_782 = arith.constant 0 : i32
        %scatter3A_783 = arith.constant 0 : i32
        %scatter3A_784 = arith.constant 0 : i32
        %scatter3A_785 = tpu.memref_slice %arg10[%scan3A_192, %scatter3A_782, %scatter3A_783, %scatter3A_784] : memref<2x8x8x132xf32, #tpu.memory_space<vmem>> -> memref<1x8x8x132xf32, #tpu.memory_space<vmem>>
        %scatter3A_786 = tpu.memref_squeeze %scatter3A_785 : memref<1x8x8x132xf32, #tpu.memory_space<vmem>> -> memref<8x8x132xf32, #tpu.memory_space<vmem>>
        tpu.vector_store_idx %scatter3A_786[%shift_right_logical3A_768, %and3A_771, %add3A_36], %gather3A_625 : memref<8x8x132xf32, #tpu.memory_space<vmem>>[vector<16xi32>, vector<16xi32>, vector<16xi32>], vector<16xf32>,
        %scatter3A_787 = arith.constant 0 : i32
        %scatter3A_788 = arith.constant 0 : i32
        %scatter3A_789 = arith.constant 0 : i32
        %scatter3A_790 = tpu.memref_slice %arg10[%scan3A_192, %scatter3A_787, %scatter3A_788, %scatter3A_789] : memref<2x8x8x132xf32, #tpu.memory_space<vmem>> -> memref<1x8x8x132xf32, #tpu.memory_space<vmem>>
        %scatter3A_791 = tpu.memref_squeeze %scatter3A_790 : memref<1x8x8x132xf32, #tpu.memory_space<vmem>> -> memref<8x8x132xf32, #tpu.memory_space<vmem>>
        tpu.vector_store_idx %scatter3A_791[%shift_right_logical3A_768, %and3A_771, %add3A_39], %gather3A_627 : memref<8x8x132xf32, #tpu.memory_space<vmem>>[vector<16xi32>, vector<16xi32>, vector<16xi32>], vector<16xf32>,
        %scatter3A_792 = arith.constant 0 : i32
        %scatter3A_793 = arith.constant 0 : i32
        %scatter3A_794 = arith.constant 0 : i32
        %scatter3A_795 = tpu.memref_slice %arg10[%scan3A_192, %scatter3A_792, %scatter3A_793, %scatter3A_794] : memref<2x8x8x132xf32, #tpu.memory_space<vmem>> -> memref<1x8x8x132xf32, #tpu.memory_space<vmem>>
        %scatter3A_796 = tpu.memref_squeeze %scatter3A_795 : memref<1x8x8x132xf32, #tpu.memory_space<vmem>> -> memref<8x8x132xf32, #tpu.memory_space<vmem>>
        tpu.vector_store_idx %scatter3A_796[%shift_right_logical3A_768, %and3A_771, %add3A_42], %gather3A_629 : memref<8x8x132xf32, #tpu.memory_space<vmem>>[vector<16xi32>, vector<16xi32>, vector<16xi32>], vector<16xf32>,
        %scatter3A_797 = arith.constant 0 : i32
        %scatter3A_798 = arith.constant 0 : i32
        %scatter3A_799 = arith.constant 0 : i32
        %scatter3A_800 = tpu.memref_slice %arg10[%scan3A_192, %scatter3A_797, %scatter3A_798, %scatter3A_799] : memref<2x8x8x132xf32, #tpu.memory_space<vmem>> -> memref<1x8x8x132xf32, #tpu.memory_space<vmem>>
        %scatter3A_801 = tpu.memref_squeeze %scatter3A_800 : memref<1x8x8x132xf32, #tpu.memory_space<vmem>> -> memref<8x8x132xf32, #tpu.memory_space<vmem>>
        tpu.vector_store_idx %scatter3A_801[%shift_right_logical3A_768, %and3A_771, %add3A_45], %gather3A_631 : memref<8x8x132xf32, #tpu.memory_space<vmem>>[vector<16xi32>, vector<16xi32>, vector<16xi32>], vector<16xf32>,
        %scatter3A_802 = arith.constant 0 : i32
        %scatter3A_803 = arith.constant 0 : i32
        %scatter3A_804 = arith.constant 0 : i32
        %scatter3A_805 = tpu.memref_slice %arg10[%scan3A_192, %scatter3A_802, %scatter3A_803, %scatter3A_804] : memref<2x8x8x132xf32, #tpu.memory_space<vmem>> -> memref<1x8x8x132xf32, #tpu.memory_space<vmem>>
        %scatter3A_806 = tpu.memref_squeeze %scatter3A_805 : memref<1x8x8x132xf32, #tpu.memory_space<vmem>> -> memref<8x8x132xf32, #tpu.memory_space<vmem>>
        tpu.vector_store_idx %scatter3A_806[%shift_right_logical3A_768, %and3A_771, %add3A_48], %gather3A_633 : memref<8x8x132xf32, #tpu.memory_space<vmem>>[vector<16xi32>, vector<16xi32>, vector<16xi32>], vector<16xf32>,
        %scatter3A_807 = arith.constant 0 : i32
        %scatter3A_808 = arith.constant 0 : i32
        %scatter3A_809 = arith.constant 0 : i32
        %scatter3A_810 = tpu.memref_slice %arg10[%scan3A_192, %scatter3A_807, %scatter3A_808, %scatter3A_809] : memref<2x8x8x132xf32, #tpu.memory_space<vmem>> -> memref<1x8x8x132xf32, #tpu.memory_space<vmem>>
        %scatter3A_811 = tpu.memref_squeeze %scatter3A_810 : memref<1x8x8x132xf32, #tpu.memory_space<vmem>> -> memref<8x8x132xf32, #tpu.memory_space<vmem>>
        tpu.vector_store_idx %scatter3A_811[%shift_right_logical3A_768, %and3A_771, %add3A_51], %gather3A_635 : memref<8x8x132xf32, #tpu.memory_space<vmem>>[vector<16xi32>, vector<16xi32>, vector<16xi32>], vector<16xf32>,
        %add3A_812 = arith.constant 4 : i32
        %add3A_813 = vector.broadcast %add3A_812 : i32 to vector<16xi32>
        %add3A_814 = arith.addi %shift_right_logical3A_768, %add3A_813 : vector<16xi32>
        %scatter3A_815 = arith.constant 0 : i32
        %scatter3A_816 = arith.constant 0 : i32
        %scatter3A_817 = arith.constant 0 : i32
        %scatter3A_818 = tpu.memref_slice %arg10[%scan3A_192, %scatter3A_815, %scatter3A_816, %scatter3A_817] : memref<2x8x8x132xf32, #tpu.memory_space<vmem>> -> memref<1x8x8x132xf32, #tpu.memory_space<vmem>>
        %scatter3A_819 = tpu.memref_squeeze %scatter3A_818 : memref<1x8x8x132xf32, #tpu.memory_space<vmem>> -> memref<8x8x132xf32, #tpu.memory_space<vmem>>
        tpu.vector_store_idx %scatter3A_819[%add3A_814, %and3A_771, %add3A_30], %gather3A_636 : memref<8x8x132xf32, #tpu.memory_space<vmem>>[vector<16xi32>, vector<16xi32>, vector<16xi32>], vector<16xf32>,
        %scatter3A_820 = arith.constant 0 : i32
        %scatter3A_821 = arith.constant 0 : i32
        %scatter3A_822 = arith.constant 0 : i32
        %scatter3A_823 = tpu.memref_slice %arg10[%scan3A_192, %scatter3A_820, %scatter3A_821, %scatter3A_822] : memref<2x8x8x132xf32, #tpu.memory_space<vmem>> -> memref<1x8x8x132xf32, #tpu.memory_space<vmem>>
        %scatter3A_824 = tpu.memref_squeeze %scatter3A_823 : memref<1x8x8x132xf32, #tpu.memory_space<vmem>> -> memref<8x8x132xf32, #tpu.memory_space<vmem>>
        tpu.vector_store_idx %scatter3A_824[%add3A_814, %and3A_771, %add3A_33], %gather3A_637 : memref<8x8x132xf32, #tpu.memory_space<vmem>>[vector<16xi32>, vector<16xi32>, vector<16xi32>], vector<16xf32>,
        %scatter3A_825 = arith.constant 0 : i32
        %scatter3A_826 = arith.constant 0 : i32
        %scatter3A_827 = arith.constant 0 : i32
        %scatter3A_828 = tpu.memref_slice %arg10[%scan3A_192, %scatter3A_825, %scatter3A_826, %scatter3A_827] : memref<2x8x8x132xf32, #tpu.memory_space<vmem>> -> memref<1x8x8x132xf32, #tpu.memory_space<vmem>>
        %scatter3A_829 = tpu.memref_squeeze %scatter3A_828 : memref<1x8x8x132xf32, #tpu.memory_space<vmem>> -> memref<8x8x132xf32, #tpu.memory_space<vmem>>
        tpu.vector_store_idx %scatter3A_829[%add3A_814, %and3A_771, %add3A_36], %gather3A_638 : memref<8x8x132xf32, #tpu.memory_space<vmem>>[vector<16xi32>, vector<16xi32>, vector<16xi32>], vector<16xf32>,
        %scatter3A_830 = arith.constant 0 : i32
        %scatter3A_831 = arith.constant 0 : i32
        %scatter3A_832 = arith.constant 0 : i32
        %scatter3A_833 = tpu.memref_slice %arg10[%scan3A_192, %scatter3A_830, %scatter3A_831, %scatter3A_832] : memref<2x8x8x132xf32, #tpu.memory_space<vmem>> -> memref<1x8x8x132xf32, #tpu.memory_space<vmem>>
        %scatter3A_834 = tpu.memref_squeeze %scatter3A_833 : memref<1x8x8x132xf32, #tpu.memory_space<vmem>> -> memref<8x8x132xf32, #tpu.memory_space<vmem>>
        tpu.vector_store_idx %scatter3A_834[%add3A_814, %and3A_771, %add3A_39], %gather3A_639 : memref<8x8x132xf32, #tpu.memory_space<vmem>>[vector<16xi32>, vector<16xi32>, vector<16xi32>], vector<16xf32>,
        %scatter3A_835 = arith.constant 0 : i32
        %scatter3A_836 = arith.constant 0 : i32
        %scatter3A_837 = arith.constant 0 : i32
        %scatter3A_838 = tpu.memref_slice %arg10[%scan3A_192, %scatter3A_835, %scatter3A_836, %scatter3A_837] : memref<2x8x8x132xf32, #tpu.memory_space<vmem>> -> memref<1x8x8x132xf32, #tpu.memory_space<vmem>>
        %scatter3A_839 = tpu.memref_squeeze %scatter3A_838 : memref<1x8x8x132xf32, #tpu.memory_space<vmem>> -> memref<8x8x132xf32, #tpu.memory_space<vmem>>
        tpu.vector_store_idx %scatter3A_839[%add3A_814, %and3A_771, %add3A_42], %gather3A_640 : memref<8x8x132xf32, #tpu.memory_space<vmem>>[vector<16xi32>, vector<16xi32>, vector<16xi32>], vector<16xf32>,
        %scatter3A_840 = arith.constant 0 : i32
        %scatter3A_841 = arith.constant 0 : i32
        %scatter3A_842 = arith.constant 0 : i32
        %scatter3A_843 = tpu.memref_slice %arg10[%scan3A_192, %scatter3A_840, %scatter3A_841, %scatter3A_842] : memref<2x8x8x132xf32, #tpu.memory_space<vmem>> -> memref<1x8x8x132xf32, #tpu.memory_space<vmem>>
        %scatter3A_844 = tpu.memref_squeeze %scatter3A_843 : memref<1x8x8x132xf32, #tpu.memory_space<vmem>> -> memref<8x8x132xf32, #tpu.memory_space<vmem>>
        tpu.vector_store_idx %scatter3A_844[%add3A_814, %and3A_771, %add3A_45], %gather3A_641 : memref<8x8x132xf32, #tpu.memory_space<vmem>>[vector<16xi32>, vector<16xi32>, vector<16xi32>], vector<16xf32>,
        %scatter3A_845 = arith.constant 0 : i32
        %scatter3A_846 = arith.constant 0 : i32
        %scatter3A_847 = arith.constant 0 : i32
        %scatter3A_848 = tpu.memref_slice %arg10[%scan3A_192, %scatter3A_845, %scatter3A_846, %scatter3A_847] : memref<2x8x8x132xf32, #tpu.memory_space<vmem>> -> memref<1x8x8x132xf32, #tpu.memory_space<vmem>>
        %scatter3A_849 = tpu.memref_squeeze %scatter3A_848 : memref<1x8x8x132xf32, #tpu.memory_space<vmem>> -> memref<8x8x132xf32, #tpu.memory_space<vmem>>
        tpu.vector_store_idx %scatter3A_849[%add3A_814, %and3A_771, %add3A_48], %gather3A_642 : memref<8x8x132xf32, #tpu.memory_space<vmem>>[vector<16xi32>, vector<16xi32>, vector<16xi32>], vector<16xf32>,
        %scatter3A_850 = arith.constant 0 : i32
        %scatter3A_851 = arith.constant 0 : i32
        %scatter3A_852 = arith.constant 0 : i32
        %scatter3A_853 = tpu.memref_slice %arg10[%scan3A_192, %scatter3A_850, %scatter3A_851, %scatter3A_852] : memref<2x8x8x132xf32, #tpu.memory_space<vmem>> -> memref<1x8x8x132xf32, #tpu.memory_space<vmem>>
        %scatter3A_854 = tpu.memref_squeeze %scatter3A_853 : memref<1x8x8x132xf32, #tpu.memory_space<vmem>> -> memref<8x8x132xf32, #tpu.memory_space<vmem>>
        tpu.vector_store_idx %scatter3A_854[%add3A_814, %and3A_771, %add3A_51], %gather3A_643 : memref<8x8x132xf32, #tpu.memory_space<vmem>>[vector<16xi32>, vector<16xi32>, vector<16xi32>], vector<16xf32>,
        %mul3A_855 = arith.constant 8 : i32
        %mul3A_856 = arith.muli %scan3A_339, %mul3A_855 : i32
        %add3A_857 = arith.constant 5 : i32
        %add3A_858 = arith.addi %mul3A_856, %add3A_857 : i32
        %add3A_859 = vector.broadcast %add3A_858 : i32 to vector<16xi32>
        %add3A_860 = arith.addi %mul3A_27, %add3A_859 : vector<16xi32>
        %and3A_861 = arith.constant 31 : i32
        %and3A_862 = vector.broadcast %and3A_861 : i32 to vector<16xi32>
        %and3A_863 = arith.andi %add3A_860, %and3A_862 : vector<16xi32>
        %add3A_864 = arith.addi %mul3A_148, %and3A_863 : vector<16xi32>
        %gather3A_865 = tpu.vector_load_idx %arg7[%add3A_864] : memref<33000xf32, #tpu.memory_space<vmem>>[vector<16xi32>], vector<16xf32>,
        %add3A_866 = arith.addi %mul3A_154, %and3A_863 : vector<16xi32>
        %gather3A_867 = tpu.vector_load_idx %arg7[%add3A_866] : memref<33000xf32, #tpu.memory_space<vmem>>[vector<16xi32>], vector<16xf32>,
        %add3A_868 = arith.addi %mul3A_160, %and3A_863 : vector<16xi32>
        %gather3A_869 = tpu.vector_load_idx %arg7[%add3A_868] : memref<33000xf32, #tpu.memory_space<vmem>>[vector<16xi32>], vector<16xf32>,
        %add3A_870 = arith.addi %mul3A_166, %and3A_863 : vector<16xi32>
        %gather3A_871 = tpu.vector_load_idx %arg7[%add3A_870] : memref<33000xf32, #tpu.memory_space<vmem>>[vector<16xi32>], vector<16xf32>,
        %add3A_872 = arith.addi %mul3A_172, %and3A_863 : vector<16xi32>
        %gather3A_873 = tpu.vector_load_idx %arg7[%add3A_872] : memref<33000xf32, #tpu.memory_space<vmem>>[vector<16xi32>], vector<16xf32>,
        %add3A_874 = arith.addi %mul3A_178, %and3A_863 : vector<16xi32>
        %gather3A_875 = tpu.vector_load_idx %arg7[%add3A_874] : memref<33000xf32, #tpu.memory_space<vmem>>[vector<16xi32>], vector<16xf32>,
        %add3A_876 = arith.addi %mul3A_184, %and3A_863 : vector<16xi32>
        %gather3A_877 = tpu.vector_load_idx %arg7[%add3A_876] : memref<33000xf32, #tpu.memory_space<vmem>>[vector<16xi32>], vector<16xf32>,
        %add3A_878 = arith.addi %mul3A_190, %and3A_863 : vector<16xi32>
        %gather3A_879 = tpu.vector_load_idx %arg7[%add3A_878] : memref<33000xf32, #tpu.memory_space<vmem>>[vector<16xi32>], vector<16xf32>,
        %gather3A_880 = tpu.vector_load_idx %arg8[%add3A_30, %and3A_863] : memref<128x32xf32, #tpu.memory_space<vmem>>[vector<16xi32>, vector<16xi32>], vector<16xf32>,
        %gather3A_881 = tpu.vector_load_idx %arg8[%add3A_33, %and3A_863] : memref<128x32xf32, #tpu.memory_space<vmem>>[vector<16xi32>, vector<16xi32>], vector<16xf32>,
        %gather3A_882 = tpu.vector_load_idx %arg8[%add3A_36, %and3A_863] : memref<128x32xf32, #tpu.memory_space<vmem>>[vector<16xi32>, vector<16xi32>], vector<16xf32>,
        %gather3A_883 = tpu.vector_load_idx %arg8[%add3A_39, %and3A_863] : memref<128x32xf32, #tpu.memory_space<vmem>>[vector<16xi32>, vector<16xi32>], vector<16xf32>,
        %gather3A_884 = tpu.vector_load_idx %arg8[%add3A_42, %and3A_863] : memref<128x32xf32, #tpu.memory_space<vmem>>[vector<16xi32>, vector<16xi32>], vector<16xf32>,
        %gather3A_885 = tpu.vector_load_idx %arg8[%add3A_45, %and3A_863] : memref<128x32xf32, #tpu.memory_space<vmem>>[vector<16xi32>, vector<16xi32>], vector<16xf32>,
        %gather3A_886 = tpu.vector_load_idx %arg8[%add3A_48, %and3A_863] : memref<128x32xf32, #tpu.memory_space<vmem>>[vector<16xi32>, vector<16xi32>], vector<16xf32>,
        %gather3A_887 = tpu.vector_load_idx %arg8[%add3A_51, %and3A_863] : memref<128x32xf32, #tpu.memory_space<vmem>>[vector<16xi32>, vector<16xi32>], vector<16xf32>,
        %shift_right_logical3A_888 = arith.constant 3 : i32
        %shift_right_logical3A_889 = vector.broadcast %shift_right_logical3A_888 : i32 to vector<16xi32>
        %shift_right_logical3A_890 = arith.shrui %and3A_741, %shift_right_logical3A_889 : vector<16xi32>
        %and3A_891 = arith.constant 7 : i32
        %and3A_892 = vector.broadcast %and3A_891 : i32 to vector<16xi32>
        %and3A_893 = arith.andi %and3A_741, %and3A_892 : vector<16xi32>
        %scatter3A_894 = arith.constant 0 : i32
        %scatter3A_895 = arith.constant 0 : i32
        %scatter3A_896 = arith.constant 0 : i32
        %scatter3A_897 = tpu.memref_slice %arg10[%scan3A_192, %scatter3A_894, %scatter3A_895, %scatter3A_896] : memref<2x8x8x132xf32, #tpu.memory_space<vmem>> -> memref<1x8x8x132xf32, #tpu.memory_space<vmem>>
        %scatter3A_898 = tpu.memref_squeeze %scatter3A_897 : memref<1x8x8x132xf32, #tpu.memory_space<vmem>> -> memref<8x8x132xf32, #tpu.memory_space<vmem>>
        tpu.vector_store_idx %scatter3A_898[%shift_right_logical3A_890, %and3A_893, %add3A_30], %gather3A_743 : memref<8x8x132xf32, #tpu.memory_space<vmem>>[vector<16xi32>, vector<16xi32>, vector<16xi32>], vector<16xf32>,
        %scatter3A_899 = arith.constant 0 : i32
        %scatter3A_900 = arith.constant 0 : i32
        %scatter3A_901 = arith.constant 0 : i32
        %scatter3A_902 = tpu.memref_slice %arg10[%scan3A_192, %scatter3A_899, %scatter3A_900, %scatter3A_901] : memref<2x8x8x132xf32, #tpu.memory_space<vmem>> -> memref<1x8x8x132xf32, #tpu.memory_space<vmem>>
        %scatter3A_903 = tpu.memref_squeeze %scatter3A_902 : memref<1x8x8x132xf32, #tpu.memory_space<vmem>> -> memref<8x8x132xf32, #tpu.memory_space<vmem>>
        tpu.vector_store_idx %scatter3A_903[%shift_right_logical3A_890, %and3A_893, %add3A_33], %gather3A_745 : memref<8x8x132xf32, #tpu.memory_space<vmem>>[vector<16xi32>, vector<16xi32>, vector<16xi32>], vector<16xf32>,
        %scatter3A_904 = arith.constant 0 : i32
        %scatter3A_905 = arith.constant 0 : i32
        %scatter3A_906 = arith.constant 0 : i32
        %scatter3A_907 = tpu.memref_slice %arg10[%scan3A_192, %scatter3A_904, %scatter3A_905, %scatter3A_906] : memref<2x8x8x132xf32, #tpu.memory_space<vmem>> -> memref<1x8x8x132xf32, #tpu.memory_space<vmem>>
        %scatter3A_908 = tpu.memref_squeeze %scatter3A_907 : memref<1x8x8x132xf32, #tpu.memory_space<vmem>> -> memref<8x8x132xf32, #tpu.memory_space<vmem>>
        tpu.vector_store_idx %scatter3A_908[%shift_right_logical3A_890, %and3A_893, %add3A_36], %gather3A_747 : memref<8x8x132xf32, #tpu.memory_space<vmem>>[vector<16xi32>, vector<16xi32>, vector<16xi32>], vector<16xf32>,
        %scatter3A_909 = arith.constant 0 : i32
        %scatter3A_910 = arith.constant 0 : i32
        %scatter3A_911 = arith.constant 0 : i32
        %scatter3A_912 = tpu.memref_slice %arg10[%scan3A_192, %scatter3A_909, %scatter3A_910, %scatter3A_911] : memref<2x8x8x132xf32, #tpu.memory_space<vmem>> -> memref<1x8x8x132xf32, #tpu.memory_space<vmem>>
        %scatter3A_913 = tpu.memref_squeeze %scatter3A_912 : memref<1x8x8x132xf32, #tpu.memory_space<vmem>> -> memref<8x8x132xf32, #tpu.memory_space<vmem>>
        tpu.vector_store_idx %scatter3A_913[%shift_right_logical3A_890, %and3A_893, %add3A_39], %gather3A_749 : memref<8x8x132xf32, #tpu.memory_space<vmem>>[vector<16xi32>, vector<16xi32>, vector<16xi32>], vector<16xf32>,
        %scatter3A_914 = arith.constant 0 : i32
        %scatter3A_915 = arith.constant 0 : i32
        %scatter3A_916 = arith.constant 0 : i32
        %scatter3A_917 = tpu.memref_slice %arg10[%scan3A_192, %scatter3A_914, %scatter3A_915, %scatter3A_916] : memref<2x8x8x132xf32, #tpu.memory_space<vmem>> -> memref<1x8x8x132xf32, #tpu.memory_space<vmem>>
        %scatter3A_918 = tpu.memref_squeeze %scatter3A_917 : memref<1x8x8x132xf32, #tpu.memory_space<vmem>> -> memref<8x8x132xf32, #tpu.memory_space<vmem>>
        tpu.vector_store_idx %scatter3A_918[%shift_right_logical3A_890, %and3A_893, %add3A_42], %gather3A_751 : memref<8x8x132xf32, #tpu.memory_space<vmem>>[vector<16xi32>, vector<16xi32>, vector<16xi32>], vector<16xf32>,
        %scatter3A_919 = arith.constant 0 : i32
        %scatter3A_920 = arith.constant 0 : i32
        %scatter3A_921 = arith.constant 0 : i32
        %scatter3A_922 = tpu.memref_slice %arg10[%scan3A_192, %scatter3A_919, %scatter3A_920, %scatter3A_921] : memref<2x8x8x132xf32, #tpu.memory_space<vmem>> -> memref<1x8x8x132xf32, #tpu.memory_space<vmem>>
        %scatter3A_923 = tpu.memref_squeeze %scatter3A_922 : memref<1x8x8x132xf32, #tpu.memory_space<vmem>> -> memref<8x8x132xf32, #tpu.memory_space<vmem>>
        tpu.vector_store_idx %scatter3A_923[%shift_right_logical3A_890, %and3A_893, %add3A_45], %gather3A_753 : memref<8x8x132xf32, #tpu.memory_space<vmem>>[vector<16xi32>, vector<16xi32>, vector<16xi32>], vector<16xf32>,
        %scatter3A_924 = arith.constant 0 : i32
        %scatter3A_925 = arith.constant 0 : i32
        %scatter3A_926 = arith.constant 0 : i32
        %scatter3A_927 = tpu.memref_slice %arg10[%scan3A_192, %scatter3A_924, %scatter3A_925, %scatter3A_926] : memref<2x8x8x132xf32, #tpu.memory_space<vmem>> -> memref<1x8x8x132xf32, #tpu.memory_space<vmem>>
        %scatter3A_928 = tpu.memref_squeeze %scatter3A_927 : memref<1x8x8x132xf32, #tpu.memory_space<vmem>> -> memref<8x8x132xf32, #tpu.memory_space<vmem>>
        tpu.vector_store_idx %scatter3A_928[%shift_right_logical3A_890, %and3A_893, %add3A_48], %gather3A_755 : memref<8x8x132xf32, #tpu.memory_space<vmem>>[vector<16xi32>, vector<16xi32>, vector<16xi32>], vector<16xf32>,
        %scatter3A_929 = arith.constant 0 : i32
        %scatter3A_930 = arith.constant 0 : i32
        %scatter3A_931 = arith.constant 0 : i32
        %scatter3A_932 = tpu.memref_slice %arg10[%scan3A_192, %scatter3A_929, %scatter3A_930, %scatter3A_931] : memref<2x8x8x132xf32, #tpu.memory_space<vmem>> -> memref<1x8x8x132xf32, #tpu.memory_space<vmem>>
        %scatter3A_933 = tpu.memref_squeeze %scatter3A_932 : memref<1x8x8x132xf32, #tpu.memory_space<vmem>> -> memref<8x8x132xf32, #tpu.memory_space<vmem>>
        tpu.vector_store_idx %scatter3A_933[%shift_right_logical3A_890, %and3A_893, %add3A_51], %gather3A_757 : memref<8x8x132xf32, #tpu.memory_space<vmem>>[vector<16xi32>, vector<16xi32>, vector<16xi32>], vector<16xf32>,
        %add3A_934 = arith.constant 4 : i32
        %add3A_935 = vector.broadcast %add3A_934 : i32 to vector<16xi32>
        %add3A_936 = arith.addi %shift_right_logical3A_890, %add3A_935 : vector<16xi32>
        %scatter3A_937 = arith.constant 0 : i32
        %scatter3A_938 = arith.constant 0 : i32
        %scatter3A_939 = arith.constant 0 : i32
        %scatter3A_940 = tpu.memref_slice %arg10[%scan3A_192, %scatter3A_937, %scatter3A_938, %scatter3A_939] : memref<2x8x8x132xf32, #tpu.memory_space<vmem>> -> memref<1x8x8x132xf32, #tpu.memory_space<vmem>>
        %scatter3A_941 = tpu.memref_squeeze %scatter3A_940 : memref<1x8x8x132xf32, #tpu.memory_space<vmem>> -> memref<8x8x132xf32, #tpu.memory_space<vmem>>
        tpu.vector_store_idx %scatter3A_941[%add3A_936, %and3A_893, %add3A_30], %gather3A_758 : memref<8x8x132xf32, #tpu.memory_space<vmem>>[vector<16xi32>, vector<16xi32>, vector<16xi32>], vector<16xf32>,
        %scatter3A_942 = arith.constant 0 : i32
        %scatter3A_943 = arith.constant 0 : i32
        %scatter3A_944 = arith.constant 0 : i32
        %scatter3A_945 = tpu.memref_slice %arg10[%scan3A_192, %scatter3A_942, %scatter3A_943, %scatter3A_944] : memref<2x8x8x132xf32, #tpu.memory_space<vmem>> -> memref<1x8x8x132xf32, #tpu.memory_space<vmem>>
        %scatter3A_946 = tpu.memref_squeeze %scatter3A_945 : memref<1x8x8x132xf32, #tpu.memory_space<vmem>> -> memref<8x8x132xf32, #tpu.memory_space<vmem>>
        tpu.vector_store_idx %scatter3A_946[%add3A_936, %and3A_893, %add3A_33], %gather3A_759 : memref<8x8x132xf32, #tpu.memory_space<vmem>>[vector<16xi32>, vector<16xi32>, vector<16xi32>], vector<16xf32>,
        %scatter3A_947 = arith.constant 0 : i32
        %scatter3A_948 = arith.constant 0 : i32
        %scatter3A_949 = arith.constant 0 : i32
        %scatter3A_950 = tpu.memref_slice %arg10[%scan3A_192, %scatter3A_947, %scatter3A_948, %scatter3A_949] : memref<2x8x8x132xf32, #tpu.memory_space<vmem>> -> memref<1x8x8x132xf32, #tpu.memory_space<vmem>>
        %scatter3A_951 = tpu.memref_squeeze %scatter3A_950 : memref<1x8x8x132xf32, #tpu.memory_space<vmem>> -> memref<8x8x132xf32, #tpu.memory_space<vmem>>
        tpu.vector_store_idx %scatter3A_951[%add3A_936, %and3A_893, %add3A_36], %gather3A_760 : memref<8x8x132xf32, #tpu.memory_space<vmem>>[vector<16xi32>, vector<16xi32>, vector<16xi32>], vector<16xf32>,
        %scatter3A_952 = arith.constant 0 : i32
        %scatter3A_953 = arith.constant 0 : i32
        %scatter3A_954 = arith.constant 0 : i32
        %scatter3A_955 = tpu.memref_slice %arg10[%scan3A_192, %scatter3A_952, %scatter3A_953, %scatter3A_954] : memref<2x8x8x132xf32, #tpu.memory_space<vmem>> -> memref<1x8x8x132xf32, #tpu.memory_space<vmem>>
        %scatter3A_956 = tpu.memref_squeeze %scatter3A_955 : memref<1x8x8x132xf32, #tpu.memory_space<vmem>> -> memref<8x8x132xf32, #tpu.memory_space<vmem>>
        tpu.vector_store_idx %scatter3A_956[%add3A_936, %and3A_893, %add3A_39], %gather3A_761 : memref<8x8x132xf32, #tpu.memory_space<vmem>>[vector<16xi32>, vector<16xi32>, vector<16xi32>], vector<16xf32>,
        %scatter3A_957 = arith.constant 0 : i32
        %scatter3A_958 = arith.constant 0 : i32
        %scatter3A_959 = arith.constant 0 : i32
        %scatter3A_960 = tpu.memref_slice %arg10[%scan3A_192, %scatter3A_957, %scatter3A_958, %scatter3A_959] : memref<2x8x8x132xf32, #tpu.memory_space<vmem>> -> memref<1x8x8x132xf32, #tpu.memory_space<vmem>>
        %scatter3A_961 = tpu.memref_squeeze %scatter3A_960 : memref<1x8x8x132xf32, #tpu.memory_space<vmem>> -> memref<8x8x132xf32, #tpu.memory_space<vmem>>
        tpu.vector_store_idx %scatter3A_961[%add3A_936, %and3A_893, %add3A_42], %gather3A_762 : memref<8x8x132xf32, #tpu.memory_space<vmem>>[vector<16xi32>, vector<16xi32>, vector<16xi32>], vector<16xf32>,
        %scatter3A_962 = arith.constant 0 : i32
        %scatter3A_963 = arith.constant 0 : i32
        %scatter3A_964 = arith.constant 0 : i32
        %scatter3A_965 = tpu.memref_slice %arg10[%scan3A_192, %scatter3A_962, %scatter3A_963, %scatter3A_964] : memref<2x8x8x132xf32, #tpu.memory_space<vmem>> -> memref<1x8x8x132xf32, #tpu.memory_space<vmem>>
        %scatter3A_966 = tpu.memref_squeeze %scatter3A_965 : memref<1x8x8x132xf32, #tpu.memory_space<vmem>> -> memref<8x8x132xf32, #tpu.memory_space<vmem>>
        tpu.vector_store_idx %scatter3A_966[%add3A_936, %and3A_893, %add3A_45], %gather3A_763 : memref<8x8x132xf32, #tpu.memory_space<vmem>>[vector<16xi32>, vector<16xi32>, vector<16xi32>], vector<16xf32>,
        %scatter3A_967 = arith.constant 0 : i32
        %scatter3A_968 = arith.constant 0 : i32
        %scatter3A_969 = arith.constant 0 : i32
        %scatter3A_970 = tpu.memref_slice %arg10[%scan3A_192, %scatter3A_967, %scatter3A_968, %scatter3A_969] : memref<2x8x8x132xf32, #tpu.memory_space<vmem>> -> memref<1x8x8x132xf32, #tpu.memory_space<vmem>>
        %scatter3A_971 = tpu.memref_squeeze %scatter3A_970 : memref<1x8x8x132xf32, #tpu.memory_space<vmem>> -> memref<8x8x132xf32, #tpu.memory_space<vmem>>
        tpu.vector_store_idx %scatter3A_971[%add3A_936, %and3A_893, %add3A_48], %gather3A_764 : memref<8x8x132xf32, #tpu.memory_space<vmem>>[vector<16xi32>, vector<16xi32>, vector<16xi32>], vector<16xf32>,
        %scatter3A_972 = arith.constant 0 : i32
        %scatter3A_973 = arith.constant 0 : i32
        %scatter3A_974 = arith.constant 0 : i32
        %scatter3A_975 = tpu.memref_slice %arg10[%scan3A_192, %scatter3A_972, %scatter3A_973, %scatter3A_974] : memref<2x8x8x132xf32, #tpu.memory_space<vmem>> -> memref<1x8x8x132xf32, #tpu.memory_space<vmem>>
        %scatter3A_976 = tpu.memref_squeeze %scatter3A_975 : memref<1x8x8x132xf32, #tpu.memory_space<vmem>> -> memref<8x8x132xf32, #tpu.memory_space<vmem>>
        tpu.vector_store_idx %scatter3A_976[%add3A_936, %and3A_893, %add3A_51], %gather3A_765 : memref<8x8x132xf32, #tpu.memory_space<vmem>>[vector<16xi32>, vector<16xi32>, vector<16xi32>], vector<16xf32>,
        %mul3A_977 = arith.constant 8 : i32
        %mul3A_978 = arith.muli %scan3A_339, %mul3A_977 : i32
        %add3A_979 = arith.constant 6 : i32
        %add3A_980 = arith.addi %mul3A_978, %add3A_979 : i32
        %add3A_981 = vector.broadcast %add3A_980 : i32 to vector<16xi32>
        %add3A_982 = arith.addi %mul3A_27, %add3A_981 : vector<16xi32>
        %and3A_983 = arith.constant 31 : i32
        %and3A_984 = vector.broadcast %and3A_983 : i32 to vector<16xi32>
        %and3A_985 = arith.andi %add3A_982, %and3A_984 : vector<16xi32>
        %add3A_986 = arith.addi %mul3A_148, %and3A_985 : vector<16xi32>
        %gather3A_987 = tpu.vector_load_idx %arg7[%add3A_986] : memref<33000xf32, #tpu.memory_space<vmem>>[vector<16xi32>], vector<16xf32>,
        %add3A_988 = arith.addi %mul3A_154, %and3A_985 : vector<16xi32>
        %gather3A_989 = tpu.vector_load_idx %arg7[%add3A_988] : memref<33000xf32, #tpu.memory_space<vmem>>[vector<16xi32>], vector<16xf32>,
        %add3A_990 = arith.addi %mul3A_160, %and3A_985 : vector<16xi32>
        %gather3A_991 = tpu.vector_load_idx %arg7[%add3A_990] : memref<33000xf32, #tpu.memory_space<vmem>>[vector<16xi32>], vector<16xf32>,
        %add3A_992 = arith.addi %mul3A_166, %and3A_985 : vector<16xi32>
        %gather3A_993 = tpu.vector_load_idx %arg7[%add3A_992] : memref<33000xf32, #tpu.memory_space<vmem>>[vector<16xi32>], vector<16xf32>,
        %add3A_994 = arith.addi %mul3A_172, %and3A_985 : vector<16xi32>
        %gather3A_995 = tpu.vector_load_idx %arg7[%add3A_994] : memref<33000xf32, #tpu.memory_space<vmem>>[vector<16xi32>], vector<16xf32>,
        %add3A_996 = arith.addi %mul3A_178, %and3A_985 : vector<16xi32>
        %gather3A_997 = tpu.vector_load_idx %arg7[%add3A_996] : memref<33000xf32, #tpu.memory_space<vmem>>[vector<16xi32>], vector<16xf32>,
        %add3A_998 = arith.addi %mul3A_184, %and3A_985 : vector<16xi32>
        %gather3A_999 = tpu.vector_load_idx %arg7[%add3A_998] : memref<33000xf32, #tpu.memory_space<vmem>>[vector<16xi32>], vector<16xf32>,
        %add3A_1000 = arith.addi %mul3A_190, %and3A_985 : vector<16xi32>
        %gather3A_1001 = tpu.vector_load_idx %arg7[%add3A_1000] : memref<33000xf32, #tpu.memory_space<vmem>>[vector<16xi32>], vector<16xf32>,
        %gather3A_1002 = tpu.vector_load_idx %arg8[%add3A_30, %and3A_985] : memref<128x32xf32, #tpu.memory_space<vmem>>[vector<16xi32>, vector<16xi32>], vector<16xf32>,
        %gather3A_1003 = tpu.vector_load_idx %arg8[%add3A_33, %and3A_985] : memref<128x32xf32, #tpu.memory_space<vmem>>[vector<16xi32>, vector<16xi32>], vector<16xf32>,
        %gather3A_1004 = tpu.vector_load_idx %arg8[%add3A_36, %and3A_985] : memref<128x32xf32, #tpu.memory_space<vmem>>[vector<16xi32>, vector<16xi32>], vector<16xf32>,
        %gather3A_1005 = tpu.vector_load_idx %arg8[%add3A_39, %and3A_985] : memref<128x32xf32, #tpu.memory_space<vmem>>[vector<16xi32>, vector<16xi32>], vector<16xf32>,
        %gather3A_1006 = tpu.vector_load_idx %arg8[%add3A_42, %and3A_985] : memref<128x32xf32, #tpu.memory_space<vmem>>[vector<16xi32>, vector<16xi32>], vector<16xf32>,
        %gather3A_1007 = tpu.vector_load_idx %arg8[%add3A_45, %and3A_985] : memref<128x32xf32, #tpu.memory_space<vmem>>[vector<16xi32>, vector<16xi32>], vector<16xf32>,
        %gather3A_1008 = tpu.vector_load_idx %arg8[%add3A_48, %and3A_985] : memref<128x32xf32, #tpu.memory_space<vmem>>[vector<16xi32>, vector<16xi32>], vector<16xf32>,
        %gather3A_1009 = tpu.vector_load_idx %arg8[%add3A_51, %and3A_985] : memref<128x32xf32, #tpu.memory_space<vmem>>[vector<16xi32>, vector<16xi32>], vector<16xf32>,
        %shift_right_logical3A_1010 = arith.constant 3 : i32
        %shift_right_logical3A_1011 = vector.broadcast %shift_right_logical3A_1010 : i32 to vector<16xi32>
        %shift_right_logical3A_1012 = arith.shrui %and3A_863, %shift_right_logical3A_1011 : vector<16xi32>
        %and3A_1013 = arith.constant 7 : i32
        %and3A_1014 = vector.broadcast %and3A_1013 : i32 to vector<16xi32>
        %and3A_1015 = arith.andi %and3A_863, %and3A_1014 : vector<16xi32>
        %scatter3A_1016 = arith.constant 0 : i32
        %scatter3A_1017 = arith.constant 0 : i32
        %scatter3A_1018 = arith.constant 0 : i32
        %scatter3A_1019 = tpu.memref_slice %arg10[%scan3A_192, %scatter3A_1016, %scatter3A_1017, %scatter3A_1018] : memref<2x8x8x132xf32, #tpu.memory_space<vmem>> -> memref<1x8x8x132xf32, #tpu.memory_space<vmem>>
        %scatter3A_1020 = tpu.memref_squeeze %scatter3A_1019 : memref<1x8x8x132xf32, #tpu.memory_space<vmem>> -> memref<8x8x132xf32, #tpu.memory_space<vmem>>
        tpu.vector_store_idx %scatter3A_1020[%shift_right_logical3A_1012, %and3A_1015, %add3A_30], %gather3A_865 : memref<8x8x132xf32, #tpu.memory_space<vmem>>[vector<16xi32>, vector<16xi32>, vector<16xi32>], vector<16xf32>,
        %scatter3A_1021 = arith.constant 0 : i32
        %scatter3A_1022 = arith.constant 0 : i32
        %scatter3A_1023 = arith.constant 0 : i32
        %scatter3A_1024 = tpu.memref_slice %arg10[%scan3A_192, %scatter3A_1021, %scatter3A_1022, %scatter3A_1023] : memref<2x8x8x132xf32, #tpu.memory_space<vmem>> -> memref<1x8x8x132xf32, #tpu.memory_space<vmem>>
        %scatter3A_1025 = tpu.memref_squeeze %scatter3A_1024 : memref<1x8x8x132xf32, #tpu.memory_space<vmem>> -> memref<8x8x132xf32, #tpu.memory_space<vmem>>
        tpu.vector_store_idx %scatter3A_1025[%shift_right_logical3A_1012, %and3A_1015, %add3A_33], %gather3A_867 : memref<8x8x132xf32, #tpu.memory_space<vmem>>[vector<16xi32>, vector<16xi32>, vector<16xi32>], vector<16xf32>,
        %scatter3A_1026 = arith.constant 0 : i32
        %scatter3A_1027 = arith.constant 0 : i32
        %scatter3A_1028 = arith.constant 0 : i32
        %scatter3A_1029 = tpu.memref_slice %arg10[%scan3A_192, %scatter3A_1026, %scatter3A_1027, %scatter3A_1028] : memref<2x8x8x132xf32, #tpu.memory_space<vmem>> -> memref<1x8x8x132xf32, #tpu.memory_space<vmem>>
        %scatter3A_1030 = tpu.memref_squeeze %scatter3A_1029 : memref<1x8x8x132xf32, #tpu.memory_space<vmem>> -> memref<8x8x132xf32, #tpu.memory_space<vmem>>
        tpu.vector_store_idx %scatter3A_1030[%shift_right_logical3A_1012, %and3A_1015, %add3A_36], %gather3A_869 : memref<8x8x132xf32, #tpu.memory_space<vmem>>[vector<16xi32>, vector<16xi32>, vector<16xi32>], vector<16xf32>,
        %scatter3A_1031 = arith.constant 0 : i32
        %scatter3A_1032 = arith.constant 0 : i32
        %scatter3A_1033 = arith.constant 0 : i32
        %scatter3A_1034 = tpu.memref_slice %arg10[%scan3A_192, %scatter3A_1031, %scatter3A_1032, %scatter3A_1033] : memref<2x8x8x132xf32, #tpu.memory_space<vmem>> -> memref<1x8x8x132xf32, #tpu.memory_space<vmem>>
        %scatter3A_1035 = tpu.memref_squeeze %scatter3A_1034 : memref<1x8x8x132xf32, #tpu.memory_space<vmem>> -> memref<8x8x132xf32, #tpu.memory_space<vmem>>
        tpu.vector_store_idx %scatter3A_1035[%shift_right_logical3A_1012, %and3A_1015, %add3A_39], %gather3A_871 : memref<8x8x132xf32, #tpu.memory_space<vmem>>[vector<16xi32>, vector<16xi32>, vector<16xi32>], vector<16xf32>,
        %scatter3A_1036 = arith.constant 0 : i32
        %scatter3A_1037 = arith.constant 0 : i32
        %scatter3A_1038 = arith.constant 0 : i32
        %scatter3A_1039 = tpu.memref_slice %arg10[%scan3A_192, %scatter3A_1036, %scatter3A_1037, %scatter3A_1038] : memref<2x8x8x132xf32, #tpu.memory_space<vmem>> -> memref<1x8x8x132xf32, #tpu.memory_space<vmem>>
        %scatter3A_1040 = tpu.memref_squeeze %scatter3A_1039 : memref<1x8x8x132xf32, #tpu.memory_space<vmem>> -> memref<8x8x132xf32, #tpu.memory_space<vmem>>
        tpu.vector_store_idx %scatter3A_1040[%shift_right_logical3A_1012, %and3A_1015, %add3A_42], %gather3A_873 : memref<8x8x132xf32, #tpu.memory_space<vmem>>[vector<16xi32>, vector<16xi32>, vector<16xi32>], vector<16xf32>,
        %scatter3A_1041 = arith.constant 0 : i32
        %scatter3A_1042 = arith.constant 0 : i32
        %scatter3A_1043 = arith.constant 0 : i32
        %scatter3A_1044 = tpu.memref_slice %arg10[%scan3A_192, %scatter3A_1041, %scatter3A_1042, %scatter3A_1043] : memref<2x8x8x132xf32, #tpu.memory_space<vmem>> -> memref<1x8x8x132xf32, #tpu.memory_space<vmem>>
        %scatter3A_1045 = tpu.memref_squeeze %scatter3A_1044 : memref<1x8x8x132xf32, #tpu.memory_space<vmem>> -> memref<8x8x132xf32, #tpu.memory_space<vmem>>
        tpu.vector_store_idx %scatter3A_1045[%shift_right_logical3A_1012, %and3A_1015, %add3A_45], %gather3A_875 : memref<8x8x132xf32, #tpu.memory_space<vmem>>[vector<16xi32>, vector<16xi32>, vector<16xi32>], vector<16xf32>,
        %scatter3A_1046 = arith.constant 0 : i32
        %scatter3A_1047 = arith.constant 0 : i32
        %scatter3A_1048 = arith.constant 0 : i32
        %scatter3A_1049 = tpu.memref_slice %arg10[%scan3A_192, %scatter3A_1046, %scatter3A_1047, %scatter3A_1048] : memref<2x8x8x132xf32, #tpu.memory_space<vmem>> -> memref<1x8x8x132xf32, #tpu.memory_space<vmem>>
        %scatter3A_1050 = tpu.memref_squeeze %scatter3A_1049 : memref<1x8x8x132xf32, #tpu.memory_space<vmem>> -> memref<8x8x132xf32, #tpu.memory_space<vmem>>
        tpu.vector_store_idx %scatter3A_1050[%shift_right_logical3A_1012, %and3A_1015, %add3A_48], %gather3A_877 : memref<8x8x132xf32, #tpu.memory_space<vmem>>[vector<16xi32>, vector<16xi32>, vector<16xi32>], vector<16xf32>,
        %scatter3A_1051 = arith.constant 0 : i32
        %scatter3A_1052 = arith.constant 0 : i32
        %scatter3A_1053 = arith.constant 0 : i32
        %scatter3A_1054 = tpu.memref_slice %arg10[%scan3A_192, %scatter3A_1051, %scatter3A_1052, %scatter3A_1053] : memref<2x8x8x132xf32, #tpu.memory_space<vmem>> -> memref<1x8x8x132xf32, #tpu.memory_space<vmem>>
        %scatter3A_1055 = tpu.memref_squeeze %scatter3A_1054 : memref<1x8x8x132xf32, #tpu.memory_space<vmem>> -> memref<8x8x132xf32, #tpu.memory_space<vmem>>
        tpu.vector_store_idx %scatter3A_1055[%shift_right_logical3A_1012, %and3A_1015, %add3A_51], %gather3A_879 : memref<8x8x132xf32, #tpu.memory_space<vmem>>[vector<16xi32>, vector<16xi32>, vector<16xi32>], vector<16xf32>,
        %add3A_1056 = arith.constant 4 : i32
        %add3A_1057 = vector.broadcast %add3A_1056 : i32 to vector<16xi32>
        %add3A_1058 = arith.addi %shift_right_logical3A_1012, %add3A_1057 : vector<16xi32>
        %scatter3A_1059 = arith.constant 0 : i32
        %scatter3A_1060 = arith.constant 0 : i32
        %scatter3A_1061 = arith.constant 0 : i32
        %scatter3A_1062 = tpu.memref_slice %arg10[%scan3A_192, %scatter3A_1059, %scatter3A_1060, %scatter3A_1061] : memref<2x8x8x132xf32, #tpu.memory_space<vmem>> -> memref<1x8x8x132xf32, #tpu.memory_space<vmem>>
        %scatter3A_1063 = tpu.memref_squeeze %scatter3A_1062 : memref<1x8x8x132xf32, #tpu.memory_space<vmem>> -> memref<8x8x132xf32, #tpu.memory_space<vmem>>
        tpu.vector_store_idx %scatter3A_1063[%add3A_1058, %and3A_1015, %add3A_30], %gather3A_880 : memref<8x8x132xf32, #tpu.memory_space<vmem>>[vector<16xi32>, vector<16xi32>, vector<16xi32>], vector<16xf32>,
        %scatter3A_1064 = arith.constant 0 : i32
        %scatter3A_1065 = arith.constant 0 : i32
        %scatter3A_1066 = arith.constant 0 : i32
        %scatter3A_1067 = tpu.memref_slice %arg10[%scan3A_192, %scatter3A_1064, %scatter3A_1065, %scatter3A_1066] : memref<2x8x8x132xf32, #tpu.memory_space<vmem>> -> memref<1x8x8x132xf32, #tpu.memory_space<vmem>>
        %scatter3A_1068 = tpu.memref_squeeze %scatter3A_1067 : memref<1x8x8x132xf32, #tpu.memory_space<vmem>> -> memref<8x8x132xf32, #tpu.memory_space<vmem>>
        tpu.vector_store_idx %scatter3A_1068[%add3A_1058, %and3A_1015, %add3A_33], %gather3A_881 : memref<8x8x132xf32, #tpu.memory_space<vmem>>[vector<16xi32>, vector<16xi32>, vector<16xi32>], vector<16xf32>,
        %scatter3A_1069 = arith.constant 0 : i32
        %scatter3A_1070 = arith.constant 0 : i32
        %scatter3A_1071 = arith.constant 0 : i32
        %scatter3A_1072 = tpu.memref_slice %arg10[%scan3A_192, %scatter3A_1069, %scatter3A_1070, %scatter3A_1071] : memref<2x8x8x132xf32, #tpu.memory_space<vmem>> -> memref<1x8x8x132xf32, #tpu.memory_space<vmem>>
        %scatter3A_1073 = tpu.memref_squeeze %scatter3A_1072 : memref<1x8x8x132xf32, #tpu.memory_space<vmem>> -> memref<8x8x132xf32, #tpu.memory_space<vmem>>
        tpu.vector_store_idx %scatter3A_1073[%add3A_1058, %and3A_1015, %add3A_36], %gather3A_882 : memref<8x8x132xf32, #tpu.memory_space<vmem>>[vector<16xi32>, vector<16xi32>, vector<16xi32>], vector<16xf32>,
        %scatter3A_1074 = arith.constant 0 : i32
        %scatter3A_1075 = arith.constant 0 : i32
        %scatter3A_1076 = arith.constant 0 : i32
        %scatter3A_1077 = tpu.memref_slice %arg10[%scan3A_192, %scatter3A_1074, %scatter3A_1075, %scatter3A_1076] : memref<2x8x8x132xf32, #tpu.memory_space<vmem>> -> memref<1x8x8x132xf32, #tpu.memory_space<vmem>>
        %scatter3A_1078 = tpu.memref_squeeze %scatter3A_1077 : memref<1x8x8x132xf32, #tpu.memory_space<vmem>> -> memref<8x8x132xf32, #tpu.memory_space<vmem>>
        tpu.vector_store_idx %scatter3A_1078[%add3A_1058, %and3A_1015, %add3A_39], %gather3A_883 : memref<8x8x132xf32, #tpu.memory_space<vmem>>[vector<16xi32>, vector<16xi32>, vector<16xi32>], vector<16xf32>,
        %scatter3A_1079 = arith.constant 0 : i32
        %scatter3A_1080 = arith.constant 0 : i32
        %scatter3A_1081 = arith.constant 0 : i32
        %scatter3A_1082 = tpu.memref_slice %arg10[%scan3A_192, %scatter3A_1079, %scatter3A_1080, %scatter3A_1081] : memref<2x8x8x132xf32, #tpu.memory_space<vmem>> -> memref<1x8x8x132xf32, #tpu.memory_space<vmem>>
        %scatter3A_1083 = tpu.memref_squeeze %scatter3A_1082 : memref<1x8x8x132xf32, #tpu.memory_space<vmem>> -> memref<8x8x132xf32, #tpu.memory_space<vmem>>
        tpu.vector_store_idx %scatter3A_1083[%add3A_1058, %and3A_1015, %add3A_42], %gather3A_884 : memref<8x8x132xf32, #tpu.memory_space<vmem>>[vector<16xi32>, vector<16xi32>, vector<16xi32>], vector<16xf32>,
        %scatter3A_1084 = arith.constant 0 : i32
        %scatter3A_1085 = arith.constant 0 : i32
        %scatter3A_1086 = arith.constant 0 : i32
        %scatter3A_1087 = tpu.memref_slice %arg10[%scan3A_192, %scatter3A_1084, %scatter3A_1085, %scatter3A_1086] : memref<2x8x8x132xf32, #tpu.memory_space<vmem>> -> memref<1x8x8x132xf32, #tpu.memory_space<vmem>>
        %scatter3A_1088 = tpu.memref_squeeze %scatter3A_1087 : memref<1x8x8x132xf32, #tpu.memory_space<vmem>> -> memref<8x8x132xf32, #tpu.memory_space<vmem>>
        tpu.vector_store_idx %scatter3A_1088[%add3A_1058, %and3A_1015, %add3A_45], %gather3A_885 : memref<8x8x132xf32, #tpu.memory_space<vmem>>[vector<16xi32>, vector<16xi32>, vector<16xi32>], vector<16xf32>,
        %scatter3A_1089 = arith.constant 0 : i32
        %scatter3A_1090 = arith.constant 0 : i32
        %scatter3A_1091 = arith.constant 0 : i32
        %scatter3A_1092 = tpu.memref_slice %arg10[%scan3A_192, %scatter3A_1089, %scatter3A_1090, %scatter3A_1091] : memref<2x8x8x132xf32, #tpu.memory_space<vmem>> -> memref<1x8x8x132xf32, #tpu.memory_space<vmem>>
        %scatter3A_1093 = tpu.memref_squeeze %scatter3A_1092 : memref<1x8x8x132xf32, #tpu.memory_space<vmem>> -> memref<8x8x132xf32, #tpu.memory_space<vmem>>
        tpu.vector_store_idx %scatter3A_1093[%add3A_1058, %and3A_1015, %add3A_48], %gather3A_886 : memref<8x8x132xf32, #tpu.memory_space<vmem>>[vector<16xi32>, vector<16xi32>, vector<16xi32>], vector<16xf32>,
        %scatter3A_1094 = arith.constant 0 : i32
        %scatter3A_1095 = arith.constant 0 : i32
        %scatter3A_1096 = arith.constant 0 : i32
        %scatter3A_1097 = tpu.memref_slice %arg10[%scan3A_192, %scatter3A_1094, %scatter3A_1095, %scatter3A_1096] : memref<2x8x8x132xf32, #tpu.memory_space<vmem>> -> memref<1x8x8x132xf32, #tpu.memory_space<vmem>>
        %scatter3A_1098 = tpu.memref_squeeze %scatter3A_1097 : memref<1x8x8x132xf32, #tpu.memory_space<vmem>> -> memref<8x8x132xf32, #tpu.memory_space<vmem>>
        tpu.vector_store_idx %scatter3A_1098[%add3A_1058, %and3A_1015, %add3A_51], %gather3A_887 : memref<8x8x132xf32, #tpu.memory_space<vmem>>[vector<16xi32>, vector<16xi32>, vector<16xi32>], vector<16xf32>,
        %mul3A_1099 = arith.constant 8 : i32
        %mul3A_1100 = arith.muli %scan3A_339, %mul3A_1099 : i32
        %add3A_1101 = arith.constant 7 : i32
        %add3A_1102 = arith.addi %mul3A_1100, %add3A_1101 : i32
        %add3A_1103 = vector.broadcast %add3A_1102 : i32 to vector<16xi32>
        %add3A_1104 = arith.addi %mul3A_27, %add3A_1103 : vector<16xi32>
        %and3A_1105 = arith.constant 31 : i32
        %and3A_1106 = vector.broadcast %and3A_1105 : i32 to vector<16xi32>
        %and3A_1107 = arith.andi %add3A_1104, %and3A_1106 : vector<16xi32>
        %add3A_1108 = arith.addi %mul3A_148, %and3A_1107 : vector<16xi32>
        %gather3A_1109 = tpu.vector_load_idx %arg7[%add3A_1108] : memref<33000xf32, #tpu.memory_space<vmem>>[vector<16xi32>], vector<16xf32>,
        %add3A_1110 = arith.addi %mul3A_154, %and3A_1107 : vector<16xi32>
        %gather3A_1111 = tpu.vector_load_idx %arg7[%add3A_1110] : memref<33000xf32, #tpu.memory_space<vmem>>[vector<16xi32>], vector<16xf32>,
        %add3A_1112 = arith.addi %mul3A_160, %and3A_1107 : vector<16xi32>
        %gather3A_1113 = tpu.vector_load_idx %arg7[%add3A_1112] : memref<33000xf32, #tpu.memory_space<vmem>>[vector<16xi32>], vector<16xf32>,
        %add3A_1114 = arith.addi %mul3A_166, %and3A_1107 : vector<16xi32>
        %gather3A_1115 = tpu.vector_load_idx %arg7[%add3A_1114] : memref<33000xf32, #tpu.memory_space<vmem>>[vector<16xi32>], vector<16xf32>,
        %add3A_1116 = arith.addi %mul3A_172, %and3A_1107 : vector<16xi32>
        %gather3A_1117 = tpu.vector_load_idx %arg7[%add3A_1116] : memref<33000xf32, #tpu.memory_space<vmem>>[vector<16xi32>], vector<16xf32>,
        %add3A_1118 = arith.addi %mul3A_178, %and3A_1107 : vector<16xi32>
        %gather3A_1119 = tpu.vector_load_idx %arg7[%add3A_1118] : memref<33000xf32, #tpu.memory_space<vmem>>[vector<16xi32>], vector<16xf32>,
        %add3A_1120 = arith.addi %mul3A_184, %and3A_1107 : vector<16xi32>
        %gather3A_1121 = tpu.vector_load_idx %arg7[%add3A_1120] : memref<33000xf32, #tpu.memory_space<vmem>>[vector<16xi32>], vector<16xf32>,
        %add3A_1122 = arith.addi %mul3A_190, %and3A_1107 : vector<16xi32>
        %gather3A_1123 = tpu.vector_load_idx %arg7[%add3A_1122] : memref<33000xf32, #tpu.memory_space<vmem>>[vector<16xi32>], vector<16xf32>,
        %gather3A_1124 = tpu.vector_load_idx %arg8[%add3A_30, %and3A_1107] : memref<128x32xf32, #tpu.memory_space<vmem>>[vector<16xi32>, vector<16xi32>], vector<16xf32>,
        %gather3A_1125 = tpu.vector_load_idx %arg8[%add3A_33, %and3A_1107] : memref<128x32xf32, #tpu.memory_space<vmem>>[vector<16xi32>, vector<16xi32>], vector<16xf32>,
        %gather3A_1126 = tpu.vector_load_idx %arg8[%add3A_36, %and3A_1107] : memref<128x32xf32, #tpu.memory_space<vmem>>[vector<16xi32>, vector<16xi32>], vector<16xf32>,
        %gather3A_1127 = tpu.vector_load_idx %arg8[%add3A_39, %and3A_1107] : memref<128x32xf32, #tpu.memory_space<vmem>>[vector<16xi32>, vector<16xi32>], vector<16xf32>,
        %gather3A_1128 = tpu.vector_load_idx %arg8[%add3A_42, %and3A_1107] : memref<128x32xf32, #tpu.memory_space<vmem>>[vector<16xi32>, vector<16xi32>], vector<16xf32>,
        %gather3A_1129 = tpu.vector_load_idx %arg8[%add3A_45, %and3A_1107] : memref<128x32xf32, #tpu.memory_space<vmem>>[vector<16xi32>, vector<16xi32>], vector<16xf32>,
        %gather3A_1130 = tpu.vector_load_idx %arg8[%add3A_48, %and3A_1107] : memref<128x32xf32, #tpu.memory_space<vmem>>[vector<16xi32>, vector<16xi32>], vector<16xf32>,
        %gather3A_1131 = tpu.vector_load_idx %arg8[%add3A_51, %and3A_1107] : memref<128x32xf32, #tpu.memory_space<vmem>>[vector<16xi32>, vector<16xi32>], vector<16xf32>,
        %shift_right_logical3A_1132 = arith.constant 3 : i32
        %shift_right_logical3A_1133 = vector.broadcast %shift_right_logical3A_1132 : i32 to vector<16xi32>
        %shift_right_logical3A_1134 = arith.shrui %and3A_985, %shift_right_logical3A_1133 : vector<16xi32>
        %and3A_1135 = arith.constant 7 : i32
        %and3A_1136 = vector.broadcast %and3A_1135 : i32 to vector<16xi32>
        %and3A_1137 = arith.andi %and3A_985, %and3A_1136 : vector<16xi32>
        %scatter3A_1138 = arith.constant 0 : i32
        %scatter3A_1139 = arith.constant 0 : i32
        %scatter3A_1140 = arith.constant 0 : i32
        %scatter3A_1141 = tpu.memref_slice %arg10[%scan3A_192, %scatter3A_1138, %scatter3A_1139, %scatter3A_1140] : memref<2x8x8x132xf32, #tpu.memory_space<vmem>> -> memref<1x8x8x132xf32, #tpu.memory_space<vmem>>
        %scatter3A_1142 = tpu.memref_squeeze %scatter3A_1141 : memref<1x8x8x132xf32, #tpu.memory_space<vmem>> -> memref<8x8x132xf32, #tpu.memory_space<vmem>>
        tpu.vector_store_idx %scatter3A_1142[%shift_right_logical3A_1134, %and3A_1137, %add3A_30], %gather3A_987 : memref<8x8x132xf32, #tpu.memory_space<vmem>>[vector<16xi32>, vector<16xi32>, vector<16xi32>], vector<16xf32>,
        %scatter3A_1143 = arith.constant 0 : i32
        %scatter3A_1144 = arith.constant 0 : i32
        %scatter3A_1145 = arith.constant 0 : i32
        %scatter3A_1146 = tpu.memref_slice %arg10[%scan3A_192, %scatter3A_1143, %scatter3A_1144, %scatter3A_1145] : memref<2x8x8x132xf32, #tpu.memory_space<vmem>> -> memref<1x8x8x132xf32, #tpu.memory_space<vmem>>
        %scatter3A_1147 = tpu.memref_squeeze %scatter3A_1146 : memref<1x8x8x132xf32, #tpu.memory_space<vmem>> -> memref<8x8x132xf32, #tpu.memory_space<vmem>>
        tpu.vector_store_idx %scatter3A_1147[%shift_right_logical3A_1134, %and3A_1137, %add3A_33], %gather3A_989 : memref<8x8x132xf32, #tpu.memory_space<vmem>>[vector<16xi32>, vector<16xi32>, vector<16xi32>], vector<16xf32>,
        %scatter3A_1148 = arith.constant 0 : i32
        %scatter3A_1149 = arith.constant 0 : i32
        %scatter3A_1150 = arith.constant 0 : i32
        %scatter3A_1151 = tpu.memref_slice %arg10[%scan3A_192, %scatter3A_1148, %scatter3A_1149, %scatter3A_1150] : memref<2x8x8x132xf32, #tpu.memory_space<vmem>> -> memref<1x8x8x132xf32, #tpu.memory_space<vmem>>
        %scatter3A_1152 = tpu.memref_squeeze %scatter3A_1151 : memref<1x8x8x132xf32, #tpu.memory_space<vmem>> -> memref<8x8x132xf32, #tpu.memory_space<vmem>>
        tpu.vector_store_idx %scatter3A_1152[%shift_right_logical3A_1134, %and3A_1137, %add3A_36], %gather3A_991 : memref<8x8x132xf32, #tpu.memory_space<vmem>>[vector<16xi32>, vector<16xi32>, vector<16xi32>], vector<16xf32>,
        %scatter3A_1153 = arith.constant 0 : i32
        %scatter3A_1154 = arith.constant 0 : i32
        %scatter3A_1155 = arith.constant 0 : i32
        %scatter3A_1156 = tpu.memref_slice %arg10[%scan3A_192, %scatter3A_1153, %scatter3A_1154, %scatter3A_1155] : memref<2x8x8x132xf32, #tpu.memory_space<vmem>> -> memref<1x8x8x132xf32, #tpu.memory_space<vmem>>
        %scatter3A_1157 = tpu.memref_squeeze %scatter3A_1156 : memref<1x8x8x132xf32, #tpu.memory_space<vmem>> -> memref<8x8x132xf32, #tpu.memory_space<vmem>>
        tpu.vector_store_idx %scatter3A_1157[%shift_right_logical3A_1134, %and3A_1137, %add3A_39], %gather3A_993 : memref<8x8x132xf32, #tpu.memory_space<vmem>>[vector<16xi32>, vector<16xi32>, vector<16xi32>], vector<16xf32>,
        %scatter3A_1158 = arith.constant 0 : i32
        %scatter3A_1159 = arith.constant 0 : i32
        %scatter3A_1160 = arith.constant 0 : i32
        %scatter3A_1161 = tpu.memref_slice %arg10[%scan3A_192, %scatter3A_1158, %scatter3A_1159, %scatter3A_1160] : memref<2x8x8x132xf32, #tpu.memory_space<vmem>> -> memref<1x8x8x132xf32, #tpu.memory_space<vmem>>
        %scatter3A_1162 = tpu.memref_squeeze %scatter3A_1161 : memref<1x8x8x132xf32, #tpu.memory_space<vmem>> -> memref<8x8x132xf32, #tpu.memory_space<vmem>>
        tpu.vector_store_idx %scatter3A_1162[%shift_right_logical3A_1134, %and3A_1137, %add3A_42], %gather3A_995 : memref<8x8x132xf32, #tpu.memory_space<vmem>>[vector<16xi32>, vector<16xi32>, vector<16xi32>], vector<16xf32>,
        %scatter3A_1163 = arith.constant 0 : i32
        %scatter3A_1164 = arith.constant 0 : i32
        %scatter3A_1165 = arith.constant 0 : i32
        %scatter3A_1166 = tpu.memref_slice %arg10[%scan3A_192, %scatter3A_1163, %scatter3A_1164, %scatter3A_1165] : memref<2x8x8x132xf32, #tpu.memory_space<vmem>> -> memref<1x8x8x132xf32, #tpu.memory_space<vmem>>
        %scatter3A_1167 = tpu.memref_squeeze %scatter3A_1166 : memref<1x8x8x132xf32, #tpu.memory_space<vmem>> -> memref<8x8x132xf32, #tpu.memory_space<vmem>>
        tpu.vector_store_idx %scatter3A_1167[%shift_right_logical3A_1134, %and3A_1137, %add3A_45], %gather3A_997 : memref<8x8x132xf32, #tpu.memory_space<vmem>>[vector<16xi32>, vector<16xi32>, vector<16xi32>], vector<16xf32>,
        %scatter3A_1168 = arith.constant 0 : i32
        %scatter3A_1169 = arith.constant 0 : i32
        %scatter3A_1170 = arith.constant 0 : i32
        %scatter3A_1171 = tpu.memref_slice %arg10[%scan3A_192, %scatter3A_1168, %scatter3A_1169, %scatter3A_1170] : memref<2x8x8x132xf32, #tpu.memory_space<vmem>> -> memref<1x8x8x132xf32, #tpu.memory_space<vmem>>
        %scatter3A_1172 = tpu.memref_squeeze %scatter3A_1171 : memref<1x8x8x132xf32, #tpu.memory_space<vmem>> -> memref<8x8x132xf32, #tpu.memory_space<vmem>>
        tpu.vector_store_idx %scatter3A_1172[%shift_right_logical3A_1134, %and3A_1137, %add3A_48], %gather3A_999 : memref<8x8x132xf32, #tpu.memory_space<vmem>>[vector<16xi32>, vector<16xi32>, vector<16xi32>], vector<16xf32>,
        %scatter3A_1173 = arith.constant 0 : i32
        %scatter3A_1174 = arith.constant 0 : i32
        %scatter3A_1175 = arith.constant 0 : i32
        %scatter3A_1176 = tpu.memref_slice %arg10[%scan3A_192, %scatter3A_1173, %scatter3A_1174, %scatter3A_1175] : memref<2x8x8x132xf32, #tpu.memory_space<vmem>> -> memref<1x8x8x132xf32, #tpu.memory_space<vmem>>
        %scatter3A_1177 = tpu.memref_squeeze %scatter3A_1176 : memref<1x8x8x132xf32, #tpu.memory_space<vmem>> -> memref<8x8x132xf32, #tpu.memory_space<vmem>>
        tpu.vector_store_idx %scatter3A_1177[%shift_right_logical3A_1134, %and3A_1137, %add3A_51], %gather3A_1001 : memref<8x8x132xf32, #tpu.memory_space<vmem>>[vector<16xi32>, vector<16xi32>, vector<16xi32>], vector<16xf32>,
        %add3A_1178 = arith.constant 4 : i32
        %add3A_1179 = vector.broadcast %add3A_1178 : i32 to vector<16xi32>
        %add3A_1180 = arith.addi %shift_right_logical3A_1134, %add3A_1179 : vector<16xi32>
        %scatter3A_1181 = arith.constant 0 : i32
        %scatter3A_1182 = arith.constant 0 : i32
        %scatter3A_1183 = arith.constant 0 : i32
        %scatter3A_1184 = tpu.memref_slice %arg10[%scan3A_192, %scatter3A_1181, %scatter3A_1182, %scatter3A_1183] : memref<2x8x8x132xf32, #tpu.memory_space<vmem>> -> memref<1x8x8x132xf32, #tpu.memory_space<vmem>>
        %scatter3A_1185 = tpu.memref_squeeze %scatter3A_1184 : memref<1x8x8x132xf32, #tpu.memory_space<vmem>> -> memref<8x8x132xf32, #tpu.memory_space<vmem>>
        tpu.vector_store_idx %scatter3A_1185[%add3A_1180, %and3A_1137, %add3A_30], %gather3A_1002 : memref<8x8x132xf32, #tpu.memory_space<vmem>>[vector<16xi32>, vector<16xi32>, vector<16xi32>], vector<16xf32>,
        %scatter3A_1186 = arith.constant 0 : i32
        %scatter3A_1187 = arith.constant 0 : i32
        %scatter3A_1188 = arith.constant 0 : i32
        %scatter3A_1189 = tpu.memref_slice %arg10[%scan3A_192, %scatter3A_1186, %scatter3A_1187, %scatter3A_1188] : memref<2x8x8x132xf32, #tpu.memory_space<vmem>> -> memref<1x8x8x132xf32, #tpu.memory_space<vmem>>
        %scatter3A_1190 = tpu.memref_squeeze %scatter3A_1189 : memref<1x8x8x132xf32, #tpu.memory_space<vmem>> -> memref<8x8x132xf32, #tpu.memory_space<vmem>>
        tpu.vector_store_idx %scatter3A_1190[%add3A_1180, %and3A_1137, %add3A_33], %gather3A_1003 : memref<8x8x132xf32, #tpu.memory_space<vmem>>[vector<16xi32>, vector<16xi32>, vector<16xi32>], vector<16xf32>,
        %scatter3A_1191 = arith.constant 0 : i32
        %scatter3A_1192 = arith.constant 0 : i32
        %scatter3A_1193 = arith.constant 0 : i32
        %scatter3A_1194 = tpu.memref_slice %arg10[%scan3A_192, %scatter3A_1191, %scatter3A_1192, %scatter3A_1193] : memref<2x8x8x132xf32, #tpu.memory_space<vmem>> -> memref<1x8x8x132xf32, #tpu.memory_space<vmem>>
        %scatter3A_1195 = tpu.memref_squeeze %scatter3A_1194 : memref<1x8x8x132xf32, #tpu.memory_space<vmem>> -> memref<8x8x132xf32, #tpu.memory_space<vmem>>
        tpu.vector_store_idx %scatter3A_1195[%add3A_1180, %and3A_1137, %add3A_36], %gather3A_1004 : memref<8x8x132xf32, #tpu.memory_space<vmem>>[vector<16xi32>, vector<16xi32>, vector<16xi32>], vector<16xf32>,
        %scatter3A_1196 = arith.constant 0 : i32
        %scatter3A_1197 = arith.constant 0 : i32
        %scatter3A_1198 = arith.constant 0 : i32
        %scatter3A_1199 = tpu.memref_slice %arg10[%scan3A_192, %scatter3A_1196, %scatter3A_1197, %scatter3A_1198] : memref<2x8x8x132xf32, #tpu.memory_space<vmem>> -> memref<1x8x8x132xf32, #tpu.memory_space<vmem>>
        %scatter3A_1200 = tpu.memref_squeeze %scatter3A_1199 : memref<1x8x8x132xf32, #tpu.memory_space<vmem>> -> memref<8x8x132xf32, #tpu.memory_space<vmem>>
        tpu.vector_store_idx %scatter3A_1200[%add3A_1180, %and3A_1137, %add3A_39], %gather3A_1005 : memref<8x8x132xf32, #tpu.memory_space<vmem>>[vector<16xi32>, vector<16xi32>, vector<16xi32>], vector<16xf32>,
        %scatter3A_1201 = arith.constant 0 : i32
        %scatter3A_1202 = arith.constant 0 : i32
        %scatter3A_1203 = arith.constant 0 : i32
        %scatter3A_1204 = tpu.memref_slice %arg10[%scan3A_192, %scatter3A_1201, %scatter3A_1202, %scatter3A_1203] : memref<2x8x8x132xf32, #tpu.memory_space<vmem>> -> memref<1x8x8x132xf32, #tpu.memory_space<vmem>>
        %scatter3A_1205 = tpu.memref_squeeze %scatter3A_1204 : memref<1x8x8x132xf32, #tpu.memory_space<vmem>> -> memref<8x8x132xf32, #tpu.memory_space<vmem>>
        tpu.vector_store_idx %scatter3A_1205[%add3A_1180, %and3A_1137, %add3A_42], %gather3A_1006 : memref<8x8x132xf32, #tpu.memory_space<vmem>>[vector<16xi32>, vector<16xi32>, vector<16xi32>], vector<16xf32>,
        %scatter3A_1206 = arith.constant 0 : i32
        %scatter3A_1207 = arith.constant 0 : i32
        %scatter3A_1208 = arith.constant 0 : i32
        %scatter3A_1209 = tpu.memref_slice %arg10[%scan3A_192, %scatter3A_1206, %scatter3A_1207, %scatter3A_1208] : memref<2x8x8x132xf32, #tpu.memory_space<vmem>> -> memref<1x8x8x132xf32, #tpu.memory_space<vmem>>
        %scatter3A_1210 = tpu.memref_squeeze %scatter3A_1209 : memref<1x8x8x132xf32, #tpu.memory_space<vmem>> -> memref<8x8x132xf32, #tpu.memory_space<vmem>>
        tpu.vector_store_idx %scatter3A_1210[%add3A_1180, %and3A_1137, %add3A_45], %gather3A_1007 : memref<8x8x132xf32, #tpu.memory_space<vmem>>[vector<16xi32>, vector<16xi32>, vector<16xi32>], vector<16xf32>,
        %scatter3A_1211 = arith.constant 0 : i32
        %scatter3A_1212 = arith.constant 0 : i32
        %scatter3A_1213 = arith.constant 0 : i32
        %scatter3A_1214 = tpu.memref_slice %arg10[%scan3A_192, %scatter3A_1211, %scatter3A_1212, %scatter3A_1213] : memref<2x8x8x132xf32, #tpu.memory_space<vmem>> -> memref<1x8x8x132xf32, #tpu.memory_space<vmem>>
        %scatter3A_1215 = tpu.memref_squeeze %scatter3A_1214 : memref<1x8x8x132xf32, #tpu.memory_space<vmem>> -> memref<8x8x132xf32, #tpu.memory_space<vmem>>
        tpu.vector_store_idx %scatter3A_1215[%add3A_1180, %and3A_1137, %add3A_48], %gather3A_1008 : memref<8x8x132xf32, #tpu.memory_space<vmem>>[vector<16xi32>, vector<16xi32>, vector<16xi32>], vector<16xf32>,
        %scatter3A_1216 = arith.constant 0 : i32
        %scatter3A_1217 = arith.constant 0 : i32
        %scatter3A_1218 = arith.constant 0 : i32
        %scatter3A_1219 = tpu.memref_slice %arg10[%scan3A_192, %scatter3A_1216, %scatter3A_1217, %scatter3A_1218] : memref<2x8x8x132xf32, #tpu.memory_space<vmem>> -> memref<1x8x8x132xf32, #tpu.memory_space<vmem>>
        %scatter3A_1220 = tpu.memref_squeeze %scatter3A_1219 : memref<1x8x8x132xf32, #tpu.memory_space<vmem>> -> memref<8x8x132xf32, #tpu.memory_space<vmem>>
        tpu.vector_store_idx %scatter3A_1220[%add3A_1180, %and3A_1137, %add3A_51], %gather3A_1009 : memref<8x8x132xf32, #tpu.memory_space<vmem>>[vector<16xi32>, vector<16xi32>, vector<16xi32>], vector<16xf32>,
        %shift_right_logical3A_1221 = arith.constant 3 : i32
        %shift_right_logical3A_1222 = vector.broadcast %shift_right_logical3A_1221 : i32 to vector<16xi32>
        %shift_right_logical3A_1223 = arith.shrui %and3A_1107, %shift_right_logical3A_1222 : vector<16xi32>
        %and3A_1224 = arith.constant 7 : i32
        %and3A_1225 = vector.broadcast %and3A_1224 : i32 to vector<16xi32>
        %and3A_1226 = arith.andi %and3A_1107, %and3A_1225 : vector<16xi32>
        %scatter3A_1227 = arith.constant 0 : i32
        %scatter3A_1228 = arith.constant 0 : i32
        %scatter3A_1229 = arith.constant 0 : i32
        %scatter3A_1230 = tpu.memref_slice %arg10[%scan3A_192, %scatter3A_1227, %scatter3A_1228, %scatter3A_1229] : memref<2x8x8x132xf32, #tpu.memory_space<vmem>> -> memref<1x8x8x132xf32, #tpu.memory_space<vmem>>
        %scatter3A_1231 = tpu.memref_squeeze %scatter3A_1230 : memref<1x8x8x132xf32, #tpu.memory_space<vmem>> -> memref<8x8x132xf32, #tpu.memory_space<vmem>>
        tpu.vector_store_idx %scatter3A_1231[%shift_right_logical3A_1223, %and3A_1226, %add3A_30], %gather3A_1109 : memref<8x8x132xf32, #tpu.memory_space<vmem>>[vector<16xi32>, vector<16xi32>, vector<16xi32>], vector<16xf32>,
        %scatter3A_1232 = arith.constant 0 : i32
        %scatter3A_1233 = arith.constant 0 : i32
        %scatter3A_1234 = arith.constant 0 : i32
        %scatter3A_1235 = tpu.memref_slice %arg10[%scan3A_192, %scatter3A_1232, %scatter3A_1233, %scatter3A_1234] : memref<2x8x8x132xf32, #tpu.memory_space<vmem>> -> memref<1x8x8x132xf32, #tpu.memory_space<vmem>>
        %scatter3A_1236 = tpu.memref_squeeze %scatter3A_1235 : memref<1x8x8x132xf32, #tpu.memory_space<vmem>> -> memref<8x8x132xf32, #tpu.memory_space<vmem>>
        tpu.vector_store_idx %scatter3A_1236[%shift_right_logical3A_1223, %and3A_1226, %add3A_33], %gather3A_1111 : memref<8x8x132xf32, #tpu.memory_space<vmem>>[vector<16xi32>, vector<16xi32>, vector<16xi32>], vector<16xf32>,
        %scatter3A_1237 = arith.constant 0 : i32
        %scatter3A_1238 = arith.constant 0 : i32
        %scatter3A_1239 = arith.constant 0 : i32
        %scatter3A_1240 = tpu.memref_slice %arg10[%scan3A_192, %scatter3A_1237, %scatter3A_1238, %scatter3A_1239] : memref<2x8x8x132xf32, #tpu.memory_space<vmem>> -> memref<1x8x8x132xf32, #tpu.memory_space<vmem>>
        %scatter3A_1241 = tpu.memref_squeeze %scatter3A_1240 : memref<1x8x8x132xf32, #tpu.memory_space<vmem>> -> memref<8x8x132xf32, #tpu.memory_space<vmem>>
        tpu.vector_store_idx %scatter3A_1241[%shift_right_logical3A_1223, %and3A_1226, %add3A_36], %gather3A_1113 : memref<8x8x132xf32, #tpu.memory_space<vmem>>[vector<16xi32>, vector<16xi32>, vector<16xi32>], vector<16xf32>,
        %scatter3A_1242 = arith.constant 0 : i32
        %scatter3A_1243 = arith.constant 0 : i32
        %scatter3A_1244 = arith.constant 0 : i32
        %scatter3A_1245 = tpu.memref_slice %arg10[%scan3A_192, %scatter3A_1242, %scatter3A_1243, %scatter3A_1244] : memref<2x8x8x132xf32, #tpu.memory_space<vmem>> -> memref<1x8x8x132xf32, #tpu.memory_space<vmem>>
        %scatter3A_1246 = tpu.memref_squeeze %scatter3A_1245 : memref<1x8x8x132xf32, #tpu.memory_space<vmem>> -> memref<8x8x132xf32, #tpu.memory_space<vmem>>
        tpu.vector_store_idx %scatter3A_1246[%shift_right_logical3A_1223, %and3A_1226, %add3A_39], %gather3A_1115 : memref<8x8x132xf32, #tpu.memory_space<vmem>>[vector<16xi32>, vector<16xi32>, vector<16xi32>], vector<16xf32>,
        %scatter3A_1247 = arith.constant 0 : i32
        %scatter3A_1248 = arith.constant 0 : i32
        %scatter3A_1249 = arith.constant 0 : i32
        %scatter3A_1250 = tpu.memref_slice %arg10[%scan3A_192, %scatter3A_1247, %scatter3A_1248, %scatter3A_1249] : memref<2x8x8x132xf32, #tpu.memory_space<vmem>> -> memref<1x8x8x132xf32, #tpu.memory_space<vmem>>
        %scatter3A_1251 = tpu.memref_squeeze %scatter3A_1250 : memref<1x8x8x132xf32, #tpu.memory_space<vmem>> -> memref<8x8x132xf32, #tpu.memory_space<vmem>>
        tpu.vector_store_idx %scatter3A_1251[%shift_right_logical3A_1223, %and3A_1226, %add3A_42], %gather3A_1117 : memref<8x8x132xf32, #tpu.memory_space<vmem>>[vector<16xi32>, vector<16xi32>, vector<16xi32>], vector<16xf32>,
        %scatter3A_1252 = arith.constant 0 : i32
        %scatter3A_1253 = arith.constant 0 : i32
        %scatter3A_1254 = arith.constant 0 : i32
        %scatter3A_1255 = tpu.memref_slice %arg10[%scan3A_192, %scatter3A_1252, %scatter3A_1253, %scatter3A_1254] : memref<2x8x8x132xf32, #tpu.memory_space<vmem>> -> memref<1x8x8x132xf32, #tpu.memory_space<vmem>>
        %scatter3A_1256 = tpu.memref_squeeze %scatter3A_1255 : memref<1x8x8x132xf32, #tpu.memory_space<vmem>> -> memref<8x8x132xf32, #tpu.memory_space<vmem>>
        tpu.vector_store_idx %scatter3A_1256[%shift_right_logical3A_1223, %and3A_1226, %add3A_45], %gather3A_1119 : memref<8x8x132xf32, #tpu.memory_space<vmem>>[vector<16xi32>, vector<16xi32>, vector<16xi32>], vector<16xf32>,
        %scatter3A_1257 = arith.constant 0 : i32
        %scatter3A_1258 = arith.constant 0 : i32
        %scatter3A_1259 = arith.constant 0 : i32
        %scatter3A_1260 = tpu.memref_slice %arg10[%scan3A_192, %scatter3A_1257, %scatter3A_1258, %scatter3A_1259] : memref<2x8x8x132xf32, #tpu.memory_space<vmem>> -> memref<1x8x8x132xf32, #tpu.memory_space<vmem>>
        %scatter3A_1261 = tpu.memref_squeeze %scatter3A_1260 : memref<1x8x8x132xf32, #tpu.memory_space<vmem>> -> memref<8x8x132xf32, #tpu.memory_space<vmem>>
        tpu.vector_store_idx %scatter3A_1261[%shift_right_logical3A_1223, %and3A_1226, %add3A_48], %gather3A_1121 : memref<8x8x132xf32, #tpu.memory_space<vmem>>[vector<16xi32>, vector<16xi32>, vector<16xi32>], vector<16xf32>,
        %scatter3A_1262 = arith.constant 0 : i32
        %scatter3A_1263 = arith.constant 0 : i32
        %scatter3A_1264 = arith.constant 0 : i32
        %scatter3A_1265 = tpu.memref_slice %arg10[%scan3A_192, %scatter3A_1262, %scatter3A_1263, %scatter3A_1264] : memref<2x8x8x132xf32, #tpu.memory_space<vmem>> -> memref<1x8x8x132xf32, #tpu.memory_space<vmem>>
        %scatter3A_1266 = tpu.memref_squeeze %scatter3A_1265 : memref<1x8x8x132xf32, #tpu.memory_space<vmem>> -> memref<8x8x132xf32, #tpu.memory_space<vmem>>
        tpu.vector_store_idx %scatter3A_1266[%shift_right_logical3A_1223, %and3A_1226, %add3A_51], %gather3A_1123 : memref<8x8x132xf32, #tpu.memory_space<vmem>>[vector<16xi32>, vector<16xi32>, vector<16xi32>], vector<16xf32>,
        %add3A_1267 = arith.constant 4 : i32
        %add3A_1268 = vector.broadcast %add3A_1267 : i32 to vector<16xi32>
        %add3A_1269 = arith.addi %shift_right_logical3A_1223, %add3A_1268 : vector<16xi32>
        %scatter3A_1270 = arith.constant 0 : i32
        %scatter3A_1271 = arith.constant 0 : i32
        %scatter3A_1272 = arith.constant 0 : i32
        %scatter3A_1273 = tpu.memref_slice %arg10[%scan3A_192, %scatter3A_1270, %scatter3A_1271, %scatter3A_1272] : memref<2x8x8x132xf32, #tpu.memory_space<vmem>> -> memref<1x8x8x132xf32, #tpu.memory_space<vmem>>
        %scatter3A_1274 = tpu.memref_squeeze %scatter3A_1273 : memref<1x8x8x132xf32, #tpu.memory_space<vmem>> -> memref<8x8x132xf32, #tpu.memory_space<vmem>>
        tpu.vector_store_idx %scatter3A_1274[%add3A_1269, %and3A_1226, %add3A_30], %gather3A_1124 : memref<8x8x132xf32, #tpu.memory_space<vmem>>[vector<16xi32>, vector<16xi32>, vector<16xi32>], vector<16xf32>,
        %scatter3A_1275 = arith.constant 0 : i32
        %scatter3A_1276 = arith.constant 0 : i32
        %scatter3A_1277 = arith.constant 0 : i32
        %scatter3A_1278 = tpu.memref_slice %arg10[%scan3A_192, %scatter3A_1275, %scatter3A_1276, %scatter3A_1277] : memref<2x8x8x132xf32, #tpu.memory_space<vmem>> -> memref<1x8x8x132xf32, #tpu.memory_space<vmem>>
        %scatter3A_1279 = tpu.memref_squeeze %scatter3A_1278 : memref<1x8x8x132xf32, #tpu.memory_space<vmem>> -> memref<8x8x132xf32, #tpu.memory_space<vmem>>
        tpu.vector_store_idx %scatter3A_1279[%add3A_1269, %and3A_1226, %add3A_33], %gather3A_1125 : memref<8x8x132xf32, #tpu.memory_space<vmem>>[vector<16xi32>, vector<16xi32>, vector<16xi32>], vector<16xf32>,
        %scatter3A_1280 = arith.constant 0 : i32
        %scatter3A_1281 = arith.constant 0 : i32
        %scatter3A_1282 = arith.constant 0 : i32
        %scatter3A_1283 = tpu.memref_slice %arg10[%scan3A_192, %scatter3A_1280, %scatter3A_1281, %scatter3A_1282] : memref<2x8x8x132xf32, #tpu.memory_space<vmem>> -> memref<1x8x8x132xf32, #tpu.memory_space<vmem>>
        %scatter3A_1284 = tpu.memref_squeeze %scatter3A_1283 : memref<1x8x8x132xf32, #tpu.memory_space<vmem>> -> memref<8x8x132xf32, #tpu.memory_space<vmem>>
        tpu.vector_store_idx %scatter3A_1284[%add3A_1269, %and3A_1226, %add3A_36], %gather3A_1126 : memref<8x8x132xf32, #tpu.memory_space<vmem>>[vector<16xi32>, vector<16xi32>, vector<16xi32>], vector<16xf32>,
        %scatter3A_1285 = arith.constant 0 : i32
        %scatter3A_1286 = arith.constant 0 : i32
        %scatter3A_1287 = arith.constant 0 : i32
        %scatter3A_1288 = tpu.memref_slice %arg10[%scan3A_192, %scatter3A_1285, %scatter3A_1286, %scatter3A_1287] : memref<2x8x8x132xf32, #tpu.memory_space<vmem>> -> memref<1x8x8x132xf32, #tpu.memory_space<vmem>>
        %scatter3A_1289 = tpu.memref_squeeze %scatter3A_1288 : memref<1x8x8x132xf32, #tpu.memory_space<vmem>> -> memref<8x8x132xf32, #tpu.memory_space<vmem>>
        tpu.vector_store_idx %scatter3A_1289[%add3A_1269, %and3A_1226, %add3A_39], %gather3A_1127 : memref<8x8x132xf32, #tpu.memory_space<vmem>>[vector<16xi32>, vector<16xi32>, vector<16xi32>], vector<16xf32>,
        %scatter3A_1290 = arith.constant 0 : i32
        %scatter3A_1291 = arith.constant 0 : i32
        %scatter3A_1292 = arith.constant 0 : i32
        %scatter3A_1293 = tpu.memref_slice %arg10[%scan3A_192, %scatter3A_1290, %scatter3A_1291, %scatter3A_1292] : memref<2x8x8x132xf32, #tpu.memory_space<vmem>> -> memref<1x8x8x132xf32, #tpu.memory_space<vmem>>
        %scatter3A_1294 = tpu.memref_squeeze %scatter3A_1293 : memref<1x8x8x132xf32, #tpu.memory_space<vmem>> -> memref<8x8x132xf32, #tpu.memory_space<vmem>>
        tpu.vector_store_idx %scatter3A_1294[%add3A_1269, %and3A_1226, %add3A_42], %gather3A_1128 : memref<8x8x132xf32, #tpu.memory_space<vmem>>[vector<16xi32>, vector<16xi32>, vector<16xi32>], vector<16xf32>,
        %scatter3A_1295 = arith.constant 0 : i32
        %scatter3A_1296 = arith.constant 0 : i32
        %scatter3A_1297 = arith.constant 0 : i32
        %scatter3A_1298 = tpu.memref_slice %arg10[%scan3A_192, %scatter3A_1295, %scatter3A_1296, %scatter3A_1297] : memref<2x8x8x132xf32, #tpu.memory_space<vmem>> -> memref<1x8x8x132xf32, #tpu.memory_space<vmem>>
        %scatter3A_1299 = tpu.memref_squeeze %scatter3A_1298 : memref<1x8x8x132xf32, #tpu.memory_space<vmem>> -> memref<8x8x132xf32, #tpu.memory_space<vmem>>
        tpu.vector_store_idx %scatter3A_1299[%add3A_1269, %and3A_1226, %add3A_45], %gather3A_1129 : memref<8x8x132xf32, #tpu.memory_space<vmem>>[vector<16xi32>, vector<16xi32>, vector<16xi32>], vector<16xf32>,
        %scatter3A_1300 = arith.constant 0 : i32
        %scatter3A_1301 = arith.constant 0 : i32
        %scatter3A_1302 = arith.constant 0 : i32
        %scatter3A_1303 = tpu.memref_slice %arg10[%scan3A_192, %scatter3A_1300, %scatter3A_1301, %scatter3A_1302] : memref<2x8x8x132xf32, #tpu.memory_space<vmem>> -> memref<1x8x8x132xf32, #tpu.memory_space<vmem>>
        %scatter3A_1304 = tpu.memref_squeeze %scatter3A_1303 : memref<1x8x8x132xf32, #tpu.memory_space<vmem>> -> memref<8x8x132xf32, #tpu.memory_space<vmem>>
        tpu.vector_store_idx %scatter3A_1304[%add3A_1269, %and3A_1226, %add3A_48], %gather3A_1130 : memref<8x8x132xf32, #tpu.memory_space<vmem>>[vector<16xi32>, vector<16xi32>, vector<16xi32>], vector<16xf32>,
        %scatter3A_1305 = arith.constant 0 : i32
        %scatter3A_1306 = arith.constant 0 : i32
        %scatter3A_1307 = arith.constant 0 : i32
        %scatter3A_1308 = tpu.memref_slice %arg10[%scan3A_192, %scatter3A_1305, %scatter3A_1306, %scatter3A_1307] : memref<2x8x8x132xf32, #tpu.memory_space<vmem>> -> memref<1x8x8x132xf32, #tpu.memory_space<vmem>>
        %scatter3A_1309 = tpu.memref_squeeze %scatter3A_1308 : memref<1x8x8x132xf32, #tpu.memory_space<vmem>> -> memref<8x8x132xf32, #tpu.memory_space<vmem>>
        tpu.vector_store_idx %scatter3A_1309[%add3A_1269, %and3A_1226, %add3A_51], %gather3A_1131 : memref<8x8x132xf32, #tpu.memory_space<vmem>>[vector<16xi32>, vector<16xi32>, vector<16xi32>], vector<16xf32>,
      }
      %scan3A_197 = arith.constant 4 : i32
      %add3A_198 = arith.constant 2 : i32
      %add3A_199 = arith.addi %add3A_135, %add3A_198 : i32
      %lt3A = arith.constant 200 : i32
      %lt3A_200 = arith.cmpi slt, %add3A_199, %lt3A : i32
      %convert_element_type3A_201 = arith.extui %lt3A_200 : i1 to i32
      %cond3A_202 = arith.constant 0 : i32
      %cond3A_203 = arith.cmpi ne, %convert_element_type3A_201, %cond3A_202 : i32
      scf.if %cond3A_203 {
        %add3A_339 = arith.constant 2 : i32
        %add3A_340 = arith.addi %add3A_135, %add3A_339 : i32
        %dma_start3A_341 = arith.constant 0 : i32
        %dma_start3A_342 = tpu.memref_slice %arg6[%add3A_340, %dma_start3A_341] : memref<200x128xi32, #tpu.memory_space<vmem>> -> memref<1x128xi32, #tpu.memory_space<vmem>>
        %dma_start3A_343 = tpu.memref_squeeze %dma_start3A_342 : memref<1x128xi32, #tpu.memory_space<vmem>> -> memref<128xi32, #tpu.memory_space<vmem>>
        %dma_start3A_344 = arith.constant 0 : i32
        %dma_start3A_345 = arith.constant 0 : i32
        %dma_start3A_346 = tpu.memref_slice %arg4[%dma_start3A_344, %dma_start3A_345] : memref<1000x32xf32, #tpu.memory_space<hbm>> -> memref<1000x32xf32, #tpu.memory_space<hbm>>
        tpu.enqueue_indirect_dma source(%dma_start3A_346 : memref<1000x32xf32, #tpu.memory_space<hbm>>) target(%arg8 : memref<128x32xf32, #tpu.memory_space<vmem>>) offsets(%dma_start3A_343 : memref<128xi32, #tpu.memory_space<vmem>>) semaphore(%arg11 : memref<!tpu.dma_semaphore, #tpu.memory_space<semaphore_mem>>)
      } else {
      }
      %dma_start3A_204 = arith.constant 0 : i32
      %dma_start3A_205 = arith.constant 0 : i32
      %dma_start3A_206 = arith.constant 0 : i32
      %dma_start3A_207 = arith.constant 0 : i32
      %dma_start3A_208 = tpu.memref_slice %arg10[%dma_start3A_204, %dma_start3A_205, %dma_start3A_206, %dma_start3A_207] : memref<2x8x8x132xf32, #tpu.memory_space<vmem>> -> memref<1x8x8x132xf32, #tpu.memory_space<vmem>>
      %dma_start3A_209 = tpu.memref_squeeze %dma_start3A_208 : memref<1x8x8x132xf32, #tpu.memory_space<vmem>> -> memref<8x8x132xf32, #tpu.memory_space<vmem>>
      %dma_start3A_210 = arith.constant 0 : i32
      %dma_start3A_211 = arith.constant 0 : i32
      %dma_start3A_212 = arith.constant 0 : i32
      %dma_start3A_213 = tpu.memref_slice %dma_start3A_209[%dma_start3A_210, %dma_start3A_211, %dma_start3A_212] : memref<8x8x132xf32, #tpu.memory_space<vmem>> -> memref<8x8x128xf32, #tpu.memory_space<vmem>>
      %dma_start3A_214 = arith.constant 0 : i32
      %dma_start3A_215 = arith.constant 0 : i32
      %dma_start3A_216 = arith.constant 0 : i32
      %dma_start3A_217 = tpu.memref_slice %arg5[%add3A_135, %dma_start3A_214, %add3A, %dma_start3A_215, %dma_start3A_216] : memref<200x8x32x8x128xf32, #tpu.memory_space<hbm>> -> memref<1x8x1x8x128xf32, #tpu.memory_space<hbm>>
      %dma_start3A_218 = tpu.memref_squeeze %dma_start3A_217 : memref<1x8x1x8x128xf32, #tpu.memory_space<hbm>> -> memref<8x8x128xf32, #tpu.memory_space<hbm>>
      %dma_start3A_219 = arith.constant 0 : i32
      %dma_start3A_220 = arith.constant 0 : i32
      %dma_start3A_221 = arith.constant 0 : i32
      %dma_start3A_222 = tpu.memref_slice %arg5[%add3A_135, %dma_start3A_219, %add3A, %dma_start3A_220, %dma_start3A_221] : memref<200x8x32x8x128xf32, #tpu.memory_space<hbm>> -> memref<1x8x1x8x128xf32, #tpu.memory_space<hbm>>
      %dma_start3A_223 = tpu.memref_squeeze %dma_start3A_222 : memref<1x8x1x8x128xf32, #tpu.memory_space<hbm>> -> memref<8x8x128xf32, #tpu.memory_space<hbm>>
      %dma_start3A_224 = arith.constant 0 : i32
      %dma_start3A_225 = arith.constant 0 : i32
      %dma_start3A_226 = arith.constant 0 : i32
      %dma_start3A_227 = tpu.memref_slice %arg10[%dma_start3A_204, %dma_start3A_224, %dma_start3A_225, %dma_start3A_226] : memref<2x8x8x132xf32, #tpu.memory_space<vmem>> -> memref<1x8x8x132xf32, #tpu.memory_space<vmem>>
      %dma_start3A_228 = tpu.memref_squeeze %dma_start3A_227 : memref<1x8x8x132xf32, #tpu.memory_space<vmem>> -> memref<8x8x132xf32, #tpu.memory_space<vmem>>
      %dma_start3A_229 = arith.constant 0 : i32
      %dma_start3A_230 = arith.constant 0 : i32
      %dma_start3A_231 = arith.constant 0 : i32
      %dma_start3A_232 = tpu.memref_slice %dma_start3A_228[%dma_start3A_229, %dma_start3A_230, %dma_start3A_231] : memref<8x8x132xf32, #tpu.memory_space<vmem>> -> memref<8x8x128xf32, #tpu.memory_space<vmem>>
      tpu.enqueue_dma source(%dma_start3A_232 : memref<8x8x128xf32, #tpu.memory_space<vmem>>) target(%dma_start3A_223 : memref<8x8x128xf32, #tpu.memory_space<hbm>>) target_semaphore(%arg13 : memref<!tpu.dma_semaphore, #tpu.memory_space<semaphore_mem>>)
      %mul3A_233 = arith.constant 2 : i32
      %mul3A_234 = arith.muli %scan3A_131, %mul3A_233 : i32
      %add3A_235 = arith.constant 1 : i32
      %add3A_236 = arith.addi %mul3A_234, %add3A_235 : i32
      %dma_wait3A_237 = arith.constant 0 : i32
      %dma_wait3A_238 = arith.constant 0 : i32
      %dma_wait3A_239 = tpu.memref_slice %arg4[%dma_wait3A_237, %dma_wait3A_238] : memref<1000x32xf32, #tpu.memory_space<hbm>> -> memref<128x32xf32, #tpu.memory_space<hbm>>
      %dma_wait3A_240 = arith.constant 0 : i32
      %dma_wait3A_241 = arith.constant 0 : i32
      %dma_wait3A_242 = tpu.memref_slice %arg4[%dma_wait3A_240, %dma_wait3A_241] : memref<1000x32xf32, #tpu.memory_space<hbm>> -> memref<128x32xf32, #tpu.memory_space<hbm>>
      tpu.wait_dma2 semaphore(%arg12 : memref<!tpu.dma_semaphore, #tpu.memory_space<semaphore_mem>>) src(%dma_wait3A_242 : memref<128x32xf32, #tpu.memory_space<hbm>>) dst(%arg9 : memref<128x32xf32, #tpu.memory_space<vmem>>)
      %ge3A_243 = arith.constant 2 : i32
      %ge3A_244 = arith.cmpi sge, %add3A_236, %ge3A_243 : i32
      %convert_element_type3A_245 = arith.extui %ge3A_244 : i1 to i32
      %cond3A_246 = arith.constant 0 : i32
      %cond3A_247 = arith.cmpi ne, %convert_element_type3A_245, %cond3A_246 : i32
      scf.if %cond3A_247 {
        %dma_wait3A_339 = arith.constant 1 : i32
        %dma_wait3A_340 = arith.constant 0 : i32
        %dma_wait3A_341 = arith.constant 0 : i32
        %dma_wait3A_342 = arith.constant 0 : i32
        %dma_wait3A_343 = arith.constant 0 : i32
        %dma_wait3A_344 = arith.constant 0 : i32
        %dma_wait3A_345 = tpu.memref_slice %arg10[%dma_wait3A_339, %dma_wait3A_342, %dma_wait3A_343, %dma_wait3A_344] : memref<2x8x8x132xf32, #tpu.memory_space<vmem>> -> memref<1x8x8x132xf32, #tpu.memory_space<vmem>>
        %dma_wait3A_346 = tpu.memref_squeeze %dma_wait3A_345 : memref<1x8x8x132xf32, #tpu.memory_space<vmem>> -> memref<8x8x132xf32, #tpu.memory_space<vmem>>
        %dma_wait3A_347 = arith.constant 0 : i32
        %dma_wait3A_348 = arith.constant 0 : i32
        %dma_wait3A_349 = arith.constant 0 : i32
        %dma_wait3A_350 = tpu.memref_slice %dma_wait3A_346[%dma_wait3A_347, %dma_wait3A_348, %dma_wait3A_349] : memref<8x8x132xf32, #tpu.memory_space<vmem>> -> memref<8x8x128xf32, #tpu.memory_space<vmem>>
        %dma_wait3A_351 = arith.constant 0 : i32
        %dma_wait3A_352 = arith.constant 0 : i32
        %dma_wait3A_353 = arith.constant 0 : i32
        %dma_wait3A_354 = tpu.memref_slice %arg5[%dma_wait3A_340, %dma_wait3A_351, %dma_wait3A_341, %dma_wait3A_352, %dma_wait3A_353] : memref<200x8x32x8x128xf32, #tpu.memory_space<hbm>> -> memref<1x8x1x8x128xf32, #tpu.memory_space<hbm>>
        %dma_wait3A_355 = tpu.memref_squeeze %dma_wait3A_354 : memref<1x8x1x8x128xf32, #tpu.memory_space<hbm>> -> memref<8x8x128xf32, #tpu.memory_space<hbm>>
        %dma_wait3A_356 = arith.constant 0 : i32
        %dma_wait3A_357 = arith.constant 0 : i32
        %dma_wait3A_358 = arith.constant 0 : i32
        %dma_wait3A_359 = tpu.memref_slice %arg5[%dma_wait3A_340, %dma_wait3A_356, %dma_wait3A_341, %dma_wait3A_357, %dma_wait3A_358] : memref<200x8x32x8x128xf32, #tpu.memory_space<hbm>> -> memref<1x8x1x8x128xf32, #tpu.memory_space<hbm>>
        %dma_wait3A_360 = tpu.memref_squeeze %dma_wait3A_359 : memref<1x8x1x8x128xf32, #tpu.memory_space<hbm>> -> memref<8x8x128xf32, #tpu.memory_space<hbm>>
        %dma_wait3A_361 = arith.constant 0 : i32
        %dma_wait3A_362 = arith.constant 0 : i32
        %dma_wait3A_363 = arith.constant 0 : i32
        %dma_wait3A_364 = tpu.memref_slice %arg10[%dma_wait3A_339, %dma_wait3A_361, %dma_wait3A_362, %dma_wait3A_363] : memref<2x8x8x132xf32, #tpu.memory_space<vmem>> -> memref<1x8x8x132xf32, #tpu.memory_space<vmem>>
        %dma_wait3A_365 = tpu.memref_squeeze %dma_wait3A_364 : memref<1x8x8x132xf32, #tpu.memory_space<vmem>> -> memref<8x8x132xf32, #tpu.memory_space<vmem>>
        %dma_wait3A_366 = arith.constant 0 : i32
        %dma_wait3A_367 = arith.constant 0 : i32
        %dma_wait3A_368 = arith.constant 0 : i32
        %dma_wait3A_369 = tpu.memref_slice %dma_wait3A_365[%dma_wait3A_366, %dma_wait3A_367, %dma_wait3A_368] : memref<8x8x132xf32, #tpu.memory_space<vmem>> -> memref<8x8x128xf32, #tpu.memory_space<vmem>>
        tpu.wait_dma2 semaphore(%arg14 : memref<!tpu.dma_semaphore, #tpu.memory_space<semaphore_mem>>) src(%dma_wait3A_369 : memref<8x8x128xf32, #tpu.memory_space<vmem>>) dst(%dma_wait3A_360 : memref<8x8x128xf32, #tpu.memory_space<hbm>>)
      } else {
      }
      %get3A_248 = arith.index_cast %add3A_236 : i32 to index
      %get3A_249 = arith.constant 0 : index
      %get3A_250 = tpu.vector_load %arg6[%get3A_248, %get3A_249] {strides = array<i32>} : memref<200x128xi32, #tpu.memory_space<vmem>>, vector<16xi32>,
      %mul3A_251 = arith.constant 33 : i32
      %mul3A_252 = vector.broadcast %mul3A_251 : i32 to vector<16xi32>
      %mul3A_253 = arith.muli %get3A_250, %mul3A_252 : vector<16xi32>
      %get3A_254 = arith.index_cast %add3A_236 : i32 to index
      %get3A_255 = arith.constant 16 : index
      %get3A_256 = tpu.vector_load %arg6[%get3A_254, %get3A_255] {strides = array<i32>} : memref<200x128xi32, #tpu.memory_space<vmem>>, vector<16xi32>,
      %mul3A_257 = arith.constant 33 : i32
      %mul3A_258 = vector.broadcast %mul3A_257 : i32 to vector<16xi32>
      %mul3A_259 = arith.muli %get3A_256, %mul3A_258 : vector<16xi32>
      %get3A_260 = arith.index_cast %add3A_236 : i32 to index
      %get3A_261 = arith.constant 32 : index
      %get3A_262 = tpu.vector_load %arg6[%get3A_260, %get3A_261] {strides = array<i32>} : memref<200x128xi32, #tpu.memory_space<vmem>>, vector<16xi32>,
      %mul3A_263 = arith.constant 33 : i32
      %mul3A_264 = vector.broadcast %mul3A_263 : i32 to vector<16xi32>
      %mul3A_265 = arith.muli %get3A_262, %mul3A_264 : vector<16xi32>
      %get3A_266 = arith.index_cast %add3A_236 : i32 to index
      %get3A_267 = arith.constant 48 : index
      %get3A_268 = tpu.vector_load %arg6[%get3A_266, %get3A_267] {strides = array<i32>} : memref<200x128xi32, #tpu.memory_space<vmem>>, vector<16xi32>,
      %mul3A_269 = arith.constant 33 : i32
      %mul3A_270 = vector.broadcast %mul3A_269 : i32 to vector<16xi32>
      %mul3A_271 = arith.muli %get3A_268, %mul3A_270 : vector<16xi32>
      %get3A_272 = arith.index_cast %add3A_236 : i32 to index
      %get3A_273 = arith.constant 64 : index
      %get3A_274 = tpu.vector_load %arg6[%get3A_272, %get3A_273] {strides = array<i32>} : memref<200x128xi32, #tpu.memory_space<vmem>>, vector<16xi32>,
      %mul3A_275 = arith.constant 33 : i32
      %mul3A_276 = vector.broadcast %mul3A_275 : i32 to vector<16xi32>
      %mul3A_277 = arith.muli %get3A_274, %mul3A_276 : vector<16xi32>
      %get3A_278 = arith.index_cast %add3A_236 : i32 to index
      %get3A_279 = arith.constant 80 : index
      %get3A_280 = tpu.vector_load %arg6[%get3A_278, %get3A_279] {strides = array<i32>} : memref<200x128xi32, #tpu.memory_space<vmem>>, vector<16xi32>,
      %mul3A_281 = arith.constant 33 : i32
      %mul3A_282 = vector.broadcast %mul3A_281 : i32 to vector<16xi32>
      %mul3A_283 = arith.muli %get3A_280, %mul3A_282 : vector<16xi32>
      %get3A_284 = arith.index_cast %add3A_236 : i32 to index
      %get3A_285 = arith.constant 96 : index
      %get3A_286 = tpu.vector_load %arg6[%get3A_284, %get3A_285] {strides = array<i32>} : memref<200x128xi32, #tpu.memory_space<vmem>>, vector<16xi32>,
      %mul3A_287 = arith.constant 33 : i32
      %mul3A_288 = vector.broadcast %mul3A_287 : i32 to vector<16xi32>
      %mul3A_289 = arith.muli %get3A_286, %mul3A_288 : vector<16xi32>
      %get3A_290 = arith.index_cast %add3A_236 : i32 to index
      %get3A_291 = arith.constant 112 : index
      %get3A_292 = tpu.vector_load %arg6[%get3A_290, %get3A_291] {strides = array<i32>} : memref<200x128xi32, #tpu.memory_space<vmem>>, vector<16xi32>,
      %mul3A_293 = arith.constant 33 : i32
      %mul3A_294 = vector.broadcast %mul3A_293 : i32 to vector<16xi32>
      %mul3A_295 = arith.muli %get3A_292, %mul3A_294 : vector<16xi32>
      %scan3A_296 = arith.constant 0 : i32
      %scan3A_297 = arith.constant 1 : i32
      %scan3A_298 = arith.constant 0 : i32
      %scan3A_299 = arith.constant 4 : i32
      %scan3A_300 = arith.addi %scan3A_298, %scan3A_299 : i32
      %scan3A_301 = arith.constant 1 : i32
      scf.for %scan3A_339 = %scan3A_298 to %scan3A_300 step %scan3A_301  : i32 {
        %mul3A_340 = arith.constant 8 : i32
        %mul3A_341 = arith.muli %scan3A_339, %mul3A_340 : i32
        %add3A_342 = vector.broadcast %mul3A_341 : i32 to vector<16xi32>
        %add3A_343 = arith.addi %mul3A_27, %add3A_342 : vector<16xi32>
        %and3A = arith.constant 31 : i32
        %and3A_344 = vector.broadcast %and3A : i32 to vector<16xi32>
        %and3A_345 = arith.andi %add3A_343, %and3A_344 : vector<16xi32>
        %add3A_346 = arith.addi %mul3A_253, %and3A_345 : vector<16xi32>
        %gather3A = tpu.vector_load_idx %arg7[%add3A_346] : memref<33000xf32, #tpu.memory_space<vmem>>[vector<16xi32>], vector<16xf32>,
        %add3A_347 = arith.addi %mul3A_259, %and3A_345 : vector<16xi32>
        %gather3A_348 = tpu.vector_load_idx %arg7[%add3A_347] : memref<33000xf32, #tpu.memory_space<vmem>>[vector<16xi32>], vector<16xf32>,
        %add3A_349 = arith.addi %mul3A_265, %and3A_345 : vector<16xi32>
        %gather3A_350 = tpu.vector_load_idx %arg7[%add3A_349] : memref<33000xf32, #tpu.memory_space<vmem>>[vector<16xi32>], vector<16xf32>,
        %add3A_351 = arith.addi %mul3A_271, %and3A_345 : vector<16xi32>
        %gather3A_352 = tpu.vector_load_idx %arg7[%add3A_351] : memref<33000xf32, #tpu.memory_space<vmem>>[vector<16xi32>], vector<16xf32>,
        %add3A_353 = arith.addi %mul3A_277, %and3A_345 : vector<16xi32>
        %gather3A_354 = tpu.vector_load_idx %arg7[%add3A_353] : memref<33000xf32, #tpu.memory_space<vmem>>[vector<16xi32>], vector<16xf32>,
        %add3A_355 = arith.addi %mul3A_283, %and3A_345 : vector<16xi32>
        %gather3A_356 = tpu.vector_load_idx %arg7[%add3A_355] : memref<33000xf32, #tpu.memory_space<vmem>>[vector<16xi32>], vector<16xf32>,
        %add3A_357 = arith.addi %mul3A_289, %and3A_345 : vector<16xi32>
        %gather3A_358 = tpu.vector_load_idx %arg7[%add3A_357] : memref<33000xf32, #tpu.memory_space<vmem>>[vector<16xi32>], vector<16xf32>,
        %add3A_359 = arith.addi %mul3A_295, %and3A_345 : vector<16xi32>
        %gather3A_360 = tpu.vector_load_idx %arg7[%add3A_359] : memref<33000xf32, #tpu.memory_space<vmem>>[vector<16xi32>], vector<16xf32>,
        %gather3A_361 = tpu.vector_load_idx %arg9[%add3A_30, %and3A_345] : memref<128x32xf32, #tpu.memory_space<vmem>>[vector<16xi32>, vector<16xi32>], vector<16xf32>,
        %gather3A_362 = tpu.vector_load_idx %arg9[%add3A_33, %and3A_345] : memref<128x32xf32, #tpu.memory_space<vmem>>[vector<16xi32>, vector<16xi32>], vector<16xf32>,
        %gather3A_363 = tpu.vector_load_idx %arg9[%add3A_36, %and3A_345] : memref<128x32xf32, #tpu.memory_space<vmem>>[vector<16xi32>, vector<16xi32>], vector<16xf32>,
        %gather3A_364 = tpu.vector_load_idx %arg9[%add3A_39, %and3A_345] : memref<128x32xf32, #tpu.memory_space<vmem>>[vector<16xi32>, vector<16xi32>], vector<16xf32>,
        %gather3A_365 = tpu.vector_load_idx %arg9[%add3A_42, %and3A_345] : memref<128x32xf32, #tpu.memory_space<vmem>>[vector<16xi32>, vector<16xi32>], vector<16xf32>,
        %gather3A_366 = tpu.vector_load_idx %arg9[%add3A_45, %and3A_345] : memref<128x32xf32, #tpu.memory_space<vmem>>[vector<16xi32>, vector<16xi32>], vector<16xf32>,
        %gather3A_367 = tpu.vector_load_idx %arg9[%add3A_48, %and3A_345] : memref<128x32xf32, #tpu.memory_space<vmem>>[vector<16xi32>, vector<16xi32>], vector<16xf32>,
        %gather3A_368 = tpu.vector_load_idx %arg9[%add3A_51, %and3A_345] : memref<128x32xf32, #tpu.memory_space<vmem>>[vector<16xi32>, vector<16xi32>], vector<16xf32>,
        %mul3A_369 = arith.constant 8 : i32
        %mul3A_370 = arith.muli %scan3A_339, %mul3A_369 : i32
        %add3A_371 = arith.constant 1 : i32
        %add3A_372 = arith.addi %mul3A_370, %add3A_371 : i32
        %add3A_373 = vector.broadcast %add3A_372 : i32 to vector<16xi32>
        %add3A_374 = arith.addi %mul3A_27, %add3A_373 : vector<16xi32>
        %and3A_375 = arith.constant 31 : i32
        %and3A_376 = vector.broadcast %and3A_375 : i32 to vector<16xi32>
        %and3A_377 = arith.andi %add3A_374, %and3A_376 : vector<16xi32>
        %add3A_378 = arith.addi %mul3A_253, %and3A_377 : vector<16xi32>
        %gather3A_379 = tpu.vector_load_idx %arg7[%add3A_378] : memref<33000xf32, #tpu.memory_space<vmem>>[vector<16xi32>], vector<16xf32>,
        %add3A_380 = arith.addi %mul3A_259, %and3A_377 : vector<16xi32>
        %gather3A_381 = tpu.vector_load_idx %arg7[%add3A_380] : memref<33000xf32, #tpu.memory_space<vmem>>[vector<16xi32>], vector<16xf32>,
        %add3A_382 = arith.addi %mul3A_265, %and3A_377 : vector<16xi32>
        %gather3A_383 = tpu.vector_load_idx %arg7[%add3A_382] : memref<33000xf32, #tpu.memory_space<vmem>>[vector<16xi32>], vector<16xf32>,
        %add3A_384 = arith.addi %mul3A_271, %and3A_377 : vector<16xi32>
        %gather3A_385 = tpu.vector_load_idx %arg7[%add3A_384] : memref<33000xf32, #tpu.memory_space<vmem>>[vector<16xi32>], vector<16xf32>,
        %add3A_386 = arith.addi %mul3A_277, %and3A_377 : vector<16xi32>
        %gather3A_387 = tpu.vector_load_idx %arg7[%add3A_386] : memref<33000xf32, #tpu.memory_space<vmem>>[vector<16xi32>], vector<16xf32>,
        %add3A_388 = arith.addi %mul3A_283, %and3A_377 : vector<16xi32>
        %gather3A_389 = tpu.vector_load_idx %arg7[%add3A_388] : memref<33000xf32, #tpu.memory_space<vmem>>[vector<16xi32>], vector<16xf32>,
        %add3A_390 = arith.addi %mul3A_289, %and3A_377 : vector<16xi32>
        %gather3A_391 = tpu.vector_load_idx %arg7[%add3A_390] : memref<33000xf32, #tpu.memory_space<vmem>>[vector<16xi32>], vector<16xf32>,
        %add3A_392 = arith.addi %mul3A_295, %and3A_377 : vector<16xi32>
        %gather3A_393 = tpu.vector_load_idx %arg7[%add3A_392] : memref<33000xf32, #tpu.memory_space<vmem>>[vector<16xi32>], vector<16xf32>,
        %gather3A_394 = tpu.vector_load_idx %arg9[%add3A_30, %and3A_377] : memref<128x32xf32, #tpu.memory_space<vmem>>[vector<16xi32>, vector<16xi32>], vector<16xf32>,
        %gather3A_395 = tpu.vector_load_idx %arg9[%add3A_33, %and3A_377] : memref<128x32xf32, #tpu.memory_space<vmem>>[vector<16xi32>, vector<16xi32>], vector<16xf32>,
        %gather3A_396 = tpu.vector_load_idx %arg9[%add3A_36, %and3A_377] : memref<128x32xf32, #tpu.memory_space<vmem>>[vector<16xi32>, vector<16xi32>], vector<16xf32>,
        %gather3A_397 = tpu.vector_load_idx %arg9[%add3A_39, %and3A_377] : memref<128x32xf32, #tpu.memory_space<vmem>>[vector<16xi32>, vector<16xi32>], vector<16xf32>,
        %gather3A_398 = tpu.vector_load_idx %arg9[%add3A_42, %and3A_377] : memref<128x32xf32, #tpu.memory_space<vmem>>[vector<16xi32>, vector<16xi32>], vector<16xf32>,
        %gather3A_399 = tpu.vector_load_idx %arg9[%add3A_45, %and3A_377] : memref<128x32xf32, #tpu.memory_space<vmem>>[vector<16xi32>, vector<16xi32>], vector<16xf32>,
        %gather3A_400 = tpu.vector_load_idx %arg9[%add3A_48, %and3A_377] : memref<128x32xf32, #tpu.memory_space<vmem>>[vector<16xi32>, vector<16xi32>], vector<16xf32>,
        %gather3A_401 = tpu.vector_load_idx %arg9[%add3A_51, %and3A_377] : memref<128x32xf32, #tpu.memory_space<vmem>>[vector<16xi32>, vector<16xi32>], vector<16xf32>,
        %shift_right_logical3A = arith.constant 3 : i32
        %shift_right_logical3A_402 = vector.broadcast %shift_right_logical3A : i32 to vector<16xi32>
        %shift_right_logical3A_403 = arith.shrui %and3A_345, %shift_right_logical3A_402 : vector<16xi32>
        %and3A_404 = arith.constant 7 : i32
        %and3A_405 = vector.broadcast %and3A_404 : i32 to vector<16xi32>
        %and3A_406 = arith.andi %and3A_345, %and3A_405 : vector<16xi32>
        %scatter3A = arith.constant 0 : i32
        %scatter3A_407 = arith.constant 0 : i32
        %scatter3A_408 = arith.constant 0 : i32
        %scatter3A_409 = tpu.memref_slice %arg10[%scan3A_297, %scatter3A, %scatter3A_407, %scatter3A_408] : memref<2x8x8x132xf32, #tpu.memory_space<vmem>> -> memref<1x8x8x132xf32, #tpu.memory_space<vmem>>
        %scatter3A_410 = tpu.memref_squeeze %scatter3A_409 : memref<1x8x8x132xf32, #tpu.memory_space<vmem>> -> memref<8x8x132xf32, #tpu.memory_space<vmem>>
        tpu.vector_store_idx %scatter3A_410[%shift_right_logical3A_403, %and3A_406, %add3A_30], %gather3A : memref<8x8x132xf32, #tpu.memory_space<vmem>>[vector<16xi32>, vector<16xi32>, vector<16xi32>], vector<16xf32>,
        %scatter3A_411 = arith.constant 0 : i32
        %scatter3A_412 = arith.constant 0 : i32
        %scatter3A_413 = arith.constant 0 : i32
        %scatter3A_414 = tpu.memref_slice %arg10[%scan3A_297, %scatter3A_411, %scatter3A_412, %scatter3A_413] : memref<2x8x8x132xf32, #tpu.memory_space<vmem>> -> memref<1x8x8x132xf32, #tpu.memory_space<vmem>>
        %scatter3A_415 = tpu.memref_squeeze %scatter3A_414 : memref<1x8x8x132xf32, #tpu.memory_space<vmem>> -> memref<8x8x132xf32, #tpu.memory_space<vmem>>
        tpu.vector_store_idx %scatter3A_415[%shift_right_logical3A_403, %and3A_406, %add3A_33], %gather3A_348 : memref<8x8x132xf32, #tpu.memory_space<vmem>>[vector<16xi32>, vector<16xi32>, vector<16xi32>], vector<16xf32>,
        %scatter3A_416 = arith.constant 0 : i32
        %scatter3A_417 = arith.constant 0 : i32
        %scatter3A_418 = arith.constant 0 : i32
        %scatter3A_419 = tpu.memref_slice %arg10[%scan3A_297, %scatter3A_416, %scatter3A_417, %scatter3A_418] : memref<2x8x8x132xf32, #tpu.memory_space<vmem>> -> memref<1x8x8x132xf32, #tpu.memory_space<vmem>>
        %scatter3A_420 = tpu.memref_squeeze %scatter3A_419 : memref<1x8x8x132xf32, #tpu.memory_space<vmem>> -> memref<8x8x132xf32, #tpu.memory_space<vmem>>
        tpu.vector_store_idx %scatter3A_420[%shift_right_logical3A_403, %and3A_406, %add3A_36], %gather3A_350 : memref<8x8x132xf32, #tpu.memory_space<vmem>>[vector<16xi32>, vector<16xi32>, vector<16xi32>], vector<16xf32>,
        %scatter3A_421 = arith.constant 0 : i32
        %scatter3A_422 = arith.constant 0 : i32
        %scatter3A_423 = arith.constant 0 : i32
        %scatter3A_424 = tpu.memref_slice %arg10[%scan3A_297, %scatter3A_421, %scatter3A_422, %scatter3A_423] : memref<2x8x8x132xf32, #tpu.memory_space<vmem>> -> memref<1x8x8x132xf32, #tpu.memory_space<vmem>>
        %scatter3A_425 = tpu.memref_squeeze %scatter3A_424 : memref<1x8x8x132xf32, #tpu.memory_space<vmem>> -> memref<8x8x132xf32, #tpu.memory_space<vmem>>
        tpu.vector_store_idx %scatter3A_425[%shift_right_logical3A_403, %and3A_406, %add3A_39], %gather3A_352 : memref<8x8x132xf32, #tpu.memory_space<vmem>>[vector<16xi32>, vector<16xi32>, vector<16xi32>], vector<16xf32>,
        %scatter3A_426 = arith.constant 0 : i32
        %scatter3A_427 = arith.constant 0 : i32
        %scatter3A_428 = arith.constant 0 : i32
        %scatter3A_429 = tpu.memref_slice %arg10[%scan3A_297, %scatter3A_426, %scatter3A_427, %scatter3A_428] : memref<2x8x8x132xf32, #tpu.memory_space<vmem>> -> memref<1x8x8x132xf32, #tpu.memory_space<vmem>>
        %scatter3A_430 = tpu.memref_squeeze %scatter3A_429 : memref<1x8x8x132xf32, #tpu.memory_space<vmem>> -> memref<8x8x132xf32, #tpu.memory_space<vmem>>
        tpu.vector_store_idx %scatter3A_430[%shift_right_logical3A_403, %and3A_406, %add3A_42], %gather3A_354 : memref<8x8x132xf32, #tpu.memory_space<vmem>>[vector<16xi32>, vector<16xi32>, vector<16xi32>], vector<16xf32>,
        %scatter3A_431 = arith.constant 0 : i32
        %scatter3A_432 = arith.constant 0 : i32
        %scatter3A_433 = arith.constant 0 : i32
        %scatter3A_434 = tpu.memref_slice %arg10[%scan3A_297, %scatter3A_431, %scatter3A_432, %scatter3A_433] : memref<2x8x8x132xf32, #tpu.memory_space<vmem>> -> memref<1x8x8x132xf32, #tpu.memory_space<vmem>>
        %scatter3A_435 = tpu.memref_squeeze %scatter3A_434 : memref<1x8x8x132xf32, #tpu.memory_space<vmem>> -> memref<8x8x132xf32, #tpu.memory_space<vmem>>
        tpu.vector_store_idx %scatter3A_435[%shift_right_logical3A_403, %and3A_406, %add3A_45], %gather3A_356 : memref<8x8x132xf32, #tpu.memory_space<vmem>>[vector<16xi32>, vector<16xi32>, vector<16xi32>], vector<16xf32>,
        %scatter3A_436 = arith.constant 0 : i32
        %scatter3A_437 = arith.constant 0 : i32
        %scatter3A_438 = arith.constant 0 : i32
        %scatter3A_439 = tpu.memref_slice %arg10[%scan3A_297, %scatter3A_436, %scatter3A_437, %scatter3A_438] : memref<2x8x8x132xf32, #tpu.memory_space<vmem>> -> memref<1x8x8x132xf32, #tpu.memory_space<vmem>>
        %scatter3A_440 = tpu.memref_squeeze %scatter3A_439 : memref<1x8x8x132xf32, #tpu.memory_space<vmem>> -> memref<8x8x132xf32, #tpu.memory_space<vmem>>
        tpu.vector_store_idx %scatter3A_440[%shift_right_logical3A_403, %and3A_406, %add3A_48], %gather3A_358 : memref<8x8x132xf32, #tpu.memory_space<vmem>>[vector<16xi32>, vector<16xi32>, vector<16xi32>], vector<16xf32>,
        %scatter3A_441 = arith.constant 0 : i32
        %scatter3A_442 = arith.constant 0 : i32
        %scatter3A_443 = arith.constant 0 : i32
        %scatter3A_444 = tpu.memref_slice %arg10[%scan3A_297, %scatter3A_441, %scatter3A_442, %scatter3A_443] : memref<2x8x8x132xf32, #tpu.memory_space<vmem>> -> memref<1x8x8x132xf32, #tpu.memory_space<vmem>>
        %scatter3A_445 = tpu.memref_squeeze %scatter3A_444 : memref<1x8x8x132xf32, #tpu.memory_space<vmem>> -> memref<8x8x132xf32, #tpu.memory_space<vmem>>
        tpu.vector_store_idx %scatter3A_445[%shift_right_logical3A_403, %and3A_406, %add3A_51], %gather3A_360 : memref<8x8x132xf32, #tpu.memory_space<vmem>>[vector<16xi32>, vector<16xi32>, vector<16xi32>], vector<16xf32>,
        %add3A_446 = arith.constant 4 : i32
        %add3A_447 = vector.broadcast %add3A_446 : i32 to vector<16xi32>
        %add3A_448 = arith.addi %shift_right_logical3A_403, %add3A_447 : vector<16xi32>
        %scatter3A_449 = arith.constant 0 : i32
        %scatter3A_450 = arith.constant 0 : i32
        %scatter3A_451 = arith.constant 0 : i32
        %scatter3A_452 = tpu.memref_slice %arg10[%scan3A_297, %scatter3A_449, %scatter3A_450, %scatter3A_451] : memref<2x8x8x132xf32, #tpu.memory_space<vmem>> -> memref<1x8x8x132xf32, #tpu.memory_space<vmem>>
        %scatter3A_453 = tpu.memref_squeeze %scatter3A_452 : memref<1x8x8x132xf32, #tpu.memory_space<vmem>> -> memref<8x8x132xf32, #tpu.memory_space<vmem>>
        tpu.vector_store_idx %scatter3A_453[%add3A_448, %and3A_406, %add3A_30], %gather3A_361 : memref<8x8x132xf32, #tpu.memory_space<vmem>>[vector<16xi32>, vector<16xi32>, vector<16xi32>], vector<16xf32>,
        %scatter3A_454 = arith.constant 0 : i32
        %scatter3A_455 = arith.constant 0 : i32
        %scatter3A_456 = arith.constant 0 : i32
        %scatter3A_457 = tpu.memref_slice %arg10[%scan3A_297, %scatter3A_454, %scatter3A_455, %scatter3A_456] : memref<2x8x8x132xf32, #tpu.memory_space<vmem>> -> memref<1x8x8x132xf32, #tpu.memory_space<vmem>>
        %scatter3A_458 = tpu.memref_squeeze %scatter3A_457 : memref<1x8x8x132xf32, #tpu.memory_space<vmem>> -> memref<8x8x132xf32, #tpu.memory_space<vmem>>
        tpu.vector_store_idx %scatter3A_458[%add3A_448, %and3A_406, %add3A_33], %gather3A_362 : memref<8x8x132xf32, #tpu.memory_space<vmem>>[vector<16xi32>, vector<16xi32>, vector<16xi32>], vector<16xf32>,
        %scatter3A_459 = arith.constant 0 : i32
        %scatter3A_460 = arith.constant 0 : i32
        %scatter3A_461 = arith.constant 0 : i32
        %scatter3A_462 = tpu.memref_slice %arg10[%scan3A_297, %scatter3A_459, %scatter3A_460, %scatter3A_461] : memref<2x8x8x132xf32, #tpu.memory_space<vmem>> -> memref<1x8x8x132xf32, #tpu.memory_space<vmem>>
        %scatter3A_463 = tpu.memref_squeeze %scatter3A_462 : memref<1x8x8x132xf32, #tpu.memory_space<vmem>> -> memref<8x8x132xf32, #tpu.memory_space<vmem>>
        tpu.vector_store_idx %scatter3A_463[%add3A_448, %and3A_406, %add3A_36], %gather3A_363 : memref<8x8x132xf32, #tpu.memory_space<vmem>>[vector<16xi32>, vector<16xi32>, vector<16xi32>], vector<16xf32>,
        %scatter3A_464 = arith.constant 0 : i32
        %scatter3A_465 = arith.constant 0 : i32
        %scatter3A_466 = arith.constant 0 : i32
        %scatter3A_467 = tpu.memref_slice %arg10[%scan3A_297, %scatter3A_464, %scatter3A_465, %scatter3A_466] : memref<2x8x8x132xf32, #tpu.memory_space<vmem>> -> memref<1x8x8x132xf32, #tpu.memory_space<vmem>>
        %scatter3A_468 = tpu.memref_squeeze %scatter3A_467 : memref<1x8x8x132xf32, #tpu.memory_space<vmem>> -> memref<8x8x132xf32, #tpu.memory_space<vmem>>
        tpu.vector_store_idx %scatter3A_468[%add3A_448, %and3A_406, %add3A_39], %gather3A_364 : memref<8x8x132xf32, #tpu.memory_space<vmem>>[vector<16xi32>, vector<16xi32>, vector<16xi32>], vector<16xf32>,
        %scatter3A_469 = arith.constant 0 : i32
        %scatter3A_470 = arith.constant 0 : i32
        %scatter3A_471 = arith.constant 0 : i32
        %scatter3A_472 = tpu.memref_slice %arg10[%scan3A_297, %scatter3A_469, %scatter3A_470, %scatter3A_471] : memref<2x8x8x132xf32, #tpu.memory_space<vmem>> -> memref<1x8x8x132xf32, #tpu.memory_space<vmem>>
        %scatter3A_473 = tpu.memref_squeeze %scatter3A_472 : memref<1x8x8x132xf32, #tpu.memory_space<vmem>> -> memref<8x8x132xf32, #tpu.memory_space<vmem>>
        tpu.vector_store_idx %scatter3A_473[%add3A_448, %and3A_406, %add3A_42], %gather3A_365 : memref<8x8x132xf32, #tpu.memory_space<vmem>>[vector<16xi32>, vector<16xi32>, vector<16xi32>], vector<16xf32>,
        %scatter3A_474 = arith.constant 0 : i32
        %scatter3A_475 = arith.constant 0 : i32
        %scatter3A_476 = arith.constant 0 : i32
        %scatter3A_477 = tpu.memref_slice %arg10[%scan3A_297, %scatter3A_474, %scatter3A_475, %scatter3A_476] : memref<2x8x8x132xf32, #tpu.memory_space<vmem>> -> memref<1x8x8x132xf32, #tpu.memory_space<vmem>>
        %scatter3A_478 = tpu.memref_squeeze %scatter3A_477 : memref<1x8x8x132xf32, #tpu.memory_space<vmem>> -> memref<8x8x132xf32, #tpu.memory_space<vmem>>
        tpu.vector_store_idx %scatter3A_478[%add3A_448, %and3A_406, %add3A_45], %gather3A_366 : memref<8x8x132xf32, #tpu.memory_space<vmem>>[vector<16xi32>, vector<16xi32>, vector<16xi32>], vector<16xf32>,
        %scatter3A_479 = arith.constant 0 : i32
        %scatter3A_480 = arith.constant 0 : i32
        %scatter3A_481 = arith.constant 0 : i32
        %scatter3A_482 = tpu.memref_slice %arg10[%scan3A_297, %scatter3A_479, %scatter3A_480, %scatter3A_481] : memref<2x8x8x132xf32, #tpu.memory_space<vmem>> -> memref<1x8x8x132xf32, #tpu.memory_space<vmem>>
        %scatter3A_483 = tpu.memref_squeeze %scatter3A_482 : memref<1x8x8x132xf32, #tpu.memory_space<vmem>> -> memref<8x8x132xf32, #tpu.memory_space<vmem>>
        tpu.vector_store_idx %scatter3A_483[%add3A_448, %and3A_406, %add3A_48], %gather3A_367 : memref<8x8x132xf32, #tpu.memory_space<vmem>>[vector<16xi32>, vector<16xi32>, vector<16xi32>], vector<16xf32>,
        %scatter3A_484 = arith.constant 0 : i32
        %scatter3A_485 = arith.constant 0 : i32
        %scatter3A_486 = arith.constant 0 : i32
        %scatter3A_487 = tpu.memref_slice %arg10[%scan3A_297, %scatter3A_484, %scatter3A_485, %scatter3A_486] : memref<2x8x8x132xf32, #tpu.memory_space<vmem>> -> memref<1x8x8x132xf32, #tpu.memory_space<vmem>>
        %scatter3A_488 = tpu.memref_squeeze %scatter3A_487 : memref<1x8x8x132xf32, #tpu.memory_space<vmem>> -> memref<8x8x132xf32, #tpu.memory_space<vmem>>
        tpu.vector_store_idx %scatter3A_488[%add3A_448, %and3A_406, %add3A_51], %gather3A_368 : memref<8x8x132xf32, #tpu.memory_space<vmem>>[vector<16xi32>, vector<16xi32>, vector<16xi32>], vector<16xf32>,
        %mul3A_489 = arith.constant 8 : i32
        %mul3A_490 = arith.muli %scan3A_339, %mul3A_489 : i32
        %add3A_491 = arith.constant 2 : i32
        %add3A_492 = arith.addi %mul3A_490, %add3A_491 : i32
        %add3A_493 = vector.broadcast %add3A_492 : i32 to vector<16xi32>
        %add3A_494 = arith.addi %mul3A_27, %add3A_493 : vector<16xi32>
        %and3A_495 = arith.constant 31 : i32
        %and3A_496 = vector.broadcast %and3A_495 : i32 to vector<16xi32>
        %and3A_497 = arith.andi %add3A_494, %and3A_496 : vector<16xi32>
        %add3A_498 = arith.addi %mul3A_253, %and3A_497 : vector<16xi32>
        %gather3A_499 = tpu.vector_load_idx %arg7[%add3A_498] : memref<33000xf32, #tpu.memory_space<vmem>>[vector<16xi32>], vector<16xf32>,
        %add3A_500 = arith.addi %mul3A_259, %and3A_497 : vector<16xi32>
        %gather3A_501 = tpu.vector_load_idx %arg7[%add3A_500] : memref<33000xf32, #tpu.memory_space<vmem>>[vector<16xi32>], vector<16xf32>,
        %add3A_502 = arith.addi %mul3A_265, %and3A_497 : vector<16xi32>
        %gather3A_503 = tpu.vector_load_idx %arg7[%add3A_502] : memref<33000xf32, #tpu.memory_space<vmem>>[vector<16xi32>], vector<16xf32>,
        %add3A_504 = arith.addi %mul3A_271, %and3A_497 : vector<16xi32>
        %gather3A_505 = tpu.vector_load_idx %arg7[%add3A_504] : memref<33000xf32, #tpu.memory_space<vmem>>[vector<16xi32>], vector<16xf32>,
        %add3A_506 = arith.addi %mul3A_277, %and3A_497 : vector<16xi32>
        %gather3A_507 = tpu.vector_load_idx %arg7[%add3A_506] : memref<33000xf32, #tpu.memory_space<vmem>>[vector<16xi32>], vector<16xf32>,
        %add3A_508 = arith.addi %mul3A_283, %and3A_497 : vector<16xi32>
        %gather3A_509 = tpu.vector_load_idx %arg7[%add3A_508] : memref<33000xf32, #tpu.memory_space<vmem>>[vector<16xi32>], vector<16xf32>,
        %add3A_510 = arith.addi %mul3A_289, %and3A_497 : vector<16xi32>
        %gather3A_511 = tpu.vector_load_idx %arg7[%add3A_510] : memref<33000xf32, #tpu.memory_space<vmem>>[vector<16xi32>], vector<16xf32>,
        %add3A_512 = arith.addi %mul3A_295, %and3A_497 : vector<16xi32>
        %gather3A_513 = tpu.vector_load_idx %arg7[%add3A_512] : memref<33000xf32, #tpu.memory_space<vmem>>[vector<16xi32>], vector<16xf32>,
        %gather3A_514 = tpu.vector_load_idx %arg9[%add3A_30, %and3A_497] : memref<128x32xf32, #tpu.memory_space<vmem>>[vector<16xi32>, vector<16xi32>], vector<16xf32>,
        %gather3A_515 = tpu.vector_load_idx %arg9[%add3A_33, %and3A_497] : memref<128x32xf32, #tpu.memory_space<vmem>>[vector<16xi32>, vector<16xi32>], vector<16xf32>,
        %gather3A_516 = tpu.vector_load_idx %arg9[%add3A_36, %and3A_497] : memref<128x32xf32, #tpu.memory_space<vmem>>[vector<16xi32>, vector<16xi32>], vector<16xf32>,
        %gather3A_517 = tpu.vector_load_idx %arg9[%add3A_39, %and3A_497] : memref<128x32xf32, #tpu.memory_space<vmem>>[vector<16xi32>, vector<16xi32>], vector<16xf32>,
        %gather3A_518 = tpu.vector_load_idx %arg9[%add3A_42, %and3A_497] : memref<128x32xf32, #tpu.memory_space<vmem>>[vector<16xi32>, vector<16xi32>], vector<16xf32>,
        %gather3A_519 = tpu.vector_load_idx %arg9[%add3A_45, %and3A_497] : memref<128x32xf32, #tpu.memory_space<vmem>>[vector<16xi32>, vector<16xi32>], vector<16xf32>,
        %gather3A_520 = tpu.vector_load_idx %arg9[%add3A_48, %and3A_497] : memref<128x32xf32, #tpu.memory_space<vmem>>[vector<16xi32>, vector<16xi32>], vector<16xf32>,
        %gather3A_521 = tpu.vector_load_idx %arg9[%add3A_51, %and3A_497] : memref<128x32xf32, #tpu.memory_space<vmem>>[vector<16xi32>, vector<16xi32>], vector<16xf32>,
        %shift_right_logical3A_522 = arith.constant 3 : i32
        %shift_right_logical3A_523 = vector.broadcast %shift_right_logical3A_522 : i32 to vector<16xi32>
        %shift_right_logical3A_524 = arith.shrui %and3A_377, %shift_right_logical3A_523 : vector<16xi32>
        %and3A_525 = arith.constant 7 : i32
        %and3A_526 = vector.broadcast %and3A_525 : i32 to vector<16xi32>
        %and3A_527 = arith.andi %and3A_377, %and3A_526 : vector<16xi32>
        %scatter3A_528 = arith.constant 0 : i32
        %scatter3A_529 = arith.constant 0 : i32
        %scatter3A_530 = arith.constant 0 : i32
        %scatter3A_531 = tpu.memref_slice %arg10[%scan3A_297, %scatter3A_528, %scatter3A_529, %scatter3A_530] : memref<2x8x8x132xf32, #tpu.memory_space<vmem>> -> memref<1x8x8x132xf32, #tpu.memory_space<vmem>>
        %scatter3A_532 = tpu.memref_squeeze %scatter3A_531 : memref<1x8x8x132xf32, #tpu.memory_space<vmem>> -> memref<8x8x132xf32, #tpu.memory_space<vmem>>
        tpu.vector_store_idx %scatter3A_532[%shift_right_logical3A_524, %and3A_527, %add3A_30], %gather3A_379 : memref<8x8x132xf32, #tpu.memory_space<vmem>>[vector<16xi32>, vector<16xi32>, vector<16xi32>], vector<16xf32>,
        %scatter3A_533 = arith.constant 0 : i32
        %scatter3A_534 = arith.constant 0 : i32
        %scatter3A_535 = arith.constant 0 : i32
        %scatter3A_536 = tpu.memref_slice %arg10[%scan3A_297, %scatter3A_533, %scatter3A_534, %scatter3A_535] : memref<2x8x8x132xf32, #tpu.memory_space<vmem>> -> memref<1x8x8x132xf32, #tpu.memory_space<vmem>>
        %scatter3A_537 = tpu.memref_squeeze %scatter3A_536 : memref<1x8x8x132xf32, #tpu.memory_space<vmem>> -> memref<8x8x132xf32, #tpu.memory_space<vmem>>
        tpu.vector_store_idx %scatter3A_537[%shift_right_logical3A_524, %and3A_527, %add3A_33], %gather3A_381 : memref<8x8x132xf32, #tpu.memory_space<vmem>>[vector<16xi32>, vector<16xi32>, vector<16xi32>], vector<16xf32>,
        %scatter3A_538 = arith.constant 0 : i32
        %scatter3A_539 = arith.constant 0 : i32
        %scatter3A_540 = arith.constant 0 : i32
        %scatter3A_541 = tpu.memref_slice %arg10[%scan3A_297, %scatter3A_538, %scatter3A_539, %scatter3A_540] : memref<2x8x8x132xf32, #tpu.memory_space<vmem>> -> memref<1x8x8x132xf32, #tpu.memory_space<vmem>>
        %scatter3A_542 = tpu.memref_squeeze %scatter3A_541 : memref<1x8x8x132xf32, #tpu.memory_space<vmem>> -> memref<8x8x132xf32, #tpu.memory_space<vmem>>
        tpu.vector_store_idx %scatter3A_542[%shift_right_logical3A_524, %and3A_527, %add3A_36], %gather3A_383 : memref<8x8x132xf32, #tpu.memory_space<vmem>>[vector<16xi32>, vector<16xi32>, vector<16xi32>], vector<16xf32>,
        %scatter3A_543 = arith.constant 0 : i32
        %scatter3A_544 = arith.constant 0 : i32
        %scatter3A_545 = arith.constant 0 : i32
        %scatter3A_546 = tpu.memref_slice %arg10[%scan3A_297, %scatter3A_543, %scatter3A_544, %scatter3A_545] : memref<2x8x8x132xf32, #tpu.memory_space<vmem>> -> memref<1x8x8x132xf32, #tpu.memory_space<vmem>>
        %scatter3A_547 = tpu.memref_squeeze %scatter3A_546 : memref<1x8x8x132xf32, #tpu.memory_space<vmem>> -> memref<8x8x132xf32, #tpu.memory_space<vmem>>
        tpu.vector_store_idx %scatter3A_547[%shift_right_logical3A_524, %and3A_527, %add3A_39], %gather3A_385 : memref<8x8x132xf32, #tpu.memory_space<vmem>>[vector<16xi32>, vector<16xi32>, vector<16xi32>], vector<16xf32>,
        %scatter3A_548 = arith.constant 0 : i32
        %scatter3A_549 = arith.constant 0 : i32
        %scatter3A_550 = arith.constant 0 : i32
        %scatter3A_551 = tpu.memref_slice %arg10[%scan3A_297, %scatter3A_548, %scatter3A_549, %scatter3A_550] : memref<2x8x8x132xf32, #tpu.memory_space<vmem>> -> memref<1x8x8x132xf32, #tpu.memory_space<vmem>>
        %scatter3A_552 = tpu.memref_squeeze %scatter3A_551 : memref<1x8x8x132xf32, #tpu.memory_space<vmem>> -> memref<8x8x132xf32, #tpu.memory_space<vmem>>
        tpu.vector_store_idx %scatter3A_552[%shift_right_logical3A_524, %and3A_527, %add3A_42], %gather3A_387 : memref<8x8x132xf32, #tpu.memory_space<vmem>>[vector<16xi32>, vector<16xi32>, vector<16xi32>], vector<16xf32>,
        %scatter3A_553 = arith.constant 0 : i32
        %scatter3A_554 = arith.constant 0 : i32
        %scatter3A_555 = arith.constant 0 : i32
        %scatter3A_556 = tpu.memref_slice %arg10[%scan3A_297, %scatter3A_553, %scatter3A_554, %scatter3A_555] : memref<2x8x8x132xf32, #tpu.memory_space<vmem>> -> memref<1x8x8x132xf32, #tpu.memory_space<vmem>>
        %scatter3A_557 = tpu.memref_squeeze %scatter3A_556 : memref<1x8x8x132xf32, #tpu.memory_space<vmem>> -> memref<8x8x132xf32, #tpu.memory_space<vmem>>
        tpu.vector_store_idx %scatter3A_557[%shift_right_logical3A_524, %and3A_527, %add3A_45], %gather3A_389 : memref<8x8x132xf32, #tpu.memory_space<vmem>>[vector<16xi32>, vector<16xi32>, vector<16xi32>], vector<16xf32>,
        %scatter3A_558 = arith.constant 0 : i32
        %scatter3A_559 = arith.constant 0 : i32
        %scatter3A_560 = arith.constant 0 : i32
        %scatter3A_561 = tpu.memref_slice %arg10[%scan3A_297, %scatter3A_558, %scatter3A_559, %scatter3A_560] : memref<2x8x8x132xf32, #tpu.memory_space<vmem>> -> memref<1x8x8x132xf32, #tpu.memory_space<vmem>>
        %scatter3A_562 = tpu.memref_squeeze %scatter3A_561 : memref<1x8x8x132xf32, #tpu.memory_space<vmem>> -> memref<8x8x132xf32, #tpu.memory_space<vmem>>
        tpu.vector_store_idx %scatter3A_562[%shift_right_logical3A_524, %and3A_527, %add3A_48], %gather3A_391 : memref<8x8x132xf32, #tpu.memory_space<vmem>>[vector<16xi32>, vector<16xi32>, vector<16xi32>], vector<16xf32>,
        %scatter3A_563 = arith.constant 0 : i32
        %scatter3A_564 = arith.constant 0 : i32
        %scatter3A_565 = arith.constant 0 : i32
        %scatter3A_566 = tpu.memref_slice %arg10[%scan3A_297, %scatter3A_563, %scatter3A_564, %scatter3A_565] : memref<2x8x8x132xf32, #tpu.memory_space<vmem>> -> memref<1x8x8x132xf32, #tpu.memory_space<vmem>>
        %scatter3A_567 = tpu.memref_squeeze %scatter3A_566 : memref<1x8x8x132xf32, #tpu.memory_space<vmem>> -> memref<8x8x132xf32, #tpu.memory_space<vmem>>
        tpu.vector_store_idx %scatter3A_567[%shift_right_logical3A_524, %and3A_527, %add3A_51], %gather3A_393 : memref<8x8x132xf32, #tpu.memory_space<vmem>>[vector<16xi32>, vector<16xi32>, vector<16xi32>], vector<16xf32>,
        %add3A_568 = arith.constant 4 : i32
        %add3A_569 = vector.broadcast %add3A_568 : i32 to vector<16xi32>
        %add3A_570 = arith.addi %shift_right_logical3A_524, %add3A_569 : vector<16xi32>
        %scatter3A_571 = arith.constant 0 : i32
        %scatter3A_572 = arith.constant 0 : i32
        %scatter3A_573 = arith.constant 0 : i32
        %scatter3A_574 = tpu.memref_slice %arg10[%scan3A_297, %scatter3A_571, %scatter3A_572, %scatter3A_573] : memref<2x8x8x132xf32, #tpu.memory_space<vmem>> -> memref<1x8x8x132xf32, #tpu.memory_space<vmem>>
        %scatter3A_575 = tpu.memref_squeeze %scatter3A_574 : memref<1x8x8x132xf32, #tpu.memory_space<vmem>> -> memref<8x8x132xf32, #tpu.memory_space<vmem>>
        tpu.vector_store_idx %scatter3A_575[%add3A_570, %and3A_527, %add3A_30], %gather3A_394 : memref<8x8x132xf32, #tpu.memory_space<vmem>>[vector<16xi32>, vector<16xi32>, vector<16xi32>], vector<16xf32>,
        %scatter3A_576 = arith.constant 0 : i32
        %scatter3A_577 = arith.constant 0 : i32
        %scatter3A_578 = arith.constant 0 : i32
        %scatter3A_579 = tpu.memref_slice %arg10[%scan3A_297, %scatter3A_576, %scatter3A_577, %scatter3A_578] : memref<2x8x8x132xf32, #tpu.memory_space<vmem>> -> memref<1x8x8x132xf32, #tpu.memory_space<vmem>>
        %scatter3A_580 = tpu.memref_squeeze %scatter3A_579 : memref<1x8x8x132xf32, #tpu.memory_space<vmem>> -> memref<8x8x132xf32, #tpu.memory_space<vmem>>
        tpu.vector_store_idx %scatter3A_580[%add3A_570, %and3A_527, %add3A_33], %gather3A_395 : memref<8x8x132xf32, #tpu.memory_space<vmem>>[vector<16xi32>, vector<16xi32>, vector<16xi32>], vector<16xf32>,
        %scatter3A_581 = arith.constant 0 : i32
        %scatter3A_582 = arith.constant 0 : i32
        %scatter3A_583 = arith.constant 0 : i32
        %scatter3A_584 = tpu.memref_slice %arg10[%scan3A_297, %scatter3A_581, %scatter3A_582, %scatter3A_583] : memref<2x8x8x132xf32, #tpu.memory_space<vmem>> -> memref<1x8x8x132xf32, #tpu.memory_space<vmem>>
        %scatter3A_585 = tpu.memref_squeeze %scatter3A_584 : memref<1x8x8x132xf32, #tpu.memory_space<vmem>> -> memref<8x8x132xf32, #tpu.memory_space<vmem>>
        tpu.vector_store_idx %scatter3A_585[%add3A_570, %and3A_527, %add3A_36], %gather3A_396 : memref<8x8x132xf32, #tpu.memory_space<vmem>>[vector<16xi32>, vector<16xi32>, vector<16xi32>], vector<16xf32>,
        %scatter3A_586 = arith.constant 0 : i32
        %scatter3A_587 = arith.constant 0 : i32
        %scatter3A_588 = arith.constant 0 : i32
        %scatter3A_589 = tpu.memref_slice %arg10[%scan3A_297, %scatter3A_586, %scatter3A_587, %scatter3A_588] : memref<2x8x8x132xf32, #tpu.memory_space<vmem>> -> memref<1x8x8x132xf32, #tpu.memory_space<vmem>>
        %scatter3A_590 = tpu.memref_squeeze %scatter3A_589 : memref<1x8x8x132xf32, #tpu.memory_space<vmem>> -> memref<8x8x132xf32, #tpu.memory_space<vmem>>
        tpu.vector_store_idx %scatter3A_590[%add3A_570, %and3A_527, %add3A_39], %gather3A_397 : memref<8x8x132xf32, #tpu.memory_space<vmem>>[vector<16xi32>, vector<16xi32>, vector<16xi32>], vector<16xf32>,
        %scatter3A_591 = arith.constant 0 : i32
        %scatter3A_592 = arith.constant 0 : i32
        %scatter3A_593 = arith.constant 0 : i32
        %scatter3A_594 = tpu.memref_slice %arg10[%scan3A_297, %scatter3A_591, %scatter3A_592, %scatter3A_593] : memref<2x8x8x132xf32, #tpu.memory_space<vmem>> -> memref<1x8x8x132xf32, #tpu.memory_space<vmem>>
        %scatter3A_595 = tpu.memref_squeeze %scatter3A_594 : memref<1x8x8x132xf32, #tpu.memory_space<vmem>> -> memref<8x8x132xf32, #tpu.memory_space<vmem>>
        tpu.vector_store_idx %scatter3A_595[%add3A_570, %and3A_527, %add3A_42], %gather3A_398 : memref<8x8x132xf32, #tpu.memory_space<vmem>>[vector<16xi32>, vector<16xi32>, vector<16xi32>], vector<16xf32>,
        %scatter3A_596 = arith.constant 0 : i32
        %scatter3A_597 = arith.constant 0 : i32
        %scatter3A_598 = arith.constant 0 : i32
        %scatter3A_599 = tpu.memref_slice %arg10[%scan3A_297, %scatter3A_596, %scatter3A_597, %scatter3A_598] : memref<2x8x8x132xf32, #tpu.memory_space<vmem>> -> memref<1x8x8x132xf32, #tpu.memory_space<vmem>>
        %scatter3A_600 = tpu.memref_squeeze %scatter3A_599 : memref<1x8x8x132xf32, #tpu.memory_space<vmem>> -> memref<8x8x132xf32, #tpu.memory_space<vmem>>
        tpu.vector_store_idx %scatter3A_600[%add3A_570, %and3A_527, %add3A_45], %gather3A_399 : memref<8x8x132xf32, #tpu.memory_space<vmem>>[vector<16xi32>, vector<16xi32>, vector<16xi32>], vector<16xf32>,
        %scatter3A_601 = arith.constant 0 : i32
        %scatter3A_602 = arith.constant 0 : i32
        %scatter3A_603 = arith.constant 0 : i32
        %scatter3A_604 = tpu.memref_slice %arg10[%scan3A_297, %scatter3A_601, %scatter3A_602, %scatter3A_603] : memref<2x8x8x132xf32, #tpu.memory_space<vmem>> -> memref<1x8x8x132xf32, #tpu.memory_space<vmem>>
        %scatter3A_605 = tpu.memref_squeeze %scatter3A_604 : memref<1x8x8x132xf32, #tpu.memory_space<vmem>> -> memref<8x8x132xf32, #tpu.memory_space<vmem>>
        tpu.vector_store_idx %scatter3A_605[%add3A_570, %and3A_527, %add3A_48], %gather3A_400 : memref<8x8x132xf32, #tpu.memory_space<vmem>>[vector<16xi32>, vector<16xi32>, vector<16xi32>], vector<16xf32>,
        %scatter3A_606 = arith.constant 0 : i32
        %scatter3A_607 = arith.constant 0 : i32
        %scatter3A_608 = arith.constant 0 : i32
        %scatter3A_609 = tpu.memref_slice %arg10[%scan3A_297, %scatter3A_606, %scatter3A_607, %scatter3A_608] : memref<2x8x8x132xf32, #tpu.memory_space<vmem>> -> memref<1x8x8x132xf32, #tpu.memory_space<vmem>>
        %scatter3A_610 = tpu.memref_squeeze %scatter3A_609 : memref<1x8x8x132xf32, #tpu.memory_space<vmem>> -> memref<8x8x132xf32, #tpu.memory_space<vmem>>
        tpu.vector_store_idx %scatter3A_610[%add3A_570, %and3A_527, %add3A_51], %gather3A_401 : memref<8x8x132xf32, #tpu.memory_space<vmem>>[vector<16xi32>, vector<16xi32>, vector<16xi32>], vector<16xf32>,
        %mul3A_611 = arith.constant 8 : i32
        %mul3A_612 = arith.muli %scan3A_339, %mul3A_611 : i32
        %add3A_613 = arith.constant 3 : i32
        %add3A_614 = arith.addi %mul3A_612, %add3A_613 : i32
        %add3A_615 = vector.broadcast %add3A_614 : i32 to vector<16xi32>
        %add3A_616 = arith.addi %mul3A_27, %add3A_615 : vector<16xi32>
        %and3A_617 = arith.constant 31 : i32
        %and3A_618 = vector.broadcast %and3A_617 : i32 to vector<16xi32>
        %and3A_619 = arith.andi %add3A_616, %and3A_618 : vector<16xi32>
        %add3A_620 = arith.addi %mul3A_253, %and3A_619 : vector<16xi32>
        %gather3A_621 = tpu.vector_load_idx %arg7[%add3A_620] : memref<33000xf32, #tpu.memory_space<vmem>>[vector<16xi32>], vector<16xf32>,
        %add3A_622 = arith.addi %mul3A_259, %and3A_619 : vector<16xi32>
        %gather3A_623 = tpu.vector_load_idx %arg7[%add3A_622] : memref<33000xf32, #tpu.memory_space<vmem>>[vector<16xi32>], vector<16xf32>,
        %add3A_624 = arith.addi %mul3A_265, %and3A_619 : vector<16xi32>
        %gather3A_625 = tpu.vector_load_idx %arg7[%add3A_624] : memref<33000xf32, #tpu.memory_space<vmem>>[vector<16xi32>], vector<16xf32>,
        %add3A_626 = arith.addi %mul3A_271, %and3A_619 : vector<16xi32>
        %gather3A_627 = tpu.vector_load_idx %arg7[%add3A_626] : memref<33000xf32, #tpu.memory_space<vmem>>[vector<16xi32>], vector<16xf32>,
        %add3A_628 = arith.addi %mul3A_277, %and3A_619 : vector<16xi32>
        %gather3A_629 = tpu.vector_load_idx %arg7[%add3A_628] : memref<33000xf32, #tpu.memory_space<vmem>>[vector<16xi32>], vector<16xf32>,
        %add3A_630 = arith.addi %mul3A_283, %and3A_619 : vector<16xi32>
        %gather3A_631 = tpu.vector_load_idx %arg7[%add3A_630] : memref<33000xf32, #tpu.memory_space<vmem>>[vector<16xi32>], vector<16xf32>,
        %add3A_632 = arith.addi %mul3A_289, %and3A_619 : vector<16xi32>
        %gather3A_633 = tpu.vector_load_idx %arg7[%add3A_632] : memref<33000xf32, #tpu.memory_space<vmem>>[vector<16xi32>], vector<16xf32>,
        %add3A_634 = arith.addi %mul3A_295, %and3A_619 : vector<16xi32>
        %gather3A_635 = tpu.vector_load_idx %arg7[%add3A_634] : memref<33000xf32, #tpu.memory_space<vmem>>[vector<16xi32>], vector<16xf32>,
        %gather3A_636 = tpu.vector_load_idx %arg9[%add3A_30, %and3A_619] : memref<128x32xf32, #tpu.memory_space<vmem>>[vector<16xi32>, vector<16xi32>], vector<16xf32>,
        %gather3A_637 = tpu.vector_load_idx %arg9[%add3A_33, %and3A_619] : memref<128x32xf32, #tpu.memory_space<vmem>>[vector<16xi32>, vector<16xi32>], vector<16xf32>,
        %gather3A_638 = tpu.vector_load_idx %arg9[%add3A_36, %and3A_619] : memref<128x32xf32, #tpu.memory_space<vmem>>[vector<16xi32>, vector<16xi32>], vector<16xf32>,
        %gather3A_639 = tpu.vector_load_idx %arg9[%add3A_39, %and3A_619] : memref<128x32xf32, #tpu.memory_space<vmem>>[vector<16xi32>, vector<16xi32>], vector<16xf32>,
        %gather3A_640 = tpu.vector_load_idx %arg9[%add3A_42, %and3A_619] : memref<128x32xf32, #tpu.memory_space<vmem>>[vector<16xi32>, vector<16xi32>], vector<16xf32>,
        %gather3A_641 = tpu.vector_load_idx %arg9[%add3A_45, %and3A_619] : memref<128x32xf32, #tpu.memory_space<vmem>>[vector<16xi32>, vector<16xi32>], vector<16xf32>,
        %gather3A_642 = tpu.vector_load_idx %arg9[%add3A_48, %and3A_619] : memref<128x32xf32, #tpu.memory_space<vmem>>[vector<16xi32>, vector<16xi32>], vector<16xf32>,
        %gather3A_643 = tpu.vector_load_idx %arg9[%add3A_51, %and3A_619] : memref<128x32xf32, #tpu.memory_space<vmem>>[vector<16xi32>, vector<16xi32>], vector<16xf32>,
        %shift_right_logical3A_644 = arith.constant 3 : i32
        %shift_right_logical3A_645 = vector.broadcast %shift_right_logical3A_644 : i32 to vector<16xi32>
        %shift_right_logical3A_646 = arith.shrui %and3A_497, %shift_right_logical3A_645 : vector<16xi32>
        %and3A_647 = arith.constant 7 : i32
        %and3A_648 = vector.broadcast %and3A_647 : i32 to vector<16xi32>
        %and3A_649 = arith.andi %and3A_497, %and3A_648 : vector<16xi32>
        %scatter3A_650 = arith.constant 0 : i32
        %scatter3A_651 = arith.constant 0 : i32
        %scatter3A_652 = arith.constant 0 : i32
        %scatter3A_653 = tpu.memref_slice %arg10[%scan3A_297, %scatter3A_650, %scatter3A_651, %scatter3A_652] : memref<2x8x8x132xf32, #tpu.memory_space<vmem>> -> memref<1x8x8x132xf32, #tpu.memory_space<vmem>>
        %scatter3A_654 = tpu.memref_squeeze %scatter3A_653 : memref<1x8x8x132xf32, #tpu.memory_space<vmem>> -> memref<8x8x132xf32, #tpu.memory_space<vmem>>
        tpu.vector_store_idx %scatter3A_654[%shift_right_logical3A_646, %and3A_649, %add3A_30], %gather3A_499 : memref<8x8x132xf32, #tpu.memory_space<vmem>>[vector<16xi32>, vector<16xi32>, vector<16xi32>], vector<16xf32>,
        %scatter3A_655 = arith.constant 0 : i32
        %scatter3A_656 = arith.constant 0 : i32
        %scatter3A_657 = arith.constant 0 : i32
        %scatter3A_658 = tpu.memref_slice %arg10[%scan3A_297, %scatter3A_655, %scatter3A_656, %scatter3A_657] : memref<2x8x8x132xf32, #tpu.memory_space<vmem>> -> memref<1x8x8x132xf32, #tpu.memory_space<vmem>>
        %scatter3A_659 = tpu.memref_squeeze %scatter3A_658 : memref<1x8x8x132xf32, #tpu.memory_space<vmem>> -> memref<8x8x132xf32, #tpu.memory_space<vmem>>
        tpu.vector_store_idx %scatter3A_659[%shift_right_logical3A_646, %and3A_649, %add3A_33], %gather3A_501 : memref<8x8x132xf32, #tpu.memory_space<vmem>>[vector<16xi32>, vector<16xi32>, vector<16xi32>], vector<16xf32>,
        %scatter3A_660 = arith.constant 0 : i32
        %scatter3A_661 = arith.constant 0 : i32
        %scatter3A_662 = arith.constant 0 : i32
        %scatter3A_663 = tpu.memref_slice %arg10[%scan3A_297, %scatter3A_660, %scatter3A_661, %scatter3A_662] : memref<2x8x8x132xf32, #tpu.memory_space<vmem>> -> memref<1x8x8x132xf32, #tpu.memory_space<vmem>>
        %scatter3A_664 = tpu.memref_squeeze %scatter3A_663 : memref<1x8x8x132xf32, #tpu.memory_space<vmem>> -> memref<8x8x132xf32, #tpu.memory_space<vmem>>
        tpu.vector_store_idx %scatter3A_664[%shift_right_logical3A_646, %and3A_649, %add3A_36], %gather3A_503 : memref<8x8x132xf32, #tpu.memory_space<vmem>>[vector<16xi32>, vector<16xi32>, vector<16xi32>], vector<16xf32>,
        %scatter3A_665 = arith.constant 0 : i32
        %scatter3A_666 = arith.constant 0 : i32
        %scatter3A_667 = arith.constant 0 : i32
        %scatter3A_668 = tpu.memref_slice %arg10[%scan3A_297, %scatter3A_665, %scatter3A_666, %scatter3A_667] : memref<2x8x8x132xf32, #tpu.memory_space<vmem>> -> memref<1x8x8x132xf32, #tpu.memory_space<vmem>>
        %scatter3A_669 = tpu.memref_squeeze %scatter3A_668 : memref<1x8x8x132xf32, #tpu.memory_space<vmem>> -> memref<8x8x132xf32, #tpu.memory_space<vmem>>
        tpu.vector_store_idx %scatter3A_669[%shift_right_logical3A_646, %and3A_649, %add3A_39], %gather3A_505 : memref<8x8x132xf32, #tpu.memory_space<vmem>>[vector<16xi32>, vector<16xi32>, vector<16xi32>], vector<16xf32>,
        %scatter3A_670 = arith.constant 0 : i32
        %scatter3A_671 = arith.constant 0 : i32
        %scatter3A_672 = arith.constant 0 : i32
        %scatter3A_673 = tpu.memref_slice %arg10[%scan3A_297, %scatter3A_670, %scatter3A_671, %scatter3A_672] : memref<2x8x8x132xf32, #tpu.memory_space<vmem>> -> memref<1x8x8x132xf32, #tpu.memory_space<vmem>>
        %scatter3A_674 = tpu.memref_squeeze %scatter3A_673 : memref<1x8x8x132xf32, #tpu.memory_space<vmem>> -> memref<8x8x132xf32, #tpu.memory_space<vmem>>
        tpu.vector_store_idx %scatter3A_674[%shift_right_logical3A_646, %and3A_649, %add3A_42], %gather3A_507 : memref<8x8x132xf32, #tpu.memory_space<vmem>>[vector<16xi32>, vector<16xi32>, vector<16xi32>], vector<16xf32>,
        %scatter3A_675 = arith.constant 0 : i32
        %scatter3A_676 = arith.constant 0 : i32
        %scatter3A_677 = arith.constant 0 : i32
        %scatter3A_678 = tpu.memref_slice %arg10[%scan3A_297, %scatter3A_675, %scatter3A_676, %scatter3A_677] : memref<2x8x8x132xf32, #tpu.memory_space<vmem>> -> memref<1x8x8x132xf32, #tpu.memory_space<vmem>>
        %scatter3A_679 = tpu.memref_squeeze %scatter3A_678 : memref<1x8x8x132xf32, #tpu.memory_space<vmem>> -> memref<8x8x132xf32, #tpu.memory_space<vmem>>
        tpu.vector_store_idx %scatter3A_679[%shift_right_logical3A_646, %and3A_649, %add3A_45], %gather3A_509 : memref<8x8x132xf32, #tpu.memory_space<vmem>>[vector<16xi32>, vector<16xi32>, vector<16xi32>], vector<16xf32>,
        %scatter3A_680 = arith.constant 0 : i32
        %scatter3A_681 = arith.constant 0 : i32
        %scatter3A_682 = arith.constant 0 : i32
        %scatter3A_683 = tpu.memref_slice %arg10[%scan3A_297, %scatter3A_680, %scatter3A_681, %scatter3A_682] : memref<2x8x8x132xf32, #tpu.memory_space<vmem>> -> memref<1x8x8x132xf32, #tpu.memory_space<vmem>>
        %scatter3A_684 = tpu.memref_squeeze %scatter3A_683 : memref<1x8x8x132xf32, #tpu.memory_space<vmem>> -> memref<8x8x132xf32, #tpu.memory_space<vmem>>
        tpu.vector_store_idx %scatter3A_684[%shift_right_logical3A_646, %and3A_649, %add3A_48], %gather3A_511 : memref<8x8x132xf32, #tpu.memory_space<vmem>>[vector<16xi32>, vector<16xi32>, vector<16xi32>], vector<16xf32>,
        %scatter3A_685 = arith.constant 0 : i32
        %scatter3A_686 = arith.constant 0 : i32
        %scatter3A_687 = arith.constant 0 : i32
        %scatter3A_688 = tpu.memref_slice %arg10[%scan3A_297, %scatter3A_685, %scatter3A_686, %scatter3A_687] : memref<2x8x8x132xf32, #tpu.memory_space<vmem>> -> memref<1x8x8x132xf32, #tpu.memory_space<vmem>>
        %scatter3A_689 = tpu.memref_squeeze %scatter3A_688 : memref<1x8x8x132xf32, #tpu.memory_space<vmem>> -> memref<8x8x132xf32, #tpu.memory_space<vmem>>
        tpu.vector_store_idx %scatter3A_689[%shift_right_logical3A_646, %and3A_649, %add3A_51], %gather3A_513 : memref<8x8x132xf32, #tpu.memory_space<vmem>>[vector<16xi32>, vector<16xi32>, vector<16xi32>], vector<16xf32>,
        %add3A_690 = arith.constant 4 : i32
        %add3A_691 = vector.broadcast %add3A_690 : i32 to vector<16xi32>
        %add3A_692 = arith.addi %shift_right_logical3A_646, %add3A_691 : vector<16xi32>
        %scatter3A_693 = arith.constant 0 : i32
        %scatter3A_694 = arith.constant 0 : i32
        %scatter3A_695 = arith.constant 0 : i32
        %scatter3A_696 = tpu.memref_slice %arg10[%scan3A_297, %scatter3A_693, %scatter3A_694, %scatter3A_695] : memref<2x8x8x132xf32, #tpu.memory_space<vmem>> -> memref<1x8x8x132xf32, #tpu.memory_space<vmem>>
        %scatter3A_697 = tpu.memref_squeeze %scatter3A_696 : memref<1x8x8x132xf32, #tpu.memory_space<vmem>> -> memref<8x8x132xf32, #tpu.memory_space<vmem>>
        tpu.vector_store_idx %scatter3A_697[%add3A_692, %and3A_649, %add3A_30], %gather3A_514 : memref<8x8x132xf32, #tpu.memory_space<vmem>>[vector<16xi32>, vector<16xi32>, vector<16xi32>], vector<16xf32>,
        %scatter3A_698 = arith.constant 0 : i32
        %scatter3A_699 = arith.constant 0 : i32
        %scatter3A_700 = arith.constant 0 : i32
        %scatter3A_701 = tpu.memref_slice %arg10[%scan3A_297, %scatter3A_698, %scatter3A_699, %scatter3A_700] : memref<2x8x8x132xf32, #tpu.memory_space<vmem>> -> memref<1x8x8x132xf32, #tpu.memory_space<vmem>>
        %scatter3A_702 = tpu.memref_squeeze %scatter3A_701 : memref<1x8x8x132xf32, #tpu.memory_space<vmem>> -> memref<8x8x132xf32, #tpu.memory_space<vmem>>
        tpu.vector_store_idx %scatter3A_702[%add3A_692, %and3A_649, %add3A_33], %gather3A_515 : memref<8x8x132xf32, #tpu.memory_space<vmem>>[vector<16xi32>, vector<16xi32>, vector<16xi32>], vector<16xf32>,
        %scatter3A_703 = arith.constant 0 : i32
        %scatter3A_704 = arith.constant 0 : i32
        %scatter3A_705 = arith.constant 0 : i32
        %scatter3A_706 = tpu.memref_slice %arg10[%scan3A_297, %scatter3A_703, %scatter3A_704, %scatter3A_705] : memref<2x8x8x132xf32, #tpu.memory_space<vmem>> -> memref<1x8x8x132xf32, #tpu.memory_space<vmem>>
        %scatter3A_707 = tpu.memref_squeeze %scatter3A_706 : memref<1x8x8x132xf32, #tpu.memory_space<vmem>> -> memref<8x8x132xf32, #tpu.memory_space<vmem>>
        tpu.vector_store_idx %scatter3A_707[%add3A_692, %and3A_649, %add3A_36], %gather3A_516 : memref<8x8x132xf32, #tpu.memory_space<vmem>>[vector<16xi32>, vector<16xi32>, vector<16xi32>], vector<16xf32>,
        %scatter3A_708 = arith.constant 0 : i32
        %scatter3A_709 = arith.constant 0 : i32
        %scatter3A_710 = arith.constant 0 : i32
        %scatter3A_711 = tpu.memref_slice %arg10[%scan3A_297, %scatter3A_708, %scatter3A_709, %scatter3A_710] : memref<2x8x8x132xf32, #tpu.memory_space<vmem>> -> memref<1x8x8x132xf32, #tpu.memory_space<vmem>>
        %scatter3A_712 = tpu.memref_squeeze %scatter3A_711 : memref<1x8x8x132xf32, #tpu.memory_space<vmem>> -> memref<8x8x132xf32, #tpu.memory_space<vmem>>
        tpu.vector_store_idx %scatter3A_712[%add3A_692, %and3A_649, %add3A_39], %gather3A_517 : memref<8x8x132xf32, #tpu.memory_space<vmem>>[vector<16xi32>, vector<16xi32>, vector<16xi32>], vector<16xf32>,
        %scatter3A_713 = arith.constant 0 : i32
        %scatter3A_714 = arith.constant 0 : i32
        %scatter3A_715 = arith.constant 0 : i32
        %scatter3A_716 = tpu.memref_slice %arg10[%scan3A_297, %scatter3A_713, %scatter3A_714, %scatter3A_715] : memref<2x8x8x132xf32, #tpu.memory_space<vmem>> -> memref<1x8x8x132xf32, #tpu.memory_space<vmem>>
        %scatter3A_717 = tpu.memref_squeeze %scatter3A_716 : memref<1x8x8x132xf32, #tpu.memory_space<vmem>> -> memref<8x8x132xf32, #tpu.memory_space<vmem>>
        tpu.vector_store_idx %scatter3A_717[%add3A_692, %and3A_649, %add3A_42], %gather3A_518 : memref<8x8x132xf32, #tpu.memory_space<vmem>>[vector<16xi32>, vector<16xi32>, vector<16xi32>], vector<16xf32>,
        %scatter3A_718 = arith.constant 0 : i32
        %scatter3A_719 = arith.constant 0 : i32
        %scatter3A_720 = arith.constant 0 : i32
        %scatter3A_721 = tpu.memref_slice %arg10[%scan3A_297, %scatter3A_718, %scatter3A_719, %scatter3A_720] : memref<2x8x8x132xf32, #tpu.memory_space<vmem>> -> memref<1x8x8x132xf32, #tpu.memory_space<vmem>>
        %scatter3A_722 = tpu.memref_squeeze %scatter3A_721 : memref<1x8x8x132xf32, #tpu.memory_space<vmem>> -> memref<8x8x132xf32, #tpu.memory_space<vmem>>
        tpu.vector_store_idx %scatter3A_722[%add3A_692, %and3A_649, %add3A_45], %gather3A_519 : memref<8x8x132xf32, #tpu.memory_space<vmem>>[vector<16xi32>, vector<16xi32>, vector<16xi32>], vector<16xf32>,
        %scatter3A_723 = arith.constant 0 : i32
        %scatter3A_724 = arith.constant 0 : i32
        %scatter3A_725 = arith.constant 0 : i32
        %scatter3A_726 = tpu.memref_slice %arg10[%scan3A_297, %scatter3A_723, %scatter3A_724, %scatter3A_725] : memref<2x8x8x132xf32, #tpu.memory_space<vmem>> -> memref<1x8x8x132xf32, #tpu.memory_space<vmem>>
        %scatter3A_727 = tpu.memref_squeeze %scatter3A_726 : memref<1x8x8x132xf32, #tpu.memory_space<vmem>> -> memref<8x8x132xf32, #tpu.memory_space<vmem>>
        tpu.vector_store_idx %scatter3A_727[%add3A_692, %and3A_649, %add3A_48], %gather3A_520 : memref<8x8x132xf32, #tpu.memory_space<vmem>>[vector<16xi32>, vector<16xi32>, vector<16xi32>], vector<16xf32>,
        %scatter3A_728 = arith.constant 0 : i32
        %scatter3A_729 = arith.constant 0 : i32
        %scatter3A_730 = arith.constant 0 : i32
        %scatter3A_731 = tpu.memref_slice %arg10[%scan3A_297, %scatter3A_728, %scatter3A_729, %scatter3A_730] : memref<2x8x8x132xf32, #tpu.memory_space<vmem>> -> memref<1x8x8x132xf32, #tpu.memory_space<vmem>>
        %scatter3A_732 = tpu.memref_squeeze %scatter3A_731 : memref<1x8x8x132xf32, #tpu.memory_space<vmem>> -> memref<8x8x132xf32, #tpu.memory_space<vmem>>
        tpu.vector_store_idx %scatter3A_732[%add3A_692, %and3A_649, %add3A_51], %gather3A_521 : memref<8x8x132xf32, #tpu.memory_space<vmem>>[vector<16xi32>, vector<16xi32>, vector<16xi32>], vector<16xf32>,
        %mul3A_733 = arith.constant 8 : i32
        %mul3A_734 = arith.muli %scan3A_339, %mul3A_733 : i32
        %add3A_735 = arith.constant 4 : i32
        %add3A_736 = arith.addi %mul3A_734, %add3A_735 : i32
        %add3A_737 = vector.broadcast %add3A_736 : i32 to vector<16xi32>
        %add3A_738 = arith.addi %mul3A_27, %add3A_737 : vector<16xi32>
        %and3A_739 = arith.constant 31 : i32
        %and3A_740 = vector.broadcast %and3A_739 : i32 to vector<16xi32>
        %and3A_741 = arith.andi %add3A_738, %and3A_740 : vector<16xi32>
        %add3A_742 = arith.addi %mul3A_253, %and3A_741 : vector<16xi32>
        %gather3A_743 = tpu.vector_load_idx %arg7[%add3A_742] : memref<33000xf32, #tpu.memory_space<vmem>>[vector<16xi32>], vector<16xf32>,
        %add3A_744 = arith.addi %mul3A_259, %and3A_741 : vector<16xi32>
        %gather3A_745 = tpu.vector_load_idx %arg7[%add3A_744] : memref<33000xf32, #tpu.memory_space<vmem>>[vector<16xi32>], vector<16xf32>,
        %add3A_746 = arith.addi %mul3A_265, %and3A_741 : vector<16xi32>
        %gather3A_747 = tpu.vector_load_idx %arg7[%add3A_746] : memref<33000xf32, #tpu.memory_space<vmem>>[vector<16xi32>], vector<16xf32>,
        %add3A_748 = arith.addi %mul3A_271, %and3A_741 : vector<16xi32>
        %gather3A_749 = tpu.vector_load_idx %arg7[%add3A_748] : memref<33000xf32, #tpu.memory_space<vmem>>[vector<16xi32>], vector<16xf32>,
        %add3A_750 = arith.addi %mul3A_277, %and3A_741 : vector<16xi32>
        %gather3A_751 = tpu.vector_load_idx %arg7[%add3A_750] : memref<33000xf32, #tpu.memory_space<vmem>>[vector<16xi32>], vector<16xf32>,
        %add3A_752 = arith.addi %mul3A_283, %and3A_741 : vector<16xi32>
        %gather3A_753 = tpu.vector_load_idx %arg7[%add3A_752] : memref<33000xf32, #tpu.memory_space<vmem>>[vector<16xi32>], vector<16xf32>,
        %add3A_754 = arith.addi %mul3A_289, %and3A_741 : vector<16xi32>
        %gather3A_755 = tpu.vector_load_idx %arg7[%add3A_754] : memref<33000xf32, #tpu.memory_space<vmem>>[vector<16xi32>], vector<16xf32>,
        %add3A_756 = arith.addi %mul3A_295, %and3A_741 : vector<16xi32>
        %gather3A_757 = tpu.vector_load_idx %arg7[%add3A_756] : memref<33000xf32, #tpu.memory_space<vmem>>[vector<16xi32>], vector<16xf32>,
        %gather3A_758 = tpu.vector_load_idx %arg9[%add3A_30, %and3A_741] : memref<128x32xf32, #tpu.memory_space<vmem>>[vector<16xi32>, vector<16xi32>], vector<16xf32>,
        %gather3A_759 = tpu.vector_load_idx %arg9[%add3A_33, %and3A_741] : memref<128x32xf32, #tpu.memory_space<vmem>>[vector<16xi32>, vector<16xi32>], vector<16xf32>,
        %gather3A_760 = tpu.vector_load_idx %arg9[%add3A_36, %and3A_741] : memref<128x32xf32, #tpu.memory_space<vmem>>[vector<16xi32>, vector<16xi32>], vector<16xf32>,
        %gather3A_761 = tpu.vector_load_idx %arg9[%add3A_39, %and3A_741] : memref<128x32xf32, #tpu.memory_space<vmem>>[vector<16xi32>, vector<16xi32>], vector<16xf32>,
        %gather3A_762 = tpu.vector_load_idx %arg9[%add3A_42, %and3A_741] : memref<128x32xf32, #tpu.memory_space<vmem>>[vector<16xi32>, vector<16xi32>], vector<16xf32>,
        %gather3A_763 = tpu.vector_load_idx %arg9[%add3A_45, %and3A_741] : memref<128x32xf32, #tpu.memory_space<vmem>>[vector<16xi32>, vector<16xi32>], vector<16xf32>,
        %gather3A_764 = tpu.vector_load_idx %arg9[%add3A_48, %and3A_741] : memref<128x32xf32, #tpu.memory_space<vmem>>[vector<16xi32>, vector<16xi32>], vector<16xf32>,
        %gather3A_765 = tpu.vector_load_idx %arg9[%add3A_51, %and3A_741] : memref<128x32xf32, #tpu.memory_space<vmem>>[vector<16xi32>, vector<16xi32>], vector<16xf32>,
        %shift_right_logical3A_766 = arith.constant 3 : i32
        %shift_right_logical3A_767 = vector.broadcast %shift_right_logical3A_766 : i32 to vector<16xi32>
        %shift_right_logical3A_768 = arith.shrui %and3A_619, %shift_right_logical3A_767 : vector<16xi32>
        %and3A_769 = arith.constant 7 : i32
        %and3A_770 = vector.broadcast %and3A_769 : i32 to vector<16xi32>
        %and3A_771 = arith.andi %and3A_619, %and3A_770 : vector<16xi32>
        %scatter3A_772 = arith.constant 0 : i32
        %scatter3A_773 = arith.constant 0 : i32
        %scatter3A_774 = arith.constant 0 : i32
        %scatter3A_775 = tpu.memref_slice %arg10[%scan3A_297, %scatter3A_772, %scatter3A_773, %scatter3A_774] : memref<2x8x8x132xf32, #tpu.memory_space<vmem>> -> memref<1x8x8x132xf32, #tpu.memory_space<vmem>>
        %scatter3A_776 = tpu.memref_squeeze %scatter3A_775 : memref<1x8x8x132xf32, #tpu.memory_space<vmem>> -> memref<8x8x132xf32, #tpu.memory_space<vmem>>
        tpu.vector_store_idx %scatter3A_776[%shift_right_logical3A_768, %and3A_771, %add3A_30], %gather3A_621 : memref<8x8x132xf32, #tpu.memory_space<vmem>>[vector<16xi32>, vector<16xi32>, vector<16xi32>], vector<16xf32>,
        %scatter3A_777 = arith.constant 0 : i32
        %scatter3A_778 = arith.constant 0 : i32
        %scatter3A_779 = arith.constant 0 : i32
        %scatter3A_780 = tpu.memref_slice %arg10[%scan3A_297, %scatter3A_777, %scatter3A_778, %scatter3A_779] : memref<2x8x8x132xf32, #tpu.memory_space<vmem>> -> memref<1x8x8x132xf32, #tpu.memory_space<vmem>>
        %scatter3A_781 = tpu.memref_squeeze %scatter3A_780 : memref<1x8x8x132xf32, #tpu.memory_space<vmem>> -> memref<8x8x132xf32, #tpu.memory_space<vmem>>
        tpu.vector_store_idx %scatter3A_781[%shift_right_logical3A_768, %and3A_771, %add3A_33], %gather3A_623 : memref<8x8x132xf32, #tpu.memory_space<vmem>>[vector<16xi32>, vector<16xi32>, vector<16xi32>], vector<16xf32>,
        %scatter3A_782 = arith.constant 0 : i32
        %scatter3A_783 = arith.constant 0 : i32
        %scatter3A_784 = arith.constant 0 : i32
        %scatter3A_785 = tpu.memref_slice %arg10[%scan3A_297, %scatter3A_782, %scatter3A_783, %scatter3A_784] : memref<2x8x8x132xf32, #tpu.memory_space<vmem>> -> memref<1x8x8x132xf32, #tpu.memory_space<vmem>>
        %scatter3A_786 = tpu.memref_squeeze %scatter3A_785 : memref<1x8x8x132xf32, #tpu.memory_space<vmem>> -> memref<8x8x132xf32, #tpu.memory_space<vmem>>
        tpu.vector_store_idx %scatter3A_786[%shift_right_logical3A_768, %and3A_771, %add3A_36], %gather3A_625 : memref<8x8x132xf32, #tpu.memory_space<vmem>>[vector<16xi32>, vector<16xi32>, vector<16xi32>], vector<16xf32>,
        %scatter3A_787 = arith.constant 0 : i32
        %scatter3A_788 = arith.constant 0 : i32
        %scatter3A_789 = arith.constant 0 : i32
        %scatter3A_790 = tpu.memref_slice %arg10[%scan3A_297, %scatter3A_787, %scatter3A_788, %scatter3A_789] : memref<2x8x8x132xf32, #tpu.memory_space<vmem>> -> memref<1x8x8x132xf32, #tpu.memory_space<vmem>>
        %scatter3A_791 = tpu.memref_squeeze %scatter3A_790 : memref<1x8x8x132xf32, #tpu.memory_space<vmem>> -> memref<8x8x132xf32, #tpu.memory_space<vmem>>
        tpu.vector_store_idx %scatter3A_791[%shift_right_logical3A_768, %and3A_771, %add3A_39], %gather3A_627 : memref<8x8x132xf32, #tpu.memory_space<vmem>>[vector<16xi32>, vector<16xi32>, vector<16xi32>], vector<16xf32>,
        %scatter3A_792 = arith.constant 0 : i32
        %scatter3A_793 = arith.constant 0 : i32
        %scatter3A_794 = arith.constant 0 : i32
        %scatter3A_795 = tpu.memref_slice %arg10[%scan3A_297, %scatter3A_792, %scatter3A_793, %scatter3A_794] : memref<2x8x8x132xf32, #tpu.memory_space<vmem>> -> memref<1x8x8x132xf32, #tpu.memory_space<vmem>>
        %scatter3A_796 = tpu.memref_squeeze %scatter3A_795 : memref<1x8x8x132xf32, #tpu.memory_space<vmem>> -> memref<8x8x132xf32, #tpu.memory_space<vmem>>
        tpu.vector_store_idx %scatter3A_796[%shift_right_logical3A_768, %and3A_771, %add3A_42], %gather3A_629 : memref<8x8x132xf32, #tpu.memory_space<vmem>>[vector<16xi32>, vector<16xi32>, vector<16xi32>], vector<16xf32>,
        %scatter3A_797 = arith.constant 0 : i32
        %scatter3A_798 = arith.constant 0 : i32
        %scatter3A_799 = arith.constant 0 : i32
        %scatter3A_800 = tpu.memref_slice %arg10[%scan3A_297, %scatter3A_797, %scatter3A_798, %scatter3A_799] : memref<2x8x8x132xf32, #tpu.memory_space<vmem>> -> memref<1x8x8x132xf32, #tpu.memory_space<vmem>>
        %scatter3A_801 = tpu.memref_squeeze %scatter3A_800 : memref<1x8x8x132xf32, #tpu.memory_space<vmem>> -> memref<8x8x132xf32, #tpu.memory_space<vmem>>
        tpu.vector_store_idx %scatter3A_801[%shift_right_logical3A_768, %and3A_771, %add3A_45], %gather3A_631 : memref<8x8x132xf32, #tpu.memory_space<vmem>>[vector<16xi32>, vector<16xi32>, vector<16xi32>], vector<16xf32>,
        %scatter3A_802 = arith.constant 0 : i32
        %scatter3A_803 = arith.constant 0 : i32
        %scatter3A_804 = arith.constant 0 : i32
        %scatter3A_805 = tpu.memref_slice %arg10[%scan3A_297, %scatter3A_802, %scatter3A_803, %scatter3A_804] : memref<2x8x8x132xf32, #tpu.memory_space<vmem>> -> memref<1x8x8x132xf32, #tpu.memory_space<vmem>>
        %scatter3A_806 = tpu.memref_squeeze %scatter3A_805 : memref<1x8x8x132xf32, #tpu.memory_space<vmem>> -> memref<8x8x132xf32, #tpu.memory_space<vmem>>
        tpu.vector_store_idx %scatter3A_806[%shift_right_logical3A_768, %and3A_771, %add3A_48], %gather3A_633 : memref<8x8x132xf32, #tpu.memory_space<vmem>>[vector<16xi32>, vector<16xi32>, vector<16xi32>], vector<16xf32>,
        %scatter3A_807 = arith.constant 0 : i32
        %scatter3A_808 = arith.constant 0 : i32
        %scatter3A_809 = arith.constant 0 : i32
        %scatter3A_810 = tpu.memref_slice %arg10[%scan3A_297, %scatter3A_807, %scatter3A_808, %scatter3A_809] : memref<2x8x8x132xf32, #tpu.memory_space<vmem>> -> memref<1x8x8x132xf32, #tpu.memory_space<vmem>>
        %scatter3A_811 = tpu.memref_squeeze %scatter3A_810 : memref<1x8x8x132xf32, #tpu.memory_space<vmem>> -> memref<8x8x132xf32, #tpu.memory_space<vmem>>
        tpu.vector_store_idx %scatter3A_811[%shift_right_logical3A_768, %and3A_771, %add3A_51], %gather3A_635 : memref<8x8x132xf32, #tpu.memory_space<vmem>>[vector<16xi32>, vector<16xi32>, vector<16xi32>], vector<16xf32>,
        %add3A_812 = arith.constant 4 : i32
        %add3A_813 = vector.broadcast %add3A_812 : i32 to vector<16xi32>
        %add3A_814 = arith.addi %shift_right_logical3A_768, %add3A_813 : vector<16xi32>
        %scatter3A_815 = arith.constant 0 : i32
        %scatter3A_816 = arith.constant 0 : i32
        %scatter3A_817 = arith.constant 0 : i32
        %scatter3A_818 = tpu.memref_slice %arg10[%scan3A_297, %scatter3A_815, %scatter3A_816, %scatter3A_817] : memref<2x8x8x132xf32, #tpu.memory_space<vmem>> -> memref<1x8x8x132xf32, #tpu.memory_space<vmem>>
        %scatter3A_819 = tpu.memref_squeeze %scatter3A_818 : memref<1x8x8x132xf32, #tpu.memory_space<vmem>> -> memref<8x8x132xf32, #tpu.memory_space<vmem>>
        tpu.vector_store_idx %scatter3A_819[%add3A_814, %and3A_771, %add3A_30], %gather3A_636 : memref<8x8x132xf32, #tpu.memory_space<vmem>>[vector<16xi32>, vector<16xi32>, vector<16xi32>], vector<16xf32>,
        %scatter3A_820 = arith.constant 0 : i32
        %scatter3A_821 = arith.constant 0 : i32
        %scatter3A_822 = arith.constant 0 : i32
        %scatter3A_823 = tpu.memref_slice %arg10[%scan3A_297, %scatter3A_820, %scatter3A_821, %scatter3A_822] : memref<2x8x8x132xf32, #tpu.memory_space<vmem>> -> memref<1x8x8x132xf32, #tpu.memory_space<vmem>>
        %scatter3A_824 = tpu.memref_squeeze %scatter3A_823 : memref<1x8x8x132xf32, #tpu.memory_space<vmem>> -> memref<8x8x132xf32, #tpu.memory_space<vmem>>
        tpu.vector_store_idx %scatter3A_824[%add3A_814, %and3A_771, %add3A_33], %gather3A_637 : memref<8x8x132xf32, #tpu.memory_space<vmem>>[vector<16xi32>, vector<16xi32>, vector<16xi32>], vector<16xf32>,
        %scatter3A_825 = arith.constant 0 : i32
        %scatter3A_826 = arith.constant 0 : i32
        %scatter3A_827 = arith.constant 0 : i32
        %scatter3A_828 = tpu.memref_slice %arg10[%scan3A_297, %scatter3A_825, %scatter3A_826, %scatter3A_827] : memref<2x8x8x132xf32, #tpu.memory_space<vmem>> -> memref<1x8x8x132xf32, #tpu.memory_space<vmem>>
        %scatter3A_829 = tpu.memref_squeeze %scatter3A_828 : memref<1x8x8x132xf32, #tpu.memory_space<vmem>> -> memref<8x8x132xf32, #tpu.memory_space<vmem>>
        tpu.vector_store_idx %scatter3A_829[%add3A_814, %and3A_771, %add3A_36], %gather3A_638 : memref<8x8x132xf32, #tpu.memory_space<vmem>>[vector<16xi32>, vector<16xi32>, vector<16xi32>], vector<16xf32>,
        %scatter3A_830 = arith.constant 0 : i32
        %scatter3A_831 = arith.constant 0 : i32
        %scatter3A_832 = arith.constant 0 : i32
        %scatter3A_833 = tpu.memref_slice %arg10[%scan3A_297, %scatter3A_830, %scatter3A_831, %scatter3A_832] : memref<2x8x8x132xf32, #tpu.memory_space<vmem>> -> memref<1x8x8x132xf32, #tpu.memory_space<vmem>>
        %scatter3A_834 = tpu.memref_squeeze %scatter3A_833 : memref<1x8x8x132xf32, #tpu.memory_space<vmem>> -> memref<8x8x132xf32, #tpu.memory_space<vmem>>
        tpu.vector_store_idx %scatter3A_834[%add3A_814, %and3A_771, %add3A_39], %gather3A_639 : memref<8x8x132xf32, #tpu.memory_space<vmem>>[vector<16xi32>, vector<16xi32>, vector<16xi32>], vector<16xf32>,
        %scatter3A_835 = arith.constant 0 : i32
        %scatter3A_836 = arith.constant 0 : i32
        %scatter3A_837 = arith.constant 0 : i32
        %scatter3A_838 = tpu.memref_slice %arg10[%scan3A_297, %scatter3A_835, %scatter3A_836, %scatter3A_837] : memref<2x8x8x132xf32, #tpu.memory_space<vmem>> -> memref<1x8x8x132xf32, #tpu.memory_space<vmem>>
        %scatter3A_839 = tpu.memref_squeeze %scatter3A_838 : memref<1x8x8x132xf32, #tpu.memory_space<vmem>> -> memref<8x8x132xf32, #tpu.memory_space<vmem>>
        tpu.vector_store_idx %scatter3A_839[%add3A_814, %and3A_771, %add3A_42], %gather3A_640 : memref<8x8x132xf32, #tpu.memory_space<vmem>>[vector<16xi32>, vector<16xi32>, vector<16xi32>], vector<16xf32>,
        %scatter3A_840 = arith.constant 0 : i32
        %scatter3A_841 = arith.constant 0 : i32
        %scatter3A_842 = arith.constant 0 : i32
        %scatter3A_843 = tpu.memref_slice %arg10[%scan3A_297, %scatter3A_840, %scatter3A_841, %scatter3A_842] : memref<2x8x8x132xf32, #tpu.memory_space<vmem>> -> memref<1x8x8x132xf32, #tpu.memory_space<vmem>>
        %scatter3A_844 = tpu.memref_squeeze %scatter3A_843 : memref<1x8x8x132xf32, #tpu.memory_space<vmem>> -> memref<8x8x132xf32, #tpu.memory_space<vmem>>
        tpu.vector_store_idx %scatter3A_844[%add3A_814, %and3A_771, %add3A_45], %gather3A_641 : memref<8x8x132xf32, #tpu.memory_space<vmem>>[vector<16xi32>, vector<16xi32>, vector<16xi32>], vector<16xf32>,
        %scatter3A_845 = arith.constant 0 : i32
        %scatter3A_846 = arith.constant 0 : i32
        %scatter3A_847 = arith.constant 0 : i32
        %scatter3A_848 = tpu.memref_slice %arg10[%scan3A_297, %scatter3A_845, %scatter3A_846, %scatter3A_847] : memref<2x8x8x132xf32, #tpu.memory_space<vmem>> -> memref<1x8x8x132xf32, #tpu.memory_space<vmem>>
        %scatter3A_849 = tpu.memref_squeeze %scatter3A_848 : memref<1x8x8x132xf32, #tpu.memory_space<vmem>> -> memref<8x8x132xf32, #tpu.memory_space<vmem>>
        tpu.vector_store_idx %scatter3A_849[%add3A_814, %and3A_771, %add3A_48], %gather3A_642 : memref<8x8x132xf32, #tpu.memory_space<vmem>>[vector<16xi32>, vector<16xi32>, vector<16xi32>], vector<16xf32>,
        %scatter3A_850 = arith.constant 0 : i32
        %scatter3A_851 = arith.constant 0 : i32
        %scatter3A_852 = arith.constant 0 : i32
        %scatter3A_853 = tpu.memref_slice %arg10[%scan3A_297, %scatter3A_850, %scatter3A_851, %scatter3A_852] : memref<2x8x8x132xf32, #tpu.memory_space<vmem>> -> memref<1x8x8x132xf32, #tpu.memory_space<vmem>>
        %scatter3A_854 = tpu.memref_squeeze %scatter3A_853 : memref<1x8x8x132xf32, #tpu.memory_space<vmem>> -> memref<8x8x132xf32, #tpu.memory_space<vmem>>
        tpu.vector_store_idx %scatter3A_854[%add3A_814, %and3A_771, %add3A_51], %gather3A_643 : memref<8x8x132xf32, #tpu.memory_space<vmem>>[vector<16xi32>, vector<16xi32>, vector<16xi32>], vector<16xf32>,
        %mul3A_855 = arith.constant 8 : i32
        %mul3A_856 = arith.muli %scan3A_339, %mul3A_855 : i32
        %add3A_857 = arith.constant 5 : i32
        %add3A_858 = arith.addi %mul3A_856, %add3A_857 : i32
        %add3A_859 = vector.broadcast %add3A_858 : i32 to vector<16xi32>
        %add3A_860 = arith.addi %mul3A_27, %add3A_859 : vector<16xi32>
        %and3A_861 = arith.constant 31 : i32
        %and3A_862 = vector.broadcast %and3A_861 : i32 to vector<16xi32>
        %and3A_863 = arith.andi %add3A_860, %and3A_862 : vector<16xi32>
        %add3A_864 = arith.addi %mul3A_253, %and3A_863 : vector<16xi32>
        %gather3A_865 = tpu.vector_load_idx %arg7[%add3A_864] : memref<33000xf32, #tpu.memory_space<vmem>>[vector<16xi32>], vector<16xf32>,
        %add3A_866 = arith.addi %mul3A_259, %and3A_863 : vector<16xi32>
        %gather3A_867 = tpu.vector_load_idx %arg7[%add3A_866] : memref<33000xf32, #tpu.memory_space<vmem>>[vector<16xi32>], vector<16xf32>,
        %add3A_868 = arith.addi %mul3A_265, %and3A_863 : vector<16xi32>
        %gather3A_869 = tpu.vector_load_idx %arg7[%add3A_868] : memref<33000xf32, #tpu.memory_space<vmem>>[vector<16xi32>], vector<16xf32>,
        %add3A_870 = arith.addi %mul3A_271, %and3A_863 : vector<16xi32>
        %gather3A_871 = tpu.vector_load_idx %arg7[%add3A_870] : memref<33000xf32, #tpu.memory_space<vmem>>[vector<16xi32>], vector<16xf32>,
        %add3A_872 = arith.addi %mul3A_277, %and3A_863 : vector<16xi32>
        %gather3A_873 = tpu.vector_load_idx %arg7[%add3A_872] : memref<33000xf32, #tpu.memory_space<vmem>>[vector<16xi32>], vector<16xf32>,
        %add3A_874 = arith.addi %mul3A_283, %and3A_863 : vector<16xi32>
        %gather3A_875 = tpu.vector_load_idx %arg7[%add3A_874] : memref<33000xf32, #tpu.memory_space<vmem>>[vector<16xi32>], vector<16xf32>,
        %add3A_876 = arith.addi %mul3A_289, %and3A_863 : vector<16xi32>
        %gather3A_877 = tpu.vector_load_idx %arg7[%add3A_876] : memref<33000xf32, #tpu.memory_space<vmem>>[vector<16xi32>], vector<16xf32>,
        %add3A_878 = arith.addi %mul3A_295, %and3A_863 : vector<16xi32>
        %gather3A_879 = tpu.vector_load_idx %arg7[%add3A_878] : memref<33000xf32, #tpu.memory_space<vmem>>[vector<16xi32>], vector<16xf32>,
        %gather3A_880 = tpu.vector_load_idx %arg9[%add3A_30, %and3A_863] : memref<128x32xf32, #tpu.memory_space<vmem>>[vector<16xi32>, vector<16xi32>], vector<16xf32>,
        %gather3A_881 = tpu.vector_load_idx %arg9[%add3A_33, %and3A_863] : memref<128x32xf32, #tpu.memory_space<vmem>>[vector<16xi32>, vector<16xi32>], vector<16xf32>,
        %gather3A_882 = tpu.vector_load_idx %arg9[%add3A_36, %and3A_863] : memref<128x32xf32, #tpu.memory_space<vmem>>[vector<16xi32>, vector<16xi32>], vector<16xf32>,
        %gather3A_883 = tpu.vector_load_idx %arg9[%add3A_39, %and3A_863] : memref<128x32xf32, #tpu.memory_space<vmem>>[vector<16xi32>, vector<16xi32>], vector<16xf32>,
        %gather3A_884 = tpu.vector_load_idx %arg9[%add3A_42, %and3A_863] : memref<128x32xf32, #tpu.memory_space<vmem>>[vector<16xi32>, vector<16xi32>], vector<16xf32>,
        %gather3A_885 = tpu.vector_load_idx %arg9[%add3A_45, %and3A_863] : memref<128x32xf32, #tpu.memory_space<vmem>>[vector<16xi32>, vector<16xi32>], vector<16xf32>,
        %gather3A_886 = tpu.vector_load_idx %arg9[%add3A_48, %and3A_863] : memref<128x32xf32, #tpu.memory_space<vmem>>[vector<16xi32>, vector<16xi32>], vector<16xf32>,
        %gather3A_887 = tpu.vector_load_idx %arg9[%add3A_51, %and3A_863] : memref<128x32xf32, #tpu.memory_space<vmem>>[vector<16xi32>, vector<16xi32>], vector<16xf32>,
        %shift_right_logical3A_888 = arith.constant 3 : i32
        %shift_right_logical3A_889 = vector.broadcast %shift_right_logical3A_888 : i32 to vector<16xi32>
        %shift_right_logical3A_890 = arith.shrui %and3A_741, %shift_right_logical3A_889 : vector<16xi32>
        %and3A_891 = arith.constant 7 : i32
        %and3A_892 = vector.broadcast %and3A_891 : i32 to vector<16xi32>
        %and3A_893 = arith.andi %and3A_741, %and3A_892 : vector<16xi32>
        %scatter3A_894 = arith.constant 0 : i32
        %scatter3A_895 = arith.constant 0 : i32
        %scatter3A_896 = arith.constant 0 : i32
        %scatter3A_897 = tpu.memref_slice %arg10[%scan3A_297, %scatter3A_894, %scatter3A_895, %scatter3A_896] : memref<2x8x8x132xf32, #tpu.memory_space<vmem>> -> memref<1x8x8x132xf32, #tpu.memory_space<vmem>>
        %scatter3A_898 = tpu.memref_squeeze %scatter3A_897 : memref<1x8x8x132xf32, #tpu.memory_space<vmem>> -> memref<8x8x132xf32, #tpu.memory_space<vmem>>
        tpu.vector_store_idx %scatter3A_898[%shift_right_logical3A_890, %and3A_893, %add3A_30], %gather3A_743 : memref<8x8x132xf32, #tpu.memory_space<vmem>>[vector<16xi32>, vector<16xi32>, vector<16xi32>], vector<16xf32>,
        %scatter3A_899 = arith.constant 0 : i32
        %scatter3A_900 = arith.constant 0 : i32
        %scatter3A_901 = arith.constant 0 : i32
        %scatter3A_902 = tpu.memref_slice %arg10[%scan3A_297, %scatter3A_899, %scatter3A_900, %scatter3A_901] : memref<2x8x8x132xf32, #tpu.memory_space<vmem>> -> memref<1x8x8x132xf32, #tpu.memory_space<vmem>>
        %scatter3A_903 = tpu.memref_squeeze %scatter3A_902 : memref<1x8x8x132xf32, #tpu.memory_space<vmem>> -> memref<8x8x132xf32, #tpu.memory_space<vmem>>
        tpu.vector_store_idx %scatter3A_903[%shift_right_logical3A_890, %and3A_893, %add3A_33], %gather3A_745 : memref<8x8x132xf32, #tpu.memory_space<vmem>>[vector<16xi32>, vector<16xi32>, vector<16xi32>], vector<16xf32>,
        %scatter3A_904 = arith.constant 0 : i32
        %scatter3A_905 = arith.constant 0 : i32
        %scatter3A_906 = arith.constant 0 : i32
        %scatter3A_907 = tpu.memref_slice %arg10[%scan3A_297, %scatter3A_904, %scatter3A_905, %scatter3A_906] : memref<2x8x8x132xf32, #tpu.memory_space<vmem>> -> memref<1x8x8x132xf32, #tpu.memory_space<vmem>>
        %scatter3A_908 = tpu.memref_squeeze %scatter3A_907 : memref<1x8x8x132xf32, #tpu.memory_space<vmem>> -> memref<8x8x132xf32, #tpu.memory_space<vmem>>
        tpu.vector_store_idx %scatter3A_908[%shift_right_logical3A_890, %and3A_893, %add3A_36], %gather3A_747 : memref<8x8x132xf32, #tpu.memory_space<vmem>>[vector<16xi32>, vector<16xi32>, vector<16xi32>], vector<16xf32>,
        %scatter3A_909 = arith.constant 0 : i32
        %scatter3A_910 = arith.constant 0 : i32
        %scatter3A_911 = arith.constant 0 : i32
        %scatter3A_912 = tpu.memref_slice %arg10[%scan3A_297, %scatter3A_909, %scatter3A_910, %scatter3A_911] : memref<2x8x8x132xf32, #tpu.memory_space<vmem>> -> memref<1x8x8x132xf32, #tpu.memory_space<vmem>>
        %scatter3A_913 = tpu.memref_squeeze %scatter3A_912 : memref<1x8x8x132xf32, #tpu.memory_space<vmem>> -> memref<8x8x132xf32, #tpu.memory_space<vmem>>
        tpu.vector_store_idx %scatter3A_913[%shift_right_logical3A_890, %and3A_893, %add3A_39], %gather3A_749 : memref<8x8x132xf32, #tpu.memory_space<vmem>>[vector<16xi32>, vector<16xi32>, vector<16xi32>], vector<16xf32>,
        %scatter3A_914 = arith.constant 0 : i32
        %scatter3A_915 = arith.constant 0 : i32
        %scatter3A_916 = arith.constant 0 : i32
        %scatter3A_917 = tpu.memref_slice %arg10[%scan3A_297, %scatter3A_914, %scatter3A_915, %scatter3A_916] : memref<2x8x8x132xf32, #tpu.memory_space<vmem>> -> memref<1x8x8x132xf32, #tpu.memory_space<vmem>>
        %scatter3A_918 = tpu.memref_squeeze %scatter3A_917 : memref<1x8x8x132xf32, #tpu.memory_space<vmem>> -> memref<8x8x132xf32, #tpu.memory_space<vmem>>
        tpu.vector_store_idx %scatter3A_918[%shift_right_logical3A_890, %and3A_893, %add3A_42], %gather3A_751 : memref<8x8x132xf32, #tpu.memory_space<vmem>>[vector<16xi32>, vector<16xi32>, vector<16xi32>], vector<16xf32>,
        %scatter3A_919 = arith.constant 0 : i32
        %scatter3A_920 = arith.constant 0 : i32
        %scatter3A_921 = arith.constant 0 : i32
        %scatter3A_922 = tpu.memref_slice %arg10[%scan3A_297, %scatter3A_919, %scatter3A_920, %scatter3A_921] : memref<2x8x8x132xf32, #tpu.memory_space<vmem>> -> memref<1x8x8x132xf32, #tpu.memory_space<vmem>>
        %scatter3A_923 = tpu.memref_squeeze %scatter3A_922 : memref<1x8x8x132xf32, #tpu.memory_space<vmem>> -> memref<8x8x132xf32, #tpu.memory_space<vmem>>
        tpu.vector_store_idx %scatter3A_923[%shift_right_logical3A_890, %and3A_893, %add3A_45], %gather3A_753 : memref<8x8x132xf32, #tpu.memory_space<vmem>>[vector<16xi32>, vector<16xi32>, vector<16xi32>], vector<16xf32>,
        %scatter3A_924 = arith.constant 0 : i32
        %scatter3A_925 = arith.constant 0 : i32
        %scatter3A_926 = arith.constant 0 : i32
        %scatter3A_927 = tpu.memref_slice %arg10[%scan3A_297, %scatter3A_924, %scatter3A_925, %scatter3A_926] : memref<2x8x8x132xf32, #tpu.memory_space<vmem>> -> memref<1x8x8x132xf32, #tpu.memory_space<vmem>>
        %scatter3A_928 = tpu.memref_squeeze %scatter3A_927 : memref<1x8x8x132xf32, #tpu.memory_space<vmem>> -> memref<8x8x132xf32, #tpu.memory_space<vmem>>
        tpu.vector_store_idx %scatter3A_928[%shift_right_logical3A_890, %and3A_893, %add3A_48], %gather3A_755 : memref<8x8x132xf32, #tpu.memory_space<vmem>>[vector<16xi32>, vector<16xi32>, vector<16xi32>], vector<16xf32>,
        %scatter3A_929 = arith.constant 0 : i32
        %scatter3A_930 = arith.constant 0 : i32
        %scatter3A_931 = arith.constant 0 : i32
        %scatter3A_932 = tpu.memref_slice %arg10[%scan3A_297, %scatter3A_929, %scatter3A_930, %scatter3A_931] : memref<2x8x8x132xf32, #tpu.memory_space<vmem>> -> memref<1x8x8x132xf32, #tpu.memory_space<vmem>>
        %scatter3A_933 = tpu.memref_squeeze %scatter3A_932 : memref<1x8x8x132xf32, #tpu.memory_space<vmem>> -> memref<8x8x132xf32, #tpu.memory_space<vmem>>
        tpu.vector_store_idx %scatter3A_933[%shift_right_logical3A_890, %and3A_893, %add3A_51], %gather3A_757 : memref<8x8x132xf32, #tpu.memory_space<vmem>>[vector<16xi32>, vector<16xi32>, vector<16xi32>], vector<16xf32>,
        %add3A_934 = arith.constant 4 : i32
        %add3A_935 = vector.broadcast %add3A_934 : i32 to vector<16xi32>
        %add3A_936 = arith.addi %shift_right_logical3A_890, %add3A_935 : vector<16xi32>
        %scatter3A_937 = arith.constant 0 : i32
        %scatter3A_938 = arith.constant 0 : i32
        %scatter3A_939 = arith.constant 0 : i32
        %scatter3A_940 = tpu.memref_slice %arg10[%scan3A_297, %scatter3A_937, %scatter3A_938, %scatter3A_939] : memref<2x8x8x132xf32, #tpu.memory_space<vmem>> -> memref<1x8x8x132xf32, #tpu.memory_space<vmem>>
        %scatter3A_941 = tpu.memref_squeeze %scatter3A_940 : memref<1x8x8x132xf32, #tpu.memory_space<vmem>> -> memref<8x8x132xf32, #tpu.memory_space<vmem>>
        tpu.vector_store_idx %scatter3A_941[%add3A_936, %and3A_893, %add3A_30], %gather3A_758 : memref<8x8x132xf32, #tpu.memory_space<vmem>>[vector<16xi32>, vector<16xi32>, vector<16xi32>], vector<16xf32>,
        %scatter3A_942 = arith.constant 0 : i32
        %scatter3A_943 = arith.constant 0 : i32
        %scatter3A_944 = arith.constant 0 : i32
        %scatter3A_945 = tpu.memref_slice %arg10[%scan3A_297, %scatter3A_942, %scatter3A_943, %scatter3A_944] : memref<2x8x8x132xf32, #tpu.memory_space<vmem>> -> memref<1x8x8x132xf32, #tpu.memory_space<vmem>>
        %scatter3A_946 = tpu.memref_squeeze %scatter3A_945 : memref<1x8x8x132xf32, #tpu.memory_space<vmem>> -> memref<8x8x132xf32, #tpu.memory_space<vmem>>
        tpu.vector_store_idx %scatter3A_946[%add3A_936, %and3A_893, %add3A_33], %gather3A_759 : memref<8x8x132xf32, #tpu.memory_space<vmem>>[vector<16xi32>, vector<16xi32>, vector<16xi32>], vector<16xf32>,
        %scatter3A_947 = arith.constant 0 : i32
        %scatter3A_948 = arith.constant 0 : i32
        %scatter3A_949 = arith.constant 0 : i32
        %scatter3A_950 = tpu.memref_slice %arg10[%scan3A_297, %scatter3A_947, %scatter3A_948, %scatter3A_949] : memref<2x8x8x132xf32, #tpu.memory_space<vmem>> -> memref<1x8x8x132xf32, #tpu.memory_space<vmem>>
        %scatter3A_951 = tpu.memref_squeeze %scatter3A_950 : memref<1x8x8x132xf32, #tpu.memory_space<vmem>> -> memref<8x8x132xf32, #tpu.memory_space<vmem>>
        tpu.vector_store_idx %scatter3A_951[%add3A_936, %and3A_893, %add3A_36], %gather3A_760 : memref<8x8x132xf32, #tpu.memory_space<vmem>>[vector<16xi32>, vector<16xi32>, vector<16xi32>], vector<16xf32>,
        %scatter3A_952 = arith.constant 0 : i32
        %scatter3A_953 = arith.constant 0 : i32
        %scatter3A_954 = arith.constant 0 : i32
        %scatter3A_955 = tpu.memref_slice %arg10[%scan3A_297, %scatter3A_952, %scatter3A_953, %scatter3A_954] : memref<2x8x8x132xf32, #tpu.memory_space<vmem>> -> memref<1x8x8x132xf32, #tpu.memory_space<vmem>>
        %scatter3A_956 = tpu.memref_squeeze %scatter3A_955 : memref<1x8x8x132xf32, #tpu.memory_space<vmem>> -> memref<8x8x132xf32, #tpu.memory_space<vmem>>
        tpu.vector_store_idx %scatter3A_956[%add3A_936, %and3A_893, %add3A_39], %gather3A_761 : memref<8x8x132xf32, #tpu.memory_space<vmem>>[vector<16xi32>, vector<16xi32>, vector<16xi32>], vector<16xf32>,
        %scatter3A_957 = arith.constant 0 : i32
        %scatter3A_958 = arith.constant 0 : i32
        %scatter3A_959 = arith.constant 0 : i32
        %scatter3A_960 = tpu.memref_slice %arg10[%scan3A_297, %scatter3A_957, %scatter3A_958, %scatter3A_959] : memref<2x8x8x132xf32, #tpu.memory_space<vmem>> -> memref<1x8x8x132xf32, #tpu.memory_space<vmem>>
        %scatter3A_961 = tpu.memref_squeeze %scatter3A_960 : memref<1x8x8x132xf32, #tpu.memory_space<vmem>> -> memref<8x8x132xf32, #tpu.memory_space<vmem>>
        tpu.vector_store_idx %scatter3A_961[%add3A_936, %and3A_893, %add3A_42], %gather3A_762 : memref<8x8x132xf32, #tpu.memory_space<vmem>>[vector<16xi32>, vector<16xi32>, vector<16xi32>], vector<16xf32>,
        %scatter3A_962 = arith.constant 0 : i32
        %scatter3A_963 = arith.constant 0 : i32
        %scatter3A_964 = arith.constant 0 : i32
        %scatter3A_965 = tpu.memref_slice %arg10[%scan3A_297, %scatter3A_962, %scatter3A_963, %scatter3A_964] : memref<2x8x8x132xf32, #tpu.memory_space<vmem>> -> memref<1x8x8x132xf32, #tpu.memory_space<vmem>>
        %scatter3A_966 = tpu.memref_squeeze %scatter3A_965 : memref<1x8x8x132xf32, #tpu.memory_space<vmem>> -> memref<8x8x132xf32, #tpu.memory_space<vmem>>
        tpu.vector_store_idx %scatter3A_966[%add3A_936, %and3A_893, %add3A_45], %gather3A_763 : memref<8x8x132xf32, #tpu.memory_space<vmem>>[vector<16xi32>, vector<16xi32>, vector<16xi32>], vector<16xf32>,
        %scatter3A_967 = arith.constant 0 : i32
        %scatter3A_968 = arith.constant 0 : i32
        %scatter3A_969 = arith.constant 0 : i32
        %scatter3A_970 = tpu.memref_slice %arg10[%scan3A_297, %scatter3A_967, %scatter3A_968, %scatter3A_969] : memref<2x8x8x132xf32, #tpu.memory_space<vmem>> -> memref<1x8x8x132xf32, #tpu.memory_space<vmem>>
        %scatter3A_971 = tpu.memref_squeeze %scatter3A_970 : memref<1x8x8x132xf32, #tpu.memory_space<vmem>> -> memref<8x8x132xf32, #tpu.memory_space<vmem>>
        tpu.vector_store_idx %scatter3A_971[%add3A_936, %and3A_893, %add3A_48], %gather3A_764 : memref<8x8x132xf32, #tpu.memory_space<vmem>>[vector<16xi32>, vector<16xi32>, vector<16xi32>], vector<16xf32>,
        %scatter3A_972 = arith.constant 0 : i32
        %scatter3A_973 = arith.constant 0 : i32
        %scatter3A_974 = arith.constant 0 : i32
        %scatter3A_975 = tpu.memref_slice %arg10[%scan3A_297, %scatter3A_972, %scatter3A_973, %scatter3A_974] : memref<2x8x8x132xf32, #tpu.memory_space<vmem>> -> memref<1x8x8x132xf32, #tpu.memory_space<vmem>>
        %scatter3A_976 = tpu.memref_squeeze %scatter3A_975 : memref<1x8x8x132xf32, #tpu.memory_space<vmem>> -> memref<8x8x132xf32, #tpu.memory_space<vmem>>
        tpu.vector_store_idx %scatter3A_976[%add3A_936, %and3A_893, %add3A_51], %gather3A_765 : memref<8x8x132xf32, #tpu.memory_space<vmem>>[vector<16xi32>, vector<16xi32>, vector<16xi32>], vector<16xf32>,
        %mul3A_977 = arith.constant 8 : i32
        %mul3A_978 = arith.muli %scan3A_339, %mul3A_977 : i32
        %add3A_979 = arith.constant 6 : i32
        %add3A_980 = arith.addi %mul3A_978, %add3A_979 : i32
        %add3A_981 = vector.broadcast %add3A_980 : i32 to vector<16xi32>
        %add3A_982 = arith.addi %mul3A_27, %add3A_981 : vector<16xi32>
        %and3A_983 = arith.constant 31 : i32
        %and3A_984 = vector.broadcast %and3A_983 : i32 to vector<16xi32>
        %and3A_985 = arith.andi %add3A_982, %and3A_984 : vector<16xi32>
        %add3A_986 = arith.addi %mul3A_253, %and3A_985 : vector<16xi32>
        %gather3A_987 = tpu.vector_load_idx %arg7[%add3A_986] : memref<33000xf32, #tpu.memory_space<vmem>>[vector<16xi32>], vector<16xf32>,
        %add3A_988 = arith.addi %mul3A_259, %and3A_985 : vector<16xi32>
        %gather3A_989 = tpu.vector_load_idx %arg7[%add3A_988] : memref<33000xf32, #tpu.memory_space<vmem>>[vector<16xi32>], vector<16xf32>,
        %add3A_990 = arith.addi %mul3A_265, %and3A_985 : vector<16xi32>
        %gather3A_991 = tpu.vector_load_idx %arg7[%add3A_990] : memref<33000xf32, #tpu.memory_space<vmem>>[vector<16xi32>], vector<16xf32>,
        %add3A_992 = arith.addi %mul3A_271, %and3A_985 : vector<16xi32>
        %gather3A_993 = tpu.vector_load_idx %arg7[%add3A_992] : memref<33000xf32, #tpu.memory_space<vmem>>[vector<16xi32>], vector<16xf32>,
        %add3A_994 = arith.addi %mul3A_277, %and3A_985 : vector<16xi32>
        %gather3A_995 = tpu.vector_load_idx %arg7[%add3A_994] : memref<33000xf32, #tpu.memory_space<vmem>>[vector<16xi32>], vector<16xf32>,
        %add3A_996 = arith.addi %mul3A_283, %and3A_985 : vector<16xi32>
        %gather3A_997 = tpu.vector_load_idx %arg7[%add3A_996] : memref<33000xf32, #tpu.memory_space<vmem>>[vector<16xi32>], vector<16xf32>,
        %add3A_998 = arith.addi %mul3A_289, %and3A_985 : vector<16xi32>
        %gather3A_999 = tpu.vector_load_idx %arg7[%add3A_998] : memref<33000xf32, #tpu.memory_space<vmem>>[vector<16xi32>], vector<16xf32>,
        %add3A_1000 = arith.addi %mul3A_295, %and3A_985 : vector<16xi32>
        %gather3A_1001 = tpu.vector_load_idx %arg7[%add3A_1000] : memref<33000xf32, #tpu.memory_space<vmem>>[vector<16xi32>], vector<16xf32>,
        %gather3A_1002 = tpu.vector_load_idx %arg9[%add3A_30, %and3A_985] : memref<128x32xf32, #tpu.memory_space<vmem>>[vector<16xi32>, vector<16xi32>], vector<16xf32>,
        %gather3A_1003 = tpu.vector_load_idx %arg9[%add3A_33, %and3A_985] : memref<128x32xf32, #tpu.memory_space<vmem>>[vector<16xi32>, vector<16xi32>], vector<16xf32>,
        %gather3A_1004 = tpu.vector_load_idx %arg9[%add3A_36, %and3A_985] : memref<128x32xf32, #tpu.memory_space<vmem>>[vector<16xi32>, vector<16xi32>], vector<16xf32>,
        %gather3A_1005 = tpu.vector_load_idx %arg9[%add3A_39, %and3A_985] : memref<128x32xf32, #tpu.memory_space<vmem>>[vector<16xi32>, vector<16xi32>], vector<16xf32>,
        %gather3A_1006 = tpu.vector_load_idx %arg9[%add3A_42, %and3A_985] : memref<128x32xf32, #tpu.memory_space<vmem>>[vector<16xi32>, vector<16xi32>], vector<16xf32>,
        %gather3A_1007 = tpu.vector_load_idx %arg9[%add3A_45, %and3A_985] : memref<128x32xf32, #tpu.memory_space<vmem>>[vector<16xi32>, vector<16xi32>], vector<16xf32>,
        %gather3A_1008 = tpu.vector_load_idx %arg9[%add3A_48, %and3A_985] : memref<128x32xf32, #tpu.memory_space<vmem>>[vector<16xi32>, vector<16xi32>], vector<16xf32>,
        %gather3A_1009 = tpu.vector_load_idx %arg9[%add3A_51, %and3A_985] : memref<128x32xf32, #tpu.memory_space<vmem>>[vector<16xi32>, vector<16xi32>], vector<16xf32>,
        %shift_right_logical3A_1010 = arith.constant 3 : i32
        %shift_right_logical3A_1011 = vector.broadcast %shift_right_logical3A_1010 : i32 to vector<16xi32>
        %shift_right_logical3A_1012 = arith.shrui %and3A_863, %shift_right_logical3A_1011 : vector<16xi32>
        %and3A_1013 = arith.constant 7 : i32
        %and3A_1014 = vector.broadcast %and3A_1013 : i32 to vector<16xi32>
        %and3A_1015 = arith.andi %and3A_863, %and3A_1014 : vector<16xi32>
        %scatter3A_1016 = arith.constant 0 : i32
        %scatter3A_1017 = arith.constant 0 : i32
        %scatter3A_1018 = arith.constant 0 : i32
        %scatter3A_1019 = tpu.memref_slice %arg10[%scan3A_297, %scatter3A_1016, %scatter3A_1017, %scatter3A_1018] : memref<2x8x8x132xf32, #tpu.memory_space<vmem>> -> memref<1x8x8x132xf32, #tpu.memory_space<vmem>>
        %scatter3A_1020 = tpu.memref_squeeze %scatter3A_1019 : memref<1x8x8x132xf32, #tpu.memory_space<vmem>> -> memref<8x8x132xf32, #tpu.memory_space<vmem>>
        tpu.vector_store_idx %scatter3A_1020[%shift_right_logical3A_1012, %and3A_1015, %add3A_30], %gather3A_865 : memref<8x8x132xf32, #tpu.memory_space<vmem>>[vector<16xi32>, vector<16xi32>, vector<16xi32>], vector<16xf32>,
        %scatter3A_1021 = arith.constant 0 : i32
        %scatter3A_1022 = arith.constant 0 : i32
        %scatter3A_1023 = arith.constant 0 : i32
        %scatter3A_1024 = tpu.memref_slice %arg10[%scan3A_297, %scatter3A_1021, %scatter3A_1022, %scatter3A_1023] : memref<2x8x8x132xf32, #tpu.memory_space<vmem>> -> memref<1x8x8x132xf32, #tpu.memory_space<vmem>>
        %scatter3A_1025 = tpu.memref_squeeze %scatter3A_1024 : memref<1x8x8x132xf32, #tpu.memory_space<vmem>> -> memref<8x8x132xf32, #tpu.memory_space<vmem>>
        tpu.vector_store_idx %scatter3A_1025[%shift_right_logical3A_1012, %and3A_1015, %add3A_33], %gather3A_867 : memref<8x8x132xf32, #tpu.memory_space<vmem>>[vector<16xi32>, vector<16xi32>, vector<16xi32>], vector<16xf32>,
        %scatter3A_1026 = arith.constant 0 : i32
        %scatter3A_1027 = arith.constant 0 : i32
        %scatter3A_1028 = arith.constant 0 : i32
        %scatter3A_1029 = tpu.memref_slice %arg10[%scan3A_297, %scatter3A_1026, %scatter3A_1027, %scatter3A_1028] : memref<2x8x8x132xf32, #tpu.memory_space<vmem>> -> memref<1x8x8x132xf32, #tpu.memory_space<vmem>>
        %scatter3A_1030 = tpu.memref_squeeze %scatter3A_1029 : memref<1x8x8x132xf32, #tpu.memory_space<vmem>> -> memref<8x8x132xf32, #tpu.memory_space<vmem>>
        tpu.vector_store_idx %scatter3A_1030[%shift_right_logical3A_1012, %and3A_1015, %add3A_36], %gather3A_869 : memref<8x8x132xf32, #tpu.memory_space<vmem>>[vector<16xi32>, vector<16xi32>, vector<16xi32>], vector<16xf32>,
        %scatter3A_1031 = arith.constant 0 : i32
        %scatter3A_1032 = arith.constant 0 : i32
        %scatter3A_1033 = arith.constant 0 : i32
        %scatter3A_1034 = tpu.memref_slice %arg10[%scan3A_297, %scatter3A_1031, %scatter3A_1032, %scatter3A_1033] : memref<2x8x8x132xf32, #tpu.memory_space<vmem>> -> memref<1x8x8x132xf32, #tpu.memory_space<vmem>>
        %scatter3A_1035 = tpu.memref_squeeze %scatter3A_1034 : memref<1x8x8x132xf32, #tpu.memory_space<vmem>> -> memref<8x8x132xf32, #tpu.memory_space<vmem>>
        tpu.vector_store_idx %scatter3A_1035[%shift_right_logical3A_1012, %and3A_1015, %add3A_39], %gather3A_871 : memref<8x8x132xf32, #tpu.memory_space<vmem>>[vector<16xi32>, vector<16xi32>, vector<16xi32>], vector<16xf32>,
        %scatter3A_1036 = arith.constant 0 : i32
        %scatter3A_1037 = arith.constant 0 : i32
        %scatter3A_1038 = arith.constant 0 : i32
        %scatter3A_1039 = tpu.memref_slice %arg10[%scan3A_297, %scatter3A_1036, %scatter3A_1037, %scatter3A_1038] : memref<2x8x8x132xf32, #tpu.memory_space<vmem>> -> memref<1x8x8x132xf32, #tpu.memory_space<vmem>>
        %scatter3A_1040 = tpu.memref_squeeze %scatter3A_1039 : memref<1x8x8x132xf32, #tpu.memory_space<vmem>> -> memref<8x8x132xf32, #tpu.memory_space<vmem>>
        tpu.vector_store_idx %scatter3A_1040[%shift_right_logical3A_1012, %and3A_1015, %add3A_42], %gather3A_873 : memref<8x8x132xf32, #tpu.memory_space<vmem>>[vector<16xi32>, vector<16xi32>, vector<16xi32>], vector<16xf32>,
        %scatter3A_1041 = arith.constant 0 : i32
        %scatter3A_1042 = arith.constant 0 : i32
        %scatter3A_1043 = arith.constant 0 : i32
        %scatter3A_1044 = tpu.memref_slice %arg10[%scan3A_297, %scatter3A_1041, %scatter3A_1042, %scatter3A_1043] : memref<2x8x8x132xf32, #tpu.memory_space<vmem>> -> memref<1x8x8x132xf32, #tpu.memory_space<vmem>>
        %scatter3A_1045 = tpu.memref_squeeze %scatter3A_1044 : memref<1x8x8x132xf32, #tpu.memory_space<vmem>> -> memref<8x8x132xf32, #tpu.memory_space<vmem>>
        tpu.vector_store_idx %scatter3A_1045[%shift_right_logical3A_1012, %and3A_1015, %add3A_45], %gather3A_875 : memref<8x8x132xf32, #tpu.memory_space<vmem>>[vector<16xi32>, vector<16xi32>, vector<16xi32>], vector<16xf32>,
        %scatter3A_1046 = arith.constant 0 : i32
        %scatter3A_1047 = arith.constant 0 : i32
        %scatter3A_1048 = arith.constant 0 : i32
        %scatter3A_1049 = tpu.memref_slice %arg10[%scan3A_297, %scatter3A_1046, %scatter3A_1047, %scatter3A_1048] : memref<2x8x8x132xf32, #tpu.memory_space<vmem>> -> memref<1x8x8x132xf32, #tpu.memory_space<vmem>>
        %scatter3A_1050 = tpu.memref_squeeze %scatter3A_1049 : memref<1x8x8x132xf32, #tpu.memory_space<vmem>> -> memref<8x8x132xf32, #tpu.memory_space<vmem>>
        tpu.vector_store_idx %scatter3A_1050[%shift_right_logical3A_1012, %and3A_1015, %add3A_48], %gather3A_877 : memref<8x8x132xf32, #tpu.memory_space<vmem>>[vector<16xi32>, vector<16xi32>, vector<16xi32>], vector<16xf32>,
        %scatter3A_1051 = arith.constant 0 : i32
        %scatter3A_1052 = arith.constant 0 : i32
        %scatter3A_1053 = arith.constant 0 : i32
        %scatter3A_1054 = tpu.memref_slice %arg10[%scan3A_297, %scatter3A_1051, %scatter3A_1052, %scatter3A_1053] : memref<2x8x8x132xf32, #tpu.memory_space<vmem>> -> memref<1x8x8x132xf32, #tpu.memory_space<vmem>>
        %scatter3A_1055 = tpu.memref_squeeze %scatter3A_1054 : memref<1x8x8x132xf32, #tpu.memory_space<vmem>> -> memref<8x8x132xf32, #tpu.memory_space<vmem>>
        tpu.vector_store_idx %scatter3A_1055[%shift_right_logical3A_1012, %and3A_1015, %add3A_51], %gather3A_879 : memref<8x8x132xf32, #tpu.memory_space<vmem>>[vector<16xi32>, vector<16xi32>, vector<16xi32>], vector<16xf32>,
        %add3A_1056 = arith.constant 4 : i32
        %add3A_1057 = vector.broadcast %add3A_1056 : i32 to vector<16xi32>
        %add3A_1058 = arith.addi %shift_right_logical3A_1012, %add3A_1057 : vector<16xi32>
        %scatter3A_1059 = arith.constant 0 : i32
        %scatter3A_1060 = arith.constant 0 : i32
        %scatter3A_1061 = arith.constant 0 : i32
        %scatter3A_1062 = tpu.memref_slice %arg10[%scan3A_297, %scatter3A_1059, %scatter3A_1060, %scatter3A_1061] : memref<2x8x8x132xf32, #tpu.memory_space<vmem>> -> memref<1x8x8x132xf32, #tpu.memory_space<vmem>>
        %scatter3A_1063 = tpu.memref_squeeze %scatter3A_1062 : memref<1x8x8x132xf32, #tpu.memory_space<vmem>> -> memref<8x8x132xf32, #tpu.memory_space<vmem>>
        tpu.vector_store_idx %scatter3A_1063[%add3A_1058, %and3A_1015, %add3A_30], %gather3A_880 : memref<8x8x132xf32, #tpu.memory_space<vmem>>[vector<16xi32>, vector<16xi32>, vector<16xi32>], vector<16xf32>,
        %scatter3A_1064 = arith.constant 0 : i32
        %scatter3A_1065 = arith.constant 0 : i32
        %scatter3A_1066 = arith.constant 0 : i32
        %scatter3A_1067 = tpu.memref_slice %arg10[%scan3A_297, %scatter3A_1064, %scatter3A_1065, %scatter3A_1066] : memref<2x8x8x132xf32, #tpu.memory_space<vmem>> -> memref<1x8x8x132xf32, #tpu.memory_space<vmem>>
        %scatter3A_1068 = tpu.memref_squeeze %scatter3A_1067 : memref<1x8x8x132xf32, #tpu.memory_space<vmem>> -> memref<8x8x132xf32, #tpu.memory_space<vmem>>
        tpu.vector_store_idx %scatter3A_1068[%add3A_1058, %and3A_1015, %add3A_33], %gather3A_881 : memref<8x8x132xf32, #tpu.memory_space<vmem>>[vector<16xi32>, vector<16xi32>, vector<16xi32>], vector<16xf32>,
        %scatter3A_1069 = arith.constant 0 : i32
        %scatter3A_1070 = arith.constant 0 : i32
        %scatter3A_1071 = arith.constant 0 : i32
        %scatter3A_1072 = tpu.memref_slice %arg10[%scan3A_297, %scatter3A_1069, %scatter3A_1070, %scatter3A_1071] : memref<2x8x8x132xf32, #tpu.memory_space<vmem>> -> memref<1x8x8x132xf32, #tpu.memory_space<vmem>>
        %scatter3A_1073 = tpu.memref_squeeze %scatter3A_1072 : memref<1x8x8x132xf32, #tpu.memory_space<vmem>> -> memref<8x8x132xf32, #tpu.memory_space<vmem>>
        tpu.vector_store_idx %scatter3A_1073[%add3A_1058, %and3A_1015, %add3A_36], %gather3A_882 : memref<8x8x132xf32, #tpu.memory_space<vmem>>[vector<16xi32>, vector<16xi32>, vector<16xi32>], vector<16xf32>,
        %scatter3A_1074 = arith.constant 0 : i32
        %scatter3A_1075 = arith.constant 0 : i32
        %scatter3A_1076 = arith.constant 0 : i32
        %scatter3A_1077 = tpu.memref_slice %arg10[%scan3A_297, %scatter3A_1074, %scatter3A_1075, %scatter3A_1076] : memref<2x8x8x132xf32, #tpu.memory_space<vmem>> -> memref<1x8x8x132xf32, #tpu.memory_space<vmem>>
        %scatter3A_1078 = tpu.memref_squeeze %scatter3A_1077 : memref<1x8x8x132xf32, #tpu.memory_space<vmem>> -> memref<8x8x132xf32, #tpu.memory_space<vmem>>
        tpu.vector_store_idx %scatter3A_1078[%add3A_1058, %and3A_1015, %add3A_39], %gather3A_883 : memref<8x8x132xf32, #tpu.memory_space<vmem>>[vector<16xi32>, vector<16xi32>, vector<16xi32>], vector<16xf32>,
        %scatter3A_1079 = arith.constant 0 : i32
        %scatter3A_1080 = arith.constant 0 : i32
        %scatter3A_1081 = arith.constant 0 : i32
        %scatter3A_1082 = tpu.memref_slice %arg10[%scan3A_297, %scatter3A_1079, %scatter3A_1080, %scatter3A_1081] : memref<2x8x8x132xf32, #tpu.memory_space<vmem>> -> memref<1x8x8x132xf32, #tpu.memory_space<vmem>>
        %scatter3A_1083 = tpu.memref_squeeze %scatter3A_1082 : memref<1x8x8x132xf32, #tpu.memory_space<vmem>> -> memref<8x8x132xf32, #tpu.memory_space<vmem>>
        tpu.vector_store_idx %scatter3A_1083[%add3A_1058, %and3A_1015, %add3A_42], %gather3A_884 : memref<8x8x132xf32, #tpu.memory_space<vmem>>[vector<16xi32>, vector<16xi32>, vector<16xi32>], vector<16xf32>,
        %scatter3A_1084 = arith.constant 0 : i32
        %scatter3A_1085 = arith.constant 0 : i32
        %scatter3A_1086 = arith.constant 0 : i32
        %scatter3A_1087 = tpu.memref_slice %arg10[%scan3A_297, %scatter3A_1084, %scatter3A_1085, %scatter3A_1086] : memref<2x8x8x132xf32, #tpu.memory_space<vmem>> -> memref<1x8x8x132xf32, #tpu.memory_space<vmem>>
        %scatter3A_1088 = tpu.memref_squeeze %scatter3A_1087 : memref<1x8x8x132xf32, #tpu.memory_space<vmem>> -> memref<8x8x132xf32, #tpu.memory_space<vmem>>
        tpu.vector_store_idx %scatter3A_1088[%add3A_1058, %and3A_1015, %add3A_45], %gather3A_885 : memref<8x8x132xf32, #tpu.memory_space<vmem>>[vector<16xi32>, vector<16xi32>, vector<16xi32>], vector<16xf32>,
        %scatter3A_1089 = arith.constant 0 : i32
        %scatter3A_1090 = arith.constant 0 : i32
        %scatter3A_1091 = arith.constant 0 : i32
        %scatter3A_1092 = tpu.memref_slice %arg10[%scan3A_297, %scatter3A_1089, %scatter3A_1090, %scatter3A_1091] : memref<2x8x8x132xf32, #tpu.memory_space<vmem>> -> memref<1x8x8x132xf32, #tpu.memory_space<vmem>>
        %scatter3A_1093 = tpu.memref_squeeze %scatter3A_1092 : memref<1x8x8x132xf32, #tpu.memory_space<vmem>> -> memref<8x8x132xf32, #tpu.memory_space<vmem>>
        tpu.vector_store_idx %scatter3A_1093[%add3A_1058, %and3A_1015, %add3A_48], %gather3A_886 : memref<8x8x132xf32, #tpu.memory_space<vmem>>[vector<16xi32>, vector<16xi32>, vector<16xi32>], vector<16xf32>,
        %scatter3A_1094 = arith.constant 0 : i32
        %scatter3A_1095 = arith.constant 0 : i32
        %scatter3A_1096 = arith.constant 0 : i32
        %scatter3A_1097 = tpu.memref_slice %arg10[%scan3A_297, %scatter3A_1094, %scatter3A_1095, %scatter3A_1096] : memref<2x8x8x132xf32, #tpu.memory_space<vmem>> -> memref<1x8x8x132xf32, #tpu.memory_space<vmem>>
        %scatter3A_1098 = tpu.memref_squeeze %scatter3A_1097 : memref<1x8x8x132xf32, #tpu.memory_space<vmem>> -> memref<8x8x132xf32, #tpu.memory_space<vmem>>
        tpu.vector_store_idx %scatter3A_1098[%add3A_1058, %and3A_1015, %add3A_51], %gather3A_887 : memref<8x8x132xf32, #tpu.memory_space<vmem>>[vector<16xi32>, vector<16xi32>, vector<16xi32>], vector<16xf32>,
        %mul3A_1099 = arith.constant 8 : i32
        %mul3A_1100 = arith.muli %scan3A_339, %mul3A_1099 : i32
        %add3A_1101 = arith.constant 7 : i32
        %add3A_1102 = arith.addi %mul3A_1100, %add3A_1101 : i32
        %add3A_1103 = vector.broadcast %add3A_1102 : i32 to vector<16xi32>
        %add3A_1104 = arith.addi %mul3A_27, %add3A_1103 : vector<16xi32>
        %and3A_1105 = arith.constant 31 : i32
        %and3A_1106 = vector.broadcast %and3A_1105 : i32 to vector<16xi32>
        %and3A_1107 = arith.andi %add3A_1104, %and3A_1106 : vector<16xi32>
        %add3A_1108 = arith.addi %mul3A_253, %and3A_1107 : vector<16xi32>
        %gather3A_1109 = tpu.vector_load_idx %arg7[%add3A_1108] : memref<33000xf32, #tpu.memory_space<vmem>>[vector<16xi32>], vector<16xf32>,
        %add3A_1110 = arith.addi %mul3A_259, %and3A_1107 : vector<16xi32>
        %gather3A_1111 = tpu.vector_load_idx %arg7[%add3A_1110] : memref<33000xf32, #tpu.memory_space<vmem>>[vector<16xi32>], vector<16xf32>,
        %add3A_1112 = arith.addi %mul3A_265, %and3A_1107 : vector<16xi32>
        %gather3A_1113 = tpu.vector_load_idx %arg7[%add3A_1112] : memref<33000xf32, #tpu.memory_space<vmem>>[vector<16xi32>], vector<16xf32>,
        %add3A_1114 = arith.addi %mul3A_271, %and3A_1107 : vector<16xi32>
        %gather3A_1115 = tpu.vector_load_idx %arg7[%add3A_1114] : memref<33000xf32, #tpu.memory_space<vmem>>[vector<16xi32>], vector<16xf32>,
        %add3A_1116 = arith.addi %mul3A_277, %and3A_1107 : vector<16xi32>
        %gather3A_1117 = tpu.vector_load_idx %arg7[%add3A_1116] : memref<33000xf32, #tpu.memory_space<vmem>>[vector<16xi32>], vector<16xf32>,
        %add3A_1118 = arith.addi %mul3A_283, %and3A_1107 : vector<16xi32>
        %gather3A_1119 = tpu.vector_load_idx %arg7[%add3A_1118] : memref<33000xf32, #tpu.memory_space<vmem>>[vector<16xi32>], vector<16xf32>,
        %add3A_1120 = arith.addi %mul3A_289, %and3A_1107 : vector<16xi32>
        %gather3A_1121 = tpu.vector_load_idx %arg7[%add3A_1120] : memref<33000xf32, #tpu.memory_space<vmem>>[vector<16xi32>], vector<16xf32>,
        %add3A_1122 = arith.addi %mul3A_295, %and3A_1107 : vector<16xi32>
        %gather3A_1123 = tpu.vector_load_idx %arg7[%add3A_1122] : memref<33000xf32, #tpu.memory_space<vmem>>[vector<16xi32>], vector<16xf32>,
        %gather3A_1124 = tpu.vector_load_idx %arg9[%add3A_30, %and3A_1107] : memref<128x32xf32, #tpu.memory_space<vmem>>[vector<16xi32>, vector<16xi32>], vector<16xf32>,
        %gather3A_1125 = tpu.vector_load_idx %arg9[%add3A_33, %and3A_1107] : memref<128x32xf32, #tpu.memory_space<vmem>>[vector<16xi32>, vector<16xi32>], vector<16xf32>,
        %gather3A_1126 = tpu.vector_load_idx %arg9[%add3A_36, %and3A_1107] : memref<128x32xf32, #tpu.memory_space<vmem>>[vector<16xi32>, vector<16xi32>], vector<16xf32>,
        %gather3A_1127 = tpu.vector_load_idx %arg9[%add3A_39, %and3A_1107] : memref<128x32xf32, #tpu.memory_space<vmem>>[vector<16xi32>, vector<16xi32>], vector<16xf32>,
        %gather3A_1128 = tpu.vector_load_idx %arg9[%add3A_42, %and3A_1107] : memref<128x32xf32, #tpu.memory_space<vmem>>[vector<16xi32>, vector<16xi32>], vector<16xf32>,
        %gather3A_1129 = tpu.vector_load_idx %arg9[%add3A_45, %and3A_1107] : memref<128x32xf32, #tpu.memory_space<vmem>>[vector<16xi32>, vector<16xi32>], vector<16xf32>,
        %gather3A_1130 = tpu.vector_load_idx %arg9[%add3A_48, %and3A_1107] : memref<128x32xf32, #tpu.memory_space<vmem>>[vector<16xi32>, vector<16xi32>], vector<16xf32>,
        %gather3A_1131 = tpu.vector_load_idx %arg9[%add3A_51, %and3A_1107] : memref<128x32xf32, #tpu.memory_space<vmem>>[vector<16xi32>, vector<16xi32>], vector<16xf32>,
        %shift_right_logical3A_1132 = arith.constant 3 : i32
        %shift_right_logical3A_1133 = vector.broadcast %shift_right_logical3A_1132 : i32 to vector<16xi32>
        %shift_right_logical3A_1134 = arith.shrui %and3A_985, %shift_right_logical3A_1133 : vector<16xi32>
        %and3A_1135 = arith.constant 7 : i32
        %and3A_1136 = vector.broadcast %and3A_1135 : i32 to vector<16xi32>
        %and3A_1137 = arith.andi %and3A_985, %and3A_1136 : vector<16xi32>
        %scatter3A_1138 = arith.constant 0 : i32
        %scatter3A_1139 = arith.constant 0 : i32
        %scatter3A_1140 = arith.constant 0 : i32
        %scatter3A_1141 = tpu.memref_slice %arg10[%scan3A_297, %scatter3A_1138, %scatter3A_1139, %scatter3A_1140] : memref<2x8x8x132xf32, #tpu.memory_space<vmem>> -> memref<1x8x8x132xf32, #tpu.memory_space<vmem>>
        %scatter3A_1142 = tpu.memref_squeeze %scatter3A_1141 : memref<1x8x8x132xf32, #tpu.memory_space<vmem>> -> memref<8x8x132xf32, #tpu.memory_space<vmem>>
        tpu.vector_store_idx %scatter3A_1142[%shift_right_logical3A_1134, %and3A_1137, %add3A_30], %gather3A_987 : memref<8x8x132xf32, #tpu.memory_space<vmem>>[vector<16xi32>, vector<16xi32>, vector<16xi32>], vector<16xf32>,
        %scatter3A_1143 = arith.constant 0 : i32
        %scatter3A_1144 = arith.constant 0 : i32
        %scatter3A_1145 = arith.constant 0 : i32
        %scatter3A_1146 = tpu.memref_slice %arg10[%scan3A_297, %scatter3A_1143, %scatter3A_1144, %scatter3A_1145] : memref<2x8x8x132xf32, #tpu.memory_space<vmem>> -> memref<1x8x8x132xf32, #tpu.memory_space<vmem>>
        %scatter3A_1147 = tpu.memref_squeeze %scatter3A_1146 : memref<1x8x8x132xf32, #tpu.memory_space<vmem>> -> memref<8x8x132xf32, #tpu.memory_space<vmem>>
        tpu.vector_store_idx %scatter3A_1147[%shift_right_logical3A_1134, %and3A_1137, %add3A_33], %gather3A_989 : memref<8x8x132xf32, #tpu.memory_space<vmem>>[vector<16xi32>, vector<16xi32>, vector<16xi32>], vector<16xf32>,
        %scatter3A_1148 = arith.constant 0 : i32
        %scatter3A_1149 = arith.constant 0 : i32
        %scatter3A_1150 = arith.constant 0 : i32
        %scatter3A_1151 = tpu.memref_slice %arg10[%scan3A_297, %scatter3A_1148, %scatter3A_1149, %scatter3A_1150] : memref<2x8x8x132xf32, #tpu.memory_space<vmem>> -> memref<1x8x8x132xf32, #tpu.memory_space<vmem>>
        %scatter3A_1152 = tpu.memref_squeeze %scatter3A_1151 : memref<1x8x8x132xf32, #tpu.memory_space<vmem>> -> memref<8x8x132xf32, #tpu.memory_space<vmem>>
        tpu.vector_store_idx %scatter3A_1152[%shift_right_logical3A_1134, %and3A_1137, %add3A_36], %gather3A_991 : memref<8x8x132xf32, #tpu.memory_space<vmem>>[vector<16xi32>, vector<16xi32>, vector<16xi32>], vector<16xf32>,
        %scatter3A_1153 = arith.constant 0 : i32
        %scatter3A_1154 = arith.constant 0 : i32
        %scatter3A_1155 = arith.constant 0 : i32
        %scatter3A_1156 = tpu.memref_slice %arg10[%scan3A_297, %scatter3A_1153, %scatter3A_1154, %scatter3A_1155] : memref<2x8x8x132xf32, #tpu.memory_space<vmem>> -> memref<1x8x8x132xf32, #tpu.memory_space<vmem>>
        %scatter3A_1157 = tpu.memref_squeeze %scatter3A_1156 : memref<1x8x8x132xf32, #tpu.memory_space<vmem>> -> memref<8x8x132xf32, #tpu.memory_space<vmem>>
        tpu.vector_store_idx %scatter3A_1157[%shift_right_logical3A_1134, %and3A_1137, %add3A_39], %gather3A_993 : memref<8x8x132xf32, #tpu.memory_space<vmem>>[vector<16xi32>, vector<16xi32>, vector<16xi32>], vector<16xf32>,
        %scatter3A_1158 = arith.constant 0 : i32
        %scatter3A_1159 = arith.constant 0 : i32
        %scatter3A_1160 = arith.constant 0 : i32
        %scatter3A_1161 = tpu.memref_slice %arg10[%scan3A_297, %scatter3A_1158, %scatter3A_1159, %scatter3A_1160] : memref<2x8x8x132xf32, #tpu.memory_space<vmem>> -> memref<1x8x8x132xf32, #tpu.memory_space<vmem>>
        %scatter3A_1162 = tpu.memref_squeeze %scatter3A_1161 : memref<1x8x8x132xf32, #tpu.memory_space<vmem>> -> memref<8x8x132xf32, #tpu.memory_space<vmem>>
        tpu.vector_store_idx %scatter3A_1162[%shift_right_logical3A_1134, %and3A_1137, %add3A_42], %gather3A_995 : memref<8x8x132xf32, #tpu.memory_space<vmem>>[vector<16xi32>, vector<16xi32>, vector<16xi32>], vector<16xf32>,
        %scatter3A_1163 = arith.constant 0 : i32
        %scatter3A_1164 = arith.constant 0 : i32
        %scatter3A_1165 = arith.constant 0 : i32
        %scatter3A_1166 = tpu.memref_slice %arg10[%scan3A_297, %scatter3A_1163, %scatter3A_1164, %scatter3A_1165] : memref<2x8x8x132xf32, #tpu.memory_space<vmem>> -> memref<1x8x8x132xf32, #tpu.memory_space<vmem>>
        %scatter3A_1167 = tpu.memref_squeeze %scatter3A_1166 : memref<1x8x8x132xf32, #tpu.memory_space<vmem>> -> memref<8x8x132xf32, #tpu.memory_space<vmem>>
        tpu.vector_store_idx %scatter3A_1167[%shift_right_logical3A_1134, %and3A_1137, %add3A_45], %gather3A_997 : memref<8x8x132xf32, #tpu.memory_space<vmem>>[vector<16xi32>, vector<16xi32>, vector<16xi32>], vector<16xf32>,
        %scatter3A_1168 = arith.constant 0 : i32
        %scatter3A_1169 = arith.constant 0 : i32
        %scatter3A_1170 = arith.constant 0 : i32
        %scatter3A_1171 = tpu.memref_slice %arg10[%scan3A_297, %scatter3A_1168, %scatter3A_1169, %scatter3A_1170] : memref<2x8x8x132xf32, #tpu.memory_space<vmem>> -> memref<1x8x8x132xf32, #tpu.memory_space<vmem>>
        %scatter3A_1172 = tpu.memref_squeeze %scatter3A_1171 : memref<1x8x8x132xf32, #tpu.memory_space<vmem>> -> memref<8x8x132xf32, #tpu.memory_space<vmem>>
        tpu.vector_store_idx %scatter3A_1172[%shift_right_logical3A_1134, %and3A_1137, %add3A_48], %gather3A_999 : memref<8x8x132xf32, #tpu.memory_space<vmem>>[vector<16xi32>, vector<16xi32>, vector<16xi32>], vector<16xf32>,
        %scatter3A_1173 = arith.constant 0 : i32
        %scatter3A_1174 = arith.constant 0 : i32
        %scatter3A_1175 = arith.constant 0 : i32
        %scatter3A_1176 = tpu.memref_slice %arg10[%scan3A_297, %scatter3A_1173, %scatter3A_1174, %scatter3A_1175] : memref<2x8x8x132xf32, #tpu.memory_space<vmem>> -> memref<1x8x8x132xf32, #tpu.memory_space<vmem>>
        %scatter3A_1177 = tpu.memref_squeeze %scatter3A_1176 : memref<1x8x8x132xf32, #tpu.memory_space<vmem>> -> memref<8x8x132xf32, #tpu.memory_space<vmem>>
        tpu.vector_store_idx %scatter3A_1177[%shift_right_logical3A_1134, %and3A_1137, %add3A_51], %gather3A_1001 : memref<8x8x132xf32, #tpu.memory_space<vmem>>[vector<16xi32>, vector<16xi32>, vector<16xi32>], vector<16xf32>,
        %add3A_1178 = arith.constant 4 : i32
        %add3A_1179 = vector.broadcast %add3A_1178 : i32 to vector<16xi32>
        %add3A_1180 = arith.addi %shift_right_logical3A_1134, %add3A_1179 : vector<16xi32>
        %scatter3A_1181 = arith.constant 0 : i32
        %scatter3A_1182 = arith.constant 0 : i32
        %scatter3A_1183 = arith.constant 0 : i32
        %scatter3A_1184 = tpu.memref_slice %arg10[%scan3A_297, %scatter3A_1181, %scatter3A_1182, %scatter3A_1183] : memref<2x8x8x132xf32, #tpu.memory_space<vmem>> -> memref<1x8x8x132xf32, #tpu.memory_space<vmem>>
        %scatter3A_1185 = tpu.memref_squeeze %scatter3A_1184 : memref<1x8x8x132xf32, #tpu.memory_space<vmem>> -> memref<8x8x132xf32, #tpu.memory_space<vmem>>
        tpu.vector_store_idx %scatter3A_1185[%add3A_1180, %and3A_1137, %add3A_30], %gather3A_1002 : memref<8x8x132xf32, #tpu.memory_space<vmem>>[vector<16xi32>, vector<16xi32>, vector<16xi32>], vector<16xf32>,
        %scatter3A_1186 = arith.constant 0 : i32
        %scatter3A_1187 = arith.constant 0 : i32
        %scatter3A_1188 = arith.constant 0 : i32
        %scatter3A_1189 = tpu.memref_slice %arg10[%scan3A_297, %scatter3A_1186, %scatter3A_1187, %scatter3A_1188] : memref<2x8x8x132xf32, #tpu.memory_space<vmem>> -> memref<1x8x8x132xf32, #tpu.memory_space<vmem>>
        %scatter3A_1190 = tpu.memref_squeeze %scatter3A_1189 : memref<1x8x8x132xf32, #tpu.memory_space<vmem>> -> memref<8x8x132xf32, #tpu.memory_space<vmem>>
        tpu.vector_store_idx %scatter3A_1190[%add3A_1180, %and3A_1137, %add3A_33], %gather3A_1003 : memref<8x8x132xf32, #tpu.memory_space<vmem>>[vector<16xi32>, vector<16xi32>, vector<16xi32>], vector<16xf32>,
        %scatter3A_1191 = arith.constant 0 : i32
        %scatter3A_1192 = arith.constant 0 : i32
        %scatter3A_1193 = arith.constant 0 : i32
        %scatter3A_1194 = tpu.memref_slice %arg10[%scan3A_297, %scatter3A_1191, %scatter3A_1192, %scatter3A_1193] : memref<2x8x8x132xf32, #tpu.memory_space<vmem>> -> memref<1x8x8x132xf32, #tpu.memory_space<vmem>>
        %scatter3A_1195 = tpu.memref_squeeze %scatter3A_1194 : memref<1x8x8x132xf32, #tpu.memory_space<vmem>> -> memref<8x8x132xf32, #tpu.memory_space<vmem>>
        tpu.vector_store_idx %scatter3A_1195[%add3A_1180, %and3A_1137, %add3A_36], %gather3A_1004 : memref<8x8x132xf32, #tpu.memory_space<vmem>>[vector<16xi32>, vector<16xi32>, vector<16xi32>], vector<16xf32>,
        %scatter3A_1196 = arith.constant 0 : i32
        %scatter3A_1197 = arith.constant 0 : i32
        %scatter3A_1198 = arith.constant 0 : i32
        %scatter3A_1199 = tpu.memref_slice %arg10[%scan3A_297, %scatter3A_1196, %scatter3A_1197, %scatter3A_1198] : memref<2x8x8x132xf32, #tpu.memory_space<vmem>> -> memref<1x8x8x132xf32, #tpu.memory_space<vmem>>
        %scatter3A_1200 = tpu.memref_squeeze %scatter3A_1199 : memref<1x8x8x132xf32, #tpu.memory_space<vmem>> -> memref<8x8x132xf32, #tpu.memory_space<vmem>>
        tpu.vector_store_idx %scatter3A_1200[%add3A_1180, %and3A_1137, %add3A_39], %gather3A_1005 : memref<8x8x132xf32, #tpu.memory_space<vmem>>[vector<16xi32>, vector<16xi32>, vector<16xi32>], vector<16xf32>,
        %scatter3A_1201 = arith.constant 0 : i32
        %scatter3A_1202 = arith.constant 0 : i32
        %scatter3A_1203 = arith.constant 0 : i32
        %scatter3A_1204 = tpu.memref_slice %arg10[%scan3A_297, %scatter3A_1201, %scatter3A_1202, %scatter3A_1203] : memref<2x8x8x132xf32, #tpu.memory_space<vmem>> -> memref<1x8x8x132xf32, #tpu.memory_space<vmem>>
        %scatter3A_1205 = tpu.memref_squeeze %scatter3A_1204 : memref<1x8x8x132xf32, #tpu.memory_space<vmem>> -> memref<8x8x132xf32, #tpu.memory_space<vmem>>
        tpu.vector_store_idx %scatter3A_1205[%add3A_1180, %and3A_1137, %add3A_42], %gather3A_1006 : memref<8x8x132xf32, #tpu.memory_space<vmem>>[vector<16xi32>, vector<16xi32>, vector<16xi32>], vector<16xf32>,
        %scatter3A_1206 = arith.constant 0 : i32
        %scatter3A_1207 = arith.constant 0 : i32
        %scatter3A_1208 = arith.constant 0 : i32
        %scatter3A_1209 = tpu.memref_slice %arg10[%scan3A_297, %scatter3A_1206, %scatter3A_1207, %scatter3A_1208] : memref<2x8x8x132xf32, #tpu.memory_space<vmem>> -> memref<1x8x8x132xf32, #tpu.memory_space<vmem>>
        %scatter3A_1210 = tpu.memref_squeeze %scatter3A_1209 : memref<1x8x8x132xf32, #tpu.memory_space<vmem>> -> memref<8x8x132xf32, #tpu.memory_space<vmem>>
        tpu.vector_store_idx %scatter3A_1210[%add3A_1180, %and3A_1137, %add3A_45], %gather3A_1007 : memref<8x8x132xf32, #tpu.memory_space<vmem>>[vector<16xi32>, vector<16xi32>, vector<16xi32>], vector<16xf32>,
        %scatter3A_1211 = arith.constant 0 : i32
        %scatter3A_1212 = arith.constant 0 : i32
        %scatter3A_1213 = arith.constant 0 : i32
        %scatter3A_1214 = tpu.memref_slice %arg10[%scan3A_297, %scatter3A_1211, %scatter3A_1212, %scatter3A_1213] : memref<2x8x8x132xf32, #tpu.memory_space<vmem>> -> memref<1x8x8x132xf32, #tpu.memory_space<vmem>>
        %scatter3A_1215 = tpu.memref_squeeze %scatter3A_1214 : memref<1x8x8x132xf32, #tpu.memory_space<vmem>> -> memref<8x8x132xf32, #tpu.memory_space<vmem>>
        tpu.vector_store_idx %scatter3A_1215[%add3A_1180, %and3A_1137, %add3A_48], %gather3A_1008 : memref<8x8x132xf32, #tpu.memory_space<vmem>>[vector<16xi32>, vector<16xi32>, vector<16xi32>], vector<16xf32>,
        %scatter3A_1216 = arith.constant 0 : i32
        %scatter3A_1217 = arith.constant 0 : i32
        %scatter3A_1218 = arith.constant 0 : i32
        %scatter3A_1219 = tpu.memref_slice %arg10[%scan3A_297, %scatter3A_1216, %scatter3A_1217, %scatter3A_1218] : memref<2x8x8x132xf32, #tpu.memory_space<vmem>> -> memref<1x8x8x132xf32, #tpu.memory_space<vmem>>
        %scatter3A_1220 = tpu.memref_squeeze %scatter3A_1219 : memref<1x8x8x132xf32, #tpu.memory_space<vmem>> -> memref<8x8x132xf32, #tpu.memory_space<vmem>>
        tpu.vector_store_idx %scatter3A_1220[%add3A_1180, %and3A_1137, %add3A_51], %gather3A_1009 : memref<8x8x132xf32, #tpu.memory_space<vmem>>[vector<16xi32>, vector<16xi32>, vector<16xi32>], vector<16xf32>,
        %shift_right_logical3A_1221 = arith.constant 3 : i32
        %shift_right_logical3A_1222 = vector.broadcast %shift_right_logical3A_1221 : i32 to vector<16xi32>
        %shift_right_logical3A_1223 = arith.shrui %and3A_1107, %shift_right_logical3A_1222 : vector<16xi32>
        %and3A_1224 = arith.constant 7 : i32
        %and3A_1225 = vector.broadcast %and3A_1224 : i32 to vector<16xi32>
        %and3A_1226 = arith.andi %and3A_1107, %and3A_1225 : vector<16xi32>
        %scatter3A_1227 = arith.constant 0 : i32
        %scatter3A_1228 = arith.constant 0 : i32
        %scatter3A_1229 = arith.constant 0 : i32
        %scatter3A_1230 = tpu.memref_slice %arg10[%scan3A_297, %scatter3A_1227, %scatter3A_1228, %scatter3A_1229] : memref<2x8x8x132xf32, #tpu.memory_space<vmem>> -> memref<1x8x8x132xf32, #tpu.memory_space<vmem>>
        %scatter3A_1231 = tpu.memref_squeeze %scatter3A_1230 : memref<1x8x8x132xf32, #tpu.memory_space<vmem>> -> memref<8x8x132xf32, #tpu.memory_space<vmem>>
        tpu.vector_store_idx %scatter3A_1231[%shift_right_logical3A_1223, %and3A_1226, %add3A_30], %gather3A_1109 : memref<8x8x132xf32, #tpu.memory_space<vmem>>[vector<16xi32>, vector<16xi32>, vector<16xi32>], vector<16xf32>,
        %scatter3A_1232 = arith.constant 0 : i32
        %scatter3A_1233 = arith.constant 0 : i32
        %scatter3A_1234 = arith.constant 0 : i32
        %scatter3A_1235 = tpu.memref_slice %arg10[%scan3A_297, %scatter3A_1232, %scatter3A_1233, %scatter3A_1234] : memref<2x8x8x132xf32, #tpu.memory_space<vmem>> -> memref<1x8x8x132xf32, #tpu.memory_space<vmem>>
        %scatter3A_1236 = tpu.memref_squeeze %scatter3A_1235 : memref<1x8x8x132xf32, #tpu.memory_space<vmem>> -> memref<8x8x132xf32, #tpu.memory_space<vmem>>
        tpu.vector_store_idx %scatter3A_1236[%shift_right_logical3A_1223, %and3A_1226, %add3A_33], %gather3A_1111 : memref<8x8x132xf32, #tpu.memory_space<vmem>>[vector<16xi32>, vector<16xi32>, vector<16xi32>], vector<16xf32>,
        %scatter3A_1237 = arith.constant 0 : i32
        %scatter3A_1238 = arith.constant 0 : i32
        %scatter3A_1239 = arith.constant 0 : i32
        %scatter3A_1240 = tpu.memref_slice %arg10[%scan3A_297, %scatter3A_1237, %scatter3A_1238, %scatter3A_1239] : memref<2x8x8x132xf32, #tpu.memory_space<vmem>> -> memref<1x8x8x132xf32, #tpu.memory_space<vmem>>
        %scatter3A_1241 = tpu.memref_squeeze %scatter3A_1240 : memref<1x8x8x132xf32, #tpu.memory_space<vmem>> -> memref<8x8x132xf32, #tpu.memory_space<vmem>>
        tpu.vector_store_idx %scatter3A_1241[%shift_right_logical3A_1223, %and3A_1226, %add3A_36], %gather3A_1113 : memref<8x8x132xf32, #tpu.memory_space<vmem>>[vector<16xi32>, vector<16xi32>, vector<16xi32>], vector<16xf32>,
        %scatter3A_1242 = arith.constant 0 : i32
        %scatter3A_1243 = arith.constant 0 : i32
        %scatter3A_1244 = arith.constant 0 : i32
        %scatter3A_1245 = tpu.memref_slice %arg10[%scan3A_297, %scatter3A_1242, %scatter3A_1243, %scatter3A_1244] : memref<2x8x8x132xf32, #tpu.memory_space<vmem>> -> memref<1x8x8x132xf32, #tpu.memory_space<vmem>>
        %scatter3A_1246 = tpu.memref_squeeze %scatter3A_1245 : memref<1x8x8x132xf32, #tpu.memory_space<vmem>> -> memref<8x8x132xf32, #tpu.memory_space<vmem>>
        tpu.vector_store_idx %scatter3A_1246[%shift_right_logical3A_1223, %and3A_1226, %add3A_39], %gather3A_1115 : memref<8x8x132xf32, #tpu.memory_space<vmem>>[vector<16xi32>, vector<16xi32>, vector<16xi32>], vector<16xf32>,
        %scatter3A_1247 = arith.constant 0 : i32
        %scatter3A_1248 = arith.constant 0 : i32
        %scatter3A_1249 = arith.constant 0 : i32
        %scatter3A_1250 = tpu.memref_slice %arg10[%scan3A_297, %scatter3A_1247, %scatter3A_1248, %scatter3A_1249] : memref<2x8x8x132xf32, #tpu.memory_space<vmem>> -> memref<1x8x8x132xf32, #tpu.memory_space<vmem>>
        %scatter3A_1251 = tpu.memref_squeeze %scatter3A_1250 : memref<1x8x8x132xf32, #tpu.memory_space<vmem>> -> memref<8x8x132xf32, #tpu.memory_space<vmem>>
        tpu.vector_store_idx %scatter3A_1251[%shift_right_logical3A_1223, %and3A_1226, %add3A_42], %gather3A_1117 : memref<8x8x132xf32, #tpu.memory_space<vmem>>[vector<16xi32>, vector<16xi32>, vector<16xi32>], vector<16xf32>,
        %scatter3A_1252 = arith.constant 0 : i32
        %scatter3A_1253 = arith.constant 0 : i32
        %scatter3A_1254 = arith.constant 0 : i32
        %scatter3A_1255 = tpu.memref_slice %arg10[%scan3A_297, %scatter3A_1252, %scatter3A_1253, %scatter3A_1254] : memref<2x8x8x132xf32, #tpu.memory_space<vmem>> -> memref<1x8x8x132xf32, #tpu.memory_space<vmem>>
        %scatter3A_1256 = tpu.memref_squeeze %scatter3A_1255 : memref<1x8x8x132xf32, #tpu.memory_space<vmem>> -> memref<8x8x132xf32, #tpu.memory_space<vmem>>
        tpu.vector_store_idx %scatter3A_1256[%shift_right_logical3A_1223, %and3A_1226, %add3A_45], %gather3A_1119 : memref<8x8x132xf32, #tpu.memory_space<vmem>>[vector<16xi32>, vector<16xi32>, vector<16xi32>], vector<16xf32>,
        %scatter3A_1257 = arith.constant 0 : i32
        %scatter3A_1258 = arith.constant 0 : i32
        %scatter3A_1259 = arith.constant 0 : i32
        %scatter3A_1260 = tpu.memref_slice %arg10[%scan3A_297, %scatter3A_1257, %scatter3A_1258, %scatter3A_1259] : memref<2x8x8x132xf32, #tpu.memory_space<vmem>> -> memref<1x8x8x132xf32, #tpu.memory_space<vmem>>
        %scatter3A_1261 = tpu.memref_squeeze %scatter3A_1260 : memref<1x8x8x132xf32, #tpu.memory_space<vmem>> -> memref<8x8x132xf32, #tpu.memory_space<vmem>>
        tpu.vector_store_idx %scatter3A_1261[%shift_right_logical3A_1223, %and3A_1226, %add3A_48], %gather3A_1121 : memref<8x8x132xf32, #tpu.memory_space<vmem>>[vector<16xi32>, vector<16xi32>, vector<16xi32>], vector<16xf32>,
        %scatter3A_1262 = arith.constant 0 : i32
        %scatter3A_1263 = arith.constant 0 : i32
        %scatter3A_1264 = arith.constant 0 : i32
        %scatter3A_1265 = tpu.memref_slice %arg10[%scan3A_297, %scatter3A_1262, %scatter3A_1263, %scatter3A_1264] : memref<2x8x8x132xf32, #tpu.memory_space<vmem>> -> memref<1x8x8x132xf32, #tpu.memory_space<vmem>>
        %scatter3A_1266 = tpu.memref_squeeze %scatter3A_1265 : memref<1x8x8x132xf32, #tpu.memory_space<vmem>> -> memref<8x8x132xf32, #tpu.memory_space<vmem>>
        tpu.vector_store_idx %scatter3A_1266[%shift_right_logical3A_1223, %and3A_1226, %add3A_51], %gather3A_1123 : memref<8x8x132xf32, #tpu.memory_space<vmem>>[vector<16xi32>, vector<16xi32>, vector<16xi32>], vector<16xf32>,
        %add3A_1267 = arith.constant 4 : i32
        %add3A_1268 = vector.broadcast %add3A_1267 : i32 to vector<16xi32>
        %add3A_1269 = arith.addi %shift_right_logical3A_1223, %add3A_1268 : vector<16xi32>
        %scatter3A_1270 = arith.constant 0 : i32
        %scatter3A_1271 = arith.constant 0 : i32
        %scatter3A_1272 = arith.constant 0 : i32
        %scatter3A_1273 = tpu.memref_slice %arg10[%scan3A_297, %scatter3A_1270, %scatter3A_1271, %scatter3A_1272] : memref<2x8x8x132xf32, #tpu.memory_space<vmem>> -> memref<1x8x8x132xf32, #tpu.memory_space<vmem>>
        %scatter3A_1274 = tpu.memref_squeeze %scatter3A_1273 : memref<1x8x8x132xf32, #tpu.memory_space<vmem>> -> memref<8x8x132xf32, #tpu.memory_space<vmem>>
        tpu.vector_store_idx %scatter3A_1274[%add3A_1269, %and3A_1226, %add3A_30], %gather3A_1124 : memref<8x8x132xf32, #tpu.memory_space<vmem>>[vector<16xi32>, vector<16xi32>, vector<16xi32>], vector<16xf32>,
        %scatter3A_1275 = arith.constant 0 : i32
        %scatter3A_1276 = arith.constant 0 : i32
        %scatter3A_1277 = arith.constant 0 : i32
        %scatter3A_1278 = tpu.memref_slice %arg10[%scan3A_297, %scatter3A_1275, %scatter3A_1276, %scatter3A_1277] : memref<2x8x8x132xf32, #tpu.memory_space<vmem>> -> memref<1x8x8x132xf32, #tpu.memory_space<vmem>>
        %scatter3A_1279 = tpu.memref_squeeze %scatter3A_1278 : memref<1x8x8x132xf32, #tpu.memory_space<vmem>> -> memref<8x8x132xf32, #tpu.memory_space<vmem>>
        tpu.vector_store_idx %scatter3A_1279[%add3A_1269, %and3A_1226, %add3A_33], %gather3A_1125 : memref<8x8x132xf32, #tpu.memory_space<vmem>>[vector<16xi32>, vector<16xi32>, vector<16xi32>], vector<16xf32>,
        %scatter3A_1280 = arith.constant 0 : i32
        %scatter3A_1281 = arith.constant 0 : i32
        %scatter3A_1282 = arith.constant 0 : i32
        %scatter3A_1283 = tpu.memref_slice %arg10[%scan3A_297, %scatter3A_1280, %scatter3A_1281, %scatter3A_1282] : memref<2x8x8x132xf32, #tpu.memory_space<vmem>> -> memref<1x8x8x132xf32, #tpu.memory_space<vmem>>
        %scatter3A_1284 = tpu.memref_squeeze %scatter3A_1283 : memref<1x8x8x132xf32, #tpu.memory_space<vmem>> -> memref<8x8x132xf32, #tpu.memory_space<vmem>>
        tpu.vector_store_idx %scatter3A_1284[%add3A_1269, %and3A_1226, %add3A_36], %gather3A_1126 : memref<8x8x132xf32, #tpu.memory_space<vmem>>[vector<16xi32>, vector<16xi32>, vector<16xi32>], vector<16xf32>,
        %scatter3A_1285 = arith.constant 0 : i32
        %scatter3A_1286 = arith.constant 0 : i32
        %scatter3A_1287 = arith.constant 0 : i32
        %scatter3A_1288 = tpu.memref_slice %arg10[%scan3A_297, %scatter3A_1285, %scatter3A_1286, %scatter3A_1287] : memref<2x8x8x132xf32, #tpu.memory_space<vmem>> -> memref<1x8x8x132xf32, #tpu.memory_space<vmem>>
        %scatter3A_1289 = tpu.memref_squeeze %scatter3A_1288 : memref<1x8x8x132xf32, #tpu.memory_space<vmem>> -> memref<8x8x132xf32, #tpu.memory_space<vmem>>
        tpu.vector_store_idx %scatter3A_1289[%add3A_1269, %and3A_1226, %add3A_39], %gather3A_1127 : memref<8x8x132xf32, #tpu.memory_space<vmem>>[vector<16xi32>, vector<16xi32>, vector<16xi32>], vector<16xf32>,
        %scatter3A_1290 = arith.constant 0 : i32
        %scatter3A_1291 = arith.constant 0 : i32
        %scatter3A_1292 = arith.constant 0 : i32
        %scatter3A_1293 = tpu.memref_slice %arg10[%scan3A_297, %scatter3A_1290, %scatter3A_1291, %scatter3A_1292] : memref<2x8x8x132xf32, #tpu.memory_space<vmem>> -> memref<1x8x8x132xf32, #tpu.memory_space<vmem>>
        %scatter3A_1294 = tpu.memref_squeeze %scatter3A_1293 : memref<1x8x8x132xf32, #tpu.memory_space<vmem>> -> memref<8x8x132xf32, #tpu.memory_space<vmem>>
        tpu.vector_store_idx %scatter3A_1294[%add3A_1269, %and3A_1226, %add3A_42], %gather3A_1128 : memref<8x8x132xf32, #tpu.memory_space<vmem>>[vector<16xi32>, vector<16xi32>, vector<16xi32>], vector<16xf32>,
        %scatter3A_1295 = arith.constant 0 : i32
        %scatter3A_1296 = arith.constant 0 : i32
        %scatter3A_1297 = arith.constant 0 : i32
        %scatter3A_1298 = tpu.memref_slice %arg10[%scan3A_297, %scatter3A_1295, %scatter3A_1296, %scatter3A_1297] : memref<2x8x8x132xf32, #tpu.memory_space<vmem>> -> memref<1x8x8x132xf32, #tpu.memory_space<vmem>>
        %scatter3A_1299 = tpu.memref_squeeze %scatter3A_1298 : memref<1x8x8x132xf32, #tpu.memory_space<vmem>> -> memref<8x8x132xf32, #tpu.memory_space<vmem>>
        tpu.vector_store_idx %scatter3A_1299[%add3A_1269, %and3A_1226, %add3A_45], %gather3A_1129 : memref<8x8x132xf32, #tpu.memory_space<vmem>>[vector<16xi32>, vector<16xi32>, vector<16xi32>], vector<16xf32>,
        %scatter3A_1300 = arith.constant 0 : i32
        %scatter3A_1301 = arith.constant 0 : i32
        %scatter3A_1302 = arith.constant 0 : i32
        %scatter3A_1303 = tpu.memref_slice %arg10[%scan3A_297, %scatter3A_1300, %scatter3A_1301, %scatter3A_1302] : memref<2x8x8x132xf32, #tpu.memory_space<vmem>> -> memref<1x8x8x132xf32, #tpu.memory_space<vmem>>
        %scatter3A_1304 = tpu.memref_squeeze %scatter3A_1303 : memref<1x8x8x132xf32, #tpu.memory_space<vmem>> -> memref<8x8x132xf32, #tpu.memory_space<vmem>>
        tpu.vector_store_idx %scatter3A_1304[%add3A_1269, %and3A_1226, %add3A_48], %gather3A_1130 : memref<8x8x132xf32, #tpu.memory_space<vmem>>[vector<16xi32>, vector<16xi32>, vector<16xi32>], vector<16xf32>,
        %scatter3A_1305 = arith.constant 0 : i32
        %scatter3A_1306 = arith.constant 0 : i32
        %scatter3A_1307 = arith.constant 0 : i32
        %scatter3A_1308 = tpu.memref_slice %arg10[%scan3A_297, %scatter3A_1305, %scatter3A_1306, %scatter3A_1307] : memref<2x8x8x132xf32, #tpu.memory_space<vmem>> -> memref<1x8x8x132xf32, #tpu.memory_space<vmem>>
        %scatter3A_1309 = tpu.memref_squeeze %scatter3A_1308 : memref<1x8x8x132xf32, #tpu.memory_space<vmem>> -> memref<8x8x132xf32, #tpu.memory_space<vmem>>
        tpu.vector_store_idx %scatter3A_1309[%add3A_1269, %and3A_1226, %add3A_51], %gather3A_1131 : memref<8x8x132xf32, #tpu.memory_space<vmem>>[vector<16xi32>, vector<16xi32>, vector<16xi32>], vector<16xf32>,
      }
      %scan3A_302 = arith.constant 4 : i32
      %add3A_303 = arith.constant 2 : i32
      %add3A_304 = arith.addi %add3A_236, %add3A_303 : i32
      %lt3A_305 = arith.constant 200 : i32
      %lt3A_306 = arith.cmpi slt, %add3A_304, %lt3A_305 : i32
      %convert_element_type3A_307 = arith.extui %lt3A_306 : i1 to i32
      %cond3A_308 = arith.constant 0 : i32
      %cond3A_309 = arith.cmpi ne, %convert_element_type3A_307, %cond3A_308 : i32
      scf.if %cond3A_309 {
        %add3A_339 = arith.constant 2 : i32
        %add3A_340 = arith.addi %add3A_236, %add3A_339 : i32
        %dma_start3A_341 = arith.constant 0 : i32
        %dma_start3A_342 = tpu.memref_slice %arg6[%add3A_340, %dma_start3A_341] : memref<200x128xi32, #tpu.memory_space<vmem>> -> memref<1x128xi32, #tpu.memory_space<vmem>>
        %dma_start3A_343 = tpu.memref_squeeze %dma_start3A_342 : memref<1x128xi32, #tpu.memory_space<vmem>> -> memref<128xi32, #tpu.memory_space<vmem>>
        %dma_start3A_344 = arith.constant 0 : i32
        %dma_start3A_345 = arith.constant 0 : i32
        %dma_start3A_346 = tpu.memref_slice %arg4[%dma_start3A_344, %dma_start3A_345] : memref<1000x32xf32, #tpu.memory_space<hbm>> -> memref<1000x32xf32, #tpu.memory_space<hbm>>
        tpu.enqueue_indirect_dma source(%dma_start3A_346 : memref<1000x32xf32, #tpu.memory_space<hbm>>) target(%arg9 : memref<128x32xf32, #tpu.memory_space<vmem>>) offsets(%dma_start3A_343 : memref<128xi32, #tpu.memory_space<vmem>>) semaphore(%arg12 : memref<!tpu.dma_semaphore, #tpu.memory_space<semaphore_mem>>)
      } else {
      }
      %dma_start3A_310 = arith.constant 1 : i32
      %dma_start3A_311 = arith.constant 0 : i32
      %dma_start3A_312 = arith.constant 0 : i32
      %dma_start3A_313 = arith.constant 0 : i32
      %dma_start3A_314 = tpu.memref_slice %arg10[%dma_start3A_310, %dma_start3A_311, %dma_start3A_312, %dma_start3A_313] : memref<2x8x8x132xf32, #tpu.memory_space<vmem>> -> memref<1x8x8x132xf32, #tpu.memory_space<vmem>>
      %dma_start3A_315 = tpu.memref_squeeze %dma_start3A_314 : memref<1x8x8x132xf32, #tpu.memory_space<vmem>> -> memref<8x8x132xf32, #tpu.memory_space<vmem>>
      %dma_start3A_316 = arith.constant 0 : i32
      %dma_start3A_317 = arith.constant 0 : i32
      %dma_start3A_318 = arith.constant 0 : i32
      %dma_start3A_319 = tpu.memref_slice %dma_start3A_315[%dma_start3A_316, %dma_start3A_317, %dma_start3A_318] : memref<8x8x132xf32, #tpu.memory_space<vmem>> -> memref<8x8x128xf32, #tpu.memory_space<vmem>>
      %dma_start3A_320 = arith.constant 0 : i32
      %dma_start3A_321 = arith.constant 0 : i32
      %dma_start3A_322 = arith.constant 0 : i32
      %dma_start3A_323 = tpu.memref_slice %arg5[%add3A_236, %dma_start3A_320, %add3A, %dma_start3A_321, %dma_start3A_322] : memref<200x8x32x8x128xf32, #tpu.memory_space<hbm>> -> memref<1x8x1x8x128xf32, #tpu.memory_space<hbm>>
      %dma_start3A_324 = tpu.memref_squeeze %dma_start3A_323 : memref<1x8x1x8x128xf32, #tpu.memory_space<hbm>> -> memref<8x8x128xf32, #tpu.memory_space<hbm>>
      %dma_start3A_325 = arith.constant 0 : i32
      %dma_start3A_326 = arith.constant 0 : i32
      %dma_start3A_327 = arith.constant 0 : i32
      %dma_start3A_328 = tpu.memref_slice %arg5[%add3A_236, %dma_start3A_325, %add3A, %dma_start3A_326, %dma_start3A_327] : memref<200x8x32x8x128xf32, #tpu.memory_space<hbm>> -> memref<1x8x1x8x128xf32, #tpu.memory_space<hbm>>
      %dma_start3A_329 = tpu.memref_squeeze %dma_start3A_328 : memref<1x8x1x8x128xf32, #tpu.memory_space<hbm>> -> memref<8x8x128xf32, #tpu.memory_space<hbm>>
      %dma_start3A_330 = arith.constant 0 : i32
      %dma_start3A_331 = arith.constant 0 : i32
      %dma_start3A_332 = arith.constant 0 : i32
      %dma_start3A_333 = tpu.memref_slice %arg10[%dma_start3A_310, %dma_start3A_330, %dma_start3A_331, %dma_start3A_332] : memref<2x8x8x132xf32, #tpu.memory_space<vmem>> -> memref<1x8x8x132xf32, #tpu.memory_space<vmem>>
      %dma_start3A_334 = tpu.memref_squeeze %dma_start3A_333 : memref<1x8x8x132xf32, #tpu.memory_space<vmem>> -> memref<8x8x132xf32, #tpu.memory_space<vmem>>
      %dma_start3A_335 = arith.constant 0 : i32
      %dma_start3A_336 = arith.constant 0 : i32
      %dma_start3A_337 = arith.constant 0 : i32
      %dma_start3A_338 = tpu.memref_slice %dma_start3A_334[%dma_start3A_335, %dma_start3A_336, %dma_start3A_337] : memref<8x8x132xf32, #tpu.memory_space<vmem>> -> memref<8x8x128xf32, #tpu.memory_space<vmem>>
      tpu.enqueue_dma source(%dma_start3A_338 : memref<8x8x128xf32, #tpu.memory_space<vmem>>) target(%dma_start3A_329 : memref<8x8x128xf32, #tpu.memory_space<hbm>>) target_semaphore(%arg14 : memref<!tpu.dma_semaphore, #tpu.memory_space<semaphore_mem>>)
    }
    %scan3A_69 = arith.constant 100 : i32
    %dma_wait3A = arith.constant 0 : i32
    %dma_wait3A_70 = arith.constant 0 : i32
    %dma_wait3A_71 = arith.constant 0 : i32
    %dma_wait3A_72 = arith.constant 0 : i32
    %dma_wait3A_73 = arith.constant 0 : i32
    %dma_wait3A_74 = arith.constant 0 : i32
    %dma_wait3A_75 = tpu.memref_slice %arg10[%dma_wait3A, %dma_wait3A_72, %dma_wait3A_73, %dma_wait3A_74] : memref<2x8x8x132xf32, #tpu.memory_space<vmem>> -> memref<1x8x8x132xf32, #tpu.memory_space<vmem>>
    %dma_wait3A_76 = tpu.memref_squeeze %dma_wait3A_75 : memref<1x8x8x132xf32, #tpu.memory_space<vmem>> -> memref<8x8x132xf32, #tpu.memory_space<vmem>>
    %dma_wait3A_77 = arith.constant 0 : i32
    %dma_wait3A_78 = arith.constant 0 : i32
    %dma_wait3A_79 = arith.constant 0 : i32
    %dma_wait3A_80 = tpu.memref_slice %dma_wait3A_76[%dma_wait3A_77, %dma_wait3A_78, %dma_wait3A_79] : memref<8x8x132xf32, #tpu.memory_space<vmem>> -> memref<8x8x128xf32, #tpu.memory_space<vmem>>
    %dma_wait3A_81 = arith.constant 0 : i32
    %dma_wait3A_82 = arith.constant 0 : i32
    %dma_wait3A_83 = arith.constant 0 : i32
    %dma_wait3A_84 = tpu.memref_slice %arg5[%dma_wait3A_70, %dma_wait3A_81, %dma_wait3A_71, %dma_wait3A_82, %dma_wait3A_83] : memref<200x8x32x8x128xf32, #tpu.memory_space<hbm>> -> memref<1x8x1x8x128xf32, #tpu.memory_space<hbm>>
    %dma_wait3A_85 = tpu.memref_squeeze %dma_wait3A_84 : memref<1x8x1x8x128xf32, #tpu.memory_space<hbm>> -> memref<8x8x128xf32, #tpu.memory_space<hbm>>
    %dma_wait3A_86 = arith.constant 0 : i32
    %dma_wait3A_87 = arith.constant 0 : i32
    %dma_wait3A_88 = arith.constant 0 : i32
    %dma_wait3A_89 = tpu.memref_slice %arg5[%dma_wait3A_70, %dma_wait3A_86, %dma_wait3A_71, %dma_wait3A_87, %dma_wait3A_88] : memref<200x8x32x8x128xf32, #tpu.memory_space<hbm>> -> memref<1x8x1x8x128xf32, #tpu.memory_space<hbm>>
    %dma_wait3A_90 = tpu.memref_squeeze %dma_wait3A_89 : memref<1x8x1x8x128xf32, #tpu.memory_space<hbm>> -> memref<8x8x128xf32, #tpu.memory_space<hbm>>
    %dma_wait3A_91 = arith.constant 0 : i32
    %dma_wait3A_92 = arith.constant 0 : i32
    %dma_wait3A_93 = arith.constant 0 : i32
    %dma_wait3A_94 = tpu.memref_slice %arg10[%dma_wait3A, %dma_wait3A_91, %dma_wait3A_92, %dma_wait3A_93] : memref<2x8x8x132xf32, #tpu.memory_space<vmem>> -> memref<1x8x8x132xf32, #tpu.memory_space<vmem>>
    %dma_wait3A_95 = tpu.memref_squeeze %dma_wait3A_94 : memref<1x8x8x132xf32, #tpu.memory_space<vmem>> -> memref<8x8x132xf32, #tpu.memory_space<vmem>>
    %dma_wait3A_96 = arith.constant 0 : i32
    %dma_wait3A_97 = arith.constant 0 : i32
    %dma_wait3A_98 = arith.constant 0 : i32
    %dma_wait3A_99 = tpu.memref_slice %dma_wait3A_95[%dma_wait3A_96, %dma_wait3A_97, %dma_wait3A_98] : memref<8x8x132xf32, #tpu.memory_space<vmem>> -> memref<8x8x128xf32, #tpu.memory_space<vmem>>
    tpu.wait_dma2 semaphore(%arg13 : memref<!tpu.dma_semaphore, #tpu.memory_space<semaphore_mem>>) src(%dma_wait3A_99 : memref<8x8x128xf32, #tpu.memory_space<vmem>>) dst(%dma_wait3A_90 : memref<8x8x128xf32, #tpu.memory_space<hbm>>)
    %dma_wait3A_100 = arith.constant 1 : i32
    %dma_wait3A_101 = arith.constant 0 : i32
    %dma_wait3A_102 = arith.constant 0 : i32
    %dma_wait3A_103 = arith.constant 0 : i32
    %dma_wait3A_104 = arith.constant 0 : i32
    %dma_wait3A_105 = arith.constant 0 : i32
    %dma_wait3A_106 = tpu.memref_slice %arg10[%dma_wait3A_100, %dma_wait3A_103, %dma_wait3A_104, %dma_wait3A_105] : memref<2x8x8x132xf32, #tpu.memory_space<vmem>> -> memref<1x8x8x132xf32, #tpu.memory_space<vmem>>
    %dma_wait3A_107 = tpu.memref_squeeze %dma_wait3A_106 : memref<1x8x8x132xf32, #tpu.memory_space<vmem>> -> memref<8x8x132xf32, #tpu.memory_space<vmem>>
    %dma_wait3A_108 = arith.constant 0 : i32
    %dma_wait3A_109 = arith.constant 0 : i32
    %dma_wait3A_110 = arith.constant 0 : i32
    %dma_wait3A_111 = tpu.memref_slice %dma_wait3A_107[%dma_wait3A_108, %dma_wait3A_109, %dma_wait3A_110] : memref<8x8x132xf32, #tpu.memory_space<vmem>> -> memref<8x8x128xf32, #tpu.memory_space<vmem>>
    %dma_wait3A_112 = arith.constant 0 : i32
    %dma_wait3A_113 = arith.constant 0 : i32
    %dma_wait3A_114 = arith.constant 0 : i32
    %dma_wait3A_115 = tpu.memref_slice %arg5[%dma_wait3A_101, %dma_wait3A_112, %dma_wait3A_102, %dma_wait3A_113, %dma_wait3A_114] : memref<200x8x32x8x128xf32, #tpu.memory_space<hbm>> -> memref<1x8x1x8x128xf32, #tpu.memory_space<hbm>>
    %dma_wait3A_116 = tpu.memref_squeeze %dma_wait3A_115 : memref<1x8x1x8x128xf32, #tpu.memory_space<hbm>> -> memref<8x8x128xf32, #tpu.memory_space<hbm>>
    %dma_wait3A_117 = arith.constant 0 : i32
    %dma_wait3A_118 = arith.constant 0 : i32
    %dma_wait3A_119 = arith.constant 0 : i32
    %dma_wait3A_120 = tpu.memref_slice %arg5[%dma_wait3A_101, %dma_wait3A_117, %dma_wait3A_102, %dma_wait3A_118, %dma_wait3A_119] : memref<200x8x32x8x128xf32, #tpu.memory_space<hbm>> -> memref<1x8x1x8x128xf32, #tpu.memory_space<hbm>>
    %dma_wait3A_121 = tpu.memref_squeeze %dma_wait3A_120 : memref<1x8x1x8x128xf32, #tpu.memory_space<hbm>> -> memref<8x8x128xf32, #tpu.memory_space<hbm>>
    %dma_wait3A_122 = arith.constant 0 : i32
    %dma_wait3A_123 = arith.constant 0 : i32
    %dma_wait3A_124 = arith.constant 0 : i32
    %dma_wait3A_125 = tpu.memref_slice %arg10[%dma_wait3A_100, %dma_wait3A_122, %dma_wait3A_123, %dma_wait3A_124] : memref<2x8x8x132xf32, #tpu.memory_space<vmem>> -> memref<1x8x8x132xf32, #tpu.memory_space<vmem>>
    %dma_wait3A_126 = tpu.memref_squeeze %dma_wait3A_125 : memref<1x8x8x132xf32, #tpu.memory_space<vmem>> -> memref<8x8x132xf32, #tpu.memory_space<vmem>>
    %dma_wait3A_127 = arith.constant 0 : i32
    %dma_wait3A_128 = arith.constant 0 : i32
    %dma_wait3A_129 = arith.constant 0 : i32
    %dma_wait3A_130 = tpu.memref_slice %dma_wait3A_126[%dma_wait3A_127, %dma_wait3A_128, %dma_wait3A_129] : memref<8x8x132xf32, #tpu.memory_space<vmem>> -> memref<8x8x128xf32, #tpu.memory_space<vmem>>
    tpu.wait_dma2 semaphore(%arg14 : memref<!tpu.dma_semaphore, #tpu.memory_space<semaphore_mem>>) src(%dma_wait3A_130 : memref<8x8x128xf32, #tpu.memory_space<vmem>>) dst(%dma_wait3A_121 : memref<8x8x128xf32, #tpu.memory_space<hbm>>)
    return
  }
}

</mosaic_0001>

<sc_bundles>
// kernel: kernel.3.cloned.1.call-start
scs
__scs_entry_jumppad:
0x0: {  	(pc) =	sbr.rel $0x88, $3  }
0x1: {  	(tag) =	ssettag $0x0;
	lr =	simm.s32 $0x1  }
0x2: {  	[smem:$0x3F9F] =	sst lr;
	_ =	strace $0xD0000000  }
0x3: {  	_ = 	snop  }
0x4: {  	_ = 	snop  }
0x5: {  	_ = 	snop  }
0x6: {  	_ = 	snop  }
0x7: {  	_ = 	snop  }
__scs_overlays_trampoline_lowered:
0x8: {  	[smem:$0x3FAE] =	sst s0  }
0x9: {  	[smem:$0x3FAF] =	sst s1  }
0xa: {  	[smem:$0x3FB0] =	sst s2  }
0xb: {  	[smem:$0x3FB1] =	sst s3  }
0xc: {  	[smem:$0x3FB2] =	sst s4  }
0xd: {  	[smem:$0x3FB3] =	sst s5  }
0xe: {  	[smem:$0x3FB4] =	sst s6  }
0xf: {  	[smem:$0x3FB5] =	sst s7  }
0x10: {  	[smem:$0x3FB6] =	sst s8  }
0x11: {  	[smem:$0x3FB7] =	sst s9;
	s0 =	simm.s32 @!p0 $0x0  }
0x12: {  	s1 =	sld [smem:$0x3F9D];
	s0 =	simm.s32 @p0 $0x1  }
0x13: {  	[smem:$0x3FB8] =	sst s0;
	s0 =	simm.s32 @!p1 $0x0  }
0x14: {  	s2 =	sld [smem:$0x3F9C];
	s0 =	simm.s32 @p1 $0x1  }
0x15: {  	[smem:$0x3FB9] =	sst s0;
	s0 =	simm.s32 @!p2 $0x0  }
0x16: {  	s3 =	sld [smem:$0x3FDB];
	s0 =	simm.s32 @p2 $0x1  }
0x17: {  	s4 =	simm.s32 $0x1BF5;
	[smem:$0x3FBB] =	sst s0  }
0x18: {  	s0 =	sld [smem:$0x3F9E];
	_ =	swait.ge [sflag:s4], $0x0  }
0x19: {  	s7 =	sld [smem:$0x3F9F]  }
0x1a: {  	s8 =	sadd.s32 $0xFFFFE003, lr  }
0x1b: {  	s9 =	sadd.s32 $0xFFFFFEF7, lr;
	s5 =	simm.s32 $0xFFFFFFFF;
	p2 =	slt.u32 s8, $0xFFFFF086  }
0x1c: {  	p1 =	slt.u32 s9, $0xF7A;
	s5 =	simm.s32 @!p2 $0x0  }
0x1d: {  	s5 =	simm.s32 @p1 $0x1;
	p0 =	seq.s32 s7, s2  }
0x1e: {  	s7 =	smul.u32 @!p0 $0xF7A, s2;
	p2 =	seq.s32 @!p0 s5, $0x0  }
0x1f: {  	s9 =	smul.u32 $0xF7A, s1;
	s8 =	simm.s32 @!p0 $0x1BF5;
	p2 =	por !p2, p0  }
0x20: {  	[sflag:s8] =	ssyncset.s32 @!p0 $0xFFFFF086;
	s6 =	sadd.s32 @!p0 s3, s7;
	s7 =	simm.s32 @!p0 $0x108  }
0x21: {  	s3 =	sadd.s32 s3, s9;
	s6 =	sadd.s32 @!p0 $0x88, s6;
	s7 =	simm.s32 @p2 $0x1082  }
0x22: {  	[simem:s7], [sflag:s8] =	dma.local @!p0 [hbm:s6], $0xF7A  }
0x23: {  	s9 =	sor.u32 $0xD0000000, s2;
	s6 =	simm.s32 $0x108;
	_ =	swait.ge @!p0 [sflag:s8], $0x0  }
0x24: {  	s3 =	sadd.s32 $0x88, s3;
	s6 =	simm.s32 @!p1 $0x1082;
	[sflag:s4] =	ssyncset.s32 $0xFFFFF086  }
0x25: {  	[simem:s6], [sflag:s4] =	dma.local [hbm:s3], $0xF7A  }
0x26: {  	[smem:$0x3F9F] =	sst s1;
	(tag) =	ssettag s2;
	_ =	strace s9  }
0x27: {  	s1 =	sld [smem:$0x3FAF]  }
0x28: {  	s2 =	sld [smem:$0x3FB0]  }
0x29: {  	s4 =	sld [smem:$0x3FB2]  }
0x2a: {  	p0 =	seq.s32 s5, $0x0;
	s5 =	sld [smem:$0x3FB3]  }
0x2b: {  	s6 =	sld [smem:$0x3FB4]  }
0x2c: {  	s7 =	sld [smem:$0x3FB5]  }
0x2d: {  	s3 =	simm.s32 $0x108;
	s8 =	sld [smem:$0x3FB6]  }
0x2e: {  	s3 =	simm.s32 @!p0 $0x1082;
	s9 =	sld [smem:$0x3FB7]  }
0x2f: {  	lr =	sadd.s32 s0, s3;
	s0 =	sld [smem:$0x3FAE]  }
0x30: {  	s3 =	sld [smem:$0x3FB1]  }
0x31: {  	[smem:$0x3FBA] =	sst s10  }
0x32: {  	s10 =	sld [smem:$0x3FB8];
	_ =	sdelay $0x3  }
0x33: {  	p0 =	seq.s32 s10, $0x1;
	s10 =	sld [smem:$0x3FBA];
	_ =	sdelay $0x3  }
0x34: {  	[smem:$0x3FBA] =	sst s10  }
0x35: {  	s10 =	sld [smem:$0x3FB9];
	_ =	sdelay $0x3  }
0x36: {  	p1 =	seq.s32 s10, $0x1;
	s10 =	sld [smem:$0x3FBA];
	_ =	sdelay $0x3  }
0x37: {  	[smem:$0x3FBA] =	sst s10  }
0x38: {  	s10 =	sld [smem:$0x3FBB]  }
0x39: {  	_ = 	snop;
	(pc) =	sbr.ind lr, $3  }
0x3a: {  	_ = 	snop  }
0x3b: {  	_ = 	snop  }
0x3c: {  	p2 =	seq.s32 s10, $0x1;
	s10 =	sld [smem:$0x3FBA]  }
0x3d: {  	_ =	shalt  }
0x3e: {  	_ =	shalt  }
0x3f: {  	_ =	shalt  }
0x40: {  	_ =	shalt  }
0x41: {  	_ =	shalt  }
0x42: {  	_ =	shalt  }
0x43: {  	_ =	shalt  }
0x44: {  	_ =	shalt  }
0x45: {  	_ =	shalt  }
0x46: {  	_ =	shalt  }
0x47: {  	_ =	shalt  }
0x48: {  	_ =	shalt  }
0x49: {  	_ =	shalt  }
0x4a: {  	_ =	shalt  }
0x4b: {  	_ =	shalt  }
0x4c: {  	_ =	shalt  }
0x4d: {  	_ =	shalt  }
0x4e: {  	_ =	shalt  }
0x4f: {  	_ =	shalt  }
0x50: {  	_ =	shalt  }
0x51: {  	_ =	shalt  }
0x52: {  	_ =	shalt  }
0x53: {  	_ =	shalt  }
0x54: {  	_ =	shalt  }
0x55: {  	_ =	shalt  }
0x56: {  	_ =	shalt  }
0x57: {  	_ =	shalt  }
0x58: {  	_ =	shalt  }
0x59: {  	_ =	shalt  }
0x5a: {  	_ =	shalt  }
0x5b: {  	_ =	shalt  }
0x5c: {  	_ =	shalt  }
0x5d: {  	_ =	shalt  }
0x5e: {  	_ =	shalt  }
0x5f: {  	_ =	shalt  }
0x60: {  	_ =	shalt  }
0x61: {  	_ =	shalt  }
0x62: {  	_ =	shalt  }
0x63: {  	_ =	shalt  }
0x64: {  	_ =	shalt  }
0x65: {  	_ =	shalt  }
0x66: {  	_ =	shalt  }
0x67: {  	_ =	shalt  }
0x68: {  	_ =	shalt  }
0x69: {  	_ =	shalt  }
0x6a: {  	_ =	shalt  }
0x6b: {  	_ =	shalt  }
0x6c: {  	_ =	shalt  }
0x6d: {  	_ =	shalt  }
0x6e: {  	_ =	shalt  }
0x6f: {  	_ =	shalt  }
0x70: {  	_ =	shalt  }
0x71: {  	_ =	shalt  }
0x72: {  	_ =	shalt  }
0x73: {  	_ =	shalt  }
0x74: {  	_ =	shalt  }
0x75: {  	_ =	shalt  }
0x76: {  	_ =	shalt  }
0x77: {  	_ =	shalt  }
0x78: {  	_ =	shalt  }
0x79: {  	_ =	shalt  }
0x7a: {  	_ =	shalt  }
0x7b: {  	_ =	shalt  }
0x7c: {  	_ =	shalt  }
0x7d: {  	_ =	shalt  }
0x7e: {  	_ =	shalt  }
0x7f: {  	_ =	shalt  }
0x80: {  	_ =	shalt  }
0x81: {  	_ =	shalt  }
0x82: {  	_ =	shalt  }
0x83: {  	_ =	shalt  }
0x84: {  	_ =	shalt  }
0x85: {  	_ =	shalt  }
0x86: {  	_ =	shalt  }
0x87: {  	_ =	shalt  }
.Lfunc_end0:
.L_simem_size_0:
called_computation_lowered:
.L_overlay_start_0:
0x88: {  	s2 =	sld [smem:$0x3FD9]  }
0x89: {  	s3 =	sld [smem:$0x3FFE];
	_ =	sdelay $0x1  }
0x8a: {  	s1 =	srdreg.scid  }
0x8b: {  	s0 =	sand.u32 $0x1, s1  }
0x8c: {  	s17 =	sshll.u32 s0, $0xA;
	s2 =	sadd.s32 s3, s2  }
0x8d: {  	s2 =	sadd.s32 s2, s17  }
0x8e: {  	[smem:$0x3FC6] =	sst s2  }
0x8f: {  	_ = 	snop  }
0x90: {  	s2 =	sld [smem:$0x3FC9]  }
0x91: {  	s18 =	sld [smem:$0x3FD0];
	(tm) =	ssettm $0x1  }
0x92: {  	s4 =	sld [smem:$0x3FFB];
	_ =	sdelay $0x3  }
0x93: {  	_ =	strace s4  }
0x94: {  	s4 =	sld [smem:$0x3FFC];
	_ =	sdelay $0x3  }
0x95: {  	_ =	strace s4  }
0x96: {  	s4 =	sld [smem:$0x3FFD];
	_ =	sdelay $0x3  }
0x97: {  	_ =	strace s4  }
0x98: {  	_ =	strace $0x8FFFFFFF  }
0x99: {  	s19 =	sld [smem:$0x3FDB];
	_ =	sdelay $0x1  }
0x9a: {  	s5 =	simm.s32 $_scs_section_size  }
0x9b: {  	s6 =	simm.s32 $_size__tile_overlayer_lowered;
	s7 =	simm.s32 $_tile_overlayer_lowered  }
0x9c: {  	s22 =	simm.s32 $0x1BFF;
	s21 =	sshll.u32 s7, $0x1;
	s4 =	sadd.s32 s5, s19  }
0x9d: {  	s8 =	simm.s32 $0x0;
	s20 =	sshll.u32 s6, $0x1;
	s6 =	sadd.s32 s21, s4  }
0x9e: {  	[timem:s8], [sflag:s22] =	dma.local [hbm:s6], s20  }
0x9f: {  	_ =	swait.ge [sflag:s22], s20  }
0xa0: {  	s5 =	ssub.s32 $0x0, s20;
	[sflag:s22] =	ssyncset.done $0x0  }
0xa1: {  	[sflag:s22] =	ssyncadd.s32 s5;
	_ =	sdelay $0x1  }
0xa2: {  	s23 =	simm.s32 $0x1B8B  }
0xa3: {  	_ =	swait.ge [sflag:s23], $0x1  }
0xa4: {  	[sflag:s23] =	ssyncset.done $0x0  }
0xa5: {  	s25 =	simm.s32 $0x1B8E;
	s24 =	sld [smem:$0x3FFE];
	[sflag:s23] =	ssyncadd.s32 $0xFFFFFFFF  }
0xa6: {  	s26 =	simm.s32 $execute0_lowered;
	[smem:$0x3FD2] =	sst s25  }
0xa7: {  	s6 =	sshll.u32 s26, $0x1;
	_ =	strace $0x80000046;
	[dreg:$0x1] =	wrdreg $0xFFFFFFFF  }
0xa8: {  	s28 =	simm.s32 $_size_execute0_lowered;
	s4 =	sadd.s32 s4, s6;
	[dreg:$0x0] =	wrdreg $0x0  }
0xa9: {  	s6 =	sshll.u32 s28, $0x1;
	[dreg:$0x2] =	wrdreg s4  }
0xaa: {  	[dreg:$0x3] =	wrdreg s6  }
0xab: {  	[dreg:$0x4] =	wrdreg $0xC0  }
0xac: {  	_ =	task [dreg:s8], $0x5FFFF  }
0xad: {  	[dreg:$0x1] =	wrdreg $0xFFFFFFFF  }
0xae: {  	[dreg:$0x0] =	wrdreg $0x60  }
0xaf: {  	[dreg:$0x2] =	wrdreg s2  }
0xb0: {  	[dreg:$0x3] =	wrdreg s24  }
0xb1: {  	[dreg:$0x4] =	wrdreg s18  }
0xb2: {  	[dreg:$0x5] =	wrdreg $0x9  }
0xb3: {  	_ =	task.clear_ibuf [dreg:s8], $0x6FFFF;
	_ =	strace $0x90000046  }
0xb4: {  	s29 =	simm.s32 $0x9;
	_ =	strace $0x80000048  }
0xb5: {  	_ =	swait.ge [sflag:s29], $0x1  }
0xb6: {  	[sflag:s29] =	ssyncadd.s32 $0xFFFFFFFF  }
0xb7: {  	_ =	strace $0x90000048  }
0xb8: {  	_ =	sfence  }
0xb9: {  	s30 =	sld [smem:$0x0];
	_ =	sdelay $0x2  }
0xba: {  	s31 =	sshll.u32 s1, $0xD;
	s1 =	sshrl.u32 s1, $0x2  }
0xbb: {  	s3 =	sand.u32 $0x4000, s31;
	s1 =	sadd.s32 s1, s30  }
0xbc: {  	s0 =	sor.u32 s3, s0;
	s1 =	sshll.u32 s1, $0x11  }
0xbd: {  	s0 =	sor.u32 s1, s0  }
0xbe: {  	s0 =	sadd.s32 $0x8F2B, s0  }
0xbf: {  	[sflag:s0] =	ssyncadd.remote.s32 $0x1  }
0xc0: {  	_ =	sfence.sel $0xFFFF  }
0xc1: {  	[dreg:$0x0] =	wrdreg $0xFFFFFFFF;
	(pc) =	sbr.abs _section_cstart, $3  }
0xc2: {  	[dreg:$0x1] =	wrdreg $0xFFFFFFFF  }
0xc3: {  	_ =	task.clear_ibuf [dreg:s8], $0x2FFFF;
	_ =	strace $0x9FFFFFFF  }
0xc4: {  	(tm) =	ssettm $0x7FFFFFFF  }
0xc5: {  	_ =	shalt  }
tec
execute0_lowered:
.L_overlay_start_1:
0x0: {  	(tag) =	ssettag $0x1  }
0x1: {  	v0 =	vimm.s32 $0x64402400  }
0x2: {  	v1 =	vimm.s32 $0xE4C0A480;
	vm0 =	vcmask $0xF00;
	vm15 =	vcmask $0x1F10  }
0x3: {  	vm3 =	vcmask $0x2320;
	vm2 =	vcmask $0x2724;
	vm1 =	vcmask $0x2B28  }
0x4: {  	v3 =	vimm.s32 $0x3E4;
	vm14 =	vcmask $0x300;
	vm13 =	vcmask $0x704  }
0x5: {  	vm12 =	vcmask $0xB08;
	vm11 =	vcmask $0xF0C;
	v4 =	vimm.s32 $0x5E4  }
0x6: {  	vm10 =	vcmask $0x1310;
	vm9 =	vcmask $0x1714;
	vm8 =	vcmask $0x1B18  }
0x7: {  	vm7 =	vcmask $0x1F1C;
	vm4 =	vcmask $0x3330;
	vm5 =	vcmask $0x3734  }
0x8: {  	vm6 =	vcmask $0x3B38;
	v5 =	vimm.s32 $0x7E4;
	v6 =	vimm.s32 $0x9E4  }
0x9: {  	v7 =	vimm.s32 $0xBE4;
	v8 =	vimm.s32 $0xDE4;
	v9 =	vimm.s32 $0xFE4  }
0xa: {  	v10 =	vimm.s32 $0x22F;
	v19 =	vimm.s32 $0x23F;
	v20 =	vimm.s32 $0x24F  }
0xb: {  	v21 =	vimm.s32 $0x25F;
	v22 =	vimm.s32 $0x26F;
	v23 =	vimm.s32 $0x27F  }
0xc: {  	v24 =	vimm.s32 $0x28F;
	v25 =	vimm.s32 $0x29F;
	v26 =	vimm.s32 $0x132F  }
0xd: {  	v27 =	vimm.s32 $0x133F;
	v28 =	vimm.s32 $0x134F;
	v29 =	vimm.s32 $0x135F  }
0xe: {  	v30 =	vimm.s32 $0x136F;
	v31 =	vimm.s32 $0x137F;
	v32 =	vimm.s32 $0x138F  }
0xf: {  	v33 =	vimm.s32 $0x139F;
	v0 =	vunpack.c.0.s8.s32 v0;
	v1 =	vunpack.c.0.s8.s32 v1  }
0x10: {  	v3 =	vsel vm14, $0x200, v3;
	v4 =	vsel vm14, $0x400, v4;
	v5 =	vsel vm14, $0x600, v5  }
0x11: {  	v6 =	vsel vm14, $0x800, v6;
	v7 =	vsel vm14, $0xA00, v7;
	v8 =	vsel vm14, $0xC00, v8  }
0x12: {  	v9 =	vsel vm14, $0xE00, v9;
	v10 =	vsel vm14, $0x0, v10;
	v19 =	vsel vm14, $0x10, v19  }
0x13: {  	v20 =	vsel vm14, $0x20, v20;
	v21 =	vsel vm14, $0x30, v21;
	v22 =	vsel vm14, $0x40, v22  }
0x14: {  	v23 =	vsel vm14, $0x50, v23;
	v24 =	vsel vm14, $0x60, v24;
	v25 =	vsel vm14, $0x70, v25  }
0x15: {  	v26 =	vsel vm14, $0x1100, v26;
	v27 =	vsel vm14, $0x1110, v27;
	v28 =	vsel vm14, $0x1120, v28  }
0x16: {  	v29 =	vsel vm14, $0x1130, v29;
	v30 =	vsel vm14, $0x1140, v30;
	v31 =	vsel vm14, $0x1150, v31  }
0x17: {  	v32 =	vsel vm14, $0x1160, v32;
	v33 =	vsel vm14, $0x1170, v33;
	v3 =	vsel vm13, $0x224, v3  }
0x18: {  	v4 =	vsel vm13, $0x424, v4;
	v5 =	vsel vm13, $0x624, v5;
	v6 =	vsel vm13, $0x824, v6  }
0x19: {  	v7 =	vsel vm13, $0xA24, v7;
	v8 =	vsel vm13, $0xC24, v8;
	v9 =	vsel vm13, $0xE24, v9  }
0x1a: {  	v10 =	vsel vm13, $0x221, v10;
	v19 =	vsel vm13, $0x231, v19;
	v20 =	vsel vm13, $0x241, v20  }
0x1b: {  	v21 =	vsel vm13, $0x251, v21;
	v22 =	vsel vm13, $0x261, v22;
	v23 =	vsel vm13, $0x271, v23  }
0x1c: {  	v24 =	vsel vm13, $0x281, v24;
	v25 =	vsel vm13, $0x291, v25;
	v26 =	vsel vm13, $0x1321, v26  }
0x1d: {  	v27 =	vsel vm13, $0x1331, v27;
	v28 =	vsel vm13, $0x1341, v28;
	v29 =	vsel vm13, $0x1351, v29  }
0x1e: {  	v30 =	vsel vm13, $0x1361, v30;
	v31 =	vsel vm13, $0x1371, v31;
	v32 =	vsel vm13, $0x1381, v32  }
0x1f: {  	v33 =	vsel vm13, $0x1391, v33;
	v0 =	vand.u32 $0xFF, v0;
	v1 =	vand.u32 $0xFF, v1  }
0x20: {  	v3 =	vsel vm12, $0x240, v3;
	v4 =	vsel vm12, $0x440, v4;
	v5 =	vsel vm12, $0x640, v5  }
0x21: {  	v6 =	vsel vm12, $0x840, v6;
	v7 =	vsel vm12, $0xA40, v7;
	v8 =	vsel vm12, $0xC40, v8  }
0x22: {  	v9 =	vsel vm12, $0xE40, v9;
	v10 =	vsel vm12, $0x2, v10;
	v19 =	vsel vm12, $0x12, v19  }
0x23: {  	v20 =	vsel vm12, $0x22, v20;
	v21 =	vsel vm12, $0x32, v21;
	v22 =	vsel vm12, $0x42, v22  }
0x24: {  	v23 =	vsel vm12, $0x52, v23;
	v24 =	vsel vm12, $0x62, v24;
	v25 =	vsel vm12, $0x72, v25  }
0x25: {  	v26 =	vsel vm12, $0x1102, v26;
	v27 =	vsel vm12, $0x1112, v27;
	v28 =	vsel vm12, $0x1122, v28  }
0x26: {  	v29 =	vsel vm12, $0x1132, v29;
	v30 =	vsel vm12, $0x1142, v30;
	v31 =	vsel vm12, $0x1152, v31  }
0x27: {  	v32 =	vsel vm12, $0x1162, v32;
	v33 =	vsel vm12, $0x1172, v33;
	v0 =	vnsel vm0, $0x1E4, v0  }
0x28: {  	vm0 =	vcmask $0x2F2C;
	v3 =	vsel vm11, $0x264, v3;
	v4 =	vsel vm11, $0x464, v4  }
0x29: {  	v5 =	vsel vm11, $0x664, v5;
	v6 =	vsel vm11, $0x864, v6;
	v7 =	vsel vm11, $0xA64, v7  }
0x2a: {  	v8 =	vsel vm11, $0xC64, v8;
	v9 =	vsel vm11, $0xE64, v9;
	v10 =	vsel vm11, $0x223, v10  }
0x2b: {  	v19 =	vsel vm11, $0x233, v19;
	v20 =	vsel vm11, $0x243, v20;
	v21 =	vsel vm11, $0x253, v21  }
0x2c: {  	v22 =	vsel vm11, $0x263, v22;
	v23 =	vsel vm11, $0x273, v23;
	v24 =	vsel vm11, $0x283, v24  }
0x2d: {  	v25 =	vsel vm11, $0x293, v25;
	v26 =	vsel vm11, $0x1323, v26;
	v27 =	vsel vm11, $0x1333, v27  }
0x2e: {  	v28 =	vsel vm11, $0x1343, v28;
	v29 =	vsel vm11, $0x1353, v29;
	v30 =	vsel vm11, $0x1363, v30  }
0x2f: {  	v31 =	vsel vm11, $0x1373, v31;
	v32 =	vsel vm11, $0x1383, v32;
	v33 =	vsel vm11, $0x1393, v33  }
0x30: {  	v1 =	vsel vm15, v1, v0;
	v0 =	vlaneseq.u32;
	v3 =	vsel vm10, $0x280, v3  }
0x31: {  	v4 =	vsel vm10, $0x480, v4;
	v5 =	vsel vm10, $0x680, v5;
	v6 =	vsel vm10, $0x880, v6  }
0x32: {  	v7 =	vsel vm10, $0xA80, v7;
	v8 =	vsel vm10, $0xC80, v8;
	v9 =	vsel vm10, $0xE80, v9  }
0x33: {  	v10 =	vsel vm10, $0x4, v10;
	v19 =	vsel vm10, $0x14, v19;
	v20 =	vsel vm10, $0x24, v20  }
0x34: {  	v21 =	vsel vm10, $0x34, v21;
	v22 =	vsel vm10, $0x44, v22;
	v23 =	vsel vm10, $0x54, v23  }
0x35: {  	v24 =	vsel vm10, $0x64, v24;
	v25 =	vsel vm10, $0x74, v25;
	v26 =	vsel vm10, $0x1104, v26  }
0x36: {  	v27 =	vsel vm10, $0x1114, v27;
	v28 =	vsel vm10, $0x1124, v28;
	v29 =	vsel vm10, $0x1134, v29  }
0x37: {  	v30 =	vsel vm10, $0x1144, v30;
	v31 =	vsel vm10, $0x1154, v31;
	v32 =	vsel vm10, $0x1164, v32  }
0x38: {  	v33 =	vsel vm10, $0x1174, v33;
	v2 =	vsel vm3, $0x100, v1;
	v1 =	vmul.u32 $0x4, v0  }
0x39: {  	v3 =	vsel vm9, $0x2A4, v3;
	v4 =	vsel vm9, $0x4A4, v4;
	v5 =	vsel vm9, $0x6A4, v5  }
0x3a: {  	v6 =	vsel vm9, $0x8A4, v6;
	v7 =	vsel vm9, $0xAA4, v7;
	v8 =	vsel vm9, $0xCA4, v8  }
0x3b: {  	v9 =	vsel vm9, $0xEA4, v9;
	v10 =	vsel vm9, $0x225, v10;
	v19 =	vsel vm9, $0x235, v19  }
0x3c: {  	v20 =	vsel vm9, $0x245, v20;
	v21 =	vsel vm9, $0x255, v21;
	v22 =	vsel vm9, $0x265, v22  }
0x3d: {  	v23 =	vsel vm9, $0x275, v23;
	v24 =	vsel vm9, $0x285, v24;
	v25 =	vsel vm9, $0x295, v25  }
0x3e: {  	v26 =	vsel vm9, $0x1325, v26;
	v27 =	vsel vm9, $0x1335, v27;
	v28 =	vsel vm9, $0x1345, v28  }
0x3f: {  	v29 =	vsel vm9, $0x1355, v29;
	v30 =	vsel vm9, $0x1365, v30;
	v31 =	vsel vm9, $0x1375, v31  }
0x40: {  	v32 =	vsel vm9, $0x1385, v32;
	v33 =	vsel vm9, $0x1395, v33;
	v2 =	vsel vm2, $0x124, v2  }
0x41: {  	v3 =	vsel vm8, $0x2C0, v3;
	v4 =	vsel vm8, $0x4C0, v4;
	v5 =	vsel vm8, $0x6C0, v5  }
0x42: {  	v6 =	vsel vm8, $0x8C0, v6;
	v7 =	vsel vm8, $0xAC0, v7;
	v8 =	vsel vm8, $0xCC0, v8  }
0x43: {  	v9 =	vsel vm8, $0xEC0, v9;
	v10 =	vsel vm8, $0x6, v10;
	v19 =	vsel vm8, $0x16, v19  }
0x44: {  	v20 =	vsel vm8, $0x26, v20;
	v21 =	vsel vm8, $0x36, v21;
	v22 =	vsel vm8, $0x46, v22  }
0x45: {  	v23 =	vsel vm8, $0x56, v23;
	v24 =	vsel vm8, $0x66, v24;
	v25 =	vsel vm8, $0x76, v25  }
0x46: {  	v26 =	vsel vm8, $0x1106, v26;
	v27 =	vsel vm8, $0x1116, v27;
	v28 =	vsel vm8, $0x1126, v28  }
0x47: {  	v2 =	vsel vm1, $0x140, v2;
	v3 =	vsel vm7, $0x2E4, v3;
	v4 =	vsel vm7, $0x4E4, v4  }
0x48: {  	v5 =	vsel vm7, $0x6E4, v5;
	v6 =	vsel vm7, $0x8E4, v6;
	v7 =	vsel vm7, $0xAE4, v7  }
0x49: {  	v8 =	vsel vm7, $0xCE4, v8;
	v9 =	vsel vm7, $0xEE4, v9;
	v10 =	vsel vm7, $0x227, v10  }
0x4a: {  	v19 =	vsel vm7, $0x237, v19;
	v20 =	vsel vm7, $0x247, v20;
	v21 =	vsel vm7, $0x257, v21  }
0x4b: {  	v22 =	vsel vm7, $0x267, v22;
	v23 =	vsel vm7, $0x277, v23;
	v24 =	vsel vm7, $0x287, v24  }
0x4c: {  	v25 =	vsel vm7, $0x297, v25;
	v26 =	vsel vm7, $0x1327, v26;
	v27 =	vsel vm7, $0x1337, v27  }
0x4d: {  	v28 =	vsel vm7, $0x1347, v28;
	v2 =	vsel vm0, $0x164, v2;
	v3 =	vsel vm3, $0x300, v3  }
0x4e: {  	v4 =	vsel vm3, $0x500, v4;
	v5 =	vsel vm3, $0x700, v5;
	v6 =	vsel vm3, $0x900, v6  }
0x4f: {  	v7 =	vsel vm3, $0xB00, v7;
	v8 =	vsel vm3, $0xD00, v8;
	v9 =	vsel vm3, $0xF00, v9  }
0x50: {  	v19 =	vsel vm3, $0x18, v19;
	v23 =	vsel vm3, $0x58, v23;
	v24 =	vsel vm3, $0x68, v24  }
0x51: {  	v25 =	vsel vm3, $0x78, v25;
	v26 =	vsel vm3, $0x1108, v26;
	v27 =	vsel vm3, $0x1118, v27  }
0x52: {  	v28 =	vsel vm3, $0x1128, v28;
	v2 =	vsel vm4, $0x180, v2;
	v3 =	vsel vm2, $0x324, v3  }
0x53: {  	v4 =	vsel vm2, $0x524, v4;
	v5 =	vsel vm2, $0x724, v5;
	v6 =	vsel vm2, $0x924, v6  }
0x54: {  	v7 =	vsel vm2, $0xB24, v7;
	v8 =	vsel vm2, $0xD24, v8;
	v9 =	vsel vm2, $0xF24, v9  }
0x55: {  	v23 =	vsel vm2, $0x279, v23;
	v24 =	vsel vm2, $0x289, v24;
	v25 =	vsel vm2, $0x299, v25  }
0x56: {  	v26 =	vsel vm2, $0x1329, v26;
	v27 =	vsel vm2, $0x1339, v27;
	v28 =	vsel vm2, $0x1349, v28  }
0x57: {  	v2 =	vsel vm5, $0x1A4, v2;
	v3 =	vsel vm1, $0x340, v3;
	v4 =	vsel vm1, $0x540, v4  }
0x58: {  	v5 =	vsel vm1, $0x740, v5;
	v6 =	vsel vm1, $0x940, v6;
	v7 =	vsel vm1, $0xB40, v7  }
0x59: {  	v8 =	vsel vm1, $0xD40, v8;
	v9 =	vsel vm1, $0xF40, v9;
	v23 =	vsel vm1, $0x5A, v23  }
0x5a: {  	v24 =	vsel vm1, $0x6A, v24;
	v25 =	vsel vm1, $0x7A, v25;
	v26 =	vsel vm1, $0x110A, v26  }
0x5b: {  	v27 =	vsel vm1, $0x111A, v27;
	v28 =	vsel vm1, $0x112A, v28;
	v3 =	vsel vm0, $0x364, v3  }
0x5c: {  	v13 =	vsel vm6, $0x1C0, v2;
	v4 =	vsel vm0, $0x564, v4;
	v5 =	vsel vm0, $0x764, v5  }
0x5d: {  	v6 =	vsel vm0, $0x964, v6;
	v7 =	vsel vm0, $0xB64, v7;
	v8 =	vsel vm0, $0xD64, v8  }
0x5e: {  	v23 =	vsel vm0, $0x27B, v23;
	v24 =	vsel vm0, $0x28B, v24;
	v25 =	vsel vm0, $0x29B, v25  }
0x5f: {  	v26 =	vsel vm0, $0x132B, v26;
	v27 =	vsel vm0, $0x133B, v27;
	v23 =	vsel vm4, $0x5C, v23  }
0x60: {  	v28 =	vsel vm0, $0x134B, v28;
	v24 =	vsel vm4, $0x6C, v24;
	v23 =	vsel vm5, $0x27D, v23  }
0x61: {  	v25 =	vsel vm4, $0x7C, v25;
	v24 =	vsel vm5, $0x28D, v24;
	v2 =	vsel vm6, $0x5E, v23  }
0x62: {  	v26 =	vsel vm4, $0x110C, v26;
	v25 =	vsel vm5, $0x29D, v25;
	[tilespmem:$0x1FD00] =	vst v2;
	v2 =	vsel vm6, $0x6E, v24  }
0x63: {  	v27 =	vsel vm4, $0x111C, v27;
	v26 =	vsel vm5, $0x132D, v26;
	[tilespmem:$0x1FD10] =	vst v2;
	v2 =	vsel vm6, $0x7E, v25  }
0x64: {  	s0 =	rddreg [dreg:$0x0];
	s3 =	srdreg.scid;
	v28 =	vsel vm4, $0x112C, v28;
	v27 =	vsel vm5, $0x133D, v27;
	[tilespmem:$0x1FD20] =	vst v2;
	v2 =	vsel vm6, $0x110E, v26  }
0x65: {  	s2 =	rddreg [dreg:$0x1];
	s5 =	sand.u32 $0x1, s3;
	s3 =	simm.s32 $0x0;
	v3 =	vsel vm4, $0x380, v3;
	v28 =	vsel vm5, $0x134D, v28;
	[tilespmem:$0x1FD30] =	vst v2;
	v2 =	vsel vm6, $0x111E, v27  }
0x66: {  	[smem:$0x7FF] =	sst s3;
	v4 =	vsel vm4, $0x580, v4;
	v5 =	vsel vm4, $0x780, v5;
	[tilespmem:$0x1FD40] =	vst v2;
	v2 =	vsel vm6, $0x112E, v28  }
0x67: {  	s1 =	rddreg [dreg:$0x2];
	v6 =	vsel vm4, $0x980, v6;
	v7 =	vsel vm4, $0xB80, v7;
	v3 =	vsel vm5, $0x3A4, v3;
	_ =	strace $0x80000047;
	[tilespmem:$0x1FD50] =	vst v2  }
0x68: {  	v8 =	vsel vm4, $0xD80, v8;
	v4 =	vsel vm5, $0x5A4, v4;
	v15 =	vsel vm6, $0x3C0, v3;
	[tilespmem:$0x1FDB0] =	vst v13  }
0x69: {  	v5 =	vsel vm5, $0x7A4, v5;
	v6 =	vsel vm5, $0x9A4, v6;
	v17 =	vsel vm6, $0x5C0, v4;
	[tilespmem:$0x1FDC0] =	vst v15  }
0x6a: {  	v7 =	vsel vm5, $0xBA4, v7;
	v11 =	vsel vm5, $0xDA4, v8;
	v57 =	vsel vm6, $0x7C0, v5;
	[tilespmem:$0x1FDD0] =	vst v17  }
0x6b: {  	v8 =	vsel vm0, $0xF64, v9;
	v9 =	vsel vm3, $0x8, v10;
	v58 =	vsel vm6, $0x9C0, v6;
	[tilespmem:$0x1FDE0] =	vst v57  }
0x6c: {  	v59 =	vsel vm6, $0xBC0, v7;
	v10 =	vsel vm4, $0xF80, v8;
	v8 =	vmul.u32 $0x20, v0;
	[tilespmem:$0x1FDF0] =	vst v58  }
0x6d: {  	v20 =	vsel vm3, $0x28, v20;
	v21 =	vsel vm3, $0x38, v21;
	v22 =	vsel vm3, $0x48, v22;
	[tilespmem:$0x1FE00] =	vst v59  }
0x6e: {  	v19 =	vsel vm2, $0x239, v19;
	v20 =	vsel vm2, $0x249, v20;
	v21 =	vsel vm2, $0x259, v21;
	[tilespmem:$0x1FE10] =	vst v8  }
0x6f: {  	v12 =	vsel vm2, $0x229, v9;
	v3 =	vsel vm6, $0xDC0, v11;
	v10 =	vsel vm5, $0xFA4, v10;
	[tilespmem:$0x1FE20] =	vst v1  }
0x70: {  	v22 =	vsel vm2, $0x269, v22;
	v12 =	vsel vm1, $0xA, v12;
	v11 =	vsel vm6, $0xFC0, v10;
	[tilespmem:$0x1FE30] =	vst v3  }
0x71: {  	v19 =	vsel vm1, $0x1A, v19;
	v14 =	vsel vm0, $0x22B, v12;
	v12 =	vor.u32 $0x400, v8;
	[tilespmem:$0x1FE40] =	vst v11  }
0x72: {  	v20 =	vsel vm1, $0x2A, v20;
	v21 =	vsel vm1, $0x3A, v21;
	v46 =	vor.u32 $0x600, v8;
	[tilespmem:$0x1FE50] =	vst v12  }
0x73: {  	v22 =	vsel vm1, $0x4A, v22;
	v19 =	vsel vm0, $0x23B, v19;
	v6 =	vor.u32 $0x800, v8;
	[tilespmem:$0x1FE60] =	vst v46  }
0x74: {  	s4 =	stileid.u32;
	v20 =	vsel vm0, $0x24B, v20;
	v21 =	vsel vm0, $0x25B, v21;
	v7 =	vor.u32 $0xA00, v8;
	[tilespmem:$0x1FE70] =	vst v6  }
0x75: {  	s4 =	sshll.u32 s4, $0xB;
	s6 =	sshll.u32 s5, $0xA;
	v22 =	vsel vm0, $0x26B, v22;
	v9 =	vor.u32 $0xC00, v8;
	v16 =	vsel vm4, $0xC, v14;
	[tilespmem:$0x1FE80] =	vst v7  }
0x76: {  	s4 =	sor.u32 s6, s4;
	v19 =	vsel vm4, $0x1C, v19;
	v35 =	vor.u32 $0xE00, v8;
	v18 =	vsel vm5, $0x22D, v16;
	[tilespmem:$0x1FE90] =	vst v9  }
0x77: {  	s6 =	sshrl.u32 s4, $0x3;
	v20 =	vsel vm4, $0x2C, v20;
	v19 =	vsel vm5, $0x23D, v19;
	v47 =	vsel vm6, $0xE, v18;
	[tilespmem:$0x1FEA0] =	vst v35  }
0x78: {  	s7 =	sadd.s32 $0x400, s2;
	s6 =	sadd.s32 s0, s6;
	v21 =	vsel vm4, $0x3C, v21;
	v20 =	vsel vm5, $0x24D, v20;
	v14 =	vsel vm6, $0x1E, v19;
	[tilespmem:$0x1FEB0] =	vst v47  }
0x79: {  	s9 =	sadd.s32 $0x1000, s6;
	v22 =	vsel vm4, $0x4C, v22;
	v21 =	vsel vm5, $0x25D, v21;
	v16 =	vsel vm6, $0x2E, v20;
	[dreg:$0x4] =	wrdreg s7;
	[tilespmem:$0x1FEC0] =	vst v14  }
0x7a: {  	s10 =	sadd.s32 $0x2000, s6;
	v34 =	vor.u32 $0x30, v0;
	v22 =	vsel vm5, $0x26D, v22;
	v61 =	vsel vm6, $0x3E, v21;
	[dreg:$0x5] =	wrdreg s9;
	[tilespmem:$0x1FED0] =	vst v16  }
0x7b: {  	s11 =	sadd.s32 $0x3000, s6;
	v48 =	vor.u32 $0x50, v0;
	v49 =	vor.u32 $0x60, v0;
	v62 =	vsel vm6, $0x4E, v22;
	[dreg:$0x6] =	wrdreg s10;
	[tilespmem:$0x1FEE0] =	vst v61  }
0x7c: {  	s12 =	sadd.s32 $0x4000, s6;
	v50 =	vor.u32 $0x70, v0;
	v51 =	vor.u32 $0x1110, v0;
	v18 =	vor.u32 $0x20, v0;
	[dreg:$0x7] =	wrdreg s11;
	[tilespmem:$0x1FEF0] =	vst v62  }
0x7d: {  	s13 =	sadd.s32 $0x5000, s6;
	v52 =	vor.u32 $0x1120, v0;
	v53 =	vor.u32 $0x1130, v0;
	v54 =	vor.u32 $0x1140, v0;
	[dreg:$0x8] =	wrdreg s12;
	[tilespmem:$0x1FF00] =	vst v18  }
0x7e: {  	s14 =	sadd.s32 $0x6000, s6;
	v55 =	vor.u32 $0x1150, v0;
	v56 =	vor.u32 $0x1160, v0;
	v19 =	vor.u32 $0x40, v0;
	[dreg:$0x9] =	wrdreg s13;
	[tilespmem:$0x1FF10] =	vst v34  }
0x7f: {  	s15 =	sadd.s32 $0x7000, s6;
	v63 =	vor.u32 $0x1170, v0;
	v29 =	vsel vm8, $0x1136, v29;
	v30 =	vsel vm8, $0x1146, v30;
	[dreg:$0xa] =	wrdreg s14;
	[tilespmem:$0x1FF20] =	vst v19  }
0x80: {  	s16 =	sadd.s32 $0x8000, s6;
	v31 =	vsel vm8, $0x1156, v31;
	v32 =	vsel vm8, $0x1166, v32;
	v33 =	vsel vm8, $0x1176, v33;
	[dreg:$0xb] =	wrdreg s15;
	[tilespmem:$0x1FF30] =	vst v48  }
0x81: {  	s17 =	sadd.s32 $0x9000, s6;
	v29 =	vsel vm7, $0x1357, v29;
	v30 =	vsel vm7, $0x1367, v30;
	v31 =	vsel vm7, $0x1377, v31;
	[dreg:$0xc] =	wrdreg s16;
	[tilespmem:$0x1FF40] =	vst v49  }
0x82: {  	s18 =	sadd.s32 $0xA000, s6;
	v32 =	vsel vm7, $0x1387, v32;
	v33 =	vsel vm7, $0x1397, v33;
	v10 =	vor.u32 $0x10, v0;
	[dreg:$0xd] =	wrdreg s17;
	[tilespmem:$0x1FF50] =	vst v50  }
0x83: {  	s19 =	sadd.s32 $0xB000, s6;
	v29 =	vsel vm3, $0x1138, v29;
	v30 =	vsel vm3, $0x1148, v30;
	v60 =	vor.u32 $0x200, v8;
	[dreg:$0xe] =	wrdreg s18;
	[tilespmem:$0x1FF70] =	vst v10  }
0x84: {  	s20 =	sadd.s32 $0xC000, s6;
	v31 =	vsel vm3, $0x1158, v31;
	v32 =	vsel vm3, $0x1168, v32;
	v33 =	vsel vm3, $0x1178, v33;
	[dreg:$0xf] =	wrdreg s19;
	[tilespmem:$0x1FF80] =	vst v60  }
0x85: {  	s21 =	sadd.s32 $0xD000, s6;
	v29 =	vsel vm2, $0x1359, v29;
	v30 =	vsel vm2, $0x1369, v30;
	v31 =	vsel vm2, $0x1379, v31;
	[dreg:$0x10] =	wrdreg s20;
	[tilespmem:$0x1FF90] =	vst v53  }
0x86: {  	s5 =	ssub.s32 $0x2, s5;
	s22 =	sadd.s32 $0xE000, s6;
	v32 =	vsel vm2, $0x1389, v32;
	v33 =	vsel vm2, $0x1399, v33;
	v29 =	vsel vm1, $0x113A, v29;
	[dreg:$0x11] =	wrdreg s21;
	[tilespmem:$0x1FFA0] =	vst v54  }
0x87: {  	s8 =	sshrl.u32 s5, $0x1;
	s23 =	sadd.s32 $0xF000, s6;
	v30 =	vsel vm1, $0x114A, v30;
	v31 =	vsel vm1, $0x115A, v31;
	v32 =	vsel vm1, $0x116A, v32;
	[dreg:$0x12] =	wrdreg s22;
	[tilespmem:$0x1FFB0] =	vst v55  }
0x88: {  	s8 =	ssub.s32 s5, s8;
	s24 =	sadd.s32 $0x10000, s6;
	v33 =	vsel vm1, $0x117A, v33;
	v29 =	vsel vm0, $0x135B, v29;
	v30 =	vsel vm0, $0x136B, v30;
	[dreg:$0x13] =	wrdreg s23;
	[tilespmem:$0x1FFC0] =	vst v56  }
0x89: {  	s5 =	simm.s32 $0x6400;
	s25 =	sadd.s32 $0x11000, s6;
	v31 =	vsel vm0, $0x137B, v31;
	v32 =	vsel vm0, $0x138B, v32;
	v29 =	vsel vm4, $0x113C, v29;
	[dreg:$0x14] =	wrdreg s24;
	[tilespmem:$0x1FFD0] =	vst v63  }
0x8a: {  	s0 =	smax.u32 s8, $0x1;
	s8 =	simm.s32 $0x5;
	v33 =	vsel vm0, $0x139B, v33;
	v30 =	vsel vm4, $0x114C, v30;
	v29 =	vsel vm5, $0x135D, v29;
	[dreg:$0x15] =	wrdreg s25;
	[tilespmem:$0x1FFE0] =	vst v51  }
0x8b: {  	s26 =	sadd.s32 $0x12000, s6;
	s28 =	sadd.s32 $0x13000, s6;
	v31 =	vsel vm4, $0x115C, v31;
	v30 =	vsel vm5, $0x136D, v30;
	v2 =	vsel vm6, $0x113E, v29;
	[dreg:$0x16] =	wrdreg s0;
	[tilespmem:$0x1FFF0] =	vst v52  }
0x8c: {  	s29 =	sadd.s32 $0x14000, s6;
	s30 =	sadd.s32 $0x15000, s6;
	v32 =	vsel vm4, $0x116C, v32;
	v31 =	vsel vm5, $0x137D, v31;
	[dreg:$0x17] =	wrdreg s26;
	[tilespmem:$0x1FD60] =	vst v2;
	v2 =	vsel vm6, $0x114E, v30  }
0x8d: {  	s31 =	sadd.s32 $0x16000, s6;
	v33 =	vsel vm4, $0x117C, v33;
	v32 =	vsel vm5, $0x138D, v32;
	s7 =	sadd.s32 $0x1600, s2;
	[dreg:$0x18] =	wrdreg s28;
	[tilespmem:$0x1FD70] =	vst v2;
	v2 =	vsel vm6, $0x115E, v31  }
0x8e: {  	v33 =	vsel vm5, $0x139D, v33;
	s0 =	sadd.s32 $0x17000, s6;
	s2 =	sadd.s32 $0x18000, s6;
	s9 =	simm.s32 $0x80;
	[tilespmem:$0x1FD80] =	vst v2;
	v2 =	vsel vm6, $0x116E, v32  }
0x8f: {  	s10 =	simm.s32 $0xE4E8;
	s11 =	simm.s32 $0xF4E8;
	s12 =	simm.s32 $0x1;
	[tilespmem:$0x1FD90] =	vst v2;
	v2 =	vsel vm6, $0x117E, v33  }
0x90: {  	s13 =	simm.s32 $0x104E8;
	s14 =	simm.s32 $0x2;
	s15 =	simm.s32 $0x126E8;
	[tilespmem:$0x1FDA0] =	vst v2;
	v2 =	vor.u32 $0x1100, v0  }
0x91: {  	s16 =	simm.s32 $0x3;
	s17 =	simm.s32 $0x4;
	s18 =	simm.s32 $0x0;
	v0 =	vmov v3;
	[tilespmem:$0x1FF60] =	vst v2  }
.LBB2_1:
0x92: {  	s19 =	rddreg [dreg:$0x4]  }
0x93: {  	[tilespmem:s5], [sflag:$0x5] =	stream.linear.gather [hbm4b:s19+s3], $0x80E8, $0x38;
	[tilespmem:$0x148E8] =	vst v63  }
0x94: {  	_ =	swait.ge [sflag:s8], $0x80E8  }
0x95: {  	[sflag:s8] =	ssyncset.done $0x0  }
0x96: {  	[sflag:s8] =	ssyncadd.s32 $0xFFFF7F18  }
0x97: {  	[tilespmem:s3], [sflag:$0x5] =	stream.linear.gather [hbm4b:s6+s3], $0x400, $0x38;
	[tilespmem:$0x148E8] =	vst v63  }
0x98: {  	_ =	swait.ge [sflag:s8], $0x400  }
0x99: {  	[sflag:s8] =	ssyncset.done $0x0  }
0x9a: {  	s20 =	simm.s32 $0x400;
	s25 =	rddreg [dreg:$0x5];
	[sflag:s8] =	ssyncadd.s32 $0xFFFFFC00  }
0x9b: {  	[tilespmem:s20], [sflag:$0x5] =	stream.linear.gather [hbm4b:s25+s3], $0x400, $0x38;
	[tilespmem:$0x148E8] =	vst v63  }
0x9c: {  	_ =	swait.ge [sflag:s8], $0x400  }
0x9d: {  	[sflag:s8] =	ssyncset.done $0x0  }
0x9e: {  	s28 =	simm.s32 $0x800;
	s26 =	rddreg [dreg:$0x6];
	[sflag:s8] =	ssyncadd.s32 $0xFFFFFC00  }
0x9f: {  	[tilespmem:s28], [sflag:$0x5] =	stream.linear.gather [hbm4b:s26+s3], $0x400, $0x38;
	[tilespmem:$0x148E8] =	vst v63  }
0xa0: {  	_ =	swait.ge [sflag:s8], $0x400  }
0xa1: {  	[sflag:s8] =	ssyncset.done $0x0  }
0xa2: {  	s21 =	simm.s32 $0xC00;
	s20 =	rddreg [dreg:$0x7];
	[sflag:s8] =	ssyncadd.s32 $0xFFFFFC00  }
0xa3: {  	[tilespmem:s21], [sflag:$0x5] =	stream.linear.gather [hbm4b:s20+s3], $0x400, $0x38;
	[tilespmem:$0x148E8] =	vst v63  }
0xa4: {  	_ =	swait.ge [sflag:s8], $0x400  }
0xa5: {  	[sflag:s8] =	ssyncset.done $0x0  }
0xa6: {  	s23 =	simm.s32 $0x1000;
	s22 =	rddreg [dreg:$0x8];
	[sflag:s8] =	ssyncadd.s32 $0xFFFFFC00  }
0xa7: {  	[tilespmem:s23], [sflag:$0x5] =	stream.linear.gather [hbm4b:s22+s3], $0x400, $0x38;
	[tilespmem:$0x148E8] =	vst v63  }
0xa8: {  	_ =	swait.ge [sflag:s8], $0x400  }
0xa9: {  	[sflag:s8] =	ssyncset.done $0x0  }
0xaa: {  	s25 =	simm.s32 $0x1400;
	s24 =	rddreg [dreg:$0x9];
	[sflag:s8] =	ssyncadd.s32 $0xFFFFFC00  }
0xab: {  	[tilespmem:s25], [sflag:$0x5] =	stream.linear.gather [hbm4b:s24+s3], $0x400, $0x38;
	[tilespmem:$0x148E8] =	vst v63  }
0xac: {  	_ =	swait.ge [sflag:s8], $0x400  }
0xad: {  	[sflag:s8] =	ssyncset.done $0x0  }
0xae: {  	s28 =	simm.s32 $0x1800;
	s26 =	rddreg [dreg:$0xa];
	[sflag:s8] =	ssyncadd.s32 $0xFFFFFC00  }
0xaf: {  	[tilespmem:s28], [sflag:$0x5] =	stream.linear.gather [hbm4b:s26+s3], $0x400, $0x38;
	[tilespmem:$0x148E8] =	vst v63  }
0xb0: {  	_ =	swait.ge [sflag:s8], $0x400  }
0xb1: {  	[sflag:s8] =	ssyncset.done $0x0  }
0xb2: {  	s21 =	simm.s32 $0x1C00;
	s20 =	rddreg [dreg:$0xb];
	[sflag:s8] =	ssyncadd.s32 $0xFFFFFC00  }
0xb3: {  	[tilespmem:s21], [sflag:$0x5] =	stream.linear.gather [hbm4b:s20+s3], $0x400, $0x38;
	[tilespmem:$0x148E8] =	vst v63  }
0xb4: {  	_ =	swait.ge [sflag:s8], $0x400  }
0xb5: {  	[sflag:s8] =	ssyncset.done $0x0  }
0xb6: {  	s23 =	simm.s32 $0x2000;
	s22 =	rddreg [dreg:$0xc];
	[sflag:s8] =	ssyncadd.s32 $0xFFFFFC00  }
0xb7: {  	[tilespmem:s23], [sflag:$0x5] =	stream.linear.gather [hbm4b:s22+s3], $0x400, $0x38;
	[tilespmem:$0x148E8] =	vst v63  }
0xb8: {  	_ =	swait.ge [sflag:s8], $0x400  }
0xb9: {  	[sflag:s8] =	ssyncset.done $0x0  }
0xba: {  	s25 =	simm.s32 $0x2400;
	s24 =	rddreg [dreg:$0xd];
	[sflag:s8] =	ssyncadd.s32 $0xFFFFFC00  }
0xbb: {  	[tilespmem:s25], [sflag:$0x5] =	stream.linear.gather [hbm4b:s24+s3], $0x400, $0x38;
	[tilespmem:$0x148E8] =	vst v63  }
0xbc: {  	_ =	swait.ge [sflag:s8], $0x400  }
0xbd: {  	[sflag:s8] =	ssyncset.done $0x0  }
0xbe: {  	s28 =	simm.s32 $0x2800;
	s26 =	rddreg [dreg:$0xe];
	[sflag:s8] =	ssyncadd.s32 $0xFFFFFC00  }
0xbf: {  	[tilespmem:s28], [sflag:$0x5] =	stream.linear.gather [hbm4b:s26+s3], $0x400, $0x38;
	[tilespmem:$0x148E8] =	vst v63  }
0xc0: {  	_ =	swait.ge [sflag:s8], $0x400  }
0xc1: {  	[sflag:s8] =	ssyncset.done $0x0  }
0xc2: {  	s21 =	simm.s32 $0x2C00;
	s20 =	rddreg [dreg:$0xf];
	[sflag:s8] =	ssyncadd.s32 $0xFFFFFC00  }
0xc3: {  	[tilespmem:s21], [sflag:$0x5] =	stream.linear.gather [hbm4b:s20+s3], $0x400, $0x38;
	[tilespmem:$0x148E8] =	vst v63  }
0xc4: {  	_ =	swait.ge [sflag:s8], $0x400  }
0xc5: {  	[sflag:s8] =	ssyncset.done $0x0  }
0xc6: {  	s23 =	simm.s32 $0x3000;
	s22 =	rddreg [dreg:$0x10];
	[sflag:s8] =	ssyncadd.s32 $0xFFFFFC00  }
0xc7: {  	[tilespmem:s23], [sflag:$0x5] =	stream.linear.gather [hbm4b:s22+s3], $0x400, $0x38;
	[tilespmem:$0x148E8] =	vst v63  }
0xc8: {  	_ =	swait.ge [sflag:s8], $0x400  }
0xc9: {  	[sflag:s8] =	ssyncset.done $0x0  }
0xca: {  	s25 =	simm.s32 $0x3400;
	s24 =	rddreg [dreg:$0x11];
	[sflag:s8] =	ssyncadd.s32 $0xFFFFFC00  }
0xcb: {  	[tilespmem:s25], [sflag:$0x5] =	stream.linear.gather [hbm4b:s24+s3], $0x400, $0x38;
	[tilespmem:$0x148E8] =	vst v63  }
0xcc: {  	_ =	swait.ge [sflag:s8], $0x400  }
0xcd: {  	[sflag:s8] =	ssyncset.done $0x0  }
0xce: {  	s28 =	simm.s32 $0x3800;
	s26 =	rddreg [dreg:$0x12];
	[sflag:s8] =	ssyncadd.s32 $0xFFFFFC00  }
0xcf: {  	[tilespmem:s28], [sflag:$0x5] =	stream.linear.gather [hbm4b:s26+s3], $0x400, $0x38;
	[tilespmem:$0x148E8] =	vst v63  }
0xd0: {  	_ =	swait.ge [sflag:s8], $0x400  }
0xd1: {  	[sflag:s8] =	ssyncset.done $0x0  }
0xd2: {  	s21 =	simm.s32 $0x3C00;
	s20 =	rddreg [dreg:$0x13];
	[sflag:s8] =	ssyncadd.s32 $0xFFFFFC00  }
0xd3: {  	[tilespmem:s21], [sflag:$0x5] =	stream.linear.gather [hbm4b:s20+s3], $0x400, $0x38;
	[tilespmem:$0x148E8] =	vst v63  }
0xd4: {  	_ =	swait.ge [sflag:s8], $0x400  }
0xd5: {  	[sflag:s8] =	ssyncset.done $0x0  }
0xd6: {  	s23 =	simm.s32 $0x4000;
	s22 =	rddreg [dreg:$0x14];
	[sflag:s8] =	ssyncadd.s32 $0xFFFFFC00  }
0xd7: {  	[tilespmem:s23], [sflag:$0x5] =	stream.linear.gather [hbm4b:s22+s3], $0x400, $0x38;
	[tilespmem:$0x148E8] =	vst v63  }
0xd8: {  	_ =	swait.ge [sflag:s8], $0x400  }
0xd9: {  	[sflag:s8] =	ssyncset.done $0x0  }
0xda: {  	s25 =	simm.s32 $0x4400;
	s24 =	rddreg [dreg:$0x15];
	[sflag:s8] =	ssyncadd.s32 $0xFFFFFC00  }
0xdb: {  	[tilespmem:s25], [sflag:$0x5] =	stream.linear.gather [hbm4b:s24+s3], $0x400, $0x38;
	[tilespmem:$0x148E8] =	vst v63  }
0xdc: {  	_ =	swait.ge [sflag:s8], $0x400  }
0xdd: {  	[sflag:s8] =	ssyncset.done $0x0  }
0xde: {  	s28 =	simm.s32 $0x4800;
	s26 =	rddreg [dreg:$0x17];
	[sflag:s8] =	ssyncadd.s32 $0xFFFFFC00  }
0xdf: {  	[tilespmem:s28], [sflag:$0x5] =	stream.linear.gather [hbm4b:s26+s3], $0x400, $0x38;
	[tilespmem:$0x148E8] =	vst v63  }
0xe0: {  	_ =	swait.ge [sflag:s8], $0x400  }
0xe1: {  	[sflag:s8] =	ssyncset.done $0x0  }
0xe2: {  	s22 =	simm.s32 $0x4C00;
	s21 =	rddreg [dreg:$0x18];
	[sflag:s8] =	ssyncadd.s32 $0xFFFFFC00  }
0xe3: {  	[tilespmem:s22], [sflag:$0x5] =	stream.linear.gather [hbm4b:s21+s3], $0x400, $0x38;
	[tilespmem:$0x148E8] =	vst v63  }
0xe4: {  	_ =	swait.ge [sflag:s8], $0x400  }
0xe5: {  	[sflag:s8] =	ssyncset.done $0x0  }
0xe6: {  	s23 =	simm.s32 $0x5000;
	[sflag:s8] =	ssyncadd.s32 $0xFFFFFC00  }
0xe7: {  	[tilespmem:s23], [sflag:$0x5] =	stream.linear.gather [hbm4b:s29+s3], $0x400, $0x38;
	[tilespmem:$0x148E8] =	vst v63  }
0xe8: {  	_ =	swait.ge [sflag:s8], $0x400  }
0xe9: {  	[sflag:s8] =	ssyncset.done $0x0  }
0xea: {  	s24 =	simm.s32 $0x5400;
	[sflag:s8] =	ssyncadd.s32 $0xFFFFFC00  }
0xeb: {  	[tilespmem:s24], [sflag:$0x5] =	stream.linear.gather [hbm4b:s30+s3], $0x400, $0x38;
	[tilespmem:$0x148E8] =	vst v63  }
0xec: {  	_ =	swait.ge [sflag:s8], $0x400  }
0xed: {  	[sflag:s8] =	ssyncset.done $0x0  }
0xee: {  	s25 =	simm.s32 $0x5800;
	[sflag:s8] =	ssyncadd.s32 $0xFFFFFC00  }
0xef: {  	[tilespmem:s25], [sflag:$0x5] =	stream.linear.gather [hbm4b:s31+s3], $0x400, $0x38;
	[tilespmem:$0x148E8] =	vst v63  }
0xf0: {  	_ =	swait.ge [sflag:s8], $0x400  }
0xf1: {  	[sflag:s8] =	ssyncset.done $0x0  }
0xf2: {  	s26 =	simm.s32 $0x5C00;
	[sflag:s8] =	ssyncadd.s32 $0xFFFFFC00  }
0xf3: {  	[tilespmem:s26], [sflag:$0x5] =	stream.linear.gather [hbm4b:s0+s3], $0x400, $0x38;
	[tilespmem:$0x148E8] =	vst v63  }
0xf4: {  	_ =	swait.ge [sflag:s8], $0x400  }
0xf5: {  	[sflag:s8] =	ssyncset.done $0x0  }
0xf6: {  	s28 =	simm.s32 $0x6000;
	[sflag:s8] =	ssyncadd.s32 $0xFFFFFC00  }
0xf7: {  	[tilespmem:s28], [sflag:$0x5] =	stream.linear.gather [hbm4b:s2+s3], $0x400, $0x38;
	[tilespmem:$0x148E8] =	vst v63  }
0xf8: {  	_ =	swait.ge [sflag:s8], $0x400  }
0xf9: {  	[sflag:s8] =	ssyncset.done $0x0  }
0xfa: {  	[sflag:s8] =	ssyncadd.s32 $0xFFFFFC00  }
0xfb: {  	[tilespmem:s10], [sflag:$0x1] =	stream.indirect.gather [hbm4b:s7+s9], $0x20, s3, s9, $0xb8;
	[tilespmem:$0x148E8] =	vst v63  }
0xfc: {  	s19 =	simm.s32 $0x0  }
0xfd: {  	[tilespmem:s11], [sflag:$0x2] =	stream.indirect.gather [hbm4b:s7+s9], $0x20, s9, s9, $0xb8;
	[tilespmem:$0x148E8] =	vst v63  }
.LBB2_2:
0xfe: {  	_ =	swait.ge [sflag:s12], $0x1000  }
0xff: {  	p0 =	seq.s32 s19, $0x0;
	[sflag:s12] =	ssyncset.done $0x0  }
0x100: {  	s20 =	simm.s32 @!p0 $0x3;
	[sflag:s12] =	ssyncadd.s32 $0xFFFFF000  }
0x101: {  	_ =	swait.ge @!p0 [sflag:s20], $0x2000  }
0x102: {  	s21 =	sshll.u32 s19, $0x8;
	[sflag:s20] =	ssyncset.done @!p0 $0x0  }
0x103: {  	[sflag:s20] =	ssyncadd.s32 @!p0 $0xFFFFE000;
	s20 =	sand.u32 $0x3FFFFF00, s21  }
0x104: {  	v49 =	vld [tilespmem:s20+$0x0];
	_ =	sdelay $0x1  }
0x105: {  	v50 =	vld [tilespmem:s20+$0x10];
	_ =	sdelay $0x1  }
0x106: {  	v51 =	vld [tilespmem:s20+$0x20]  }
0x107: {  	v3 =	vmul.u32 $0x21, v49  }
0x108: {  	v52 =	vld [tilespmem:s20+$0x30]  }
0x109: {  	[tilespmem:$0x1FC80] =	vst v3;
	v3 =	vmul.u32 $0x21, v50  }
0x10a: {  	v53 =	vld [tilespmem:s20+$0x40]  }
0x10b: {  	[tilespmem:$0x1FC90] =	vst v3;
	v3 =	vmul.u32 $0x21, v51  }
0x10c: {  	v54 =	vld [tilespmem:s20+$0x50]  }
0x10d: {  	[tilespmem:$0x1FCA0] =	vst v3;
	v3 =	vmul.u32 $0x21, v52  }
0x10e: {  	v55 =	vld [tilespmem:s20+$0x60]  }
0x10f: {  	[tilespmem:$0x1FCB0] =	vst v3;
	v3 =	vmul.u32 $0x21, v53  }
0x110: {  	v56 =	vld [tilespmem:s20+$0x70]  }
0x111: {  	[tilespmem:$0x1FCC0] =	vst v3;
	v3 =	vmul.u32 $0x21, v54;
	_ =	sdelay $0x1  }
0x112: {  	[tilespmem:$0x1FCD0] =	vst v3;
	v3 =	vmul.u32 $0x21, v55;
	_ =	sdelay $0x1  }
0x113: {  	[tilespmem:$0x1FCE0] =	vst v3;
	v3 =	vmul.u32 $0x21, v56;
	_ =	sdelay $0x1  }
0x114: {  	s22 =	simm.s32 $0x7;
	s21 =	sshll.u32 s19, $0x1;
	[tilespmem:$0x1FCF0] =	vst v3  }
.LBB2_3:
0x115: {  	v50 =	vld [tilespmem:$0x1FC80]  }
0x116: {  	v51 =	vld [tilespmem:$0x1FC90]  }
0x117: {  	v52 =	vld [tilespmem:$0x1FCA0]  }
0x118: {  	v53 =	vld [tilespmem:$0x1FCB0]  }
0x119: {  	v54 =	vld [tilespmem:$0x1FCC0]  }
0x11a: {  	v55 =	vld [tilespmem:$0x1FCD0]  }
0x11b: {  	v56 =	vld [tilespmem:$0x1FCE0]  }
0x11c: {  	v43 =	vld [tilespmem:$0x1FCF0]  }
0x11d: {  	v9 =	vld [tilespmem:$0x1FDE0]  }
0x11e: {  	v10 =	vld [tilespmem:$0x1FDF0]  }
0x11f: {  	v38 =	vld [tilespmem:$0x1FF80]  }
0x120: {  	s23 =	sadd.s32 $0xFFFFFFF9, s22;
	v40 =	vld [tilespmem:$0x1FE60]  }
0x121: {  	v48 =	vmov v34;
	v34 =	vld [tilespmem:$0x1FE70];
	v57 =	vadd.s32 s23, v1  }
0x122: {  	v37 =	vld [tilespmem:$0x1FE80];
	v58 =	vand.u32 $0x1C, v57;
	v57 =	vand.u32 $0x18, v57  }
0x123: {  	v35 =	vld [tilespmem:$0x1FE90];
	v59 =	vadd.s32 v50, v58;
	v60 =	vadd.s32 v51, v58;
	v61 =	vadd.s32 v52, v58  }
0x124: {  	v36 =	vld [tilespmem:$0x1FEA0];
	v62 =	vadd.s32 v53, v58;
	v63 =	vadd.s32 v54, v58;
	v2 =	vadd.s32 v55, v58  }
0x125: {  	v14 =	vld [tilespmem:$0x1FEC0];
	v3 =	vadd.s32 v56, v58;
	v4 =	vadd.s32 v43, v58;
	v58 =	vshrl.u32 v58, $0x3  }
0x126: {  	v5 =	vor.u32 v13, v57;
	v13 =	vld [tilespmem:$0x1FE00];
	v58 =	vmul.u32 $0x440, v58  }
0x127: {  	v7 =	vor.u32 v17, v57;
	v17 =	vld [tilespmem:$0x1FEF0]  }
0x128: {  	v6 =	vor.u32 v15, v57;
	v15 =	vadd.s32 v16, v58;
	v16 =	vld [tilespmem:$0x1FEE0]  }
0x129: {  	v59 =	vld.idx.msk [tilespmem:v59+s5+$0x0], $0xffff  }
0x12a: {  	v60 =	vld.idx.msk [tilespmem:v60+s5+$0x0], $0xffff  }
0x12b: {  	v61 =	vld.idx.msk [tilespmem:v61+s5+$0x0], $0xffff  }
0x12c: {  	v62 =	vld.idx.msk [tilespmem:v62+s5+$0x0], $0xffff  }
0x12d: {  	v63 =	vld.idx.msk [tilespmem:v63+s5+$0x0], $0xffff  }
0x12e: {  	v2 =	vld.idx.msk [tilespmem:v2+s5+$0x0], $0xffff  }
0x12f: {  	s26 =	sadd.s32 $0xFFFFFFFA, s22;
	v9 =	vor.u32 v9, v57;
	v3 =	vld.idx.msk [tilespmem:v3+s5+$0x0], $0xffff  }
0x130: {  	v20 =	vadd.s32 s26, v1;
	v10 =	vor.u32 v10, v57;
	v4 =	vld.idx.msk [tilespmem:v4+s5+$0x0], $0xffff  }
0x131: {  	v21 =	vand.u32 $0x1D, v20;
	v19 =	vor.u32 v0, v57;
	v5 =	vld.idx.msk [tilespmem:v5+s10+$0x0], $0xffff  }
0x132: {  	v22 =	vadd.s32 v50, v21;
	v6 =	vld.idx.msk [tilespmem:v6+s10+$0x0], $0xffff  }
0x133: {  	v23 =	vadd.s32 v51, v21;
	v7 =	vld.idx.msk [tilespmem:v7+s10+$0x0], $0xffff  }
0x134: {  	v24 =	vadd.s32 v52, v21;
	v9 =	vld.idx.msk [tilespmem:v9+s10+$0x0], $0xffff  }
0x135: {  	v25 =	vadd.s32 v53, v21;
	v10 =	vld.idx.msk [tilespmem:v10+s10+$0x0], $0xffff  }
0x136: {  	v26 =	vadd.s32 v54, v21;
	v19 =	vld.idx.msk [tilespmem:v19+s10+$0x0], $0xffff  }
0x137: {  	v27 =	vadd.s32 v55, v21;
	v22 =	vld.idx.msk [tilespmem:v22+s5+$0x0], $0xffff  }
0x138: {  	v28 =	vadd.s32 v56, v21;
	v23 =	vld.idx.msk [tilespmem:v23+s5+$0x0], $0xffff  }
0x139: {  	v29 =	vadd.s32 v43, v21;
	v24 =	vld.idx.msk [tilespmem:v24+s5+$0x0], $0xffff  }
0x13a: {  	v30 =	vor.u32 v8, v21;
	v25 =	vld.idx.msk [tilespmem:v25+s5+$0x0], $0xffff  }
0x13b: {  	v26 =	vld.idx.msk [tilespmem:v26+s5+$0x0], $0xffff  }
0x13c: {  	v31 =	vor.u32 v38, v21;
	v27 =	vld.idx.msk [tilespmem:v27+s5+$0x0], $0xffff  }
0x13d: {  	v32 =	vor.u32 v12, v21;
	v28 =	vld.idx.msk [tilespmem:v28+s5+$0x0], $0xffff  }
0x13e: {  	v33 =	vor.u32 v40, v21;
	v29 =	vld.idx.msk [tilespmem:v29+s5+$0x0], $0xffff  }
0x13f: {  	v0 =	vor.u32 v34, v21;
	v30 =	vld.idx.msk [tilespmem:v30+s10+$0x0], $0xffff  }
0x140: {  	v8 =	vor.u32 v37, v21;
	v18 =	vor.u32 v13, v57;
	v13 =	vld [tilespmem:$0x1FEB0]  }
0x141: {  	v12 =	vor.u32 v36, v21;
	v31 =	vld.idx.msk [tilespmem:v31+s10+$0x0], $0xffff  }
0x142: {  	v32 =	vld.idx.msk [tilespmem:v32+s10+$0x0], $0xffff  }
0x143: {  	v57 =	vor.u32 v11, v57;
	v33 =	vld.idx.msk [tilespmem:v33+s10+$0x0], $0xffff  }
0x144: {  	v11 =	vor.u32 v35, v21;
	v0 =	vld.idx.msk [tilespmem:v0+s10+$0x0], $0xffff  }
0x145: {  	v8 =	vld.idx.msk [tilespmem:v8+s10+$0x0], $0xffff;
	v13 =	vadd.s32 v13, v58  }
0x146: {  	v14 =	vadd.s32 v14, v58;
	v12 =	vld.idx.msk [tilespmem:v12+s10+$0x0], $0xffff  }
0x147: {  	v18 =	vld.idx.msk [tilespmem:v18+s10+$0x0], $0xffff  }
0x148: {  	v16 =	vadd.s32 v16, v58;
	v57 =	vld.idx.msk [tilespmem:v57+s10+$0x0], $0xffff  }
0x149: {  	v17 =	vadd.s32 v17, v58;
	v11 =	vld.idx.msk [tilespmem:v11+s10+$0x0], $0xffff  }
0x14a: {  	[tilespmem:v13+s13+$0x0] =	vst.idx.msk $0xffff, v59;
	v13 =	vld [tilespmem:$0x1FD00]  }
0x14b: {  	[tilespmem:v14+s13+$0x0] =	vst.idx.msk $0xffff, v60;
	v14 =	vld [tilespmem:$0x1FD10]  }
0x14c: {  	[tilespmem:v15+s13+$0x0] =	vst.idx.msk $0xffff, v61;
	v15 =	vld [tilespmem:$0x1FD20]  }
0x14d: {  	[tilespmem:v16+s13+$0x0] =	vst.idx.msk $0xffff, v62;
	v16 =	vld [tilespmem:$0x1FD30]  }
0x14e: {  	[tilespmem:v17+s13+$0x0] =	vst.idx.msk $0xffff, v63;
	v17 =	vld [tilespmem:$0x1FD40]  }
0x14f: {  	v13 =	vadd.s32 v13, v58  }
0x150: {  	v14 =	vadd.s32 v14, v58  }
0x151: {  	v15 =	vadd.s32 v15, v58  }
0x152: {  	v16 =	vadd.s32 v16, v58  }
0x153: {  	v17 =	vadd.s32 v17, v58  }
0x154: {  	[tilespmem:v13+s13+$0x0] =	vst.idx.msk $0xffff, v2;
	v2 =	vld [tilespmem:$0x1FD50]  }
0x155: {  	[tilespmem:v14+s13+$0x0] =	vst.idx.msk $0xffff, v3;
	v3 =	vld [tilespmem:$0x1FD60]  }
0x156: {  	v42 =	vld [tilespmem:$0x1FD70];
	[tilespmem:v15+s13+$0x0] =	vst.idx.msk $0xffff, v4  }
0x157: {  	v44 =	vld [tilespmem:$0x1FD80];
	[tilespmem:v16+s13+$0x0] =	vst.idx.msk $0xffff, v5  }
0x158: {  	s28 =	sadd.s32 $0xFFFFFFFB, s22;
	[tilespmem:v17+s13+$0x0] =	vst.idx.msk $0xffff, v6;
	v6 =	vld [tilespmem:$0x1FD90]  }
0x159: {  	v13 =	vadd.s32 s28, v1;
	v1 =	vld [tilespmem:$0x1FDA0];
	v2 =	vadd.s32 v2, v58  }
0x15a: {  	v3 =	vadd.s32 v3, v58  }
0x15b: {  	v4 =	vadd.s32 v42, v58  }
0x15c: {  	v5 =	vadd.s32 v44, v58  }
0x15d: {  	v6 =	vadd.s32 v6, v58  }
0x15e: {  	[tilespmem:v2+s13+$0x0] =	vst.idx.msk $0xffff, v7;
	v2 =	vadd.s32 v1, v58;
	v7 =	vand.u32 $0x1E, v13  }
0x15f: {  	[tilespmem:v3+s13+$0x0] =	vst.idx.msk $0xffff, v9;
	v45 =	vadd.s32 v51, v7  }
0x160: {  	[tilespmem:v4+s13+$0x0] =	vst.idx.msk $0xffff, v10  }
0x161: {  	[tilespmem:v5+s13+$0x0] =	vst.idx.msk $0xffff, v18  }
0x162: {  	[tilespmem:v6+s13+$0x0] =	vst.idx.msk $0xffff, v19  }
0x163: {  	[tilespmem:v2+s13+$0x0] =	vst.idx.msk $0xffff, v57  }
0x164: {  	v1 =	vld.idx.msk [tilespmem:v45+s5+$0x0], $0xffff;
	_ =	sdelay $0x4  }
0x165: {  	v2 =	vadd.s32 v54, v7;
	[tilespmem:$0x1FAD0] =	vst v1;
	v1 =	vld [tilespmem:$0x1FE10];
	_ =	sdelay $0x4  }
0x166: {  	v9 =	vadd.s32 v55, v7;
	v15 =	vor.u32 v1, v7;
	v1 =	vld.idx.msk [tilespmem:v2+s5+$0x0], $0xffff;
	_ =	sdelay $0x4  }
0x167: {  	[tilespmem:$0x1FAE0] =	vst v1;
	v1 =	vld.idx.msk [tilespmem:v9+s5+$0x0], $0xffff;
	_ =	sdelay $0x4  }
0x168: {  	v10 =	vadd.s32 v56, v7;
	[tilespmem:$0x1FAF0] =	vst v1;
	v1 =	vld [tilespmem:$0x1FE50];
	_ =	sdelay $0x3  }
0x169: {  	v3 =	vadd.s32 v50, v7  }
0x16a: {  	v14 =	vadd.s32 v43, v7;
	v17 =	vor.u32 v1, v7;
	v1 =	vld.idx.msk [tilespmem:v10+s5+$0x0], $0xffff  }
0x16b: {  	v46 =	vadd.s32 v52, v7  }
0x16c: {  	v16 =	vor.u32 v38, v7  }
0x16d: {  	v44 =	vld [tilespmem:$0x1FF70];
	v47 =	vor.u32 v34, v7  }
0x16e: {  	v49 =	vor.u32 v37, v7;
	v3 =	vld.idx.msk [tilespmem:v3+s5+$0x0], $0xffff  }
0x16f: {  	v39 =	vor.u32 v36, v7;
	[tilespmem:$0x1FB00] =	vst v1;
	v1 =	vld.idx.msk [tilespmem:v14+s5+$0x0], $0xffff  }
0x170: {  	v5 =	vld.idx.msk [tilespmem:v46+s5+$0x0], $0xffff  }
0x171: {  	v21 =	vshrl.u32 v21, $0x3;
	v19 =	vand.u32 $0x5, v20;
	v16 =	vld.idx.msk [tilespmem:v16+s10+$0x0], $0xffff  }
0x172: {  	v21 =	vmul.u32 $0x440, v21;
	v4 =	vor.u32 v35, v7;
	v19 =	vmul.u32 $0x88, v19;
	v20 =	vld.idx.msk [tilespmem:v47+s10+$0x0], $0xffff  }
0x173: {  	v57 =	vld.idx.msk [tilespmem:v49+s10+$0x0], $0xffff  }
0x174: {  	v18 =	vor.u32 v40, v7;
	v59 =	vld.idx.msk [tilespmem:v39+s10+$0x0], $0xffff;
	v19 =	vadd.s32 v19, v21;
	[tilespmem:$0x1FB10] =	vst v1;
	v1 =	vlaneseq.u32  }
0x175: {  	v6 =	vadd.s32 v53, v7;
	v21 =	vadd.s32 v1, v19;
	v1 =	vld [tilespmem:$0x1FF00]  }
0x176: {  	v45 =	vld [tilespmem:$0x1FF20]  }
0x177: {  	v58 =	vld.idx.msk [tilespmem:v4+s10+$0x0], $0xffff  }
0x178: {  	v4 =	vld [tilespmem:$0x1FF30]  }
0x179: {  	v18 =	vld.idx.msk [tilespmem:v18+s10+$0x0], $0xffff;
	v41 =	vadd.s32 v44, v19  }
0x17a: {  	v6 =	vld.idx.msk [tilespmem:v6+s5+$0x0], $0xffff;
	v42 =	vadd.s32 v1, v19  }
0x17b: {  	v2 =	vld [tilespmem:$0x1FF40]  }
0x17c: {  	v62 =	vadd.s32 v48, v19;
	v15 =	vld.idx.msk [tilespmem:v15+s10+$0x0], $0xffff  }
0x17d: {  	v46 =	vadd.s32 v45, v19;
	v17 =	vld.idx.msk [tilespmem:v17+s10+$0x0], $0xffff;
	[tilespmem:v21+s13+$0x0] =	vst.idx.msk $0xffff, v22  }
0x17e: {  	v47 =	vadd.s32 v4, v19;
	[tilespmem:v41+s13+$0x0] =	vst.idx.msk $0xffff, v23;
	v41 =	vld [tilespmem:$0x1FF50]  }
0x17f: {  	[tilespmem:v42+s13+$0x0] =	vst.idx.msk $0xffff, v24;
	v42 =	vld [tilespmem:$0x1FF60]  }
0x180: {  	v9 =	vld [tilespmem:$0x1FFE0]  }
0x181: {  	v49 =	vadd.s32 v2, v19;
	v10 =	vld [tilespmem:$0x1FFF0];
	[tilespmem:v62+s13+$0x0] =	vst.idx.msk $0xffff, v25  }
0x182: {  	v14 =	vld [tilespmem:$0x1FF90];
	[tilespmem:v46+s13+$0x0] =	vst.idx.msk $0xffff, v26  }
0x183: {  	v60 =	vadd.s32 v41, v19;
	[tilespmem:v47+s13+$0x0] =	vst.idx.msk $0xffff, v27;
	v47 =	vld [tilespmem:$0x1FFA0]  }
0x184: {  	v1 =	vld [tilespmem:$0x1FE20];
	v61 =	vadd.s32 v42, v19  }
0x185: {  	v62 =	vadd.s32 v9, v19;
	v46 =	vld [tilespmem:$0x1FFB0]  }
0x186: {  	v63 =	vadd.s32 v10, v19;
	[tilespmem:v49+s13+$0x0] =	vst.idx.msk $0xffff, v28;
	v49 =	vld [tilespmem:$0x1FFC0]  }
0x187: {  	v39 =	vld [tilespmem:$0x1FFD0];
	v28 =	vadd.s32 v14, v19  }
0x188: {  	[tilespmem:v60+s13+$0x0] =	vst.idx.msk $0xffff, v29;
	v29 =	vadd.s32 v47, v19  }
0x189: {  	[tilespmem:v61+s13+$0x0] =	vst.idx.msk $0xffff, v30  }
0x18a: {  	s24 =	sadd.s32 $0xFFFFFFFC, s22;
	v30 =	vadd.s32 v46, v19;
	[tilespmem:v62+s13+$0x0] =	vst.idx.msk $0xffff, v31  }
0x18b: {  	v26 =	vadd.s32 s24, v1;
	v60 =	vadd.s32 v49, v19;
	[tilespmem:v63+s13+$0x0] =	vst.idx.msk $0xffff, v32  }
0x18c: {  	v21 =	vand.u32 $0x1F, v26;
	v19 =	vadd.s32 v39, v19;
	[tilespmem:v28+s13+$0x0] =	vst.idx.msk $0xffff, v33  }
0x18d: {  	[tilespmem:v29+s13+$0x0] =	vst.idx.msk $0xffff, v0;
	v0 =	vadd.s32 v51, v21;
	_ =	sdelay $0x1  }
0x18e: {  	[tilespmem:v30+s13+$0x0] =	vst.idx.msk $0xffff, v8  }
0x18f: {  	[tilespmem:v60+s13+$0x0] =	vst.idx.msk $0xffff, v11  }
0x190: {  	[tilespmem:v19+s13+$0x0] =	vst.idx.msk $0xffff, v12  }
0x191: {  	v8 =	vadd.s32 v52, v21;
	v0 =	vld.idx.msk [tilespmem:v0+s5+$0x0], $0xffff;
	_ =	sdelay $0x4  }
0x192: {  	v12 =	vadd.s32 v54, v21;
	[tilespmem:$0x1FB20] =	vst v0;
	v0 =	vld.idx.msk [tilespmem:v8+s5+$0x0], $0xffff;
	_ =	sdelay $0x3  }
0x193: {  	v1 =	vld [tilespmem:$0x1FE10]  }
0x194: {  	v62 =	vadd.s32 v55, v21;
	[tilespmem:$0x1FB30] =	vst v0;
	v0 =	vld.idx.msk [tilespmem:v12+s5+$0x0], $0xffff;
	_ =	sdelay $0x1  }
0x195: {  	v61 =	vadd.s32 v50, v21  }
0x196: {  	v32 =	vadd.s32 v43, v21  }
0x197: {  	v33 =	vor.u32 v1, v21;
	v1 =	vld [tilespmem:$0x1FE50]  }
0x198: {  	v63 =	vadd.s32 v56, v21;
	[tilespmem:$0x1FB40] =	vst v0;
	v0 =	vld.idx.msk [tilespmem:v62+s5+$0x0], $0xffff  }
0x199: {  	v31 =	vor.u32 v37, v21  }
0x19a: {  	v19 =	vld.idx.msk [tilespmem:v61+s5+$0x0], $0xffff  }
0x19b: {  	v11 =	vadd.s32 v53, v21;
	v24 =	vld.idx.msk [tilespmem:v32+s5+$0x0], $0xffff  }
0x19c: {  	v60 =	vor.u32 v38, v21;
	v25 =	vld.idx.msk [tilespmem:v33+s10+$0x0], $0xffff  }
0x19d: {  	v61 =	vor.u32 v1, v21;
	[tilespmem:$0x1FB50] =	vst v0;
	v0 =	vld.idx.msk [tilespmem:v63+s5+$0x0], $0xffff  }
0x19e: {  	v32 =	vor.u32 v35, v21;
	v31 =	vld.idx.msk [tilespmem:v31+s10+$0x0], $0xffff  }
0x19f: {  	v13 =	vand.u32 $0x6, v13;
	v7 =	vshrl.u32 v7, $0x3;
	v1 =	vld [tilespmem:$0x1FF00]  }
0x1a0: {  	v13 =	vmul.u32 $0x88, v13;
	v7 =	vmul.u32 $0x440, v7;
	v33 =	vor.u32 v36, v21;
	v11 =	vld.idx.msk [tilespmem:v11+s5+$0x0], $0xffff  }
0x1a1: {  	v27 =	vld.idx.msk [tilespmem:v60+s10+$0x0], $0xffff;
	v62 =	vor.u32 v40, v21  }
0x1a2: {  	v7 =	vadd.s32 v13, v7;
	v28 =	vld.idx.msk [tilespmem:v61+s10+$0x0], $0xffff;
	[tilespmem:$0x1FB60] =	vst v0;
	v0 =	vlaneseq.u32  }
0x1a3: {  	v32 =	vld.idx.msk [tilespmem:v32+s10+$0x0], $0xffff;
	v63 =	vor.u32 v34, v21;
	v29 =	vor.u32 v0, v7  }
0x1a4: {  	v60 =	vadd.s32 v44, v7;
	v0 =	vld [tilespmem:$0x1FAD0]  }
0x1a5: {  	v61 =	vadd.s32 v1, v7;
	v33 =	vld.idx.msk [tilespmem:v33+s10+$0x0], $0xffff  }
0x1a6: {  	v23 =	vld.idx.msk [tilespmem:v62+s10+$0x0], $0xffff;
	v62 =	vadd.s32 v48, v7  }
0x1a7: {  	v22 =	vadd.s32 v45, v7;
	v1 =	vld [tilespmem:$0x1FAE0]  }
0x1a8: {  	v30 =	vld.idx.msk [tilespmem:v63+s10+$0x0], $0xffff;
	[tilespmem:v29+s13+$0x0] =	vst.idx.msk $0xffff, v3  }
0x1a9: {  	[tilespmem:v60+s13+$0x0] =	vst.idx.msk $0xffff, v0  }
0x1aa: {  	[tilespmem:v61+s13+$0x0] =	vst.idx.msk $0xffff, v5  }
0x1ab: {  	[tilespmem:v62+s13+$0x0] =	vst.idx.msk $0xffff, v6  }
0x1ac: {  	v3 =	vadd.s32 v4, v7;
	[tilespmem:v22+s13+$0x0] =	vst.idx.msk $0xffff, v1;
	v1 =	vld [tilespmem:$0x1FAF0];
	_ =	sdelay $0x4  }
0x1ad: {  	v60 =	vadd.s32 v2, v7;
	[tilespmem:v3+s13+$0x0] =	vst.idx.msk $0xffff, v1;
	v1 =	vld [tilespmem:$0x1FB00];
	_ =	sdelay $0x4  }
0x1ae: {  	v61 =	vadd.s32 v41, v7;
	[tilespmem:v60+s13+$0x0] =	vst.idx.msk $0xffff, v1;
	v1 =	vld [tilespmem:$0x1FB10];
	_ =	sdelay $0x3  }
0x1af: {  	v6 =	vadd.s32 v42, v7  }
0x1b0: {  	v0 =	vmov v2;
	v2 =	vadd.s32 v9, v7;
	[tilespmem:v61+s13+$0x0] =	vst.idx.msk $0xffff, v1;
	v1 =	vld [tilespmem:$0x1FE20]  }
0x1b1: {  	v3 =	vadd.s32 v10, v7  }
0x1b2: {  	v63 =	vadd.s32 v14, v7  }
0x1b3: {  	v29 =	vadd.s32 v47, v7  }
0x1b4: {  	s25 =	sadd.s32 $0xFFFFFFFD, s22;
	[tilespmem:v6+s13+$0x0] =	vst.idx.msk $0xffff, v15;
	v6 =	vadd.s32 v46, v7  }
0x1b5: {  	v12 =	vmov v9;
	[tilespmem:v2+s13+$0x0] =	vst.idx.msk $0xffff, v16;
	v2 =	vadd.s32 v49, v7;
	v9 =	vadd.s32 s25, v1  }
0x1b6: {  	[tilespmem:v3+s13+$0x0] =	vst.idx.msk $0xffff, v17;
	v3 =	vadd.s32 v39, v7;
	v7 =	vand.u32 $0x1C, v9  }
0x1b7: {  	[tilespmem:v63+s13+$0x0] =	vst.idx.msk $0xffff, v18;
	v60 =	vadd.s32 v50, v7  }
0x1b8: {  	[tilespmem:v29+s13+$0x0] =	vst.idx.msk $0xffff, v20  }
0x1b9: {  	[tilespmem:v6+s13+$0x0] =	vst.idx.msk $0xffff, v57  }
0x1ba: {  	[tilespmem:v2+s13+$0x0] =	vst.idx.msk $0xffff, v58  }
0x1bb: {  	[tilespmem:v3+s13+$0x0] =	vst.idx.msk $0xffff, v59  }
0x1bc: {  	v61 =	vadd.s32 v51, v7;
	v1 =	vld.idx.msk [tilespmem:v60+s5+$0x0], $0xffff;
	_ =	sdelay $0x4  }
0x1bd: {  	v6 =	vadd.s32 v52, v7;
	[tilespmem:$0x1FB70] =	vst v1;
	v1 =	vld.idx.msk [tilespmem:v61+s5+$0x0], $0xffff;
	_ =	sdelay $0x4  }
0x1be: {  	v2 =	vadd.s32 v53, v7;
	[tilespmem:$0x1FB80] =	vst v1;
	v1 =	vld.idx.msk [tilespmem:v6+s5+$0x0], $0xffff;
	_ =	sdelay $0x4  }
0x1bf: {  	[tilespmem:$0x1FB90] =	vst v1;
	v1 =	vld.idx.msk [tilespmem:v2+s5+$0x0], $0xffff;
	_ =	sdelay $0x4  }
0x1c0: {  	v3 =	vadd.s32 v54, v7;
	[tilespmem:$0x1FBA0] =	vst v1;
	v1 =	vld [tilespmem:$0x1FE10];
	_ =	sdelay $0x4  }
0x1c1: {  	v13 =	vmov v10;
	v10 =	vadd.s32 v55, v7;
	v16 =	vor.u32 v1, v7;
	v1 =	vld.idx.msk [tilespmem:v3+s5+$0x0], $0xffff;
	_ =	sdelay $0x4  }
0x1c2: {  	[tilespmem:$0x1FBB0] =	vst v1;
	v1 =	vld.idx.msk [tilespmem:v10+s5+$0x0], $0xffff;
	_ =	sdelay $0x4  }
0x1c3: {  	v22 =	vmov v14;
	v14 =	vadd.s32 v56, v7;
	[tilespmem:$0x1FBC0] =	vst v1;
	v1 =	vld [tilespmem:$0x1FE50];
	_ =	sdelay $0x3  }
0x1c4: {  	v15 =	vadd.s32 v43, v7  }
0x1c5: {  	v18 =	vor.u32 v1, v7;
	v1 =	vld.idx.msk [tilespmem:v14+s5+$0x0], $0xffff  }
0x1c6: {  	v17 =	vor.u32 v38, v7  }
0x1c7: {  	v62 =	vor.u32 v40, v7  }
0x1c8: {  	v63 =	vor.u32 v34, v7  }
0x1c9: {  	v8 =	vmov v4;
	v4 =	vmov v38;
	v38 =	vor.u32 v37, v7;
	v15 =	vld.idx.msk [tilespmem:v15+s5+$0x0], $0xffff  }
0x1ca: {  	v26 =	vand.u32 $0x7, v26;
	v21 =	vshrl.u32 v21, $0x3;
	[tilespmem:$0x1FBD0] =	vst v1;
	v1 =	vld [tilespmem:$0x1FF00]  }
0x1cb: {  	v26 =	vmul.u32 $0x88, v26;
	v21 =	vmul.u32 $0x440, v21;
	v5 =	vmovc v40;
	v40 =	vor.u32 v35, v7;
	v17 =	vld.idx.msk [tilespmem:v17+s10+$0x0], $0xffff  }
0x1cc: {  	v20 =	vld.idx.msk [tilespmem:v62+s10+$0x0], $0xffff;
	v6 =	vmov v34;
	v34 =	vor.u32 v36, v7  }
0x1cd: {  	v21 =	vadd.s32 v26, v21;
	v29 =	vld.idx.msk [tilespmem:v63+s10+$0x0], $0xffff;
	v14 =	vlaneseq.u32  }
0x1ce: {  	v57 =	vld.idx.msk [tilespmem:v38+s10+$0x0], $0xffff;
	v26 =	vadd.s32 v14, v21  }
0x1cf: {  	v2 =	vmov v35;
	v35 =	vadd.s32 v44, v21;
	v61 =	vadd.s32 v1, v21;
	v1 =	vld [tilespmem:$0x1FB20]  }
0x1d0: {  	v58 =	vld.idx.msk [tilespmem:v40+s10+$0x0], $0xffff  }
0x1d1: {  	v59 =	vld.idx.msk [tilespmem:v34+s10+$0x0], $0xffff  }
0x1d2: {  	v16 =	vld.idx.msk [tilespmem:v16+s10+$0x0], $0xffff  }
0x1d3: {  	v18 =	vld.idx.msk [tilespmem:v18+s10+$0x0], $0xffff;
	[tilespmem:v26+s13+$0x0] =	vst.idx.msk $0xffff, v19  }
0x1d4: {  	[tilespmem:v35+s13+$0x0] =	vst.idx.msk $0xffff, v1;
	v1 =	vld [tilespmem:$0x1FB30];
	_ =	sdelay $0x3  }
0x1d5: {  	v3 =	vmov v37;
	v37 =	vadd.s32 v48, v21  }
0x1d6: {  	v38 =	vadd.s32 v45, v21;
	[tilespmem:v61+s13+$0x0] =	vst.idx.msk $0xffff, v1;
	v1 =	vld [tilespmem:$0x1FB40];
	_ =	sdelay $0x3  }
0x1d7: {  	[tilespmem:v37+s13+$0x0] =	vst.idx.msk $0xffff, v11  }
0x1d8: {  	v19 =	vadd.s32 v8, v21;
	[tilespmem:v38+s13+$0x0] =	vst.idx.msk $0xffff, v1;
	v1 =	vld [tilespmem:$0x1FB50];
	_ =	sdelay $0x4  }
0x1d9: {  	v34 =	vmov v0;
	v0 =	vadd.s32 v0, v21;
	[tilespmem:v19+s13+$0x0] =	vst.idx.msk $0xffff, v1;
	v1 =	vld [tilespmem:$0x1FB60];
	_ =	sdelay $0x2  }
0x1da: {  	v40 =	vmov v8;
	v8 =	vadd.s32 v41, v21  }
0x1db: {  	v11 =	vadd.s32 v42, v21  }
0x1dc: {  	v35 =	vmov v12;
	v12 =	vadd.s32 v12, v21;
	[tilespmem:v0+s13+$0x0] =	vst.idx.msk $0xffff, v1;
	v1 =	vld [tilespmem:$0x1FE20]  }
0x1dd: {  	v19 =	vadd.s32 v13, v21  }
0x1de: {  	v0 =	vadd.s32 v22, v21  }
0x1df: {  	[tilespmem:v8+s13+$0x0] =	vst.idx.msk $0xffff, v24;
	v8 =	vadd.s32 v47, v21  }
0x1e0: {  	s26 =	sadd.s32 $0xFFFFFFFE, s22;
	[tilespmem:v11+s13+$0x0] =	vst.idx.msk $0xffff, v25;
	v11 =	vadd.s32 v46, v21  }
0x1e1: {  	v38 =	vmov v22;
	[tilespmem:v12+s13+$0x0] =	vst.idx.msk $0xffff, v27;
	v12 =	vadd.s32 v49, v21;
	v22 =	vadd.s32 s26, v1  }
0x1e2: {  	[tilespmem:v19+s13+$0x0] =	vst.idx.msk $0xffff, v28;
	v19 =	vadd.s32 v39, v21;
	v21 =	vand.u32 $0x1D, v22  }
0x1e3: {  	[tilespmem:v0+s13+$0x0] =	vst.idx.msk $0xffff, v23;
	v0 =	vadd.s32 v50, v21  }
0x1e4: {  	[tilespmem:v8+s13+$0x0] =	vst.idx.msk $0xffff, v30  }
0x1e5: {  	[tilespmem:v11+s13+$0x0] =	vst.idx.msk $0xffff, v31  }
0x1e6: {  	[tilespmem:v12+s13+$0x0] =	vst.idx.msk $0xffff, v32  }
0x1e7: {  	[tilespmem:v19+s13+$0x0] =	vst.idx.msk $0xffff, v33  }
0x1e8: {  	v8 =	vadd.s32 v51, v21;
	v0 =	vld.idx.msk [tilespmem:v0+s5+$0x0], $0xffff;
	_ =	sdelay $0x4  }
0x1e9: {  	v11 =	vadd.s32 v52, v21;
	[tilespmem:$0x1FBE0] =	vst v0;
	v0 =	vld.idx.msk [tilespmem:v8+s5+$0x0], $0xffff;
	_ =	sdelay $0x2  }
0x1ea: {  	v1 =	vld [tilespmem:$0x1FE10];
	_ =	sdelay $0x1  }
0x1eb: {  	v12 =	vadd.s32 v53, v21;
	[tilespmem:$0x1FBF0] =	vst v0;
	v0 =	vld.idx.msk [tilespmem:v11+s5+$0x0], $0xffff;
	_ =	sdelay $0x1  }
0x1ec: {  	v37 =	vmov v13;
	v13 =	vadd.s32 v54, v21  }
0x1ed: {  	v60 =	vor.u32 v4, v21;
	v33 =	vor.u32 v1, v21;
	v1 =	vld [tilespmem:$0x1FE50]  }
0x1ee: {  	v62 =	vor.u32 v5, v21  }
0x1ef: {  	v19 =	vadd.s32 v55, v21;
	[tilespmem:$0x1FC00] =	vst v0;
	v0 =	vld.idx.msk [tilespmem:v12+s5+$0x0], $0xffff;
	_ =	sdelay $0x1  }
0x1f0: {  	v13 =	vld.idx.msk [tilespmem:v13+s5+$0x0], $0xffff  }
0x1f1: {  	v26 =	vld.idx.msk [tilespmem:v60+s10+$0x0], $0xffff;
	v61 =	vor.u32 v1, v21  }
0x1f2: {  	v32 =	vadd.s32 v43, v21;
	v24 =	vld.idx.msk [tilespmem:v62+s10+$0x0], $0xffff  }
0x1f3: {  	v31 =	vadd.s32 v56, v21;
	[tilespmem:$0x1FC10] =	vst v0;
	v0 =	vld.idx.msk [tilespmem:v19+s5+$0x0], $0xffff  }
0x1f4: {  	v1 =	vld [tilespmem:$0x1FF00]  }
0x1f5: {  	v9 =	vand.u32 $0x4, v9;
	v7 =	vshrl.u32 v7, $0x3;
	v63 =	vor.u32 v6, v21;
	v25 =	vld.idx.msk [tilespmem:v33+s10+$0x0], $0xffff  }
0x1f6: {  	v9 =	vmul.u32 $0x88, v9;
	v7 =	vmul.u32 $0x440, v7;
	v33 =	vor.u32 v36, v21;
	v27 =	vld.idx.msk [tilespmem:v61+s10+$0x0], $0xffff  }
0x1f7: {  	v19 =	vld.idx.msk [tilespmem:v32+s5+$0x0], $0xffff;
	v32 =	vor.u32 v2, v21  }
0x1f8: {  	v7 =	vadd.s32 v9, v7;
	[tilespmem:$0x1FC20] =	vst v0;
	v0 =	vld.idx.msk [tilespmem:v31+s5+$0x0], $0xffff;
	v31 =	vor.u32 v3, v21  }
0x1f9: {  	v61 =	vadd.s32 v1, v7;
	v1 =	vld [tilespmem:$0x1FB70];
	v11 =	vmov v5;
	v5 =	vor.u32 v14, v7  }
0x1fa: {  	v23 =	vld.idx.msk [tilespmem:v63+s10+$0x0], $0xffff  }
0x1fb: {  	v33 =	vld.idx.msk [tilespmem:v33+s10+$0x0], $0xffff  }
0x1fc: {  	v32 =	vld.idx.msk [tilespmem:v32+s10+$0x0], $0xffff  }
0x1fd: {  	v31 =	vld.idx.msk [tilespmem:v31+s10+$0x0], $0xffff  }
0x1fe: {  	v60 =	vor.u32 v44, v7;
	[tilespmem:v5+s13+$0x0] =	vst.idx.msk $0xffff, v1;
	v1 =	vld [tilespmem:$0x1FB80];
	_ =	sdelay $0x4  }
0x1ff: {  	[tilespmem:v60+s13+$0x0] =	vst.idx.msk $0xffff, v1;
	v1 =	vld [tilespmem:$0x1FB90];
	_ =	sdelay $0x4  }
0x200: {  	v62 =	vadd.s32 v48, v7;
	[tilespmem:v61+s13+$0x0] =	vst.idx.msk $0xffff, v1;
	v1 =	vld [tilespmem:$0x1FBA0];
	_ =	sdelay $0x4  }
0x201: {  	v63 =	vadd.s32 v45, v7;
	[tilespmem:v62+s13+$0x0] =	vst.idx.msk $0xffff, v1;
	v1 =	vld [tilespmem:$0x1FBB0];
	_ =	sdelay $0x4  }
0x202: {  	v30 =	vadd.s32 v40, v7;
	[tilespmem:v63+s13+$0x0] =	vst.idx.msk $0xffff, v1;
	v1 =	vld [tilespmem:$0x1FBC0];
	_ =	sdelay $0x4  }
0x203: {  	v60 =	vadd.s32 v34, v7;
	[tilespmem:v30+s13+$0x0] =	vst.idx.msk $0xffff, v1;
	v1 =	vld [tilespmem:$0x1FBD0];
	_ =	sdelay $0x2  }
0x204: {  	v12 =	vmov v6;
	v6 =	vadd.s32 v41, v7  }
0x205: {  	[tilespmem:$0x1FC30] =	vst v0;
	v0 =	vmov v2;
	v2 =	vadd.s32 v42, v7  }
0x206: {  	v8 =	vmov v3;
	v3 =	vadd.s32 v35, v7;
	[tilespmem:v60+s13+$0x0] =	vst.idx.msk $0xffff, v1;
	v1 =	vld [tilespmem:$0x1FE20]  }
0x207: {  	v62 =	vadd.s32 v37, v7  }
0x208: {  	v63 =	vadd.s32 v38, v7  }
0x209: {  	[tilespmem:v6+s13+$0x0] =	vst.idx.msk $0xffff, v15;
	v6 =	vadd.s32 v47, v7  }
0x20a: {  	s28 =	sadd.s32 $0xFFFFFFFF, s22;
	[tilespmem:v2+s13+$0x0] =	vst.idx.msk $0xffff, v16;
	v2 =	vadd.s32 v46, v7  }
0x20b: {  	[tilespmem:v3+s13+$0x0] =	vst.idx.msk $0xffff, v17;
	v3 =	vadd.s32 v49, v7;
	v30 =	vadd.s32 s28, v1  }
0x20c: {  	v28 =	vadd.s32 v39, v7;
	[tilespmem:v62+s13+$0x0] =	vst.idx.msk $0xffff, v18;
	v7 =	vand.u32 $0x1E, v30  }
0x20d: {  	v9 =	vmov v34;
	[tilespmem:v63+s13+$0x0] =	vst.idx.msk $0xffff, v20;
	v34 =	vadd.s32 v50, v7  }
0x20e: {  	[tilespmem:v6+s13+$0x0] =	vst.idx.msk $0xffff, v29  }
0x20f: {  	[tilespmem:v2+s13+$0x0] =	vst.idx.msk $0xffff, v57  }
0x210: {  	[tilespmem:v3+s13+$0x0] =	vst.idx.msk $0xffff, v58  }
0x211: {  	[tilespmem:v28+s13+$0x0] =	vst.idx.msk $0xffff, v59  }
0x212: {  	v2 =	vadd.s32 v52, v7;
	v1 =	vld.idx.msk [tilespmem:v34+s5+$0x0], $0xffff;
	_ =	sdelay $0x4  }
0x213: {  	v3 =	vadd.s32 v53, v7;
	[tilespmem:$0x1FC40] =	vst v1;
	v1 =	vld.idx.msk [tilespmem:v2+s5+$0x0], $0xffff;
	_ =	sdelay $0x4  }
0x214: {  	[tilespmem:$0x1FC50] =	vst v1;
	v1 =	vld.idx.msk [tilespmem:v3+s5+$0x0], $0xffff;
	_ =	sdelay $0x4  }
0x215: {  	v60 =	vadd.s32 v54, v7;
	[tilespmem:$0x1FC60] =	vst v1;
	v1 =	vld [tilespmem:$0x1FE10];
	_ =	sdelay $0x4  }
0x216: {  	v17 =	vor.u32 v1, v7;
	v1 =	vld.idx.msk [tilespmem:v60+s5+$0x0], $0xffff  }
0x217: {  	v22 =	vand.u32 $0x5, v22;
	v21 =	vshrl.u32 v21, $0x3  }
0x218: {  	v22 =	vmul.u32 $0x88, v22;
	v21 =	vmul.u32 $0x440, v21;
	v6 =	vadd.s32 v51, v7  }
0x219: {  	v14 =	vadd.s32 v55, v7  }
0x21a: {  	v21 =	vadd.s32 v22, v21;
	v15 =	vadd.s32 v56, v7  }
0x21b: {  	v5 =	vmovc v0;
	v16 =	vadd.s32 v43, v7;
	v58 =	vor.u32 v0, v7;
	v0 =	vlaneseq.u32;
	[tilespmem:$0x1FC70] =	vst v1;
	v1 =	vld [tilespmem:$0x1FE50]  }
0x21c: {  	v10 =	vmov v4;
	v28 =	vadd.s32 v0, v21;
	v0 =	vld [tilespmem:$0x1FBE0]  }
0x21d: {  	v18 =	vor.u32 v10, v7;
	v6 =	vld.idx.msk [tilespmem:v6+s5+$0x0], $0xffff  }
0x21e: {  	v62 =	vor.u32 v11, v7;
	v14 =	vld.idx.msk [tilespmem:v14+s5+$0x0], $0xffff  }
0x21f: {  	v63 =	vor.u32 v12, v7;
	v15 =	vld.idx.msk [tilespmem:v15+s5+$0x0], $0xffff  }
0x220: {  	v16 =	vld.idx.msk [tilespmem:v16+s5+$0x0], $0xffff;
	v61 =	vor.u32 v1, v7  }
0x221: {  	v1 =	vld [tilespmem:$0x1FF00]  }
0x222: {  	v57 =	vor.u32 v8, v7;
	v18 =	vld.idx.msk [tilespmem:v18+s10+$0x0], $0xffff  }
0x223: {  	v22 =	vld.idx.msk [tilespmem:v62+s10+$0x0], $0xffff  }
0x224: {  	v59 =	vor.u32 v36, v7;
	v29 =	vld.idx.msk [tilespmem:v63+s10+$0x0], $0xffff  }
0x225: {  	v20 =	vld.idx.msk [tilespmem:v61+s10+$0x0], $0xffff  }
0x226: {  	v60 =	vadd.s32 v44, v21;
	v61 =	vadd.s32 v1, v21;
	v1 =	vld [tilespmem:$0x1FBF0]  }
0x227: {  	v57 =	vld.idx.msk [tilespmem:v57+s10+$0x0], $0xffff  }
0x228: {  	v58 =	vld.idx.msk [tilespmem:v58+s10+$0x0], $0xffff  }
0x229: {  	v59 =	vld.idx.msk [tilespmem:v59+s10+$0x0], $0xffff  }
0x22a: {  	v17 =	vld.idx.msk [tilespmem:v17+s10+$0x0], $0xffff;
	[tilespmem:v28+s13+$0x0] =	vst.idx.msk $0xffff, v0  }
0x22b: {  	[tilespmem:v60+s13+$0x0] =	vst.idx.msk $0xffff, v1;
	v1 =	vld [tilespmem:$0x1FC00];
	_ =	sdelay $0x4  }
0x22c: {  	v62 =	vadd.s32 v48, v21;
	[tilespmem:v61+s13+$0x0] =	vst.idx.msk $0xffff, v1;
	v1 =	vld [tilespmem:$0x1FC10];
	_ =	sdelay $0x3  }
0x22d: {  	v48 =	vadd.s32 v45, v21  }
0x22e: {  	v0 =	vadd.s32 v40, v21;
	[tilespmem:v62+s13+$0x0] =	vst.idx.msk $0xffff, v1;
	v1 =	vld [tilespmem:$0x1FC20];
	_ =	sdelay $0x3  }
0x22f: {  	[tilespmem:v48+s13+$0x0] =	vst.idx.msk $0xffff, v13  }
0x230: {  	v3 =	vmov v8;
	v8 =	vadd.s32 v9, v21;
	[tilespmem:v0+s13+$0x0] =	vst.idx.msk $0xffff, v1;
	v1 =	vld [tilespmem:$0x1FC30];
	_ =	sdelay $0x1  }
0x231: {  	v4 =	vmov v11;
	v11 =	vadd.s32 v41, v21  }
0x232: {  	v34 =	vmov v12;
	v12 =	vadd.s32 v42, v21  }
0x233: {  	v13 =	vadd.s32 v35, v21  }
0x234: {  	v0 =	vadd.s32 v37, v21;
	[tilespmem:v8+s13+$0x0] =	vst.idx.msk $0xffff, v1;
	v1 =	vld [tilespmem:$0x1FE20]  }
0x235: {  	v8 =	vadd.s32 v38, v21  }
0x236: {  	[tilespmem:v11+s13+$0x0] =	vst.idx.msk $0xffff, v19;
	v11 =	vadd.s32 v47, v21  }
0x237: {  	[tilespmem:v12+s13+$0x0] =	vst.idx.msk $0xffff, v25;
	v12 =	vadd.s32 v46, v21  }
0x238: {  	[tilespmem:v13+s13+$0x0] =	vst.idx.msk $0xffff, v26  }
0x239: {  	v13 =	vadd.s32 v49, v21;
	[tilespmem:v0+s13+$0x0] =	vst.idx.msk $0xffff, v27;
	v19 =	vadd.s32 s22, v1  }
0x23a: {  	v0 =	vadd.s32 v39, v21;
	[tilespmem:v8+s13+$0x0] =	vst.idx.msk $0xffff, v24;
	v21 =	vand.u32 $0x1F, v19  }
0x23b: {  	v61 =	vld [tilespmem:$0x1FE50];
	[tilespmem:v11+s13+$0x0] =	vst.idx.msk $0xffff, v23;
	v8 =	vadd.s32 v50, v21  }
0x23c: {  	v2 =	vmov v9;
	v9 =	vadd.s32 v51, v21;
	[tilespmem:v12+s13+$0x0] =	vst.idx.msk $0xffff, v31  }
0x23d: {  	v1 =	vld [tilespmem:$0x1FE10];
	v11 =	vadd.s32 v52, v21;
	v12 =	vadd.s32 v53, v21;
	v60 =	vor.u32 v10, v21  }
0x23e: {  	v63 =	vor.u32 v34, v21;
	v34 =	vld [tilespmem:$0x1FF10];
	[tilespmem:v13+s13+$0x0] =	vst.idx.msk $0xffff, v32;
	v13 =	vadd.s32 v55, v21  }
0x23f: {  	v55 =	vadd.s32 v43, v21;
	v43 =	vor.u32 v3, v21;
	v3 =	vld [tilespmem:$0x1FC40];
	[tilespmem:v0+s13+$0x0] =	vst.idx.msk $0xffff, v33  }
0x240: {  	v27 =	vor.u32 v61, v21;
	v8 =	vld.idx.msk [tilespmem:v8+s5+$0x0], $0xffff  }
0x241: {  	v62 =	vor.u32 v4, v21;
	v9 =	vld.idx.msk [tilespmem:v9+s5+$0x0], $0xffff  }
0x242: {  	v11 =	vld.idx.msk [tilespmem:v11+s5+$0x0], $0xffff  }
0x243: {  	v7 =	vshrl.u32 v7, $0x3;
	v10 =	vand.u32 $0x6, v30;
	v52 =	vor.u32 v36, v21;
	v12 =	vld.idx.msk [tilespmem:v12+s5+$0x0], $0xffff  }
0x244: {  	v7 =	vmul.u32 $0x440, v7;
	v10 =	vmul.u32 $0x88, v10;
	v26 =	vld.idx.msk [tilespmem:v60+s10+$0x0], $0xffff  }
0x245: {  	v27 =	vld.idx.msk [tilespmem:v27+s10+$0x0], $0xffff  }
0x246: {  	v7 =	vadd.s32 v10, v7;
	v10 =	vld.idx.msk [tilespmem:v62+s10+$0x0], $0xffff  }
0x247: {  	v0 =	vadd.s32 v54, v21;
	v54 =	vadd.s32 v56, v21;
	v30 =	vld.idx.msk [tilespmem:v63+s10+$0x0], $0xffff  }
0x248: {  	v33 =	vld.idx.msk [tilespmem:v52+s10+$0x0], $0xffff  }
0x249: {  	v32 =	vor.u32 v5, v21;
	v13 =	vld.idx.msk [tilespmem:v13+s5+$0x0], $0xffff  }
0x24a: {  	v48 =	vlaneseq.u32;
	v24 =	vld.idx.msk [tilespmem:v55+s5+$0x0], $0xffff  }
0x24b: {  	v56 =	vor.u32 v1, v21;
	v53 =	vor.u32 v48, v7;
	v55 =	vld [tilespmem:$0x1FF00]  }
0x24c: {  	v23 =	vld.idx.msk [tilespmem:v54+s5+$0x0], $0xffff;
	v54 =	vadd.s32 v44, v7  }
0x24d: {  	v31 =	vld.idx.msk [tilespmem:v43+s10+$0x0], $0xffff  }
0x24e: {  	v32 =	vld.idx.msk [tilespmem:v32+s10+$0x0], $0xffff  }
0x24f: {  	v0 =	vld.idx.msk [tilespmem:v0+s5+$0x0], $0xffff  }
0x250: {  	v25 =	vld.idx.msk [tilespmem:v56+s10+$0x0], $0xffff;
	[tilespmem:v53+s13+$0x0] =	vst.idx.msk $0xffff, v3  }
0x251: {  	v51 =	vmov v2;
	v56 =	vadd.s32 v55, v7;
	[tilespmem:v54+s13+$0x0] =	vst.idx.msk $0xffff, v6;
	v6 =	vadd.s32 v2, v7;
	v2 =	vld [tilespmem:$0x1FC50]  }
0x252: {  	v36 =	vadd.s32 v34, v7;
	v3 =	vld [tilespmem:$0x1FC60]  }
0x253: {  	v52 =	vld [tilespmem:$0x1FC70];
	v43 =	vadd.s32 v45, v7  }
0x254: {  	v50 =	vadd.s32 v40, v7;
	_ =	sdelay $0x1  }
0x255: {  	[tilespmem:v56+s13+$0x0] =	vst.idx.msk $0xffff, v2;
	v2 =	vadd.s32 v41, v7  }
0x256: {  	[tilespmem:v36+s13+$0x0] =	vst.idx.msk $0xffff, v3;
	v3 =	vadd.s32 v42, v7  }
0x257: {  	v53 =	vadd.s32 v35, v7;
	[tilespmem:v43+s13+$0x0] =	vst.idx.msk $0xffff, v52  }
0x258: {  	[tilespmem:v50+s13+$0x0] =	vst.idx.msk $0xffff, v14  }
0x259: {  	v54 =	vadd.s32 v37, v7;
	[tilespmem:v6+s13+$0x0] =	vst.idx.msk $0xffff, v15  }
0x25a: {  	v6 =	vadd.s32 v38, v7;
	[tilespmem:v2+s13+$0x0] =	vst.idx.msk $0xffff, v16  }
0x25b: {  	v14 =	vadd.s32 v47, v7;
	v15 =	vshrl.u32 v21, $0x3;
	v2 =	vand.u32 $0x7, v19;
	[tilespmem:v3+s13+$0x0] =	vst.idx.msk $0xffff, v17  }
0x25c: {  	v15 =	vmul.u32 $0x440, v15;
	v3 =	vadd.s32 v46, v7;
	v2 =	vmul.u32 $0x88, v2;
	[tilespmem:v53+s13+$0x0] =	vst.idx.msk $0xffff, v18;
	v18 =	vld [tilespmem:$0x1FF00]  }
0x25d: {  	v55 =	vadd.s32 v49, v7  }
0x25e: {  	v56 =	vadd.s32 v39, v7;
	[tilespmem:v54+s13+$0x0] =	vst.idx.msk $0xffff, v20;
	v2 =	vadd.s32 v2, v15  }
0x25f: {  	[tilespmem:v6+s13+$0x0] =	vst.idx.msk $0xffff, v22;
	v6 =	vadd.s32 v48, v2  }
0x260: {  	v7 =	vadd.s32 v44, v2;
	[tilespmem:v14+s13+$0x0] =	vst.idx.msk $0xffff, v29  }
0x261: {  	[tilespmem:v3+s13+$0x0] =	vst.idx.msk $0xffff, v57;
	v3 =	vadd.s32 v18, v2  }
0x262: {  	[tilespmem:v55+s13+$0x0] =	vst.idx.msk $0xffff, v58;
	v58 =	vadd.s32 v34, v2  }
0x263: {  	v60 =	vadd.s32 v45, v2;
	[tilespmem:v56+s13+$0x0] =	vst.idx.msk $0xffff, v59  }
0x264: {  	[tilespmem:v6+s13+$0x0] =	vst.idx.msk $0xffff, v8;
	v6 =	vadd.s32 v40, v2  }
0x265: {  	[tilespmem:v7+s13+$0x0] =	vst.idx.msk $0xffff, v9;
	v7 =	vadd.s32 v51, v2  }
0x266: {  	[tilespmem:v3+s13+$0x0] =	vst.idx.msk $0xffff, v11;
	v3 =	vadd.s32 v41, v2  }
0x267: {  	v61 =	vadd.s32 v42, v2;
	[tilespmem:v58+s13+$0x0] =	vst.idx.msk $0xffff, v12  }
0x268: {  	[tilespmem:v60+s13+$0x0] =	vst.idx.msk $0xffff, v0;
	v0 =	vadd.s32 v35, v2  }
0x269: {  	v62 =	vadd.s32 v37, v2;
	[tilespmem:v6+s13+$0x0] =	vst.idx.msk $0xffff, v13  }
0x26a: {  	v6 =	vadd.s32 v38, v2;
	[tilespmem:v7+s13+$0x0] =	vst.idx.msk $0xffff, v23  }
0x26b: {  	v1 =	vld [tilespmem:$0x1FE20];
	[tilespmem:v3+s13+$0x0] =	vst.idx.msk $0xffff, v24;
	v3 =	vadd.s32 v47, v2  }
0x26c: {  	v16 =	vld [tilespmem:$0x1FED0];
	v63 =	vadd.s32 v46, v2;
	[tilespmem:v61+s13+$0x0] =	vst.idx.msk $0xffff, v25  }
0x26d: {  	v17 =	vld [tilespmem:$0x1FDD0];
	[tilespmem:v0+s13+$0x0] =	vst.idx.msk $0xffff, v26;
	v0 =	vadd.s32 v49, v2  }
0x26e: {  	p1 =	sne.s32 s22, $0x1F;
	v15 =	vld [tilespmem:$0x1FDC0];
	v2 =	vadd.s32 v39, v2;
	[tilespmem:v62+s13+$0x0] =	vst.idx.msk $0xffff, v27  }
.Ltmp0:
0x26f: {  	v8 =	vld [tilespmem:$0x1FE10];
	[tilespmem:v6+s13+$0x0] =	vst.idx.msk $0xffff, v10;
	(pc) =	sbr.rel @p1 .LBB2_3-.Ltmp0, $4  }
0x270: {  	v11 =	vld [tilespmem:$0x1FE40];
	[tilespmem:v3+s13+$0x0] =	vst.idx.msk $0xffff, v30  }
0x271: {  	v12 =	vld [tilespmem:$0x1FE50];
	[tilespmem:v63+s13+$0x0] =	vst.idx.msk $0xffff, v31  }
0x272: {  	v13 =	vld [tilespmem:$0x1FDB0];
	[tilespmem:v0+s13+$0x0] =	vst.idx.msk $0xffff, v32  }
0x273: {  	s22 =	sadd.s32 $0x8, s22;
	v0 =	vld [tilespmem:$0x1FE30];
	[tilespmem:v2+s13+$0x0] =	vst.idx.msk $0xffff, v33  }
0x274: {  	p1 =	seq.s32 s19, $0x63;
	s26 =	sshll.u32 s19, $0x13  }
0x275: {  	s22 =	sadd.s32 @!p1 $0x100, s20;
	s23 =	simm.s32 @!p1 $0x80;
	s24 =	simm.s32 @!p1 $0xE4E8  }
0x276: {  	[tilespmem:s24], [sflag:$0x1] =	stream.indirect.gather @!p1 [hbm4b:s7+s23], $0x20, s22, s23, $0xb8;
	[tilespmem:$0x148E8] =	vst v63  }
0x277: {  	s22 =	sor.u32 s4, s26  }
0x278: {  	s22 =	sshrl.u32 s22, $0x3  }
0x279: {  	s28 =	simm.s32 $0x104E8;
	s23 =	sadd.s32 s1, s22  }
0x27a: {  	[hbm4b:s23+s3] =	stream.linear.scatter [tilespmem:s28], [sflag:$0x3], $0x80, $0x38;
	[tilespmem:$0x148E8] =	vst v63  }
0x27b: {  	s24 =	simm.s32 $0x10570;
	s25 =	sadd.s32 $0x10, s23  }
0x27c: {  	[hbm4b:s25+s3] =	stream.linear.scatter [tilespmem:s24], [sflag:$0x3], $0x80, $0x38;
	[tilespmem:$0x148E8] =	vst v63  }
0x27d: {  	s26 =	simm.s32 $0x105F8;
	s28 =	sadd.s32 $0x20, s23  }
0x27e: {  	[hbm4b:s28+s3] =	stream.linear.scatter [tilespmem:s26], [sflag:$0x3], $0x80, $0x38;
	[tilespmem:$0x148E8] =	vst v63  }
0x27f: {  	s24 =	simm.s32 $0x10680;
	s25 =	sadd.s32 $0x30, s23  }
0x280: {  	[hbm4b:s25+s3] =	stream.linear.scatter [tilespmem:s24], [sflag:$0x3], $0x80, $0x38;
	[tilespmem:$0x148E8] =	vst v63  }
0x281: {  	s26 =	simm.s32 $0x10708;
	s28 =	sadd.s32 $0x40, s23  }
0x282: {  	[hbm4b:s28+s3] =	stream.linear.scatter [tilespmem:s26], [sflag:$0x3], $0x80, $0x38;
	[tilespmem:$0x148E8] =	vst v63  }
0x283: {  	s22 =	simm.s32 $0x440;
	s24 =	simm.s32 $0x10790;
	s25 =	sadd.s32 $0x50, s23  }
0x284: {  	[hbm4b:s25+s3] =	stream.linear.scatter [tilespmem:s24], [sflag:$0x3], $0x80, $0x38;
	[tilespmem:$0x148E8] =	vst v63  }
0x285: {  	s26 =	simm.s32 $0x10818;
	s28 =	sadd.s32 $0x60, s23;
	s24 =	simm.s32 $0x2200  }
0x286: {  	[hbm4b:s28+s3] =	stream.linear.scatter [tilespmem:s26], [sflag:$0x3], $0x80, $0x38;
	[tilespmem:$0x148E8] =	vst v63  }
0x287: {  	s25 =	simm.s32 $0x108A0;
	s26 =	sadd.s32 $0x70, s23;
	s23 =	sadd.s32 $0x1000, s23  }
.LBB2_5:
0x288: {  	[hbm4b:s26+s3] =	stream.linear.scatter [tilespmem:s25], [sflag:$0x3], $0x80, $0x38;
	[tilespmem:$0x148E8] =	vst v63  }
0x289: {  	s25 =	smov.u32 s22;
	s22 =	smov.u32 s24  }
0x28a: {  	s28 =	sadd.s32 $0x1100, s24;
	s22 =	sshra.s32 s22, $0x2;
	s26 =	sadd.s32 $0x104E8, s25  }
0x28b: {  	[hbm4b:s23+s3] =	stream.linear.scatter [tilespmem:s26], [sflag:$0x3], $0x80, $0x38;
	[tilespmem:$0x148E8] =	vst v63  }
0x28c: {  	p2 =	sne.s32 s24, $0x7700;
	s24 =	sadd.s32 $0x10570, s25;
	s26 =	sadd.s32 $0x10, s23  }
0x28d: {  	[hbm4b:s26+s3] =	stream.linear.scatter [tilespmem:s24], [sflag:$0x3], $0x80, $0x38;
	[tilespmem:$0x148E8] =	vst v63  }
0x28e: {  	s24 =	sadd.s32 $0x105F8, s25;
	s26 =	sadd.s32 $0x20, s23  }
0x28f: {  	[hbm4b:s26+s3] =	stream.linear.scatter [tilespmem:s24], [sflag:$0x3], $0x80, $0x38;
	[tilespmem:$0x148E8] =	vst v63  }
0x290: {  	s24 =	sadd.s32 $0x10680, s25;
	s26 =	sadd.s32 $0x30, s23  }
0x291: {  	[hbm4b:s26+s3] =	stream.linear.scatter [tilespmem:s24], [sflag:$0x3], $0x80, $0x38;
	[tilespmem:$0x148E8] =	vst v63  }
0x292: {  	s24 =	sadd.s32 $0x10708, s25;
	s26 =	sadd.s32 $0x40, s23  }
0x293: {  	[hbm4b:s26+s3] =	stream.linear.scatter [tilespmem:s24], [sflag:$0x3], $0x80, $0x38;
	[tilespmem:$0x148E8] =	vst v63  }
.Ltmp1:
0x294: {  	s24 =	sadd.s32 $0x10790, s25;
	s26 =	sadd.s32 $0x50, s23;
	(pc) =	sbr.rel @p2 .LBB2_5-.Ltmp1, $4  }
0x295: {  	[hbm4b:s26+s3] =	stream.linear.scatter [tilespmem:s24], [sflag:$0x3], $0x80, $0x38;
	[tilespmem:$0x148E8] =	vst v63  }
0x296: {  	s24 =	sadd.s32 $0x10818, s25;
	s26 =	sadd.s32 $0x60, s23;
	s25 =	sadd.s32 $0x108A0, s25  }
0x297: {  	[hbm4b:s26+s3] =	stream.linear.scatter [tilespmem:s24], [sflag:$0x3], $0x80, $0x38;
	[tilespmem:$0x148E8] =	vst v63  }
0x298: {  	s26 =	sadd.s32 $0x70, s23;
	s23 =	sadd.s32 $0x1000, s23;
	s24 =	smov.u32 s28  }
0x299: {  	[hbm4b:s26+s3] =	stream.linear.scatter [tilespmem:s25], [sflag:$0x3], $0x80, $0x38;
	[tilespmem:$0x148E8] =	vst v63  }
0x29a: {  	s24 =	sadd.s32 $0x104E8, s22  }
0x29b: {  	[hbm4b:s23+s3] =	stream.linear.scatter [tilespmem:s24], [sflag:$0x3], $0x80, $0x38;
	[tilespmem:$0x148E8] =	vst v63  }
0x29c: {  	s26 =	sadd.s32 $0x10570, s22;
	s28 =	sadd.s32 $0x10, s23  }
0x29d: {  	[hbm4b:s28+s3] =	stream.linear.scatter [tilespmem:s26], [sflag:$0x3], $0x80, $0x38;
	[tilespmem:$0x148E8] =	vst v63  }
0x29e: {  	s26 =	sadd.s32 $0x105F8, s22;
	s28 =	sadd.s32 $0x20, s23  }
0x29f: {  	[hbm4b:s28+s3] =	stream.linear.scatter [tilespmem:s26], [sflag:$0x3], $0x80, $0x38;
	[tilespmem:$0x148E8] =	vst v63  }
0x2a0: {  	s26 =	sadd.s32 $0x10680, s22;
	s28 =	sadd.s32 $0x30, s23  }
0x2a1: {  	[hbm4b:s28+s3] =	stream.linear.scatter [tilespmem:s26], [sflag:$0x3], $0x80, $0x38;
	[tilespmem:$0x148E8] =	vst v63  }
0x2a2: {  	s26 =	sadd.s32 $0x10708, s22;
	s28 =	sadd.s32 $0x40, s23  }
0x2a3: {  	[hbm4b:s28+s3] =	stream.linear.scatter [tilespmem:s26], [sflag:$0x3], $0x80, $0x38;
	[tilespmem:$0x148E8] =	vst v63  }
0x2a4: {  	s26 =	sadd.s32 $0x10790, s22;
	s28 =	sadd.s32 $0x50, s23  }
0x2a5: {  	[hbm4b:s28+s3] =	stream.linear.scatter [tilespmem:s26], [sflag:$0x3], $0x80, $0x38;
	[tilespmem:$0x148E8] =	vst v63  }
0x2a6: {  	s26 =	sadd.s32 $0x10818, s22;
	s28 =	sadd.s32 $0x60, s23  }
0x2a7: {  	[hbm4b:s28+s3] =	stream.linear.scatter [tilespmem:s26], [sflag:$0x3], $0x80, $0x38;
	[tilespmem:$0x148E8] =	vst v63  }
0x2a8: {  	s25 =	sadd.s32 $0x70, s23;
	s24 =	sadd.s32 $0x108A0, s22  }
0x2a9: {  	[hbm4b:s25+s3] =	stream.linear.scatter [tilespmem:s24], [sflag:$0x3], $0x80, $0x38;
	[tilespmem:$0x148E8] =	vst v63  }
0x2aa: {  	_ =	swait.ge [sflag:s14], $0x1000  }
0x2ab: {  	[sflag:s14] =	ssyncset.done $0x0  }
0x2ac: {  	s22 =	simm.s32 @!p0 $0x4;
	[sflag:s14] =	ssyncadd.s32 $0xFFFFF000  }
0x2ad: {  	s21 =	sor.u32 $0x1, s21;
	_ =	swait.ge @!p0 [sflag:s22], $0x2000  }
0x2ae: {  	s26 =	sshll.u32 s21, $0x7;
	[sflag:s22] =	ssyncset.done @!p0 $0x0  }
0x2af: {  	s28 =	sand.u32 $0x3FFFFF80, s26;
	[sflag:s22] =	ssyncadd.s32 @!p0 $0xFFFFE000  }
0x2b0: {  	v0 =	vld [tilespmem:s28+$0x0]  }
0x2b1: {  	v2 =	vld [tilespmem:s28+$0x10]  }
0x2b2: {  	v3 =	vld [tilespmem:s28+$0x20]  }
0x2b3: {  	v4 =	vld [tilespmem:s28+$0x30]  }
0x2b4: {  	v5 =	vld [tilespmem:s28+$0x40]  }
0x2b5: {  	v6 =	vld [tilespmem:s28+$0x50];
	v0 =	vmul.u32 $0x21, v0  }
0x2b6: {  	v7 =	vld [tilespmem:s28+$0x60];
	v57 =	vmul.u32 $0x21, v2  }
0x2b7: {  	v8 =	vld [tilespmem:s28+$0x70];
	v58 =	vmul.u32 $0x21, v3;
	[tilespmem:$0x1FA50] =	vst v0  }
0x2b8: {  	v59 =	vmul.u32 $0x21, v4;
	[tilespmem:$0x1FA60] =	vst v57  }
0x2b9: {  	v60 =	vmul.u32 $0x21, v5;
	[tilespmem:$0x1FA70] =	vst v58  }
0x2ba: {  	v61 =	vmul.u32 $0x21, v6;
	[tilespmem:$0x1FA80] =	vst v59  }
0x2bb: {  	v62 =	vmul.u32 $0x21, v7;
	[tilespmem:$0x1FA90] =	vst v60;
	v57 =	vld [tilespmem:$0x1FDE0]  }
0x2bc: {  	v63 =	vmul.u32 $0x21, v8;
	[tilespmem:$0x1FAA0] =	vst v61;
	v58 =	vld [tilespmem:$0x1FDF0]  }
0x2bd: {  	[tilespmem:$0x1FAB0] =	vst v62;
	v59 =	vld [tilespmem:$0x1FE00]  }
0x2be: {  	s22 =	simm.s32 $0x7;
	[tilespmem:$0x1FAC0] =	vst v63;
	v60 =	vld [tilespmem:$0x1FF80]  }
.LBB2_7:
0x2bf: {  	v36 =	vld [tilespmem:$0x1FE20]  }
0x2c0: {  	v50 =	vld [tilespmem:$0x1FA50]  }
0x2c1: {  	v51 =	vld [tilespmem:$0x1FA60]  }
0x2c2: {  	v52 =	vld [tilespmem:$0x1FA70]  }
0x2c3: {  	v53 =	vld [tilespmem:$0x1FA80]  }
0x2c4: {  	v54 =	vld [tilespmem:$0x1FA90]  }
0x2c5: {  	v55 =	vld [tilespmem:$0x1FAA0]  }
0x2c6: {  	v56 =	vld [tilespmem:$0x1FAB0]  }
0x2c7: {  	v43 =	vld [tilespmem:$0x1FAC0]  }
0x2c8: {  	v19 =	vld [tilespmem:$0x1FE40]  }
0x2c9: {  	v1 =	vld [tilespmem:$0x1FE10]  }
0x2ca: {  	v40 =	vld [tilespmem:$0x1FE50]  }
0x2cb: {  	v41 =	vld [tilespmem:$0x1FE60]  }
0x2cc: {  	v38 =	vld [tilespmem:$0x1FE70]  }
0x2cd: {  	v37 =	vld [tilespmem:$0x1FE80]  }
0x2ce: {  	v34 =	vld [tilespmem:$0x1FE90]  }
0x2cf: {  	s23 =	sadd.s32 $0xFFFFFFF9, s22;
	v35 =	vld [tilespmem:$0x1FEA0]  }
0x2d0: {  	v39 =	vld [tilespmem:$0x1FEB0];
	v0 =	vadd.s32 s23, v36  }
0x2d1: {  	v42 =	vld [tilespmem:$0x1FEC0];
	v2 =	vand.u32 $0x1C, v0  }
0x2d2: {  	v45 =	vld [tilespmem:$0x1FED0];
	v3 =	vadd.s32 v50, v2  }
0x2d3: {  	v62 =	vld [tilespmem:$0x1FEE0];
	v4 =	vadd.s32 v51, v2  }
0x2d4: {  	v63 =	vld [tilespmem:$0x1FEF0];
	v5 =	vadd.s32 v52, v2  }
0x2d5: {  	v46 =	vld [tilespmem:$0x1FD00];
	v0 =	vand.u32 $0x18, v0;
	v6 =	vadd.s32 v53, v2  }
0x2d6: {  	v7 =	vadd.s32 v54, v2;
	v11 =	vor.u32 v13, v0;
	v13 =	vor.u32 v17, v0;
	v17 =	vld [tilespmem:$0x1FE30]  }
0x2d7: {  	v8 =	vadd.s32 v55, v2;
	v3 =	vld.idx.msk [tilespmem:v3+s5+$0x0], $0xffff  }
0x2d8: {  	v9 =	vadd.s32 v56, v2;
	v4 =	vld.idx.msk [tilespmem:v4+s5+$0x0], $0xffff  }
0x2d9: {  	v10 =	vadd.s32 v43, v2;
	v5 =	vld.idx.msk [tilespmem:v5+s5+$0x0], $0xffff  }
0x2da: {  	v6 =	vld.idx.msk [tilespmem:v6+s5+$0x0], $0xffff  }
0x2db: {  	v12 =	vor.u32 v15, v0;
	v7 =	vld.idx.msk [tilespmem:v7+s5+$0x0], $0xffff  }
0x2dc: {  	v8 =	vld.idx.msk [tilespmem:v8+s5+$0x0], $0xffff  }
0x2dd: {  	v14 =	vor.u32 v57, v0;
	v9 =	vld.idx.msk [tilespmem:v9+s5+$0x0], $0xffff  }
0x2de: {  	v15 =	vor.u32 v58, v0;
	v10 =	vld.idx.msk [tilespmem:v10+s5+$0x0], $0xffff  }
0x2df: {  	s26 =	sadd.s32 $0xFFFFFFFA, s22;
	v16 =	vor.u32 v59, v0;
	v11 =	vld.idx.msk [tilespmem:v11+s11+$0x0], $0xffff  }
0x2e0: {  	v18 =	vadd.s32 s26, v36;
	v12 =	vld.idx.msk [tilespmem:v12+s11+$0x0], $0xffff;
	v17 =	vor.u32 v17, v0  }
0x2e1: {  	v13 =	vld.idx.msk [tilespmem:v13+s11+$0x0], $0xffff;
	v0 =	vor.u32 v19, v0;
	v19 =	vand.u32 $0x1D, v18  }
0x2e2: {  	v14 =	vld.idx.msk [tilespmem:v14+s11+$0x0], $0xffff;
	v20 =	vadd.s32 v50, v19  }
0x2e3: {  	v15 =	vld.idx.msk [tilespmem:v15+s11+$0x0], $0xffff;
	v21 =	vadd.s32 v51, v19  }
0x2e4: {  	v16 =	vld.idx.msk [tilespmem:v16+s11+$0x0], $0xffff;
	v22 =	vadd.s32 v52, v19  }
0x2e5: {  	v23 =	vadd.s32 v53, v19;
	v17 =	vld.idx.msk [tilespmem:v17+s11+$0x0], $0xffff  }
0x2e6: {  	v24 =	vadd.s32 v54, v19;
	v0 =	vld.idx.msk [tilespmem:v0+s11+$0x0], $0xffff  }
0x2e7: {  	v25 =	vadd.s32 v55, v19;
	v20 =	vld.idx.msk [tilespmem:v20+s5+$0x0], $0xffff  }
0x2e8: {  	v26 =	vadd.s32 v56, v19;
	v21 =	vld.idx.msk [tilespmem:v21+s5+$0x0], $0xffff  }
0x2e9: {  	v27 =	vadd.s32 v43, v19;
	v22 =	vld.idx.msk [tilespmem:v22+s5+$0x0], $0xffff  }
0x2ea: {  	v28 =	vor.u32 v1, v19;
	v23 =	vld.idx.msk [tilespmem:v23+s5+$0x0], $0xffff  }
0x2eb: {  	v29 =	vor.u32 v60, v19;
	v24 =	vld.idx.msk [tilespmem:v24+s5+$0x0], $0xffff  }
0x2ec: {  	v30 =	vor.u32 v40, v19;
	v25 =	vld.idx.msk [tilespmem:v25+s5+$0x0], $0xffff  }
0x2ed: {  	v31 =	vor.u32 v41, v19;
	v26 =	vld.idx.msk [tilespmem:v26+s5+$0x0], $0xffff  }
0x2ee: {  	v47 =	vor.u32 v34, v19;
	v27 =	vld.idx.msk [tilespmem:v27+s5+$0x0], $0xffff  }
0x2ef: {  	v48 =	vor.u32 v35, v19;
	v28 =	vld.idx.msk [tilespmem:v28+s11+$0x0], $0xffff  }
0x2f0: {  	v29 =	vld.idx.msk [tilespmem:v29+s11+$0x0], $0xffff  }
0x2f1: {  	v2 =	vshrl.u32 v2, $0x3;
	v30 =	vld.idx.msk [tilespmem:v30+s11+$0x0], $0xffff  }
0x2f2: {  	v2 =	vmul.u32 $0x440, v2;
	v32 =	vor.u32 v38, v19;
	v31 =	vld.idx.msk [tilespmem:v31+s11+$0x0], $0xffff  }
0x2f3: {  	v33 =	vor.u32 v37, v19;
	v57 =	vld.idx.msk [tilespmem:v47+s11+$0x0], $0xffff  }
0x2f4: {  	v49 =	vadd.s32 v39, v2;
	v58 =	vld.idx.msk [tilespmem:v48+s11+$0x0], $0xffff  }
0x2f5: {  	v44 =	vadd.s32 v42, v2;
	v47 =	vld [tilespmem:$0x1FD10]  }
0x2f6: {  	v61 =	vadd.s32 v45, v2;
	v48 =	vld [tilespmem:$0x1FD20]  }
0x2f7: {  	v62 =	vadd.s32 v62, v2;
	v32 =	vld.idx.msk [tilespmem:v32+s11+$0x0], $0xffff  }
0x2f8: {  	v63 =	vadd.s32 v63, v2;
	v33 =	vld.idx.msk [tilespmem:v33+s11+$0x0], $0xffff  }
0x2f9: {  	[tilespmem:v49+s15+$0x0] =	vst.idx.msk $0xffff, v3;
	v3 =	vadd.s32 v46, v2;
	v49 =	vld [tilespmem:$0x1FD30]  }
0x2fa: {  	v59 =	vld [tilespmem:$0x1FD40];
	[tilespmem:v44+s15+$0x0] =	vst.idx.msk $0xffff, v4;
	v4 =	vadd.s32 v47, v2  }
0x2fb: {  	v60 =	vld [tilespmem:$0x1FD50];
	[tilespmem:v61+s15+$0x0] =	vst.idx.msk $0xffff, v5;
	v5 =	vadd.s32 v48, v2  }
0x2fc: {  	v61 =	vld [tilespmem:$0x1FD60];
	[tilespmem:v62+s15+$0x0] =	vst.idx.msk $0xffff, v6  }
0x2fd: {  	v62 =	vld [tilespmem:$0x1FD70];
	[tilespmem:v63+s15+$0x0] =	vst.idx.msk $0xffff, v7  }
0x2fe: {  	v63 =	vld [tilespmem:$0x1FD80];
	v6 =	vadd.s32 v49, v2;
	[tilespmem:v3+s15+$0x0] =	vst.idx.msk $0xffff, v8  }
0x2ff: {  	v7 =	vadd.s32 v59, v2;
	[tilespmem:v4+s15+$0x0] =	vst.idx.msk $0xffff, v9;
	v9 =	vld [tilespmem:$0x1FD90]  }
0x300: {  	v3 =	vadd.s32 v60, v2;
	[tilespmem:v5+s15+$0x0] =	vst.idx.msk $0xffff, v10;
	v10 =	vld [tilespmem:$0x1FDA0]  }
0x301: {  	v4 =	vadd.s32 v61, v2  }
0x302: {  	v5 =	vadd.s32 v62, v2  }
0x303: {  	s28 =	sadd.s32 $0xFFFFFFFB, s22;
	[tilespmem:v6+s15+$0x0] =	vst.idx.msk $0xffff, v11;
	v6 =	vadd.s32 v63, v2  }
0x304: {  	v8 =	vadd.s32 s28, v36;
	[tilespmem:v7+s15+$0x0] =	vst.idx.msk $0xffff, v12;
	v7 =	vadd.s32 v9, v2  }
0x305: {  	[tilespmem:v3+s15+$0x0] =	vst.idx.msk $0xffff, v13;
	v3 =	vand.u32 $0x1E, v8;
	v2 =	vadd.s32 v10, v2  }
0x306: {  	[tilespmem:v4+s15+$0x0] =	vst.idx.msk $0xffff, v14;
	v11 =	vadd.s32 v50, v3  }
0x307: {  	v39 =	vadd.s32 v51, v3;
	[tilespmem:v5+s15+$0x0] =	vst.idx.msk $0xffff, v15  }
0x308: {  	v42 =	vadd.s32 v52, v3;
	[tilespmem:v6+s15+$0x0] =	vst.idx.msk $0xffff, v16  }
0x309: {  	v12 =	vld [tilespmem:$0x1FF80];
	v44 =	vadd.s32 v53, v3;
	[tilespmem:v7+s15+$0x0] =	vst.idx.msk $0xffff, v17  }
0x30a: {  	v45 =	vadd.s32 v54, v3;
	v9 =	vld [tilespmem:$0x1FF70];
	[tilespmem:v2+s15+$0x0] =	vst.idx.msk $0xffff, v0  }
0x30b: {  	v46 =	vadd.s32 v55, v3;
	v2 =	vld.idx.msk [tilespmem:v11+s5+$0x0], $0xffff  }
0x30c: {  	v47 =	vadd.s32 v56, v3;
	v5 =	vld.idx.msk [tilespmem:v39+s5+$0x0], $0xffff  }
0x30d: {  	v48 =	vadd.s32 v43, v3;
	v6 =	vld.idx.msk [tilespmem:v42+s5+$0x0], $0xffff  }
0x30e: {  	v59 =	vor.u32 v1, v3;
	v49 =	vld.idx.msk [tilespmem:v44+s5+$0x0], $0xffff  }
0x30f: {  	v13 =	vor.u32 v40, v3;
	v0 =	vld.idx.msk [tilespmem:v45+s5+$0x0], $0xffff  }
0x310: {  	v14 =	vor.u32 v41, v3;
	v60 =	vld.idx.msk [tilespmem:v46+s5+$0x0], $0xffff  }
0x311: {  	v16 =	vor.u32 v38, v3;
	v61 =	vld.idx.msk [tilespmem:v47+s5+$0x0], $0xffff  }
0x312: {  	v62 =	vld.idx.msk [tilespmem:v48+s5+$0x0], $0xffff  }
0x313: {  	v63 =	vld.idx.msk [tilespmem:v59+s11+$0x0], $0xffff  }
0x314: {  	v4 =	vor.u32 v35, v3;
	v13 =	vld.idx.msk [tilespmem:v13+s11+$0x0], $0xffff  }
0x315: {  	v7 =	vld.idx.msk [tilespmem:v14+s11+$0x0], $0xffff  }
0x316: {  	v15 =	vand.u32 $0x5, v18;
	v17 =	vshrl.u32 v19, $0x3;
	v16 =	vld.idx.msk [tilespmem:v16+s11+$0x0], $0xffff  }
0x317: {  	v15 =	vmul.u32 $0x88, v15;
	v17 =	vmul.u32 $0x440, v17;
	v48 =	vld [tilespmem:$0x1FF00]  }
0x318: {  	v18 =	vor.u32 v37, v3;
	v46 =	vld [tilespmem:$0x1FF10]  }
0x319: {  	v12 =	vor.u32 v12, v3;
	v59 =	vld.idx.msk [tilespmem:v4+s11+$0x0], $0xffff;
	v15 =	vadd.s32 v15, v17;
	v17 =	vlaneseq.u32  }
0x31a: {  	v19 =	vor.u32 v34, v3;
	v17 =	vadd.s32 v17, v15;
	[tilespmem:$0x1F890] =	vst v0;
	v0 =	vmov v37;
	v37 =	vld [tilespmem:$0x1FF20]  }
0x31b: {  	v47 =	vld [tilespmem:$0x1FF30];
	[tilespmem:$0x1F8A0] =	vst v60;
	v60 =	vadd.s32 v9, v15  }
0x31c: {  	v4 =	vld [tilespmem:$0x1FF40];
	v10 =	vadd.s32 v48, v15  }
0x31d: {  	v18 =	vld.idx.msk [tilespmem:v18+s11+$0x0], $0xffff;
	[tilespmem:$0x1F880] =	vst v49;
	v11 =	vadd.s32 v46, v15  }
0x31e: {  	v12 =	vld.idx.msk [tilespmem:v12+s11+$0x0], $0xffff;
	[tilespmem:$0x1F8E0] =	vst v7  }
0x31f: {  	v19 =	vld.idx.msk [tilespmem:v19+s11+$0x0], $0xffff;
	[tilespmem:v17+s15+$0x0] =	vst.idx.msk $0xffff, v20;
	v42 =	vadd.s32 v37, v15  }
0x320: {  	v7 =	vld [tilespmem:$0x1FF50];
	v17 =	vadd.s32 v47, v15;
	[tilespmem:v60+s15+$0x0] =	vst.idx.msk $0xffff, v21  }
0x321: {  	v45 =	vadd.s32 v4, v15;
	v49 =	vld [tilespmem:$0x1FF60];
	[tilespmem:v10+s15+$0x0] =	vst.idx.msk $0xffff, v22  }
0x322: {  	[tilespmem:v11+s15+$0x0] =	vst.idx.msk $0xffff, v23;
	v11 =	vld [tilespmem:$0x1FFE0]  }
0x323: {  	[tilespmem:$0x1F8B0] =	vst v61;
	v10 =	vld [tilespmem:$0x1FFF0]  }
0x324: {  	v9 =	vld [tilespmem:$0x1FF90];
	[tilespmem:v42+s15+$0x0] =	vst.idx.msk $0xffff, v24  }
0x325: {  	v44 =	vld [tilespmem:$0x1FFA0];
	v60 =	vadd.s32 v7, v15;
	[tilespmem:v17+s15+$0x0] =	vst.idx.msk $0xffff, v25  }
0x326: {  	v61 =	vadd.s32 v49, v15;
	[tilespmem:v45+s15+$0x0] =	vst.idx.msk $0xffff, v26;
	v45 =	vld [tilespmem:$0x1FFB0]  }
0x327: {  	[tilespmem:$0x1F8C0] =	vst v62;
	v42 =	vld [tilespmem:$0x1FFC0];
	v62 =	vadd.s32 v11, v15  }
0x328: {  	v39 =	vld [tilespmem:$0x1FFD0];
	[tilespmem:$0x1F870] =	vst v2;
	v17 =	vadd.s32 v10, v15  }
0x329: {  	[tilespmem:$0x1F8D0] =	vst v63;
	v63 =	vadd.s32 v9, v15  }
0x32a: {  	v2 =	vmov v1;
	v1 =	vadd.s32 v44, v15;
	[tilespmem:v60+s15+$0x0] =	vst.idx.msk $0xffff, v27  }
0x32b: {  	s24 =	sadd.s32 $0xFFFFFFFC, s22;
	[tilespmem:v61+s15+$0x0] =	vst.idx.msk $0xffff, v28;
	v28 =	vadd.s32 v45, v15  }
0x32c: {  	v24 =	vadd.s32 s24, v36;
	[tilespmem:v62+s15+$0x0] =	vst.idx.msk $0xffff, v29;
	v29 =	vadd.s32 v42, v15  }
0x32d: {  	v15 =	vadd.s32 v39, v15;
	[tilespmem:v17+s15+$0x0] =	vst.idx.msk $0xffff, v30;
	v17 =	vand.u32 $0x1F, v24  }
0x32e: {  	[tilespmem:v63+s15+$0x0] =	vst.idx.msk $0xffff, v31;
	v31 =	vadd.s32 v50, v17  }
0x32f: {  	[tilespmem:v1+s15+$0x0] =	vst.idx.msk $0xffff, v32;
	v32 =	vadd.s32 v51, v17  }
0x330: {  	v63 =	vadd.s32 v56, v17;
	[tilespmem:v28+s15+$0x0] =	vst.idx.msk $0xffff, v33  }
0x331: {  	v20 =	vadd.s32 v43, v17;
	[tilespmem:v29+s15+$0x0] =	vst.idx.msk $0xffff, v57  }
0x332: {  	v57 =	vadd.s32 v53, v17;
	[tilespmem:v15+s15+$0x0] =	vst.idx.msk $0xffff, v58;
	v58 =	vld [tilespmem:$0x1FF80]  }
0x333: {  	v23 =	vor.u32 v2, v17;
	v60 =	vld.idx.msk [tilespmem:v31+s5+$0x0], $0xffff  }
0x334: {  	v33 =	vadd.s32 v52, v17;
	v62 =	vld.idx.msk [tilespmem:v32+s5+$0x0], $0xffff  }
0x335: {  	v15 =	vadd.s32 v54, v17;
	v26 =	vld.idx.msk [tilespmem:v63+s5+$0x0], $0xffff  }
0x336: {  	v61 =	vadd.s32 v55, v17;
	v27 =	vld.idx.msk [tilespmem:v20+s5+$0x0], $0xffff  }
0x337: {  	v21 =	vld.idx.msk [tilespmem:v57+s5+$0x0], $0xffff  }
0x338: {  	v63 =	vor.u32 v38, v17;
	v28 =	vld.idx.msk [tilespmem:v23+s11+$0x0], $0xffff  }
0x339: {  	v22 =	vld.idx.msk [tilespmem:v33+s5+$0x0], $0xffff;
	v33 =	vor.u32 v0, v17  }
0x33a: {  	v57 =	vld.idx.msk [tilespmem:v15+s5+$0x0], $0xffff;
	v15 =	vmov v38;
	v38 =	vor.u32 v34, v17  }
0x33b: {  	[tilespmem:$0x1F8F0] =	vst v60;
	v60 =	vld.idx.msk [tilespmem:v61+s5+$0x0], $0xffff  }
0x33c: {  	v8 =	vand.u32 $0x6, v8;
	v3 =	vshrl.u32 v3, $0x3;
	v29 =	vor.u32 v58, v17;
	[tilespmem:$0x1F910] =	vst v21;
	v21 =	vld [tilespmem:$0x1FF70]  }
0x33d: {  	v8 =	vmul.u32 $0x88, v8;
	v3 =	vmul.u32 $0x440, v3;
	v61 =	vor.u32 v40, v17;
	v32 =	vld.idx.msk [tilespmem:v63+s11+$0x0], $0xffff  }
0x33e: {  	[tilespmem:$0x1F900] =	vst v62;
	v62 =	vor.u32 v41, v17;
	v33 =	vld.idx.msk [tilespmem:v33+s11+$0x0], $0xffff  }
0x33f: {  	v3 =	vadd.s32 v8, v3;
	v8 =	vlaneseq.u32;
	[tilespmem:$0x1F920] =	vst v57;
	v57 =	vld.idx.msk [tilespmem:v38+s11+$0x0], $0xffff  }
0x340: {  	v14 =	vmov v40;
	v31 =	vor.u32 v8, v3;
	v40 =	vor.u32 v35, v17;
	v38 =	vld [tilespmem:$0x1F870]  }
0x341: {  	v29 =	vld.idx.msk [tilespmem:v29+s11+$0x0], $0xffff;
	[tilespmem:$0x1F930] =	vst v60;
	v60 =	vadd.s32 v21, v3  }
0x342: {  	v23 =	vadd.s32 v48, v3;
	v30 =	vld.idx.msk [tilespmem:v61+s11+$0x0], $0xffff  }
0x343: {  	v25 =	vld.idx.msk [tilespmem:v62+s11+$0x0], $0xffff  }
0x344: {  	v62 =	vadd.s32 v46, v3;
	v61 =	vld [tilespmem:$0x1F880]  }
0x345: {  	v58 =	vld.idx.msk [tilespmem:v40+s11+$0x0], $0xffff;
	[tilespmem:v31+s15+$0x0] =	vst.idx.msk $0xffff, v38  }
0x346: {  	v8 =	vmov v4;
	v63 =	vadd.s32 v37, v3;
	[tilespmem:v60+s15+$0x0] =	vst.idx.msk $0xffff, v5;
	v5 =	vadd.s32 v4, v3;
	v4 =	vld [tilespmem:$0x1F890]  }
0x347: {  	v40 =	vadd.s32 v47, v3;
	[tilespmem:v23+s15+$0x0] =	vst.idx.msk $0xffff, v6;
	v23 =	vld [tilespmem:$0x1F8A0]  }
0x348: {  	v60 =	vld [tilespmem:$0x1F8B0]  }
0x349: {  	v6 =	vadd.s32 v7, v3;
	[tilespmem:v62+s15+$0x0] =	vst.idx.msk $0xffff, v61;
	v61 =	vld [tilespmem:$0x1F8C0]  }
0x34a: {  	v21 =	vmov v7;
	v7 =	vadd.s32 v49, v3;
	v62 =	vld [tilespmem:$0x1F8D0]  }
0x34b: {  	v38 =	vmov v11;
	v11 =	vadd.s32 v11, v3;
	[tilespmem:v63+s15+$0x0] =	vst.idx.msk $0xffff, v4  }
0x34c: {  	v31 =	vadd.s32 v10, v3;
	[tilespmem:v40+s15+$0x0] =	vst.idx.msk $0xffff, v23  }
0x34d: {  	v4 =	vadd.s32 v9, v3;
	[tilespmem:v5+s15+$0x0] =	vst.idx.msk $0xffff, v60;
	v60 =	vld [tilespmem:$0x1F8E0]  }
0x34e: {  	v5 =	vadd.s32 v44, v3;
	[tilespmem:v6+s15+$0x0] =	vst.idx.msk $0xffff, v61  }
0x34f: {  	v63 =	vadd.s32 v45, v3;
	[tilespmem:v7+s15+$0x0] =	vst.idx.msk $0xffff, v62  }
0x350: {  	v20 =	vmov v0;
	v0 =	vadd.s32 v42, v3;
	[tilespmem:v11+s15+$0x0] =	vst.idx.msk $0xffff, v12  }
0x351: {  	s25 =	sadd.s32 $0xFFFFFFFD, s22;
	[tilespmem:v31+s15+$0x0] =	vst.idx.msk $0xffff, v13;
	v31 =	vadd.s32 v39, v3  }
0x352: {  	v7 =	vadd.s32 s25, v36;
	[tilespmem:v4+s15+$0x0] =	vst.idx.msk $0xffff, v60  }
0x353: {  	v3 =	vand.u32 $0x1C, v7;
	[tilespmem:v5+s15+$0x0] =	vst.idx.msk $0xffff, v16  }
0x354: {  	v61 =	vadd.s32 v50, v3;
	[tilespmem:v63+s15+$0x0] =	vst.idx.msk $0xffff, v18  }
0x355: {  	v62 =	vadd.s32 v51, v3;
	[tilespmem:v0+s15+$0x0] =	vst.idx.msk $0xffff, v19  }
0x356: {  	v1 =	vmov v2;
	[tilespmem:v31+s15+$0x0] =	vst.idx.msk $0xffff, v59;
	v59 =	vadd.s32 v55, v3  }
0x357: {  	v12 =	vor.u32 v1, v3  }
0x358: {  	v13 =	vld [tilespmem:$0x1FF80];
	v16 =	vor.u32 v41, v3  }
0x359: {  	v63 =	vadd.s32 v52, v3;
	v4 =	vld.idx.msk [tilespmem:v61+s5+$0x0], $0xffff  }
0x35a: {  	v0 =	vadd.s32 v53, v3;
	v60 =	vld.idx.msk [tilespmem:v62+s5+$0x0], $0xffff  }
0x35b: {  	v23 =	vmov v9;
	v18 =	vand.u32 $0x7, v24;
	v24 =	vor.u32 v20, v3;
	v9 =	vld.idx.msk [tilespmem:v59+s5+$0x0], $0xffff  }
0x35c: {  	v19 =	vor.u32 v15, v3;
	v12 =	vld.idx.msk [tilespmem:v12+s11+$0x0], $0xffff  }
0x35d: {  	v31 =	vadd.s32 v54, v3;
	v16 =	vld.idx.msk [tilespmem:v16+s11+$0x0], $0xffff  }
0x35e: {  	v61 =	vadd.s32 v56, v3;
	v62 =	vld.idx.msk [tilespmem:v63+s5+$0x0], $0xffff  }
0x35f: {  	v0 =	vld.idx.msk [tilespmem:v0+s5+$0x0], $0xffff  }
0x360: {  	v24 =	vld.idx.msk [tilespmem:v24+s11+$0x0], $0xffff;
	[tilespmem:$0x1F990] =	vst v9;
	v9 =	vmov v14;
	v14 =	vor.u32 v14, v3  }
0x361: {  	v19 =	vld.idx.msk [tilespmem:v19+s11+$0x0], $0xffff  }
0x362: {  	v17 =	vshrl.u32 v17, $0x3;
	v13 =	vor.u32 v13, v3;
	v6 =	vld.idx.msk [tilespmem:v31+s5+$0x0], $0xffff  }
0x363: {  	v2 =	vmovc v41;
	v17 =	vmul.u32 $0x440, v17;
	v18 =	vmul.u32 $0x88, v18;
	v63 =	vadd.s32 v43, v3;
	v31 =	vld.idx.msk [tilespmem:v61+s5+$0x0], $0xffff  }
0x364: {  	v41 =	vor.u32 v34, v3;
	v5 =	vmovc v35;
	[tilespmem:$0x1F970] =	vst v0;
	v0 =	vmov v34;
	v34 =	vor.u32 v35, v3;
	v35 =	vld [tilespmem:$0x1FF70]  }
0x365: {  	v40 =	vmov v10;
	v17 =	vadd.s32 v18, v17;
	v18 =	vlaneseq.u32;
	v10 =	vld.idx.msk [tilespmem:v14+s11+$0x0], $0xffff  }
0x366: {  	v18 =	vadd.s32 v18, v17;
	v14 =	vld [tilespmem:$0x1F8F0]  }
0x367: {  	v13 =	vld.idx.msk [tilespmem:v13+s11+$0x0], $0xffff  }
0x368: {  	v11 =	vld.idx.msk [tilespmem:v63+s5+$0x0], $0xffff  }
0x369: {  	[tilespmem:$0x1F9A0] =	vst v31;
	v31 =	vld.idx.msk [tilespmem:v41+s11+$0x0], $0xffff  }
0x36a: {  	[tilespmem:$0x1F950] =	vst v60;
	v59 =	vld.idx.msk [tilespmem:v34+s11+$0x0], $0xffff  }
0x36b: {  	v60 =	vadd.s32 v35, v17;
	[tilespmem:v18+s15+$0x0] =	vst.idx.msk $0xffff, v14;
	v14 =	vld [tilespmem:$0x1F900];
	_ =	sdelay $0x3  }
0x36c: {  	v61 =	vadd.s32 v48, v17;
	[tilespmem:$0x1F960] =	vst v62  }
0x36d: {  	v62 =	vadd.s32 v46, v17;
	[tilespmem:v60+s15+$0x0] =	vst.idx.msk $0xffff, v14;
	v60 =	vld [tilespmem:$0x1F910];
	_ =	sdelay $0x3  }
0x36e: {  	[tilespmem:v61+s15+$0x0] =	vst.idx.msk $0xffff, v22  }
0x36f: {  	v63 =	vadd.s32 v37, v17;
	[tilespmem:v62+s15+$0x0] =	vst.idx.msk $0xffff, v60;
	v62 =	vld [tilespmem:$0x1F920];
	_ =	sdelay $0x4  }
0x370: {  	v18 =	vadd.s32 v47, v17;
	[tilespmem:v63+s15+$0x0] =	vst.idx.msk $0xffff, v62;
	v63 =	vld [tilespmem:$0x1F930]  }
0x371: {  	v41 =	vmov v37;
	v37 =	vadd.s32 v8, v17  }
0x372: {  	v34 =	vmov v21;
	v21 =	vadd.s32 v21, v17  }
0x373: {  	v61 =	vadd.s32 v49, v17  }
0x374: {  	[tilespmem:$0x1F940] =	vst v4;
	v4 =	vmov v1;
	v1 =	vmov v15;
	v15 =	vadd.s32 v38, v17  }
0x375: {  	[tilespmem:v18+s15+$0x0] =	vst.idx.msk $0xffff, v63;
	v18 =	vadd.s32 v40, v17  }
0x376: {  	[tilespmem:v37+s15+$0x0] =	vst.idx.msk $0xffff, v26;
	v26 =	vadd.s32 v23, v17  }
0x377: {  	[tilespmem:v21+s15+$0x0] =	vst.idx.msk $0xffff, v27;
	v27 =	vadd.s32 v44, v17  }
0x378: {  	s26 =	sadd.s32 $0xFFFFFFFE, s22;
	[tilespmem:v61+s15+$0x0] =	vst.idx.msk $0xffff, v28;
	v28 =	vadd.s32 v45, v17  }
0x379: {  	v37 =	vmov v23;
	v23 =	vadd.s32 s26, v36;
	[tilespmem:v15+s15+$0x0] =	vst.idx.msk $0xffff, v29;
	v15 =	vadd.s32 v42, v17  }
0x37a: {  	v17 =	vadd.s32 v39, v17;
	[tilespmem:v18+s15+$0x0] =	vst.idx.msk $0xffff, v30;
	v18 =	vand.u32 $0x1D, v23  }
0x37b: {  	[tilespmem:v26+s15+$0x0] =	vst.idx.msk $0xffff, v25;
	v30 =	vadd.s32 v50, v18  }
0x37c: {  	v60 =	vadd.s32 v55, v18;
	[tilespmem:v27+s15+$0x0] =	vst.idx.msk $0xffff, v32  }
0x37d: {  	v63 =	vadd.s32 v43, v18;
	[tilespmem:v28+s15+$0x0] =	vst.idx.msk $0xffff, v33  }
0x37e: {  	v32 =	vadd.s32 v51, v18;
	[tilespmem:v15+s15+$0x0] =	vst.idx.msk $0xffff, v57  }
0x37f: {  	v27 =	vor.u32 v4, v18;
	[tilespmem:v17+s15+$0x0] =	vst.idx.msk $0xffff, v58;
	v58 =	vld [tilespmem:$0x1FF80]  }
0x380: {  	v35 =	vmov v8;
	v8 =	vld.idx.msk [tilespmem:v30+s5+$0x0], $0xffff  }
0x381: {  	v33 =	vadd.s32 v52, v18;
	v22 =	vld.idx.msk [tilespmem:v60+s5+$0x0], $0xffff  }
0x382: {  	v15 =	vadd.s32 v53, v18;
	v26 =	vld.idx.msk [tilespmem:v63+s5+$0x0], $0xffff  }
0x383: {  	v17 =	vadd.s32 v54, v18;
	v61 =	vld.idx.msk [tilespmem:v32+s5+$0x0], $0xffff  }
0x384: {  	v27 =	vld.idx.msk [tilespmem:v27+s11+$0x0], $0xffff  }
0x385: {  	v60 =	vor.u32 v9, v18;
	v32 =	vld [tilespmem:$0x1F950]  }
0x386: {  	v62 =	vadd.s32 v56, v18;
	v21 =	vld.idx.msk [tilespmem:v33+s5+$0x0], $0xffff  }
0x387: {  	v63 =	vor.u32 v1, v18;
	v33 =	vld.idx.msk [tilespmem:v15+s5+$0x0], $0xffff  }
0x388: {  	v7 =	vand.u32 $0x4, v7;
	v57 =	vld.idx.msk [tilespmem:v17+s5+$0x0], $0xffff  }
0x389: {  	v3 =	vshrl.u32 v3, $0x3;
	v28 =	vor.u32 v58, v18;
	v17 =	vmovc v5;
	v58 =	vor.u32 v5, v18;
	v5 =	vld [tilespmem:$0x1FF70]  }
0x38a: {  	v7 =	vmul.u32 $0x88, v7;
	[tilespmem:$0x1F980] =	vst v6;
	v3 =	vmul.u32 $0x440, v3;
	v29 =	vld.idx.msk [tilespmem:v60+s11+$0x0], $0xffff  }
0x38b: {  	v6 =	vmov v20;
	[tilespmem:$0x1F9C0] =	vst v61;
	v61 =	vld.idx.msk [tilespmem:v62+s5+$0x0], $0xffff;
	v62 =	vor.u32 v2, v18  }
0x38c: {  	v3 =	vadd.s32 v7, v3;
	v14 =	vmovc v4;
	v4 =	vlaneseq.u32;
	v25 =	vld.idx.msk [tilespmem:v63+s11+$0x0], $0xffff;
	[tilespmem:$0x1F9D0] =	vst v33;
	v33 =	vor.u32 v6, v18  }
0x38d: {  	v30 =	vor.u32 v4, v3;
	v15 =	vmov v6;
	v6 =	vld [tilespmem:$0x1F940];
	[tilespmem:$0x1F9E0] =	vst v57;
	v57 =	vor.u32 v0, v18  }
0x38e: {  	v28 =	vld.idx.msk [tilespmem:v28+s11+$0x0], $0xffff;
	v60 =	vor.u32 v5, v3  }
0x38f: {  	v58 =	vld.idx.msk [tilespmem:v58+s11+$0x0], $0xffff  }
0x390: {  	v7 =	vld.idx.msk [tilespmem:v62+s11+$0x0], $0xffff  }
0x391: {  	[tilespmem:$0x1F9F0] =	vst v61;
	v33 =	vld.idx.msk [tilespmem:v33+s11+$0x0], $0xffff  }
0x392: {  	v57 =	vld.idx.msk [tilespmem:v57+s11+$0x0], $0xffff;
	[tilespmem:v30+s15+$0x0] =	vst.idx.msk $0xffff, v6  }
0x393: {  	v61 =	vadd.s32 v48, v3;
	[tilespmem:v60+s15+$0x0] =	vst.idx.msk $0xffff, v32;
	v60 =	vld [tilespmem:$0x1F960];
	_ =	sdelay $0x4  }
0x394: {  	v62 =	vadd.s32 v46, v3;
	[tilespmem:v61+s15+$0x0] =	vst.idx.msk $0xffff, v60;
	v61 =	vld [tilespmem:$0x1F970];
	_ =	sdelay $0x4  }
0x395: {  	v63 =	vadd.s32 v41, v3;
	[tilespmem:v62+s15+$0x0] =	vst.idx.msk $0xffff, v61;
	v62 =	vld [tilespmem:$0x1F980];
	_ =	sdelay $0x4  }
0x396: {  	v4 =	vadd.s32 v47, v3;
	[tilespmem:v63+s15+$0x0] =	vst.idx.msk $0xffff, v62;
	v63 =	vld [tilespmem:$0x1F990]  }
0x397: {  	v5 =	vadd.s32 v35, v3;
	v60 =	vld [tilespmem:$0x1F9A0]  }
0x398: {  	v6 =	vadd.s32 v34, v3  }
0x399: {  	v20 =	vmov v1;
	v1 =	vmov v0;
	v0 =	vadd.s32 v49, v3  }
0x39a: {  	[tilespmem:$0x1F9B0] =	vst v8;
	v8 =	vmov v9;
	v9 =	vmov v2;
	v2 =	vadd.s32 v38, v3  }
0x39b: {  	[tilespmem:v4+s15+$0x0] =	vst.idx.msk $0xffff, v63;
	v4 =	vadd.s32 v40, v3  }
0x39c: {  	v61 =	vadd.s32 v37, v3;
	[tilespmem:v5+s15+$0x0] =	vst.idx.msk $0xffff, v60  }
0x39d: {  	v62 =	vadd.s32 v44, v3;
	[tilespmem:v6+s15+$0x0] =	vst.idx.msk $0xffff, v11  }
0x39e: {  	s28 =	sadd.s32 $0xFFFFFFFF, s22;
	v63 =	vadd.s32 v45, v3;
	[tilespmem:v0+s15+$0x0] =	vst.idx.msk $0xffff, v12  }
0x39f: {  	v32 =	vadd.s32 s28, v36;
	v11 =	vadd.s32 v42, v3;
	[tilespmem:v2+s15+$0x0] =	vst.idx.msk $0xffff, v13  }
0x3a0: {  	v3 =	vadd.s32 v39, v3;
	[tilespmem:v4+s15+$0x0] =	vst.idx.msk $0xffff, v10;
	v4 =	vand.u32 $0x1E, v32  }
0x3a1: {  	[tilespmem:v61+s15+$0x0] =	vst.idx.msk $0xffff, v16;
	v60 =	vadd.s32 v50, v4  }
0x3a2: {  	v61 =	vadd.s32 v51, v4;
	[tilespmem:v62+s15+$0x0] =	vst.idx.msk $0xffff, v19  }
0x3a3: {  	v30 =	vadd.s32 v55, v4;
	[tilespmem:v63+s15+$0x0] =	vst.idx.msk $0xffff, v24  }
0x3a4: {  	v12 =	vadd.s32 v43, v4;
	[tilespmem:v11+s15+$0x0] =	vst.idx.msk $0xffff, v31  }
0x3a5: {  	v2 =	vmov v14;
	v13 =	vor.u32 v14, v4;
	v14 =	vld [tilespmem:$0x1FF80];
	v62 =	vadd.s32 v52, v4;
	[tilespmem:v3+s15+$0x0] =	vst.idx.msk $0xffff, v59  }
0x3a6: {  	v5 =	vld.idx.msk [tilespmem:v60+s5+$0x0], $0xffff  }
0x3a7: {  	v16 =	vor.u32 v8, v4;
	v31 =	vld.idx.msk [tilespmem:v61+s5+$0x0], $0xffff  }
0x3a8: {  	v10 =	vld.idx.msk [tilespmem:v30+s5+$0x0], $0xffff  }
0x3a9: {  	v63 =	vadd.s32 v53, v4;
	v12 =	vld.idx.msk [tilespmem:v12+s5+$0x0], $0xffff  }
0x3aa: {  	v0 =	vld.idx.msk [tilespmem:v62+s5+$0x0], $0xffff  }
0x3ab: {  	v19 =	vor.u32 v9, v4;
	v13 =	vld.idx.msk [tilespmem:v13+s11+$0x0], $0xffff  }
0x3ac: {  	v24 =	vadd.s32 v54, v4;
	v16 =	vld.idx.msk [tilespmem:v16+s11+$0x0], $0xffff  }
0x3ad: {  	v59 =	vadd.s32 v56, v4;
	v3 =	vmov v15;
	v30 =	vor.u32 v15, v4;
	v15 =	vld [tilespmem:$0x1F9C0]  }
0x3ae: {  	v60 =	vld.idx.msk [tilespmem:v63+s5+$0x0], $0xffff  }
0x3af: {  	v23 =	vand.u32 $0x5, v23;
	v18 =	vshrl.u32 v18, $0x3;
	v14 =	vor.u32 v14, v4;
	[tilespmem:$0x1FA20] =	vst v0;
	v0 =	vmovc v8;
	v8 =	vld [tilespmem:$0x1FF70]  }
0x3b0: {  	v23 =	vmul.u32 $0x88, v23;
	v18 =	vmul.u32 $0x440, v18;
	v19 =	vld.idx.msk [tilespmem:v19+s11+$0x0], $0xffff  }
0x3b1: {  	v62 =	vor.u32 v20, v4;
	v61 =	vld.idx.msk [tilespmem:v24+s5+$0x0], $0xffff  }
0x3b2: {  	v18 =	vadd.s32 v23, v18;
	v63 =	vlaneseq.u32;
	v11 =	vld.idx.msk [tilespmem:v59+s5+$0x0], $0xffff;
	v59 =	vor.u32 v17, v4  }
0x3b3: {  	v6 =	vmov v20;
	v20 =	vld [tilespmem:$0x1F9B0];
	v23 =	vadd.s32 v63, v18;
	[tilespmem:$0x1FA10] =	vst v31;
	v31 =	vor.u32 v1, v4  }
0x3b4: {  	v14 =	vld.idx.msk [tilespmem:v14+s11+$0x0], $0xffff;
	[tilespmem:$0x1FA30] =	vst v60;
	v60 =	vadd.s32 v8, v18  }
0x3b5: {  	v30 =	vld.idx.msk [tilespmem:v30+s11+$0x0], $0xffff  }
0x3b6: {  	v24 =	vld.idx.msk [tilespmem:v62+s11+$0x0], $0xffff  }
0x3b7: {  	[tilespmem:$0x1FA40] =	vst v61;
	v59 =	vld.idx.msk [tilespmem:v59+s11+$0x0], $0xffff  }
0x3b8: {  	v61 =	vadd.s32 v48, v18;
	v31 =	vld.idx.msk [tilespmem:v31+s11+$0x0], $0xffff;
	[tilespmem:v23+s15+$0x0] =	vst.idx.msk $0xffff, v20  }
0x3b9: {  	v62 =	vadd.s32 v46, v18;
	[tilespmem:v60+s15+$0x0] =	vst.idx.msk $0xffff, v15;
	v15 =	vld [tilespmem:$0x1F9D0];
	_ =	sdelay $0x2  }
0x3ba: {  	v63 =	vadd.s32 v41, v18;
	[tilespmem:$0x1FA00] =	vst v5;
	v5 =	vmov v17;
	v17 =	vld [tilespmem:$0x1F9E0]  }
0x3bb: {  	v8 =	vadd.s32 v47, v18;
	[tilespmem:v61+s15+$0x0] =	vst.idx.msk $0xffff, v21  }
0x3bc: {  	v20 =	vadd.s32 v35, v18;
	[tilespmem:v62+s15+$0x0] =	vst.idx.msk $0xffff, v15;
	v62 =	vld [tilespmem:$0x1F9F0]  }
0x3bd: {  	v60 =	vadd.s32 v34, v18  }
0x3be: {  	v15 =	vadd.s32 v49, v18  }
0x3bf: {  	[tilespmem:v63+s15+$0x0] =	vst.idx.msk $0xffff, v17;
	v17 =	vadd.s32 v38, v18  }
0x3c0: {  	v61 =	vadd.s32 v40, v18;
	[tilespmem:v8+s15+$0x0] =	vst.idx.msk $0xffff, v22  }
0x3c1: {  	v63 =	vadd.s32 v37, v18;
	[tilespmem:v20+s15+$0x0] =	vst.idx.msk $0xffff, v62  }
0x3c2: {  	[tilespmem:v60+s15+$0x0] =	vst.idx.msk $0xffff, v26;
	v26 =	vadd.s32 v44, v18  }
0x3c3: {  	[tilespmem:v15+s15+$0x0] =	vst.idx.msk $0xffff, v27;
	v15 =	vadd.s32 v45, v18  }
0x3c4: {  	[tilespmem:v17+s15+$0x0] =	vst.idx.msk $0xffff, v28;
	v17 =	vadd.s32 v42, v18  }
0x3c5: {  	v22 =	vadd.s32 s22, v36;
	[tilespmem:v61+s15+$0x0] =	vst.idx.msk $0xffff, v29  }
0x3c6: {  	v36 =	vadd.s32 v39, v18;
	v18 =	vand.u32 $0x1F, v22;
	[tilespmem:v63+s15+$0x0] =	vst.idx.msk $0xffff, v7  }
0x3c7: {  	v50 =	vadd.s32 v50, v18;
	v51 =	vadd.s32 v51, v18;
	[tilespmem:v26+s15+$0x0] =	vst.idx.msk $0xffff, v25  }
0x3c8: {  	v60 =	vor.u32 v0, v18;
	v61 =	vor.u32 v9, v18;
	[tilespmem:v15+s15+$0x0] =	vst.idx.msk $0xffff, v33  }
0x3c9: {  	[tilespmem:v17+s15+$0x0] =	vst.idx.msk $0xffff, v57;
	v17 =	vadd.s32 v53, v18;
	v53 =	vadd.s32 v54, v18  }
0x3ca: {  	v54 =	vadd.s32 v55, v18;
	v55 =	vadd.s32 v56, v18;
	v56 =	vadd.s32 v43, v18;
	v43 =	vld [tilespmem:$0x1FF70]  }
0x3cb: {  	v63 =	vor.u32 v6, v18;
	[tilespmem:v36+s15+$0x0] =	vst.idx.msk $0xffff, v58;
	v58 =	vld [tilespmem:$0x1FF80]  }
0x3cc: {  	v4 =	vshrl.u32 v4, $0x3;
	v62 =	vand.u32 $0x6, v32;
	v0 =	vor.u32 v3, v18;
	v7 =	vld.idx.msk [tilespmem:v50+s5+$0x0], $0xffff  }
0x3cd: {  	v4 =	vmul.u32 $0x440, v4;
	v9 =	vmul.u32 $0x88, v62;
	v15 =	vadd.s32 v52, v18;
	v20 =	vld.idx.msk [tilespmem:v51+s5+$0x0], $0xffff  }
0x3ce: {  	v28 =	vld.idx.msk [tilespmem:v60+s11+$0x0], $0xffff  }
0x3cf: {  	v4 =	vadd.s32 v9, v4;
	v9 =	vld.idx.msk [tilespmem:v61+s11+$0x0], $0xffff  }
0x3d0: {  	v32 =	vld.idx.msk [tilespmem:v63+s11+$0x0], $0xffff  }
0x3d1: {  	v33 =	vld.idx.msk [tilespmem:v0+s11+$0x0], $0xffff  }
0x3d2: {  	v15 =	vld.idx.msk [tilespmem:v15+s5+$0x0], $0xffff  }
0x3d3: {  	v57 =	vor.u32 v2, v18;
	v17 =	vld.idx.msk [tilespmem:v17+s5+$0x0], $0xffff  }
0x3d4: {  	v8 =	vld.idx.msk [tilespmem:v53+s5+$0x0], $0xffff  }
0x3d5: {  	v1 =	vor.u32 v1, v18;
	v21 =	vld.idx.msk [tilespmem:v54+s5+$0x0], $0xffff  }
0x3d6: {  	v23 =	vld.idx.msk [tilespmem:v55+s5+$0x0], $0xffff  }
0x3d7: {  	v2 =	vor.u32 v5, v18;
	v25 =	vld.idx.msk [tilespmem:v56+s5+$0x0], $0xffff  }
0x3d8: {  	v36 =	vlaneseq.u32;
	v26 =	vld.idx.msk [tilespmem:v57+s11+$0x0], $0xffff;
	v27 =	vor.u32 v58, v18  }
0x3d9: {  	v29 =	vor.u32 v36, v4;
	v53 =	vld [tilespmem:$0x1FA00]  }
0x3da: {  	v57 =	vld.idx.msk [tilespmem:v1+s11+$0x0], $0xffff  }
0x3db: {  	v55 =	vld [tilespmem:$0x1FA10]  }
0x3dc: {  	v58 =	vld.idx.msk [tilespmem:v2+s11+$0x0], $0xffff  }
0x3dd: {  	v60 =	vadd.s32 v43, v4;
	v27 =	vld.idx.msk [tilespmem:v27+s11+$0x0], $0xffff  }
0x3de: {  	v50 =	vadd.s32 v48, v4;
	[tilespmem:v29+s15+$0x0] =	vst.idx.msk $0xffff, v53;
	v29 =	vld [tilespmem:$0x1FA20]  }
0x3df: {  	v51 =	vadd.s32 v46, v4;
	v43 =	vld [tilespmem:$0x1FA30];
	_ =	sdelay $0x2  }
0x3e0: {  	[tilespmem:v60+s15+$0x0] =	vst.idx.msk $0xffff, v55  }
0x3e1: {  	[tilespmem:v50+s15+$0x0] =	vst.idx.msk $0xffff, v29  }
0x3e2: {  	v52 =	vadd.s32 v41, v4;
	[tilespmem:v51+s15+$0x0] =	vst.idx.msk $0xffff, v43;
	v51 =	vld [tilespmem:$0x1FA40]  }
0x3e3: {  	v54 =	vadd.s32 v47, v4  }
0x3e4: {  	v56 =	vadd.s32 v35, v4  }
0x3e5: {  	v36 =	vadd.s32 v34, v4  }
0x3e6: {  	v50 =	vadd.s32 v49, v4  }
0x3e7: {  	[tilespmem:v52+s15+$0x0] =	vst.idx.msk $0xffff, v51;
	v52 =	vadd.s32 v38, v4  }
0x3e8: {  	v53 =	vadd.s32 v40, v4;
	[tilespmem:v54+s15+$0x0] =	vst.idx.msk $0xffff, v10  }
0x3e9: {  	v54 =	vadd.s32 v37, v4;
	[tilespmem:v56+s15+$0x0] =	vst.idx.msk $0xffff, v11  }
0x3ea: {  	v61 =	vshrl.u32 v18, $0x3;
	v55 =	vand.u32 $0x7, v22;
	v29 =	vld [tilespmem:$0x1FF70];
	v56 =	vadd.s32 v44, v4;
	[tilespmem:v36+s15+$0x0] =	vst.idx.msk $0xffff, v12  }
0x3eb: {  	v62 =	vadd.s32 v45, v4;
	v0 =	vmul.u32 $0x88, v55;
	v11 =	vmul.u32 $0x440, v61;
	[tilespmem:v50+s15+$0x0] =	vst.idx.msk $0xffff, v13  }
0x3ec: {  	v63 =	vadd.s32 v42, v4;
	[tilespmem:v52+s15+$0x0] =	vst.idx.msk $0xffff, v14  }
0x3ed: {  	v4 =	vadd.s32 v39, v4;
	v12 =	vlaneseq.u32;
	v0 =	vadd.s32 v0, v11;
	[tilespmem:v53+s15+$0x0] =	vst.idx.msk $0xffff, v16  }
0x3ee: {  	v22 =	vadd.s32 v12, v0;
	[tilespmem:v54+s15+$0x0] =	vst.idx.msk $0xffff, v19  }
0x3ef: {  	v36 =	vadd.s32 v29, v0;
	[tilespmem:v56+s15+$0x0] =	vst.idx.msk $0xffff, v24  }
0x3f0: {  	v43 =	vadd.s32 v48, v0;
	[tilespmem:v62+s15+$0x0] =	vst.idx.msk $0xffff, v30  }
0x3f1: {  	v46 =	vadd.s32 v46, v0;
	[tilespmem:v63+s15+$0x0] =	vst.idx.msk $0xffff, v31  }
0x3f2: {  	v48 =	vadd.s32 v41, v0;
	[tilespmem:v4+s15+$0x0] =	vst.idx.msk $0xffff, v59  }
0x3f3: {  	v50 =	vadd.s32 v47, v0;
	[tilespmem:v22+s15+$0x0] =	vst.idx.msk $0xffff, v7  }
0x3f4: {  	v51 =	vadd.s32 v35, v0;
	[tilespmem:v36+s15+$0x0] =	vst.idx.msk $0xffff, v20  }
0x3f5: {  	v52 =	vadd.s32 v34, v0;
	[tilespmem:v43+s15+$0x0] =	vst.idx.msk $0xffff, v15  }
0x3f6: {  	v53 =	vadd.s32 v49, v0;
	[tilespmem:v46+s15+$0x0] =	vst.idx.msk $0xffff, v17  }
0x3f7: {  	v54 =	vadd.s32 v38, v0;
	[tilespmem:v48+s15+$0x0] =	vst.idx.msk $0xffff, v8  }
0x3f8: {  	v55 =	vadd.s32 v40, v0;
	[tilespmem:v50+s15+$0x0] =	vst.idx.msk $0xffff, v21  }
0x3f9: {  	v56 =	vadd.s32 v37, v0;
	[tilespmem:v51+s15+$0x0] =	vst.idx.msk $0xffff, v23  }
0x3fa: {  	v61 =	vadd.s32 v44, v0;
	[tilespmem:v52+s15+$0x0] =	vst.idx.msk $0xffff, v25  }
0x3fb: {  	v62 =	vadd.s32 v45, v0;
	[tilespmem:v53+s15+$0x0] =	vst.idx.msk $0xffff, v26  }
0x3fc: {  	v60 =	vld [tilespmem:$0x1FF80];
	v63 =	vadd.s32 v42, v0;
	[tilespmem:v54+s15+$0x0] =	vst.idx.msk $0xffff, v27  }
0x3fd: {  	p0 =	sne.s32 s22, $0x1F;
	v13 =	vld [tilespmem:$0x1FDB0];
	v0 =	vadd.s32 v39, v0;
	[tilespmem:v55+s15+$0x0] =	vst.idx.msk $0xffff, v28  }
.Ltmp2:
0x3fe: {  	v59 =	vld [tilespmem:$0x1FE00];
	[tilespmem:v56+s15+$0x0] =	vst.idx.msk $0xffff, v9;
	(pc) =	sbr.rel @p0 .LBB2_7-.Ltmp2, $4  }
0x3ff: {  	v15 =	vld [tilespmem:$0x1FDC0];
	[tilespmem:v61+s15+$0x0] =	vst.idx.msk $0xffff, v32  }
0x400: {  	v17 =	vld [tilespmem:$0x1FDD0];
	[tilespmem:v62+s15+$0x0] =	vst.idx.msk $0xffff, v33  }
0x401: {  	[tilespmem:v63+s15+$0x0] =	vst.idx.msk $0xffff, v57;
	v57 =	vld [tilespmem:$0x1FDE0]  }
0x402: {  	s22 =	sadd.s32 $0x8, s22;
	[tilespmem:v0+s15+$0x0] =	vst.idx.msk $0xffff, v58;
	v58 =	vld [tilespmem:$0x1FDF0]  }
0x403: {  	s20 =	sadd.s32 @!p1 $0x180, s20  }
0x404: {  	s22 =	simm.s32 @!p1 $0x80;
	s23 =	simm.s32 @!p1 $0xF4E8;
	s26 =	sshll.u32 s21, $0x12  }
0x405: {  	[tilespmem:s23], [sflag:$0x2] =	stream.indirect.gather @!p1 [hbm4b:s7+s22], $0x20, s20, s22, $0xb8;
	[tilespmem:$0x148E8] =	vst v63  }
0x406: {  	s20 =	sor.u32 s4, s26  }
0x407: {  	s20 =	sshrl.u32 s20, $0x3  }
0x408: {  	s28 =	simm.s32 $0x126E8;
	s21 =	sadd.s32 s1, s20  }
0x409: {  	[hbm4b:s21+s3] =	stream.linear.scatter [tilespmem:s28], [sflag:$0x4], $0x80, $0x38;
	[tilespmem:$0x148E8] =	vst v63  }
0x40a: {  	s22 =	simm.s32 $0x12770;
	s23 =	sadd.s32 $0x10, s21  }
0x40b: {  	[hbm4b:s23+s3] =	stream.linear.scatter [tilespmem:s22], [sflag:$0x4], $0x80, $0x38;
	[tilespmem:$0x148E8] =	vst v63  }
0x40c: {  	s24 =	simm.s32 $0x127F8;
	s26 =	simm.s32 $0x12880;
	s25 =	sadd.s32 $0x20, s21  }
0x40d: {  	[hbm4b:s25+s3] =	stream.linear.scatter [tilespmem:s24], [sflag:$0x4], $0x80, $0x38;
	[tilespmem:$0x148E8] =	vst v63  }
0x40e: {  	s20 =	simm.s32 $0x440;
	s28 =	sadd.s32 $0x30, s21;
	s22 =	simm.s32 $0x12908  }
0x40f: {  	[hbm4b:s28+s3] =	stream.linear.scatter [tilespmem:s26], [sflag:$0x4], $0x80, $0x38;
	[tilespmem:$0x148E8] =	vst v63  }
0x410: {  	s23 =	sadd.s32 $0x40, s21;
	s24 =	simm.s32 $0x12990;
	s25 =	sadd.s32 $0x50, s21  }
0x411: {  	[hbm4b:s23+s3] =	stream.linear.scatter [tilespmem:s22], [sflag:$0x4], $0x80, $0x38;
	[tilespmem:$0x148E8] =	vst v63  }
0x412: {  	s26 =	simm.s32 $0x12A18;
	s28 =	sadd.s32 $0x60, s21;
	s22 =	simm.s32 $0x2200  }
0x413: {  	[hbm4b:s25+s3] =	stream.linear.scatter [tilespmem:s24], [sflag:$0x4], $0x80, $0x38;
	[tilespmem:$0x148E8] =	vst v63  }
0x414: {  	s23 =	simm.s32 $0x12AA0;
	s24 =	sadd.s32 $0x70, s21;
	s21 =	sadd.s32 $0x1000, s21  }
0x415: {  	[hbm4b:s28+s3] =	stream.linear.scatter [tilespmem:s26], [sflag:$0x4], $0x80, $0x38;
	[tilespmem:$0x148E8] =	vst v63  }
.LBB2_9:
0x416: {  	[hbm4b:s24+s3] =	stream.linear.scatter [tilespmem:s23], [sflag:$0x4], $0x80, $0x38;
	[tilespmem:$0x148E8] =	vst v63  }
0x417: {  	s23 =	smov.u32 s20;
	s20 =	smov.u32 s22  }
0x418: {  	s25 =	sadd.s32 $0x1100, s22;
	s20 =	sshra.s32 s20, $0x2;
	s24 =	sadd.s32 $0x126E8, s23  }
0x419: {  	[hbm4b:s21+s3] =	stream.linear.scatter [tilespmem:s24], [sflag:$0x4], $0x80, $0x38;
	[tilespmem:$0x148E8] =	vst v63  }
0x41a: {  	p0 =	sne.s32 s22, $0x7700;
	s22 =	sadd.s32 $0x12770, s23;
	s24 =	sadd.s32 $0x10, s21  }
0x41b: {  	[hbm4b:s24+s3] =	stream.linear.scatter [tilespmem:s22], [sflag:$0x4], $0x80, $0x38;
	[tilespmem:$0x148E8] =	vst v63  }
0x41c: {  	s22 =	sadd.s32 $0x127F8, s23;
	s24 =	sadd.s32 $0x20, s21  }
0x41d: {  	[hbm4b:s24+s3] =	stream.linear.scatter [tilespmem:s22], [sflag:$0x4], $0x80, $0x38;
	[tilespmem:$0x148E8] =	vst v63  }
0x41e: {  	s22 =	sadd.s32 $0x12880, s23;
	s24 =	sadd.s32 $0x30, s21  }
0x41f: {  	[hbm4b:s24+s3] =	stream.linear.scatter [tilespmem:s22], [sflag:$0x4], $0x80, $0x38;
	[tilespmem:$0x148E8] =	vst v63  }
0x420: {  	s22 =	sadd.s32 $0x12908, s23;
	s24 =	sadd.s32 $0x40, s21  }
0x421: {  	[hbm4b:s24+s3] =	stream.linear.scatter [tilespmem:s22], [sflag:$0x4], $0x80, $0x38;
	[tilespmem:$0x148E8] =	vst v63  }
.Ltmp3:
0x422: {  	s22 =	sadd.s32 $0x12990, s23;
	s24 =	sadd.s32 $0x50, s21;
	(pc) =	sbr.rel @p0 .LBB2_9-.Ltmp3, $4  }
0x423: {  	[hbm4b:s24+s3] =	stream.linear.scatter [tilespmem:s22], [sflag:$0x4], $0x80, $0x38;
	[tilespmem:$0x148E8] =	vst v63  }
0x424: {  	s22 =	sadd.s32 $0x12A18, s23;
	s24 =	sadd.s32 $0x60, s21;
	s23 =	sadd.s32 $0x12AA0, s23  }
0x425: {  	[hbm4b:s24+s3] =	stream.linear.scatter [tilespmem:s22], [sflag:$0x4], $0x80, $0x38;
	[tilespmem:$0x148E8] =	vst v63  }
0x426: {  	s24 =	sadd.s32 $0x70, s21;
	s21 =	sadd.s32 $0x1000, s21;
	s22 =	smov.u32 s25  }
0x427: {  	[hbm4b:s24+s3] =	stream.linear.scatter [tilespmem:s23], [sflag:$0x4], $0x80, $0x38;
	[tilespmem:$0x148E8] =	vst v63  }
0x428: {  	s22 =	sadd.s32 $0x126E8, s20  }
0x429: {  	[hbm4b:s21+s3] =	stream.linear.scatter [tilespmem:s22], [sflag:$0x4], $0x80, $0x38;
	[tilespmem:$0x148E8] =	vst v63  }
0x42a: {  	s26 =	sadd.s32 $0x12770, s20;
	s28 =	sadd.s32 $0x10, s21  }
0x42b: {  	[hbm4b:s28+s3] =	stream.linear.scatter [tilespmem:s26], [sflag:$0x4], $0x80, $0x38;
	[tilespmem:$0x148E8] =	vst v63  }
0x42c: {  	s24 =	sadd.s32 $0x127F8, s20;
	s25 =	sadd.s32 $0x20, s21  }
0x42d: {  	[hbm4b:s25+s3] =	stream.linear.scatter [tilespmem:s24], [sflag:$0x4], $0x80, $0x38;
	[tilespmem:$0x148E8] =	vst v63  }
0x42e: {  	s26 =	sadd.s32 $0x12880, s20;
	s28 =	sadd.s32 $0x30, s21  }
0x42f: {  	[hbm4b:s28+s3] =	stream.linear.scatter [tilespmem:s26], [sflag:$0x4], $0x80, $0x38;
	[tilespmem:$0x148E8] =	vst v63  }
0x430: {  	s19 =	sadd.s32 $0x1, s19;
	s24 =	sadd.s32 $0x12908, s20;
	s25 =	sadd.s32 $0x40, s21  }
0x431: {  	[hbm4b:s25+s3] =	stream.linear.scatter [tilespmem:s24], [sflag:$0x4], $0x80, $0x38;
	[tilespmem:$0x148E8] =	vst v63  }
0x432: {  	v8 =	vld [tilespmem:$0x1FE10];
	p0 =	sne.s32 s19, $0x64;
	s26 =	sadd.s32 $0x12990, s20;
	s28 =	sadd.s32 $0x50, s21  }
0x433: {  	v1 =	vld [tilespmem:$0x1FE20];
	[hbm4b:s28+s3] =	stream.linear.scatter [tilespmem:s26], [sflag:$0x4], $0x80, $0x38  }
.Ltmp4:
0x434: {  	v0 =	vld [tilespmem:$0x1FE30];
	(pc) =	sbr.rel @p0 .LBB2_2-.Ltmp4, $4  }
0x435: {  	v11 =	vld [tilespmem:$0x1FE40];
	s24 =	sadd.s32 $0x12A18, s20;
	s25 =	sadd.s32 $0x60, s21  }
0x436: {  	v12 =	vld [tilespmem:$0x1FE50];
	[hbm4b:s25+s3] =	stream.linear.scatter [tilespmem:s24], [sflag:$0x4], $0x80, $0x38  }
0x437: {  	v16 =	vld [tilespmem:$0x1FED0];
	s26 =	sadd.s32 $0x12AA0, s20;
	s28 =	sadd.s32 $0x70, s21  }
0x438: {  	v34 =	vld [tilespmem:$0x1FF10];
	[hbm4b:s28+s3] =	stream.linear.scatter [tilespmem:s26], [sflag:$0x4], $0x80, $0x38  }
0x439: {  	_ =	swait.ge [sflag:s16], $0x2000  }
0x43a: {  	[sflag:s16] =	ssyncset.done $0x0  }
0x43b: {  	[sflag:s16] =	ssyncadd.s32 $0xFFFFE000  }
0x43c: {  	_ =	swait.ge [sflag:s17], $0x2000  }
0x43d: {  	s18 =	sadd.s32 $0x1, s18;
	s19 =	rddreg [dreg:$0x16]  }
0x43e: {  	p0 =	sne.s32 s18, s19  }
.Ltmp5:
0x43f: {  	_ = 	snop;
	(pc) =	sbr.rel @p0 .LBB2_1-.Ltmp5, $3  }
0x440: {  	_ =	sdelay $0x1  }
0x441: {  	[sflag:s17] =	ssyncset.done $0x0  }
0x442: {  	[sflag:s17] =	ssyncadd.s32 $0xFFFFE000  }
0x443: {  	_ =	sfence.sel $0x180000  }
0x444: {  	[bflag:$0x0] =	sbarrier.arrive $0xFFFF  }
0x445: {  	_ =	strace $0x90000047  }
0x446: {  	s0 =	stileid.u32;
	[bflag:$0x2] =	sbarrier.arrive $0xFFFF  }
0x447: {  	p0 =	sne.s32 s0, $0x0;
	s0 =	rddreg [dreg:$0x3]  }
0x448: {  	s0 =	sadd.s32 @!p0 $0x100000, s0  }
0x449: {  	[sflag:s0] =	ssyncadd.tile.s32 @!p0 $0x1;
	_ =	shalt  }
.Lfunc_end2:
_tile_overlayer_lowered:
.L_overlay_start_2:
0x44a: {  	(tag) =	ssettag $0x2  }
0x44b: {  	s0 =	rddreg [dreg:$0x0];
	s2 =	stileid.u32  }
0x44c: {  	s1 =	rddreg [dreg:$0x1];
	p0 =	sne.s32 s2, $0x0  }
0x44d: {  	s3 =	rddreg [dreg:$0x2];
	[bflag:$0x3] =	sbarrier.arrive $0xFFFF;
	s2 =	simm.s32 @!p0 $0x1C05  }
0x44e: {  	[timem:s3], [sflag:s2] =	dma.local @!p0 [hbm:s0], s1  }
0x44f: {  	s0 =	simm.s32 @!p0 $0x5  }
0x450: {  	_ =	swait.ge @!p0 [sflag:s0], s1  }
0x451: {  	s1 =	ssub.s32 @!p0 $0x0, s1;
	[sflag:s0] =	ssyncset.done @!p0 $0x0  }
0x452: {  	[sflag:s0] =	ssyncadd.s32 @!p0 s1  }
0x453: {  	[bflag:$0x3] =	sbarrier.arrive $0xFFFF  }
0x454: {  	_ =	shalt  }

</sc_bundles>
